<compile_context>
chip_gen: v7x
topology: tpu7x:2x2x1
jax: 0.10.2.dev20260603
libtpu: 0.0.44.dev20260713+nightly
codegen_flags: <defaults>
</compile_context>

<pallas_src>
import jax
import jax.numpy as jnp
from jax import lax
from jax.experimental import pallas as pl
from jax.experimental.pallas import tpu as pltpu, tpu_sc as plsc

_N = 10000
_E = 320000
_D = 128
_L = 3

_NC = 2
_NS = 16
_CHUNK = 128
_K = 160
_EPR = _NS * _K * _CHUNK
_ROWS_PT = 640
_NR = _NS * _ROWS_PT
_W = 64

_mesh = plsc.VectorSubcoreMesh(core_axis_name="c", subcore_axis_name="s")


def _zero_vmem(buf, rows, cols):
    def zr(i, _):
        def zc(c, __):
            buf[i, pl.ds(c * 16, 16)] = jnp.zeros((16,), jnp.float32)
            return __
        return lax.fori_loop(0, cols // 16, zc, 0)
    lax.fori_loop(0, rows, zr, 0)


_NB = 5


def _agg_body(tab0, tab1, src_hbm, dst_hbm, out, sidx, didx, buf0, buf1,
              buf2, buf3, buf4, acc, gs0, gs1, gs2, gs3, gs4,
              ss0, ss1, ss2, ss3, ss4):
    cid = lax.axis_index("c")
    sid = lax.axis_index("s")
    bufs = (buf0, buf1, buf2, buf3, buf4)
    gsems = (gs0, gs1, gs2, gs3, gs4)
    ssems = (ss0, ss1, ss2, ss3, ss4)
    pltpu.sync_copy(src_hbm.at[cid, sid], sidx)
    pltpu.sync_copy(dst_hbm.at[cid, sid], didx)
    base = sid * _ROWS_PT

    for phase, table in ((0, tab0), (1, tab1)):
        _zero_vmem(buf0, _CHUNK, _W)
        def zacc(k, _):
            pltpu.sync_copy(buf0, acc.at[pl.ds(base + k * _CHUNK, _CHUNK)])
            return _
        lax.fori_loop(0, _ROWS_PT // _CHUNK, zacc, 0)
        for u in range(_NB - 1):
            pltpu.async_copy(table.at[sidx.at[u]], bufs[u], gsems[u])
        plsc.subcore_barrier()

        def ring(t, _):
            for u in range(_NB):
                j = t * _NB + u
                pltpu.make_async_copy(table.at[sidx.at[j]], bufs[u],
                                      gsems[u]).wait()
                pltpu.async_copy(bufs[u], acc.at[didx.at[j]], ssems[u],
                                 add=True)
                s2 = (u + _NB - 1) % _NB
                @pl.when(j >= 1)
                def _drain_prev():
                    pltpu.make_async_copy(bufs[s2], acc.at[didx.at[j - 1]],
                                          ssems[s2]).wait()
                @pl.when(j + _NB - 1 < _K)
                def _start_next():
                    pltpu.async_copy(table.at[sidx.at[j + _NB - 1]], bufs[s2],
                                     gsems[s2])
            return _
        lax.fori_loop(0, _K // _NB, ring, 0)
        pltpu.make_async_copy(bufs[_NB - 1], acc.at[didx.at[_K - 1]],
                              ssems[_NB - 1]).wait()
        plsc.subcore_barrier()

        pltpu.sync_copy(acc.at[pl.ds(base, _ROWS_PT)],
                        out.at[cid, phase, pl.ds(base, _ROWS_PT)])


def _count_body(dst_hbm, out, didx, ones, acc):
    cid = lax.axis_index("c")
    sid = lax.axis_index("s")
    pltpu.sync_copy(dst_hbm.at[cid, sid], didx)
    def fill(i, _):
        def fc(c, __):
            ones[i, pl.ds(c * 16, 16)] = jnp.zeros((16,), jnp.float32)
            return __
        return lax.fori_loop(0, _W // 16, fc, 0)
    lax.fori_loop(0, _CHUNK, fill, 0)
    base = sid * _ROWS_PT
    def zacc(k, _):
        pltpu.sync_copy(ones, acc.at[pl.ds(base + k * _CHUNK, _CHUNK)])
        return _
    lax.fori_loop(0, _ROWS_PT // _CHUNK, zacc, 0)
    def fill1(i, _):
        def fc(c, __):
            ones[i, pl.ds(c * 16, 16)] = jnp.ones((16,), jnp.float32)
            return __
        return lax.fori_loop(0, _W // 16, fc, 0)
    lax.fori_loop(0, _CHUNK, fill1, 0)
    plsc.subcore_barrier()
    def body(j, _):
        pltpu.sync_copy(ones, acc.at[didx.at[j]], add=True)
        return _
    lax.fori_loop(0, _K, body, 0)
    plsc.subcore_barrier()
    pltpu.sync_copy(acc.at[pl.ds(base, _ROWS_PT)],
                    out.at[cid, pl.ds(base, _ROWS_PT)])


def _make_agg_kernel(interpret=False):
    return pl.kernel(
        _agg_body,
        out_type=jax.ShapeDtypeStruct((_NC, 2, _NR, _W), jnp.float32),
        mesh=_mesh,
        interpret=interpret,
        compiler_params=pltpu.CompilerParams(use_tc_tiling_on_sc=False),
        scratch_types=[
            pltpu.VMEM((_K, _CHUNK), jnp.int32),
            pltpu.VMEM((_K, _CHUNK), jnp.int32),
            pltpu.VMEM((_CHUNK, _W), jnp.float32),
            pltpu.VMEM((_CHUNK, _W), jnp.float32),
            pltpu.VMEM((_CHUNK, _W), jnp.float32),
            pltpu.VMEM((_CHUNK, _W), jnp.float32),
            pltpu.VMEM((_CHUNK, _W), jnp.float32),
            pltpu.VMEM_SHARED((_NR, _W), jnp.float32),
        ] + [pltpu.SemaphoreType.DMA] * 10,
    )


def _make_count_kernel(interpret=False):
    return pl.kernel(
        _count_body,
        out_type=jax.ShapeDtypeStruct((_NC, _NR, _W), jnp.float32),
        mesh=_mesh,
        interpret=interpret,
        compiler_params=pltpu.CompilerParams(use_tc_tiling_on_sc=False),
        scratch_types=[
            pltpu.VMEM((_K, _CHUNK), jnp.int32),
            pltpu.VMEM((_CHUNK, _W), jnp.float32),
            pltpu.VMEM_SHARED((_NR, _W), jnp.float32),
        ],
    )


_agg_kernel = _make_agg_kernel()
_count_kernel = _make_count_kernel()


def _ln(x, g, b):
    mu = jnp.mean(x, axis=-1, keepdims=True)
    d = x - mu
    var = jnp.mean(d * d, axis=-1, keepdims=True)
    return d * lax.rsqrt(var + 1e-5) * g + b


def _layer_body(agg, cnt, t0, t1, wnab, wsab, wnba, wsba, bias_b, bias_a,
                g_a, be_a, g_b, be_b, o0, o1):
    ha = jnp.concatenate([t0[0], t1[0]], axis=-1)
    hb = jnp.concatenate([t0[1], t1[1]], axis=-1)
    agg_b = jnp.concatenate([agg[0, 0], agg[0, 1]], axis=-1)
    agg_a = jnp.concatenate([agg[1, 0], agg[1, 1]], axis=-1)
    mean_b = agg_b / jnp.maximum(cnt[0][:, 0:1], 1.0)
    mean_a = agg_a / jnp.maximum(cnt[1][:, 0:1], 1.0)
    f32 = jnp.float32
    nb = (jnp.dot(mean_b, wnab[...], preferred_element_type=f32)
          + jnp.dot(hb, wsab[...], preferred_element_type=f32) + bias_b[...])
    na = (jnp.dot(mean_a, wnba[...], preferred_element_type=f32)
          + jnp.dot(ha, wsba[...], preferred_element_type=f32) + bias_a[...])
    lna = _ln(na, g_a[...], be_a[...])
    lnb = _ln(nb, g_b[...], be_b[...])
    o0[0] = lna[:, :_W]
    o0[1] = lnb[:, :_W]
    o1[0] = lna[:, _W:]
    o1[1] = lnb[:, _W:]


_BR = 1000


def _layer_call(agg, cnt8, t0, t1, wnab, wsab, wnba, wsba, bias_b, bias_a,
                g_a, be_a, g_b, be_b):
    full = pl.BlockSpec((_D, _D), lambda i: (0, 0))
    vec = pl.BlockSpec((1, _D), lambda i: (0, 0))
    halves = pl.BlockSpec((2, _BR, _W), lambda i: (0, i, 0))
    return pl.pallas_call(
        _layer_body,
        grid=(_N // _BR,),
        in_specs=[
            pl.BlockSpec((_NC, 2, _BR, _W), lambda i: (0, 0, i, 0)),
            pl.BlockSpec((_NC, _BR, 8), lambda i: (0, i, 0)),
            halves, halves, full, full, full, full,
            vec, vec, vec, vec, vec, vec,
        ],
        out_specs=[halves, halves],
        out_shape=[jax.ShapeDtypeStruct((2, _N, _W), jnp.float32),
                   jax.ShapeDtypeStruct((2, _N, _W), jnp.float32)],
    )(agg, cnt8, t0, t1, wnab, wsab, wnba, wsba, bias_b, bias_a,
      g_a, be_a, g_b, be_b)


def _prep_edges(ei_ab, ei_ba):
    npad = _EPR - _E
    pad_rows = jnp.arange(npad, dtype=jnp.int32) % _N
    pad_dst = _N + (jnp.arange(npad, dtype=jnp.int32) % (_NR - _N))
    def shard(x):
        return x.reshape(_NS, _K, _CHUNK)
    src = jnp.stack([
        shard(jnp.concatenate([ei_ab[0], pad_rows])),
        shard(jnp.concatenate([ei_ba[0] + _N, pad_rows + _N])),
    ])
    dst = jnp.stack([
        shard(jnp.concatenate([ei_ab[1], pad_dst])),
        shard(jnp.concatenate([ei_ba[1], pad_dst])),
    ])
    return src, dst


def kernel(x_a, x_b, params, edge_index_ab, edge_index_ba):
    src_idx, dst_idx = _prep_edges(edge_index_ab, edge_index_ba)
    cnt8 = _count_kernel(dst_idx)[:, :, :8]
    t0 = jnp.stack([x_a[:, :_W], x_b[:, :_W]])
    t1 = jnp.stack([x_a[:, _W:], x_b[:, _W:]])
    for l in range(_L):
        p = params["layer%d" % l]
        agg = _agg_kernel(t0.reshape(2 * _N, _W), t1.reshape(2 * _N, _W),
                          src_idx, dst_idx)
        t0, t1 = _layer_call(
            agg, cnt8, t0, t1,
            p["ab"]["W_neigh"], p["ab"]["W_self"],
            p["ba"]["W_neigh"], p["ba"]["W_self"],
            (p["ab"]["b_neigh"] + p["ab"]["b_self"]).reshape(1, _D),
            (p["ba"]["b_neigh"] + p["ba"]["b_self"]).reshape(1, _D),
            p["ln_a_g"].reshape(1, _D), p["ln_a_b"].reshape(1, _D),
            p["ln_b_g"].reshape(1, _D), p["ln_b_b"].reshape(1, _D),
        )
    return jnp.concatenate([t0[1], t1[1]], axis=-1)

# --- scband reference (transcript-rebuilt; emitter-appended) ---
"""Pipeline reference for scband-capstone-32770600468617 (READ-ONLY COPY).

The authoritative reference and input builder live on the scoring server;
editing this copy changes nothing except your own understanding.
"""

import jax, jax.numpy as jnp
import numpy as np

N = 10000
E = 320000
D = 128
L = 3

def _layer_norm(x, g, b):
    mu = jnp.mean(x, axis=-1, keepdims=True)
    var = jnp.var(x, axis=-1, keepdims=True)
    return (x - mu) / jnp.sqrt(var + 1e-5) * g + b

def _sage(x_src, x_dst, src, dst, p, n_dst):
    # PyG SAGEConv((d,d),d): W_neigh @ mean_aggr(x_src over dst) + W_self @ x_dst
    msgs = jnp.take(x_src, src, axis=0)
    agg = jax.ops.segment_sum(msgs, dst, num_segments=n_dst)
    cnt = jax.ops.segment_sum(jnp.ones((src.shape[0], 1), dtype=x_src.dtype), dst, num_segments=n_dst)
    mean = agg / jnp.clip(cnt, 1.0, None)
    return mean @ p["W_neigh"] + p["b_neigh"] + x_dst @ p["W_self"] + p["b_self"]

def _forward(x_a, x_b, params, ei_ab, ei_ba):
    # HeteroSAGE backbone: L layers of HeteroConv({a->b, b->a}: SAGEConv, aggr=sum)
    # followed by per-node-type LayerNorm (dropout in eval mode = identity)
    ha, hb = x_a, x_b
    for l in range(L):
        pl = params["layer%d" % l]
        nb = _sage(ha, hb, ei_ab[0], ei_ab[1], pl["ab"], hb.shape[0])
        na = _sage(hb, ha, ei_ba[0], ei_ba[1], pl["ba"], ha.shape[0])
        ha = _layer_norm(na, pl["ln_a_g"], pl["ln_a_b"])
        hb = _layer_norm(nb, pl["ln_b_g"], pl["ln_b_b"])
    return hb

def setup_inputs(seed: int = 0):
    key = jax.random.key(seed)
    ks = jax.random.split(key, 4)
    x_a = jax.random.normal(ks[0], (N, D), dtype=jnp.float32)
    x_b = jax.random.normal(ks[1], (N, D), dtype=jnp.float32)
    ei_ab = jax.random.randint(ks[2], (2, E), 0, N, dtype=jnp.int32)
    ei_ba = jax.random.randint(ks[3], (2, E), 0, N, dtype=jnp.int32)
    params = {}
    scale = 1.0 / np.sqrt(D)
    for l in range(L):
        k0 = jax.random.fold_in(key, 100 + l)
        sub = jax.random.split(k0, 2)
        pl = {}
        for i, rel in enumerate(["ab", "ba"]):
            pl[rel] = {
                "W_self": jax.random.normal(jax.random.fold_in(sub[i], 0), (D, D), dtype=jnp.float32) * scale,
                "b_self": jnp.zeros((D,), dtype=jnp.float32),
                "W_neigh": jax.random.normal(jax.random.fold_in(sub[i], 1), (D, D), dtype=jnp.float32) * scale,
                "b_neigh": jnp.zeros((D,), dtype=jnp.float32),
            }
        pl["ln_a_g"] = jnp.ones((D,), dtype=jnp.float32)
        pl["ln_a_b"] = jnp.zeros((D,), dtype=jnp.float32)
        pl["ln_b_g"] = jnp.ones((D,), dtype=jnp.float32)
        pl["ln_b_b"] = jnp.zeros((D,), dtype=jnp.float32)
        params["layer%d" % l] = pl
    return {"x_a": x_a, "x_b": x_b, "params": params, "edge_index_ab": ei_ab, "edge_index_ba": ei_ba}

def reference(x_a, x_b, params, edge_index_ab, edge_index_ba):
    return _forward(x_a, x_b, params, edge_index_ab, edge_index_ba)

if __name__ == "__main__":
    import jax
    _d = setup_inputs()
    print(jax.jit(kernel)(*tuple(_d.values())))

</pallas_src>

<mosaic_0001>
#map = affine_map<(d0, d1) -> (0, 0)>
#map1 = affine_map<(d0, d1) -> (0, 0, 0, 0)>
module attributes {stable_mosaic.version = 14 : i64} {
  func.func @_agg_body(%arg0: i32, %arg1: i32, %arg2: memref<20000x64xf32, #tpu.memory_space<hbm>>, %arg3: memref<20000x64xf32, #tpu.memory_space<hbm>>, %arg4: memref<2x16x160x128xi32, #tpu.memory_space<hbm>>, %arg5: memref<2x16x160x128xi32, #tpu.memory_space<hbm>>, %arg6: memref<2x2x10240x64xf32, #tpu.memory_space<hbm>>, %arg7: memref<160x128xi32, #tpu.memory_space<vmem>>, %arg8: memref<160x128xi32, #tpu.memory_space<vmem>>, %arg9: memref<128x64xf32, #tpu.memory_space<vmem>>, %arg10: memref<128x64xf32, #tpu.memory_space<vmem>>, %arg11: memref<128x64xf32, #tpu.memory_space<vmem>>, %arg12: memref<128x64xf32, #tpu.memory_space<vmem>>, %arg13: memref<128x64xf32, #tpu.memory_space<vmem>>, %arg14: memref<10240x64xf32, #tpu.memory_space<vmem_shared>>, %arg15: memref<!tpu.dma_semaphore, #tpu.memory_space<semaphore_mem>>, %arg16: memref<!tpu.dma_semaphore, #tpu.memory_space<semaphore_mem>>, %arg17: memref<!tpu.dma_semaphore, #tpu.memory_space<semaphore_mem>>, %arg18: memref<!tpu.dma_semaphore, #tpu.memory_space<semaphore_mem>>, %arg19: memref<!tpu.dma_semaphore, #tpu.memory_space<semaphore_mem>>, %arg20: memref<!tpu.dma_semaphore, #tpu.memory_space<semaphore_mem>>, %arg21: memref<!tpu.dma_semaphore, #tpu.memory_space<semaphore_mem>>, %arg22: memref<!tpu.dma_semaphore, #tpu.memory_space<semaphore_mem>>, %arg23: memref<!tpu.dma_semaphore, #tpu.memory_space<semaphore_mem>>, %arg24: memref<!tpu.dma_semaphore, #tpu.memory_space<semaphore_mem>>) attributes {dimension_semantics = [#tpu.dimension_semantics<core_parallel>, #tpu.dimension_semantics<subcore_parallel>], iteration_bounds = array<i64: 2, 16>, scalar_prefetch = 0 : i64, scratch_operands = 18 : i64, tpu.core_type = #tpu.core_type<sc_vector_subcore>, window_params = [{transform_indices = #map}, {transform_indices = #map}, {transform_indices = #map1}, {transform_indices = #map1}, {transform_indices = #map1}]} {
    "tpu.region"() ({
      %run_scoped3A_110 = tpu.sem_alloc : memref<!tpu.dma_semaphore, #tpu.memory_space<semaphore_mem>>
      %dma_start3A_111 = arith.constant 0 : i32
      %dma_start3A_112 = arith.constant 0 : i32
      %dma_start3A_113 = tpu.memref_slice %arg4[%arg0, %arg1, %dma_start3A_111, %dma_start3A_112] : memref<2x16x160x128xi32, #tpu.memory_space<hbm>> -> memref<1x1x160x128xi32, #tpu.memory_space<hbm>>
      %dma_start3A_114 = tpu.memref_squeeze %dma_start3A_113 : memref<1x1x160x128xi32, #tpu.memory_space<hbm>> -> memref<160x128xi32, #tpu.memory_space<hbm>>
      %dma_start3A_115 = arith.constant 0 : i32
      %dma_start3A_116 = arith.constant 0 : i32
      %dma_start3A_117 = tpu.memref_slice %arg4[%arg0, %arg1, %dma_start3A_115, %dma_start3A_116] : memref<2x16x160x128xi32, #tpu.memory_space<hbm>> -> memref<1x1x160x128xi32, #tpu.memory_space<hbm>>
      %dma_start3A_118 = tpu.memref_squeeze %dma_start3A_117 : memref<1x1x160x128xi32, #tpu.memory_space<hbm>> -> memref<160x128xi32, #tpu.memory_space<hbm>>
      tpu.enqueue_dma source(%dma_start3A_118 : memref<160x128xi32, #tpu.memory_space<hbm>>) target(%arg7 : memref<160x128xi32, #tpu.memory_space<vmem>>) target_semaphore(%run_scoped3A_110 : memref<!tpu.dma_semaphore, #tpu.memory_space<semaphore_mem>>)
      %dma_wait3A_119 = arith.constant 0 : i32
      %dma_wait3A_120 = arith.constant 0 : i32
      %dma_wait3A_121 = tpu.memref_slice %arg4[%arg0, %arg1, %dma_wait3A_119, %dma_wait3A_120] : memref<2x16x160x128xi32, #tpu.memory_space<hbm>> -> memref<1x1x160x128xi32, #tpu.memory_space<hbm>>
      %dma_wait3A_122 = tpu.memref_squeeze %dma_wait3A_121 : memref<1x1x160x128xi32, #tpu.memory_space<hbm>> -> memref<160x128xi32, #tpu.memory_space<hbm>>
      %dma_wait3A_123 = arith.constant 0 : i32
      %dma_wait3A_124 = arith.constant 0 : i32
      %dma_wait3A_125 = tpu.memref_slice %arg4[%arg0, %arg1, %dma_wait3A_123, %dma_wait3A_124] : memref<2x16x160x128xi32, #tpu.memory_space<hbm>> -> memref<1x1x160x128xi32, #tpu.memory_space<hbm>>
      %dma_wait3A_126 = tpu.memref_squeeze %dma_wait3A_125 : memref<1x1x160x128xi32, #tpu.memory_space<hbm>> -> memref<160x128xi32, #tpu.memory_space<hbm>>
      tpu.wait_dma2 semaphore(%run_scoped3A_110 : memref<!tpu.dma_semaphore, #tpu.memory_space<semaphore_mem>>) src(%dma_wait3A_126 : memref<160x128xi32, #tpu.memory_space<hbm>>) dst(%arg7 : memref<160x128xi32, #tpu.memory_space<vmem>>)
      tpu.yield
    }) : () -> ()
    "tpu.region"() ({
      %run_scoped3A_110 = tpu.sem_alloc : memref<!tpu.dma_semaphore, #tpu.memory_space<semaphore_mem>>
      %dma_start3A_111 = arith.constant 0 : i32
      %dma_start3A_112 = arith.constant 0 : i32
      %dma_start3A_113 = tpu.memref_slice %arg5[%arg0, %arg1, %dma_start3A_111, %dma_start3A_112] : memref<2x16x160x128xi32, #tpu.memory_space<hbm>> -> memref<1x1x160x128xi32, #tpu.memory_space<hbm>>
      %dma_start3A_114 = tpu.memref_squeeze %dma_start3A_113 : memref<1x1x160x128xi32, #tpu.memory_space<hbm>> -> memref<160x128xi32, #tpu.memory_space<hbm>>
      %dma_start3A_115 = arith.constant 0 : i32
      %dma_start3A_116 = arith.constant 0 : i32
      %dma_start3A_117 = tpu.memref_slice %arg5[%arg0, %arg1, %dma_start3A_115, %dma_start3A_116] : memref<2x16x160x128xi32, #tpu.memory_space<hbm>> -> memref<1x1x160x128xi32, #tpu.memory_space<hbm>>
      %dma_start3A_118 = tpu.memref_squeeze %dma_start3A_117 : memref<1x1x160x128xi32, #tpu.memory_space<hbm>> -> memref<160x128xi32, #tpu.memory_space<hbm>>
      tpu.enqueue_dma source(%dma_start3A_118 : memref<160x128xi32, #tpu.memory_space<hbm>>) target(%arg8 : memref<160x128xi32, #tpu.memory_space<vmem>>) target_semaphore(%run_scoped3A_110 : memref<!tpu.dma_semaphore, #tpu.memory_space<semaphore_mem>>)
      %dma_wait3A_119 = arith.constant 0 : i32
      %dma_wait3A_120 = arith.constant 0 : i32
      %dma_wait3A_121 = tpu.memref_slice %arg5[%arg0, %arg1, %dma_wait3A_119, %dma_wait3A_120] : memref<2x16x160x128xi32, #tpu.memory_space<hbm>> -> memref<1x1x160x128xi32, #tpu.memory_space<hbm>>
      %dma_wait3A_122 = tpu.memref_squeeze %dma_wait3A_121 : memref<1x1x160x128xi32, #tpu.memory_space<hbm>> -> memref<160x128xi32, #tpu.memory_space<hbm>>
      %dma_wait3A_123 = arith.constant 0 : i32
      %dma_wait3A_124 = arith.constant 0 : i32
      %dma_wait3A_125 = tpu.memref_slice %arg5[%arg0, %arg1, %dma_wait3A_123, %dma_wait3A_124] : memref<2x16x160x128xi32, #tpu.memory_space<hbm>> -> memref<1x1x160x128xi32, #tpu.memory_space<hbm>>
      %dma_wait3A_126 = tpu.memref_squeeze %dma_wait3A_125 : memref<1x1x160x128xi32, #tpu.memory_space<hbm>> -> memref<160x128xi32, #tpu.memory_space<hbm>>
      tpu.wait_dma2 semaphore(%run_scoped3A_110 : memref<!tpu.dma_semaphore, #tpu.memory_space<semaphore_mem>>) src(%dma_wait3A_126 : memref<160x128xi32, #tpu.memory_space<hbm>>) dst(%arg8 : memref<160x128xi32, #tpu.memory_space<vmem>>)
      tpu.yield
    }) : () -> ()
    %mul3A = arith.constant 640 : i32
    %mul3A_0 = arith.muli %arg1, %mul3A : i32
    %scan3A = arith.constant 0 : i32
    %scan3A_1 = arith.constant 0 : i32
    %scan3A_2 = arith.constant 128 : i32
    %scan3A_3 = arith.addi %scan3A_1, %scan3A_2 : i32
    %scan3A_4 = arith.constant 1 : i32
    %scan3A_5 = scf.for %scan3A_110 = %scan3A_1 to %scan3A_3 step %scan3A_4 iter_args(%scan3A_111 = %scan3A) -> (i32)  : i32 {
      %scan3A_112 = arith.constant 0 : i32
      %scan3A_113 = arith.constant 0 : i32
      %scan3A_114 = arith.constant 4 : i32
      %scan3A_115 = arith.addi %scan3A_113, %scan3A_114 : i32
      %scan3A_116 = arith.constant 1 : i32
      scf.for %scan3A_119 = %scan3A_113 to %scan3A_115 step %scan3A_116  : i32 {
        %broadcast_in_dim3A = arith.constant 0.000000e+00 : f32
        %broadcast_in_dim3A_120 = vector.broadcast %broadcast_in_dim3A : f32 to vector<16xf32>
        %mul3A_121 = arith.constant 16 : i32
        %mul3A_122 = arith.muli %scan3A_119, %mul3A_121 : i32
        %swap3A = arith.index_cast %scan3A_110 : i32 to index
        %swap3A_123 = arith.index_cast %mul3A_122 : i32 to index
        %swap3A_124 = tpu.vector_load %arg9[%swap3A, %swap3A_123] {strides = array<i32>} : memref<128x64xf32, #tpu.memory_space<vmem>>, vector<1x16xf32>,
        %swap3A_125 = vector.shape_cast %swap3A_124 : vector<1x16xf32> to vector<16xf32>
        %swap3A_126 = vector.shape_cast %broadcast_in_dim3A_120 : vector<16xf32> to vector<1x16xf32>
        tpu.vector_store %arg9[%swap3A, %swap3A_123], %swap3A_126 {strides = array<i32>} : memref<128x64xf32, #tpu.memory_space<vmem>>, vector<1x16xf32>,
      }
      %scan3A_117 = arith.constant 4 : i32
      %scan3A_118 = arith.constant 0 : i32
      scf.yield %scan3A_118 : i32
    }
    %scan3A_6 = arith.constant 128 : i32
    %scan3A_7 = arith.constant 0 : i32
    %scan3A_8 = arith.constant 0 : i32
    %scan3A_9 = arith.constant 5 : i32
    %scan3A_10 = arith.addi %scan3A_8, %scan3A_9 : i32
    %scan3A_11 = arith.constant 1 : i32
    scf.for %scan3A_110 = %scan3A_8 to %scan3A_10 step %scan3A_11  : i32 {
      %mul3A_111 = arith.constant 128 : i32
      %mul3A_112 = arith.muli %scan3A_110, %mul3A_111 : i32
      %add3A = arith.addi %mul3A_0, %mul3A_112 : i32
      "tpu.region"() ({
        %run_scoped3A_113 = tpu.sem_alloc : memref<!tpu.dma_semaphore, #tpu.memory_space<semaphore_mem>>
        %dma_start3A_114 = arith.constant 0 : i32
        %dma_start3A_115 = tpu.memref_slice %arg14[%add3A, %dma_start3A_114] : memref<10240x64xf32, #tpu.memory_space<vmem_shared>> -> memref<128x64xf32, #tpu.memory_space<vmem_shared>>
        %dma_start3A_116 = arith.constant 0 : i32
        %dma_start3A_117 = tpu.memref_slice %arg14[%add3A, %dma_start3A_116] : memref<10240x64xf32, #tpu.memory_space<vmem_shared>> -> memref<128x64xf32, #tpu.memory_space<vmem_shared>>
        tpu.enqueue_dma source(%arg9 : memref<128x64xf32, #tpu.memory_space<vmem>>) target(%dma_start3A_117 : memref<128x64xf32, #tpu.memory_space<vmem_shared>>) target_semaphore(%run_scoped3A_113 : memref<!tpu.dma_semaphore, #tpu.memory_space<semaphore_mem>>)
        %dma_wait3A_118 = arith.constant 0 : i32
        %dma_wait3A_119 = tpu.memref_slice %arg14[%add3A, %dma_wait3A_118] : memref<10240x64xf32, #tpu.memory_space<vmem_shared>> -> memref<128x64xf32, #tpu.memory_space<vmem_shared>>
        %dma_wait3A_120 = arith.constant 0 : i32
        %dma_wait3A_121 = tpu.memref_slice %arg14[%add3A, %dma_wait3A_120] : memref<10240x64xf32, #tpu.memory_space<vmem_shared>> -> memref<128x64xf32, #tpu.memory_space<vmem_shared>>
        tpu.wait_dma2 semaphore(%run_scoped3A_113 : memref<!tpu.dma_semaphore, #tpu.memory_space<semaphore_mem>>) src(%arg9 : memref<128x64xf32, #tpu.memory_space<vmem>>) dst(%dma_wait3A_121 : memref<128x64xf32, #tpu.memory_space<vmem_shared>>)
        tpu.yield
      }) : () -> ()
    }
    %scan3A_12 = arith.constant 5 : i32
    %dma_start3A = arith.constant 0 : i32
    %dma_start3A_13 = arith.constant 0 : i32
    %dma_start3A_14 = tpu.memref_slice %arg7[%dma_start3A, %dma_start3A_13] : memref<160x128xi32, #tpu.memory_space<vmem>> -> memref<1x128xi32, #tpu.memory_space<vmem>>
    %dma_start3A_15 = tpu.memref_squeeze %dma_start3A_14 : memref<1x128xi32, #tpu.memory_space<vmem>> -> memref<128xi32, #tpu.memory_space<vmem>>
    %dma_start3A_16 = arith.constant 0 : i32
    %dma_start3A_17 = arith.constant 0 : i32
    %dma_start3A_18 = tpu.memref_slice %arg2[%dma_start3A_16, %dma_start3A_17] : memref<20000x64xf32, #tpu.memory_space<hbm>> -> memref<20000x64xf32, #tpu.memory_space<hbm>>
    tpu.enqueue_indirect_dma source(%dma_start3A_18 : memref<20000x64xf32, #tpu.memory_space<hbm>>) target(%arg9 : memref<128x64xf32, #tpu.memory_space<vmem>>) offsets(%dma_start3A_15 : memref<128xi32, #tpu.memory_space<vmem>>) semaphore(%arg15 : memref<!tpu.dma_semaphore, #tpu.memory_space<semaphore_mem>>)
    %dma_start3A_19 = arith.constant 1 : i32
    %dma_start3A_20 = arith.constant 0 : i32
    %dma_start3A_21 = tpu.memref_slice %arg7[%dma_start3A_19, %dma_start3A_20] : memref<160x128xi32, #tpu.memory_space<vmem>> -> memref<1x128xi32, #tpu.memory_space<vmem>>
    %dma_start3A_22 = tpu.memref_squeeze %dma_start3A_21 : memref<1x128xi32, #tpu.memory_space<vmem>> -> memref<128xi32, #tpu.memory_space<vmem>>
    %dma_start3A_23 = arith.constant 0 : i32
    %dma_start3A_24 = arith.constant 0 : i32
    %dma_start3A_25 = tpu.memref_slice %arg2[%dma_start3A_23, %dma_start3A_24] : memref<20000x64xf32, #tpu.memory_space<hbm>> -> memref<20000x64xf32, #tpu.memory_space<hbm>>
    tpu.enqueue_indirect_dma source(%dma_start3A_25 : memref<20000x64xf32, #tpu.memory_space<hbm>>) target(%arg10 : memref<128x64xf32, #tpu.memory_space<vmem>>) offsets(%dma_start3A_22 : memref<128xi32, #tpu.memory_space<vmem>>) semaphore(%arg16 : memref<!tpu.dma_semaphore, #tpu.memory_space<semaphore_mem>>)
    %dma_start3A_26 = arith.constant 2 : i32
    %dma_start3A_27 = arith.constant 0 : i32
    %dma_start3A_28 = tpu.memref_slice %arg7[%dma_start3A_26, %dma_start3A_27] : memref<160x128xi32, #tpu.memory_space<vmem>> -> memref<1x128xi32, #tpu.memory_space<vmem>>
    %dma_start3A_29 = tpu.memref_squeeze %dma_start3A_28 : memref<1x128xi32, #tpu.memory_space<vmem>> -> memref<128xi32, #tpu.memory_space<vmem>>
    %dma_start3A_30 = arith.constant 0 : i32
    %dma_start3A_31 = arith.constant 0 : i32
    %dma_start3A_32 = tpu.memref_slice %arg2[%dma_start3A_30, %dma_start3A_31] : memref<20000x64xf32, #tpu.memory_space<hbm>> -> memref<20000x64xf32, #tpu.memory_space<hbm>>
    tpu.enqueue_indirect_dma source(%dma_start3A_32 : memref<20000x64xf32, #tpu.memory_space<hbm>>) target(%arg11 : memref<128x64xf32, #tpu.memory_space<vmem>>) offsets(%dma_start3A_29 : memref<128xi32, #tpu.memory_space<vmem>>) semaphore(%arg17 : memref<!tpu.dma_semaphore, #tpu.memory_space<semaphore_mem>>)
    %dma_start3A_33 = arith.constant 3 : i32
    %dma_start3A_34 = arith.constant 0 : i32
    %dma_start3A_35 = tpu.memref_slice %arg7[%dma_start3A_33, %dma_start3A_34] : memref<160x128xi32, #tpu.memory_space<vmem>> -> memref<1x128xi32, #tpu.memory_space<vmem>>
    %dma_start3A_36 = tpu.memref_squeeze %dma_start3A_35 : memref<1x128xi32, #tpu.memory_space<vmem>> -> memref<128xi32, #tpu.memory_space<vmem>>
    %dma_start3A_37 = arith.constant 0 : i32
    %dma_start3A_38 = arith.constant 0 : i32
    %dma_start3A_39 = tpu.memref_slice %arg2[%dma_start3A_37, %dma_start3A_38] : memref<20000x64xf32, #tpu.memory_space<hbm>> -> memref<20000x64xf32, #tpu.memory_space<hbm>>
    tpu.enqueue_indirect_dma source(%dma_start3A_39 : memref<20000x64xf32, #tpu.memory_space<hbm>>) target(%arg12 : memref<128x64xf32, #tpu.memory_space<vmem>>) offsets(%dma_start3A_36 : memref<128xi32, #tpu.memory_space<vmem>>) semaphore(%arg18 : memref<!tpu.dma_semaphore, #tpu.memory_space<semaphore_mem>>)
    %barrier3A = arith.constant 0 : index
    tpu.barrier barrier_id(%barrier3A)
    %scan3A_40 = arith.constant 0 : i32
    %scan3A_41 = arith.constant 0 : i32
    %scan3A_42 = arith.constant 32 : i32
    %scan3A_43 = arith.addi %scan3A_41, %scan3A_42 : i32
    %scan3A_44 = arith.constant 1 : i32
    scf.for %scan3A_110 = %scan3A_41 to %scan3A_43 step %scan3A_44  : i32 {
      %mul3A_111 = arith.constant 5 : i32
      %mul3A_112 = arith.muli %scan3A_110, %mul3A_111 : i32
      %add3A = arith.constant 0 : i32
      %add3A_113 = arith.addi %mul3A_112, %add3A : i32
      %dma_wait3A_114 = arith.constant 0 : i32
      %dma_wait3A_115 = tpu.memref_slice %arg7[%add3A_113, %dma_wait3A_114] : memref<160x128xi32, #tpu.memory_space<vmem>> -> memref<1x128xi32, #tpu.memory_space<vmem>>
      %dma_wait3A_116 = tpu.memref_squeeze %dma_wait3A_115 : memref<1x128xi32, #tpu.memory_space<vmem>> -> memref<128xi32, #tpu.memory_space<vmem>>
      %dma_wait3A_117 = arith.constant 0 : i32
      %dma_wait3A_118 = arith.constant 0 : i32
      %dma_wait3A_119 = tpu.memref_slice %arg2[%dma_wait3A_117, %dma_wait3A_118] : memref<20000x64xf32, #tpu.memory_space<hbm>> -> memref<20000x64xf32, #tpu.memory_space<hbm>>
      tpu.wait_indirect_dma semaphore(%arg15 : memref<!tpu.dma_semaphore, #tpu.memory_space<semaphore_mem>>) src(%dma_wait3A_119 : memref<20000x64xf32, #tpu.memory_space<hbm>>) dst(%arg9 : memref<128x64xf32, #tpu.memory_space<vmem>>)
      %dma_start3A_120 = arith.constant 0 : i32
      %dma_start3A_121 = tpu.memref_slice %arg8[%add3A_113, %dma_start3A_120] : memref<160x128xi32, #tpu.memory_space<vmem>> -> memref<1x128xi32, #tpu.memory_space<vmem>>
      %dma_start3A_122 = tpu.memref_squeeze %dma_start3A_121 : memref<1x128xi32, #tpu.memory_space<vmem>> -> memref<128xi32, #tpu.memory_space<vmem>>
      %dma_start3A_123 = arith.constant 0 : i32
      %dma_start3A_124 = arith.constant 0 : i32
      %dma_start3A_125 = tpu.memref_slice %arg14[%dma_start3A_123, %dma_start3A_124] : memref<10240x64xf32, #tpu.memory_space<vmem_shared>> -> memref<10240x64xf32, #tpu.memory_space<vmem_shared>>
      tpu.enqueue_indirect_dma source(%arg9 : memref<128x64xf32, #tpu.memory_space<vmem>>) target(%dma_start3A_125 : memref<10240x64xf32, #tpu.memory_space<vmem_shared>>) offsets(%dma_start3A_122 : memref<128xi32, #tpu.memory_space<vmem>>) semaphore(%arg20 : memref<!tpu.dma_semaphore, #tpu.memory_space<semaphore_mem>>) {add = true}
      %ge3A = arith.constant 1 : i32
      %ge3A_126 = arith.cmpi sge, %add3A_113, %ge3A : i32
      %convert_element_type3A = arith.extui %ge3A_126 : i1 to i32
      %cond3A = arith.constant 0 : i32
      %cond3A_127 = arith.cmpi ne, %convert_element_type3A, %cond3A : i32
      scf.if %cond3A_127 {
        %sub3A_255 = arith.constant 1 : i32
        %sub3A_256 = arith.subi %add3A_113, %sub3A_255 : i32
        %dma_wait3A_257 = arith.constant 0 : i32
        %dma_wait3A_258 = tpu.memref_slice %arg8[%sub3A_256, %dma_wait3A_257] : memref<160x128xi32, #tpu.memory_space<vmem>> -> memref<1x128xi32, #tpu.memory_space<vmem>>
        %dma_wait3A_259 = tpu.memref_squeeze %dma_wait3A_258 : memref<1x128xi32, #tpu.memory_space<vmem>> -> memref<128xi32, #tpu.memory_space<vmem>>
        %dma_wait3A_260 = arith.constant 0 : i32
        %dma_wait3A_261 = arith.constant 0 : i32
        %dma_wait3A_262 = tpu.memref_slice %arg14[%dma_wait3A_260, %dma_wait3A_261] : memref<10240x64xf32, #tpu.memory_space<vmem_shared>> -> memref<10240x64xf32, #tpu.memory_space<vmem_shared>>
        tpu.wait_indirect_dma semaphore(%arg24 : memref<!tpu.dma_semaphore, #tpu.memory_space<semaphore_mem>>) src(%arg13 : memref<128x64xf32, #tpu.memory_space<vmem>>) dst(%dma_wait3A_262 : memref<10240x64xf32, #tpu.memory_space<vmem_shared>>)
      } else {
      }
      %add3A_128 = arith.constant 5 : i32
      %add3A_129 = arith.addi %add3A_113, %add3A_128 : i32
      %sub3A = arith.constant 1 : i32
      %sub3A_130 = arith.subi %add3A_129, %sub3A : i32
      %lt3A = arith.constant 160 : i32
      %lt3A_131 = arith.cmpi slt, %sub3A_130, %lt3A : i32
      %convert_element_type3A_132 = arith.extui %lt3A_131 : i1 to i32
      %cond3A_133 = arith.constant 0 : i32
      %cond3A_134 = arith.cmpi ne, %convert_element_type3A_132, %cond3A_133 : i32
      scf.if %cond3A_134 {
        %add3A_255 = arith.constant 5 : i32
        %add3A_256 = arith.addi %add3A_113, %add3A_255 : i32
        %sub3A_257 = arith.constant 1 : i32
        %sub3A_258 = arith.subi %add3A_256, %sub3A_257 : i32
        %dma_start3A_259 = arith.constant 0 : i32
        %dma_start3A_260 = tpu.memref_slice %arg7[%sub3A_258, %dma_start3A_259] : memref<160x128xi32, #tpu.memory_space<vmem>> -> memref<1x128xi32, #tpu.memory_space<vmem>>
        %dma_start3A_261 = tpu.memref_squeeze %dma_start3A_260 : memref<1x128xi32, #tpu.memory_space<vmem>> -> memref<128xi32, #tpu.memory_space<vmem>>
        %dma_start3A_262 = arith.constant 0 : i32
        %dma_start3A_263 = arith.constant 0 : i32
        %dma_start3A_264 = tpu.memref_slice %arg2[%dma_start3A_262, %dma_start3A_263] : memref<20000x64xf32, #tpu.memory_space<hbm>> -> memref<20000x64xf32, #tpu.memory_space<hbm>>
        tpu.enqueue_indirect_dma source(%dma_start3A_264 : memref<20000x64xf32, #tpu.memory_space<hbm>>) target(%arg13 : memref<128x64xf32, #tpu.memory_space<vmem>>) offsets(%dma_start3A_261 : memref<128xi32, #tpu.memory_space<vmem>>) semaphore(%arg19 : memref<!tpu.dma_semaphore, #tpu.memory_space<semaphore_mem>>)
      } else {
      }
      %mul3A_135 = arith.constant 5 : i32
      %mul3A_136 = arith.muli %scan3A_110, %mul3A_135 : i32
      %add3A_137 = arith.constant 1 : i32
      %add3A_138 = arith.addi %mul3A_136, %add3A_137 : i32
      %dma_wait3A_139 = arith.constant 0 : i32
      %dma_wait3A_140 = tpu.memref_slice %arg7[%add3A_138, %dma_wait3A_139] : memref<160x128xi32, #tpu.memory_space<vmem>> -> memref<1x128xi32, #tpu.memory_space<vmem>>
      %dma_wait3A_141 = tpu.memref_squeeze %dma_wait3A_140 : memref<1x128xi32, #tpu.memory_space<vmem>> -> memref<128xi32, #tpu.memory_space<vmem>>
      %dma_wait3A_142 = arith.constant 0 : i32
      %dma_wait3A_143 = arith.constant 0 : i32
      %dma_wait3A_144 = tpu.memref_slice %arg2[%dma_wait3A_142, %dma_wait3A_143] : memref<20000x64xf32, #tpu.memory_space<hbm>> -> memref<20000x64xf32, #tpu.memory_space<hbm>>
      tpu.wait_indirect_dma semaphore(%arg16 : memref<!tpu.dma_semaphore, #tpu.memory_space<semaphore_mem>>) src(%dma_wait3A_144 : memref<20000x64xf32, #tpu.memory_space<hbm>>) dst(%arg10 : memref<128x64xf32, #tpu.memory_space<vmem>>)
      %dma_start3A_145 = arith.constant 0 : i32
      %dma_start3A_146 = tpu.memref_slice %arg8[%add3A_138, %dma_start3A_145] : memref<160x128xi32, #tpu.memory_space<vmem>> -> memref<1x128xi32, #tpu.memory_space<vmem>>
      %dma_start3A_147 = tpu.memref_squeeze %dma_start3A_146 : memref<1x128xi32, #tpu.memory_space<vmem>> -> memref<128xi32, #tpu.memory_space<vmem>>
      %dma_start3A_148 = arith.constant 0 : i32
      %dma_start3A_149 = arith.constant 0 : i32
      %dma_start3A_150 = tpu.memref_slice %arg14[%dma_start3A_148, %dma_start3A_149] : memref<10240x64xf32, #tpu.memory_space<vmem_shared>> -> memref<10240x64xf32, #tpu.memory_space<vmem_shared>>
      tpu.enqueue_indirect_dma source(%arg10 : memref<128x64xf32, #tpu.memory_space<vmem>>) target(%dma_start3A_150 : memref<10240x64xf32, #tpu.memory_space<vmem_shared>>) offsets(%dma_start3A_147 : memref<128xi32, #tpu.memory_space<vmem>>) semaphore(%arg21 : memref<!tpu.dma_semaphore, #tpu.memory_space<semaphore_mem>>) {add = true}
      %ge3A_151 = arith.constant 1 : i32
      %ge3A_152 = arith.cmpi sge, %add3A_138, %ge3A_151 : i32
      %convert_element_type3A_153 = arith.extui %ge3A_152 : i1 to i32
      %cond3A_154 = arith.constant 0 : i32
      %cond3A_155 = arith.cmpi ne, %convert_element_type3A_153, %cond3A_154 : i32
      scf.if %cond3A_155 {
        %sub3A_255 = arith.constant 1 : i32
        %sub3A_256 = arith.subi %add3A_138, %sub3A_255 : i32
        %dma_wait3A_257 = arith.constant 0 : i32
        %dma_wait3A_258 = tpu.memref_slice %arg8[%sub3A_256, %dma_wait3A_257] : memref<160x128xi32, #tpu.memory_space<vmem>> -> memref<1x128xi32, #tpu.memory_space<vmem>>
        %dma_wait3A_259 = tpu.memref_squeeze %dma_wait3A_258 : memref<1x128xi32, #tpu.memory_space<vmem>> -> memref<128xi32, #tpu.memory_space<vmem>>
        %dma_wait3A_260 = arith.constant 0 : i32
        %dma_wait3A_261 = arith.constant 0 : i32
        %dma_wait3A_262 = tpu.memref_slice %arg14[%dma_wait3A_260, %dma_wait3A_261] : memref<10240x64xf32, #tpu.memory_space<vmem_shared>> -> memref<10240x64xf32, #tpu.memory_space<vmem_shared>>
        tpu.wait_indirect_dma semaphore(%arg20 : memref<!tpu.dma_semaphore, #tpu.memory_space<semaphore_mem>>) src(%arg9 : memref<128x64xf32, #tpu.memory_space<vmem>>) dst(%dma_wait3A_262 : memref<10240x64xf32, #tpu.memory_space<vmem_shared>>)
      } else {
      }
      %add3A_156 = arith.constant 5 : i32
      %add3A_157 = arith.addi %add3A_138, %add3A_156 : i32
      %sub3A_158 = arith.constant 1 : i32
      %sub3A_159 = arith.subi %add3A_157, %sub3A_158 : i32
      %lt3A_160 = arith.constant 160 : i32
      %lt3A_161 = arith.cmpi slt, %sub3A_159, %lt3A_160 : i32
      %convert_element_type3A_162 = arith.extui %lt3A_161 : i1 to i32
      %cond3A_163 = arith.constant 0 : i32
      %cond3A_164 = arith.cmpi ne, %convert_element_type3A_162, %cond3A_163 : i32
      scf.if %cond3A_164 {
        %add3A_255 = arith.constant 5 : i32
        %add3A_256 = arith.addi %add3A_138, %add3A_255 : i32
        %sub3A_257 = arith.constant 1 : i32
        %sub3A_258 = arith.subi %add3A_256, %sub3A_257 : i32
        %dma_start3A_259 = arith.constant 0 : i32
        %dma_start3A_260 = tpu.memref_slice %arg7[%sub3A_258, %dma_start3A_259] : memref<160x128xi32, #tpu.memory_space<vmem>> -> memref<1x128xi32, #tpu.memory_space<vmem>>
        %dma_start3A_261 = tpu.memref_squeeze %dma_start3A_260 : memref<1x128xi32, #tpu.memory_space<vmem>> -> memref<128xi32, #tpu.memory_space<vmem>>
        %dma_start3A_262 = arith.constant 0 : i32
        %dma_start3A_263 = arith.constant 0 : i32
        %dma_start3A_264 = tpu.memref_slice %arg2[%dma_start3A_262, %dma_start3A_263] : memref<20000x64xf32, #tpu.memory_space<hbm>> -> memref<20000x64xf32, #tpu.memory_space<hbm>>
        tpu.enqueue_indirect_dma source(%dma_start3A_264 : memref<20000x64xf32, #tpu.memory_space<hbm>>) target(%arg9 : memref<128x64xf32, #tpu.memory_space<vmem>>) offsets(%dma_start3A_261 : memref<128xi32, #tpu.memory_space<vmem>>) semaphore(%arg15 : memref<!tpu.dma_semaphore, #tpu.memory_space<semaphore_mem>>)
      } else {
      }
      %mul3A_165 = arith.constant 5 : i32
      %mul3A_166 = arith.muli %scan3A_110, %mul3A_165 : i32
      %add3A_167 = arith.constant 2 : i32
      %add3A_168 = arith.addi %mul3A_166, %add3A_167 : i32
      %dma_wait3A_169 = arith.constant 0 : i32
      %dma_wait3A_170 = tpu.memref_slice %arg7[%add3A_168, %dma_wait3A_169] : memref<160x128xi32, #tpu.memory_space<vmem>> -> memref<1x128xi32, #tpu.memory_space<vmem>>
      %dma_wait3A_171 = tpu.memref_squeeze %dma_wait3A_170 : memref<1x128xi32, #tpu.memory_space<vmem>> -> memref<128xi32, #tpu.memory_space<vmem>>
      %dma_wait3A_172 = arith.constant 0 : i32
      %dma_wait3A_173 = arith.constant 0 : i32
      %dma_wait3A_174 = tpu.memref_slice %arg2[%dma_wait3A_172, %dma_wait3A_173] : memref<20000x64xf32, #tpu.memory_space<hbm>> -> memref<20000x64xf32, #tpu.memory_space<hbm>>
      tpu.wait_indirect_dma semaphore(%arg17 : memref<!tpu.dma_semaphore, #tpu.memory_space<semaphore_mem>>) src(%dma_wait3A_174 : memref<20000x64xf32, #tpu.memory_space<hbm>>) dst(%arg11 : memref<128x64xf32, #tpu.memory_space<vmem>>)
      %dma_start3A_175 = arith.constant 0 : i32
      %dma_start3A_176 = tpu.memref_slice %arg8[%add3A_168, %dma_start3A_175] : memref<160x128xi32, #tpu.memory_space<vmem>> -> memref<1x128xi32, #tpu.memory_space<vmem>>
      %dma_start3A_177 = tpu.memref_squeeze %dma_start3A_176 : memref<1x128xi32, #tpu.memory_space<vmem>> -> memref<128xi32, #tpu.memory_space<vmem>>
      %dma_start3A_178 = arith.constant 0 : i32
      %dma_start3A_179 = arith.constant 0 : i32
      %dma_start3A_180 = tpu.memref_slice %arg14[%dma_start3A_178, %dma_start3A_179] : memref<10240x64xf32, #tpu.memory_space<vmem_shared>> -> memref<10240x64xf32, #tpu.memory_space<vmem_shared>>
      tpu.enqueue_indirect_dma source(%arg11 : memref<128x64xf32, #tpu.memory_space<vmem>>) target(%dma_start3A_180 : memref<10240x64xf32, #tpu.memory_space<vmem_shared>>) offsets(%dma_start3A_177 : memref<128xi32, #tpu.memory_space<vmem>>) semaphore(%arg22 : memref<!tpu.dma_semaphore, #tpu.memory_space<semaphore_mem>>) {add = true}
      %ge3A_181 = arith.constant 1 : i32
      %ge3A_182 = arith.cmpi sge, %add3A_168, %ge3A_181 : i32
      %convert_element_type3A_183 = arith.extui %ge3A_182 : i1 to i32
      %cond3A_184 = arith.constant 0 : i32
      %cond3A_185 = arith.cmpi ne, %convert_element_type3A_183, %cond3A_184 : i32
      scf.if %cond3A_185 {
        %sub3A_255 = arith.constant 1 : i32
        %sub3A_256 = arith.subi %add3A_168, %sub3A_255 : i32
        %dma_wait3A_257 = arith.constant 0 : i32
        %dma_wait3A_258 = tpu.memref_slice %arg8[%sub3A_256, %dma_wait3A_257] : memref<160x128xi32, #tpu.memory_space<vmem>> -> memref<1x128xi32, #tpu.memory_space<vmem>>
        %dma_wait3A_259 = tpu.memref_squeeze %dma_wait3A_258 : memref<1x128xi32, #tpu.memory_space<vmem>> -> memref<128xi32, #tpu.memory_space<vmem>>
        %dma_wait3A_260 = arith.constant 0 : i32
        %dma_wait3A_261 = arith.constant 0 : i32
        %dma_wait3A_262 = tpu.memref_slice %arg14[%dma_wait3A_260, %dma_wait3A_261] : memref<10240x64xf32, #tpu.memory_space<vmem_shared>> -> memref<10240x64xf32, #tpu.memory_space<vmem_shared>>
        tpu.wait_indirect_dma semaphore(%arg21 : memref<!tpu.dma_semaphore, #tpu.memory_space<semaphore_mem>>) src(%arg10 : memref<128x64xf32, #tpu.memory_space<vmem>>) dst(%dma_wait3A_262 : memref<10240x64xf32, #tpu.memory_space<vmem_shared>>)
      } else {
      }
      %add3A_186 = arith.constant 5 : i32
      %add3A_187 = arith.addi %add3A_168, %add3A_186 : i32
      %sub3A_188 = arith.constant 1 : i32
      %sub3A_189 = arith.subi %add3A_187, %sub3A_188 : i32
      %lt3A_190 = arith.constant 160 : i32
      %lt3A_191 = arith.cmpi slt, %sub3A_189, %lt3A_190 : i32
      %convert_element_type3A_192 = arith.extui %lt3A_191 : i1 to i32
      %cond3A_193 = arith.constant 0 : i32
      %cond3A_194 = arith.cmpi ne, %convert_element_type3A_192, %cond3A_193 : i32
      scf.if %cond3A_194 {
        %add3A_255 = arith.constant 5 : i32
        %add3A_256 = arith.addi %add3A_168, %add3A_255 : i32
        %sub3A_257 = arith.constant 1 : i32
        %sub3A_258 = arith.subi %add3A_256, %sub3A_257 : i32
        %dma_start3A_259 = arith.constant 0 : i32
        %dma_start3A_260 = tpu.memref_slice %arg7[%sub3A_258, %dma_start3A_259] : memref<160x128xi32, #tpu.memory_space<vmem>> -> memref<1x128xi32, #tpu.memory_space<vmem>>
        %dma_start3A_261 = tpu.memref_squeeze %dma_start3A_260 : memref<1x128xi32, #tpu.memory_space<vmem>> -> memref<128xi32, #tpu.memory_space<vmem>>
        %dma_start3A_262 = arith.constant 0 : i32
        %dma_start3A_263 = arith.constant 0 : i32
        %dma_start3A_264 = tpu.memref_slice %arg2[%dma_start3A_262, %dma_start3A_263] : memref<20000x64xf32, #tpu.memory_space<hbm>> -> memref<20000x64xf32, #tpu.memory_space<hbm>>
        tpu.enqueue_indirect_dma source(%dma_start3A_264 : memref<20000x64xf32, #tpu.memory_space<hbm>>) target(%arg10 : memref<128x64xf32, #tpu.memory_space<vmem>>) offsets(%dma_start3A_261 : memref<128xi32, #tpu.memory_space<vmem>>) semaphore(%arg16 : memref<!tpu.dma_semaphore, #tpu.memory_space<semaphore_mem>>)
      } else {
      }
      %mul3A_195 = arith.constant 5 : i32
      %mul3A_196 = arith.muli %scan3A_110, %mul3A_195 : i32
      %add3A_197 = arith.constant 3 : i32
      %add3A_198 = arith.addi %mul3A_196, %add3A_197 : i32
      %dma_wait3A_199 = arith.constant 0 : i32
      %dma_wait3A_200 = tpu.memref_slice %arg7[%add3A_198, %dma_wait3A_199] : memref<160x128xi32, #tpu.memory_space<vmem>> -> memref<1x128xi32, #tpu.memory_space<vmem>>
      %dma_wait3A_201 = tpu.memref_squeeze %dma_wait3A_200 : memref<1x128xi32, #tpu.memory_space<vmem>> -> memref<128xi32, #tpu.memory_space<vmem>>
      %dma_wait3A_202 = arith.constant 0 : i32
      %dma_wait3A_203 = arith.constant 0 : i32
      %dma_wait3A_204 = tpu.memref_slice %arg2[%dma_wait3A_202, %dma_wait3A_203] : memref<20000x64xf32, #tpu.memory_space<hbm>> -> memref<20000x64xf32, #tpu.memory_space<hbm>>
      tpu.wait_indirect_dma semaphore(%arg18 : memref<!tpu.dma_semaphore, #tpu.memory_space<semaphore_mem>>) src(%dma_wait3A_204 : memref<20000x64xf32, #tpu.memory_space<hbm>>) dst(%arg12 : memref<128x64xf32, #tpu.memory_space<vmem>>)
      %dma_start3A_205 = arith.constant 0 : i32
      %dma_start3A_206 = tpu.memref_slice %arg8[%add3A_198, %dma_start3A_205] : memref<160x128xi32, #tpu.memory_space<vmem>> -> memref<1x128xi32, #tpu.memory_space<vmem>>
      %dma_start3A_207 = tpu.memref_squeeze %dma_start3A_206 : memref<1x128xi32, #tpu.memory_space<vmem>> -> memref<128xi32, #tpu.memory_space<vmem>>
      %dma_start3A_208 = arith.constant 0 : i32
      %dma_start3A_209 = arith.constant 0 : i32
      %dma_start3A_210 = tpu.memref_slice %arg14[%dma_start3A_208, %dma_start3A_209] : memref<10240x64xf32, #tpu.memory_space<vmem_shared>> -> memref<10240x64xf32, #tpu.memory_space<vmem_shared>>
      tpu.enqueue_indirect_dma source(%arg12 : memref<128x64xf32, #tpu.memory_space<vmem>>) target(%dma_start3A_210 : memref<10240x64xf32, #tpu.memory_space<vmem_shared>>) offsets(%dma_start3A_207 : memref<128xi32, #tpu.memory_space<vmem>>) semaphore(%arg23 : memref<!tpu.dma_semaphore, #tpu.memory_space<semaphore_mem>>) {add = true}
      %ge3A_211 = arith.constant 1 : i32
      %ge3A_212 = arith.cmpi sge, %add3A_198, %ge3A_211 : i32
      %convert_element_type3A_213 = arith.extui %ge3A_212 : i1 to i32
      %cond3A_214 = arith.constant 0 : i32
      %cond3A_215 = arith.cmpi ne, %convert_element_type3A_213, %cond3A_214 : i32
      scf.if %cond3A_215 {
        %sub3A_255 = arith.constant 1 : i32
        %sub3A_256 = arith.subi %add3A_198, %sub3A_255 : i32
        %dma_wait3A_257 = arith.constant 0 : i32
        %dma_wait3A_258 = tpu.memref_slice %arg8[%sub3A_256, %dma_wait3A_257] : memref<160x128xi32, #tpu.memory_space<vmem>> -> memref<1x128xi32, #tpu.memory_space<vmem>>
        %dma_wait3A_259 = tpu.memref_squeeze %dma_wait3A_258 : memref<1x128xi32, #tpu.memory_space<vmem>> -> memref<128xi32, #tpu.memory_space<vmem>>
        %dma_wait3A_260 = arith.constant 0 : i32
        %dma_wait3A_261 = arith.constant 0 : i32
        %dma_wait3A_262 = tpu.memref_slice %arg14[%dma_wait3A_260, %dma_wait3A_261] : memref<10240x64xf32, #tpu.memory_space<vmem_shared>> -> memref<10240x64xf32, #tpu.memory_space<vmem_shared>>
        tpu.wait_indirect_dma semaphore(%arg22 : memref<!tpu.dma_semaphore, #tpu.memory_space<semaphore_mem>>) src(%arg11 : memref<128x64xf32, #tpu.memory_space<vmem>>) dst(%dma_wait3A_262 : memref<10240x64xf32, #tpu.memory_space<vmem_shared>>)
      } else {
      }
      %add3A_216 = arith.constant 5 : i32
      %add3A_217 = arith.addi %add3A_198, %add3A_216 : i32
      %sub3A_218 = arith.constant 1 : i32
      %sub3A_219 = arith.subi %add3A_217, %sub3A_218 : i32
      %lt3A_220 = arith.constant 160 : i32
      %lt3A_221 = arith.cmpi slt, %sub3A_219, %lt3A_220 : i32
      %convert_element_type3A_222 = arith.extui %lt3A_221 : i1 to i32
      %cond3A_223 = arith.constant 0 : i32
      %cond3A_224 = arith.cmpi ne, %convert_element_type3A_222, %cond3A_223 : i32
      scf.if %cond3A_224 {
        %add3A_255 = arith.constant 5 : i32
        %add3A_256 = arith.addi %add3A_198, %add3A_255 : i32
        %sub3A_257 = arith.constant 1 : i32
        %sub3A_258 = arith.subi %add3A_256, %sub3A_257 : i32
        %dma_start3A_259 = arith.constant 0 : i32
        %dma_start3A_260 = tpu.memref_slice %arg7[%sub3A_258, %dma_start3A_259] : memref<160x128xi32, #tpu.memory_space<vmem>> -> memref<1x128xi32, #tpu.memory_space<vmem>>
        %dma_start3A_261 = tpu.memref_squeeze %dma_start3A_260 : memref<1x128xi32, #tpu.memory_space<vmem>> -> memref<128xi32, #tpu.memory_space<vmem>>
        %dma_start3A_262 = arith.constant 0 : i32
        %dma_start3A_263 = arith.constant 0 : i32
        %dma_start3A_264 = tpu.memref_slice %arg2[%dma_start3A_262, %dma_start3A_263] : memref<20000x64xf32, #tpu.memory_space<hbm>> -> memref<20000x64xf32, #tpu.memory_space<hbm>>
        tpu.enqueue_indirect_dma source(%dma_start3A_264 : memref<20000x64xf32, #tpu.memory_space<hbm>>) target(%arg11 : memref<128x64xf32, #tpu.memory_space<vmem>>) offsets(%dma_start3A_261 : memref<128xi32, #tpu.memory_space<vmem>>) semaphore(%arg17 : memref<!tpu.dma_semaphore, #tpu.memory_space<semaphore_mem>>)
      } else {
      }
      %mul3A_225 = arith.constant 5 : i32
      %mul3A_226 = arith.muli %scan3A_110, %mul3A_225 : i32
      %add3A_227 = arith.constant 4 : i32
      %add3A_228 = arith.addi %mul3A_226, %add3A_227 : i32
      %dma_wait3A_229 = arith.constant 0 : i32
      %dma_wait3A_230 = tpu.memref_slice %arg7[%add3A_228, %dma_wait3A_229] : memref<160x128xi32, #tpu.memory_space<vmem>> -> memref<1x128xi32, #tpu.memory_space<vmem>>
      %dma_wait3A_231 = tpu.memref_squeeze %dma_wait3A_230 : memref<1x128xi32, #tpu.memory_space<vmem>> -> memref<128xi32, #tpu.memory_space<vmem>>
      %dma_wait3A_232 = arith.constant 0 : i32
      %dma_wait3A_233 = arith.constant 0 : i32
      %dma_wait3A_234 = tpu.memref_slice %arg2[%dma_wait3A_232, %dma_wait3A_233] : memref<20000x64xf32, #tpu.memory_space<hbm>> -> memref<20000x64xf32, #tpu.memory_space<hbm>>
      tpu.wait_indirect_dma semaphore(%arg19 : memref<!tpu.dma_semaphore, #tpu.memory_space<semaphore_mem>>) src(%dma_wait3A_234 : memref<20000x64xf32, #tpu.memory_space<hbm>>) dst(%arg13 : memref<128x64xf32, #tpu.memory_space<vmem>>)
      %dma_start3A_235 = arith.constant 0 : i32
      %dma_start3A_236 = tpu.memref_slice %arg8[%add3A_228, %dma_start3A_235] : memref<160x128xi32, #tpu.memory_space<vmem>> -> memref<1x128xi32, #tpu.memory_space<vmem>>
      %dma_start3A_237 = tpu.memref_squeeze %dma_start3A_236 : memref<1x128xi32, #tpu.memory_space<vmem>> -> memref<128xi32, #tpu.memory_space<vmem>>
      %dma_start3A_238 = arith.constant 0 : i32
      %dma_start3A_239 = arith.constant 0 : i32
      %dma_start3A_240 = tpu.memref_slice %arg14[%dma_start3A_238, %dma_start3A_239] : memref<10240x64xf32, #tpu.memory_space<vmem_shared>> -> memref<10240x64xf32, #tpu.memory_space<vmem_shared>>
      tpu.enqueue_indirect_dma source(%arg13 : memref<128x64xf32, #tpu.memory_space<vmem>>) target(%dma_start3A_240 : memref<10240x64xf32, #tpu.memory_space<vmem_shared>>) offsets(%dma_start3A_237 : memref<128xi32, #tpu.memory_space<vmem>>) semaphore(%arg24 : memref<!tpu.dma_semaphore, #tpu.memory_space<semaphore_mem>>) {add = true}
      %ge3A_241 = arith.constant 1 : i32
      %ge3A_242 = arith.cmpi sge, %add3A_228, %ge3A_241 : i32
      %convert_element_type3A_243 = arith.extui %ge3A_242 : i1 to i32
      %cond3A_244 = arith.constant 0 : i32
      %cond3A_245 = arith.cmpi ne, %convert_element_type3A_243, %cond3A_244 : i32
      scf.if %cond3A_245 {
        %sub3A_255 = arith.constant 1 : i32
        %sub3A_256 = arith.subi %add3A_228, %sub3A_255 : i32
        %dma_wait3A_257 = arith.constant 0 : i32
        %dma_wait3A_258 = tpu.memref_slice %arg8[%sub3A_256, %dma_wait3A_257] : memref<160x128xi32, #tpu.memory_space<vmem>> -> memref<1x128xi32, #tpu.memory_space<vmem>>
        %dma_wait3A_259 = tpu.memref_squeeze %dma_wait3A_258 : memref<1x128xi32, #tpu.memory_space<vmem>> -> memref<128xi32, #tpu.memory_space<vmem>>
        %dma_wait3A_260 = arith.constant 0 : i32
        %dma_wait3A_261 = arith.constant 0 : i32
        %dma_wait3A_262 = tpu.memref_slice %arg14[%dma_wait3A_260, %dma_wait3A_261] : memref<10240x64xf32, #tpu.memory_space<vmem_shared>> -> memref<10240x64xf32, #tpu.memory_space<vmem_shared>>
        tpu.wait_indirect_dma semaphore(%arg23 : memref<!tpu.dma_semaphore, #tpu.memory_space<semaphore_mem>>) src(%arg12 : memref<128x64xf32, #tpu.memory_space<vmem>>) dst(%dma_wait3A_262 : memref<10240x64xf32, #tpu.memory_space<vmem_shared>>)
      } else {
      }
      %add3A_246 = arith.constant 5 : i32
      %add3A_247 = arith.addi %add3A_228, %add3A_246 : i32
      %sub3A_248 = arith.constant 1 : i32
      %sub3A_249 = arith.subi %add3A_247, %sub3A_248 : i32
      %lt3A_250 = arith.constant 160 : i32
      %lt3A_251 = arith.cmpi slt, %sub3A_249, %lt3A_250 : i32
      %convert_element_type3A_252 = arith.extui %lt3A_251 : i1 to i32
      %cond3A_253 = arith.constant 0 : i32
      %cond3A_254 = arith.cmpi ne, %convert_element_type3A_252, %cond3A_253 : i32
      scf.if %cond3A_254 {
        %add3A_255 = arith.constant 5 : i32
        %add3A_256 = arith.addi %add3A_228, %add3A_255 : i32
        %sub3A_257 = arith.constant 1 : i32
        %sub3A_258 = arith.subi %add3A_256, %sub3A_257 : i32
        %dma_start3A_259 = arith.constant 0 : i32
        %dma_start3A_260 = tpu.memref_slice %arg7[%sub3A_258, %dma_start3A_259] : memref<160x128xi32, #tpu.memory_space<vmem>> -> memref<1x128xi32, #tpu.memory_space<vmem>>
        %dma_start3A_261 = tpu.memref_squeeze %dma_start3A_260 : memref<1x128xi32, #tpu.memory_space<vmem>> -> memref<128xi32, #tpu.memory_space<vmem>>
        %dma_start3A_262 = arith.constant 0 : i32
        %dma_start3A_263 = arith.constant 0 : i32
        %dma_start3A_264 = tpu.memref_slice %arg2[%dma_start3A_262, %dma_start3A_263] : memref<20000x64xf32, #tpu.memory_space<hbm>> -> memref<20000x64xf32, #tpu.memory_space<hbm>>
        tpu.enqueue_indirect_dma source(%dma_start3A_264 : memref<20000x64xf32, #tpu.memory_space<hbm>>) target(%arg12 : memref<128x64xf32, #tpu.memory_space<vmem>>) offsets(%dma_start3A_261 : memref<128xi32, #tpu.memory_space<vmem>>) semaphore(%arg18 : memref<!tpu.dma_semaphore, #tpu.memory_space<semaphore_mem>>)
      } else {
      }
    }
    %scan3A_45 = arith.constant 32 : i32
    %dma_wait3A = arith.constant 159 : i32
    %dma_wait3A_46 = arith.constant 0 : i32
    %dma_wait3A_47 = tpu.memref_slice %arg8[%dma_wait3A, %dma_wait3A_46] : memref<160x128xi32, #tpu.memory_space<vmem>> -> memref<1x128xi32, #tpu.memory_space<vmem>>
    %dma_wait3A_48 = tpu.memref_squeeze %dma_wait3A_47 : memref<1x128xi32, #tpu.memory_space<vmem>> -> memref<128xi32, #tpu.memory_space<vmem>>
    %dma_wait3A_49 = arith.constant 0 : i32
    %dma_wait3A_50 = arith.constant 0 : i32
    %dma_wait3A_51 = tpu.memref_slice %arg14[%dma_wait3A_49, %dma_wait3A_50] : memref<10240x64xf32, #tpu.memory_space<vmem_shared>> -> memref<10240x64xf32, #tpu.memory_space<vmem_shared>>
    tpu.wait_indirect_dma semaphore(%arg24 : memref<!tpu.dma_semaphore, #tpu.memory_space<semaphore_mem>>) src(%arg13 : memref<128x64xf32, #tpu.memory_space<vmem>>) dst(%dma_wait3A_51 : memref<10240x64xf32, #tpu.memory_space<vmem_shared>>)
    %barrier3A_52 = arith.constant 0 : index
    tpu.barrier barrier_id(%barrier3A_52)
    %run_scoped3A = arith.constant 0 : i32
    "tpu.region"() ({
      %run_scoped3A_110 = tpu.sem_alloc : memref<!tpu.dma_semaphore, #tpu.memory_space<semaphore_mem>>
      %dma_start3A_111 = arith.constant 0 : i32
      %dma_start3A_112 = tpu.memref_slice %arg6[%arg0, %run_scoped3A, %mul3A_0, %dma_start3A_111] : memref<2x2x10240x64xf32, #tpu.memory_space<hbm>> -> memref<1x1x640x64xf32, #tpu.memory_space<hbm>>
      %dma_start3A_113 = tpu.memref_squeeze %dma_start3A_112 : memref<1x1x640x64xf32, #tpu.memory_space<hbm>> -> memref<640x64xf32, #tpu.memory_space<hbm>>
      %dma_start3A_114 = arith.constant 0 : i32
      %dma_start3A_115 = tpu.memref_slice %arg14[%mul3A_0, %dma_start3A_114] : memref<10240x64xf32, #tpu.memory_space<vmem_shared>> -> memref<640x64xf32, #tpu.memory_space<vmem_shared>>
      tpu.enqueue_dma source(%dma_start3A_115 : memref<640x64xf32, #tpu.memory_space<vmem_shared>>) target(%dma_start3A_113 : memref<640x64xf32, #tpu.memory_space<hbm>>) target_semaphore(%run_scoped3A_110 : memref<!tpu.dma_semaphore, #tpu.memory_space<semaphore_mem>>)
      %dma_wait3A_116 = arith.constant 0 : i32
      %dma_wait3A_117 = tpu.memref_slice %arg6[%arg0, %run_scoped3A, %mul3A_0, %dma_wait3A_116] : memref<2x2x10240x64xf32, #tpu.memory_space<hbm>> -> memref<1x1x640x64xf32, #tpu.memory_space<hbm>>
      %dma_wait3A_118 = tpu.memref_squeeze %dma_wait3A_117 : memref<1x1x640x64xf32, #tpu.memory_space<hbm>> -> memref<640x64xf32, #tpu.memory_space<hbm>>
      %dma_wait3A_119 = arith.constant 0 : i32
      %dma_wait3A_120 = tpu.memref_slice %arg14[%mul3A_0, %dma_wait3A_119] : memref<10240x64xf32, #tpu.memory_space<vmem_shared>> -> memref<640x64xf32, #tpu.memory_space<vmem_shared>>
      tpu.wait_dma2 semaphore(%run_scoped3A_110 : memref<!tpu.dma_semaphore, #tpu.memory_space<semaphore_mem>>) src(%dma_wait3A_120 : memref<640x64xf32, #tpu.memory_space<vmem_shared>>) dst(%dma_wait3A_118 : memref<640x64xf32, #tpu.memory_space<hbm>>)
      tpu.yield
    }) : () -> ()
    %scan3A_53 = arith.constant 0 : i32
    %scan3A_54 = arith.constant 0 : i32
    %scan3A_55 = arith.constant 128 : i32
    %scan3A_56 = arith.addi %scan3A_54, %scan3A_55 : i32
    %scan3A_57 = arith.constant 1 : i32
    %scan3A_58 = scf.for %scan3A_110 = %scan3A_54 to %scan3A_56 step %scan3A_57 iter_args(%scan3A_111 = %scan3A_53) -> (i32)  : i32 {
      %scan3A_112 = arith.constant 0 : i32
      %scan3A_113 = arith.constant 0 : i32
      %scan3A_114 = arith.constant 4 : i32
      %scan3A_115 = arith.addi %scan3A_113, %scan3A_114 : i32
      %scan3A_116 = arith.constant 1 : i32
      scf.for %scan3A_119 = %scan3A_113 to %scan3A_115 step %scan3A_116  : i32 {
        %broadcast_in_dim3A = arith.constant 0.000000e+00 : f32
        %broadcast_in_dim3A_120 = vector.broadcast %broadcast_in_dim3A : f32 to vector<16xf32>
        %mul3A_121 = arith.constant 16 : i32
        %mul3A_122 = arith.muli %scan3A_119, %mul3A_121 : i32
        %swap3A = arith.index_cast %scan3A_110 : i32 to index
        %swap3A_123 = arith.index_cast %mul3A_122 : i32 to index
        %swap3A_124 = tpu.vector_load %arg9[%swap3A, %swap3A_123] {strides = array<i32>} : memref<128x64xf32, #tpu.memory_space<vmem>>, vector<1x16xf32>,
        %swap3A_125 = vector.shape_cast %swap3A_124 : vector<1x16xf32> to vector<16xf32>
        %swap3A_126 = vector.shape_cast %broadcast_in_dim3A_120 : vector<16xf32> to vector<1x16xf32>
        tpu.vector_store %arg9[%swap3A, %swap3A_123], %swap3A_126 {strides = array<i32>} : memref<128x64xf32, #tpu.memory_space<vmem>>, vector<1x16xf32>,
      }
      %scan3A_117 = arith.constant 4 : i32
      %scan3A_118 = arith.constant 0 : i32
      scf.yield %scan3A_118 : i32
    }
    %scan3A_59 = arith.constant 128 : i32
    %scan3A_60 = arith.constant 0 : i32
    %scan3A_61 = arith.constant 0 : i32
    %scan3A_62 = arith.constant 5 : i32
    %scan3A_63 = arith.addi %scan3A_61, %scan3A_62 : i32
    %scan3A_64 = arith.constant 1 : i32
    scf.for %scan3A_110 = %scan3A_61 to %scan3A_63 step %scan3A_64  : i32 {
      %mul3A_111 = arith.constant 128 : i32
      %mul3A_112 = arith.muli %scan3A_110, %mul3A_111 : i32
      %add3A = arith.addi %mul3A_0, %mul3A_112 : i32
      "tpu.region"() ({
        %run_scoped3A_113 = tpu.sem_alloc : memref<!tpu.dma_semaphore, #tpu.memory_space<semaphore_mem>>
        %dma_start3A_114 = arith.constant 0 : i32
        %dma_start3A_115 = tpu.memref_slice %arg14[%add3A, %dma_start3A_114] : memref<10240x64xf32, #tpu.memory_space<vmem_shared>> -> memref<128x64xf32, #tpu.memory_space<vmem_shared>>
        %dma_start3A_116 = arith.constant 0 : i32
        %dma_start3A_117 = tpu.memref_slice %arg14[%add3A, %dma_start3A_116] : memref<10240x64xf32, #tpu.memory_space<vmem_shared>> -> memref<128x64xf32, #tpu.memory_space<vmem_shared>>
        tpu.enqueue_dma source(%arg9 : memref<128x64xf32, #tpu.memory_space<vmem>>) target(%dma_start3A_117 : memref<128x64xf32, #tpu.memory_space<vmem_shared>>) target_semaphore(%run_scoped3A_113 : memref<!tpu.dma_semaphore, #tpu.memory_space<semaphore_mem>>)
        %dma_wait3A_118 = arith.constant 0 : i32
        %dma_wait3A_119 = tpu.memref_slice %arg14[%add3A, %dma_wait3A_118] : memref<10240x64xf32, #tpu.memory_space<vmem_shared>> -> memref<128x64xf32, #tpu.memory_space<vmem_shared>>
        %dma_wait3A_120 = arith.constant 0 : i32
        %dma_wait3A_121 = tpu.memref_slice %arg14[%add3A, %dma_wait3A_120] : memref<10240x64xf32, #tpu.memory_space<vmem_shared>> -> memref<128x64xf32, #tpu.memory_space<vmem_shared>>
        tpu.wait_dma2 semaphore(%run_scoped3A_113 : memref<!tpu.dma_semaphore, #tpu.memory_space<semaphore_mem>>) src(%arg9 : memref<128x64xf32, #tpu.memory_space<vmem>>) dst(%dma_wait3A_121 : memref<128x64xf32, #tpu.memory_space<vmem_shared>>)
        tpu.yield
      }) : () -> ()
    }
    %scan3A_65 = arith.constant 5 : i32
    %dma_start3A_66 = arith.constant 0 : i32
    %dma_start3A_67 = arith.constant 0 : i32
    %dma_start3A_68 = tpu.memref_slice %arg7[%dma_start3A_66, %dma_start3A_67] : memref<160x128xi32, #tpu.memory_space<vmem>> -> memref<1x128xi32, #tpu.memory_space<vmem>>
    %dma_start3A_69 = tpu.memref_squeeze %dma_start3A_68 : memref<1x128xi32, #tpu.memory_space<vmem>> -> memref<128xi32, #tpu.memory_space<vmem>>
    %dma_start3A_70 = arith.constant 0 : i32
    %dma_start3A_71 = arith.constant 0 : i32
    %dma_start3A_72 = tpu.memref_slice %arg3[%dma_start3A_70, %dma_start3A_71] : memref<20000x64xf32, #tpu.memory_space<hbm>> -> memref<20000x64xf32, #tpu.memory_space<hbm>>
    tpu.enqueue_indirect_dma source(%dma_start3A_72 : memref<20000x64xf32, #tpu.memory_space<hbm>>) target(%arg9 : memref<128x64xf32, #tpu.memory_space<vmem>>) offsets(%dma_start3A_69 : memref<128xi32, #tpu.memory_space<vmem>>) semaphore(%arg15 : memref<!tpu.dma_semaphore, #tpu.memory_space<semaphore_mem>>)
    %dma_start3A_73 = arith.constant 1 : i32
    %dma_start3A_74 = arith.constant 0 : i32
    %dma_start3A_75 = tpu.memref_slice %arg7[%dma_start3A_73, %dma_start3A_74] : memref<160x128xi32, #tpu.memory_space<vmem>> -> memref<1x128xi32, #tpu.memory_space<vmem>>
    %dma_start3A_76 = tpu.memref_squeeze %dma_start3A_75 : memref<1x128xi32, #tpu.memory_space<vmem>> -> memref<128xi32, #tpu.memory_space<vmem>>
    %dma_start3A_77 = arith.constant 0 : i32
    %dma_start3A_78 = arith.constant 0 : i32
    %dma_start3A_79 = tpu.memref_slice %arg3[%dma_start3A_77, %dma_start3A_78] : memref<20000x64xf32, #tpu.memory_space<hbm>> -> memref<20000x64xf32, #tpu.memory_space<hbm>>
    tpu.enqueue_indirect_dma source(%dma_start3A_79 : memref<20000x64xf32, #tpu.memory_space<hbm>>) target(%arg10 : memref<128x64xf32, #tpu.memory_space<vmem>>) offsets(%dma_start3A_76 : memref<128xi32, #tpu.memory_space<vmem>>) semaphore(%arg16 : memref<!tpu.dma_semaphore, #tpu.memory_space<semaphore_mem>>)
    %dma_start3A_80 = arith.constant 2 : i32
    %dma_start3A_81 = arith.constant 0 : i32
    %dma_start3A_82 = tpu.memref_slice %arg7[%dma_start3A_80, %dma_start3A_81] : memref<160x128xi32, #tpu.memory_space<vmem>> -> memref<1x128xi32, #tpu.memory_space<vmem>>
    %dma_start3A_83 = tpu.memref_squeeze %dma_start3A_82 : memref<1x128xi32, #tpu.memory_space<vmem>> -> memref<128xi32, #tpu.memory_space<vmem>>
    %dma_start3A_84 = arith.constant 0 : i32
    %dma_start3A_85 = arith.constant 0 : i32
    %dma_start3A_86 = tpu.memref_slice %arg3[%dma_start3A_84, %dma_start3A_85] : memref<20000x64xf32, #tpu.memory_space<hbm>> -> memref<20000x64xf32, #tpu.memory_space<hbm>>
    tpu.enqueue_indirect_dma source(%dma_start3A_86 : memref<20000x64xf32, #tpu.memory_space<hbm>>) target(%arg11 : memref<128x64xf32, #tpu.memory_space<vmem>>) offsets(%dma_start3A_83 : memref<128xi32, #tpu.memory_space<vmem>>) semaphore(%arg17 : memref<!tpu.dma_semaphore, #tpu.memory_space<semaphore_mem>>)
    %dma_start3A_87 = arith.constant 3 : i32
    %dma_start3A_88 = arith.constant 0 : i32
    %dma_start3A_89 = tpu.memref_slice %arg7[%dma_start3A_87, %dma_start3A_88] : memref<160x128xi32, #tpu.memory_space<vmem>> -> memref<1x128xi32, #tpu.memory_space<vmem>>
    %dma_start3A_90 = tpu.memref_squeeze %dma_start3A_89 : memref<1x128xi32, #tpu.memory_space<vmem>> -> memref<128xi32, #tpu.memory_space<vmem>>
    %dma_start3A_91 = arith.constant 0 : i32
    %dma_start3A_92 = arith.constant 0 : i32
    %dma_start3A_93 = tpu.memref_slice %arg3[%dma_start3A_91, %dma_start3A_92] : memref<20000x64xf32, #tpu.memory_space<hbm>> -> memref<20000x64xf32, #tpu.memory_space<hbm>>
    tpu.enqueue_indirect_dma source(%dma_start3A_93 : memref<20000x64xf32, #tpu.memory_space<hbm>>) target(%arg12 : memref<128x64xf32, #tpu.memory_space<vmem>>) offsets(%dma_start3A_90 : memref<128xi32, #tpu.memory_space<vmem>>) semaphore(%arg18 : memref<!tpu.dma_semaphore, #tpu.memory_space<semaphore_mem>>)
    %barrier3A_94 = arith.constant 0 : index
    tpu.barrier barrier_id(%barrier3A_94)
    %scan3A_95 = arith.constant 0 : i32
    %scan3A_96 = arith.constant 0 : i32
    %scan3A_97 = arith.constant 32 : i32
    %scan3A_98 = arith.addi %scan3A_96, %scan3A_97 : i32
    %scan3A_99 = arith.constant 1 : i32
    scf.for %scan3A_110 = %scan3A_96 to %scan3A_98 step %scan3A_99  : i32 {
      %mul3A_111 = arith.constant 5 : i32
      %mul3A_112 = arith.muli %scan3A_110, %mul3A_111 : i32
      %add3A = arith.constant 0 : i32
      %add3A_113 = arith.addi %mul3A_112, %add3A : i32
      %dma_wait3A_114 = arith.constant 0 : i32
      %dma_wait3A_115 = tpu.memref_slice %arg7[%add3A_113, %dma_wait3A_114] : memref<160x128xi32, #tpu.memory_space<vmem>> -> memref<1x128xi32, #tpu.memory_space<vmem>>
      %dma_wait3A_116 = tpu.memref_squeeze %dma_wait3A_115 : memref<1x128xi32, #tpu.memory_space<vmem>> -> memref<128xi32, #tpu.memory_space<vmem>>
      %dma_wait3A_117 = arith.constant 0 : i32
      %dma_wait3A_118 = arith.constant 0 : i32
      %dma_wait3A_119 = tpu.memref_slice %arg3[%dma_wait3A_117, %dma_wait3A_118] : memref<20000x64xf32, #tpu.memory_space<hbm>> -> memref<20000x64xf32, #tpu.memory_space<hbm>>
      tpu.wait_indirect_dma semaphore(%arg15 : memref<!tpu.dma_semaphore, #tpu.memory_space<semaphore_mem>>) src(%dma_wait3A_119 : memref<20000x64xf32, #tpu.memory_space<hbm>>) dst(%arg9 : memref<128x64xf32, #tpu.memory_space<vmem>>)
      %dma_start3A_120 = arith.constant 0 : i32
      %dma_start3A_121 = tpu.memref_slice %arg8[%add3A_113, %dma_start3A_120] : memref<160x128xi32, #tpu.memory_space<vmem>> -> memref<1x128xi32, #tpu.memory_space<vmem>>
      %dma_start3A_122 = tpu.memref_squeeze %dma_start3A_121 : memref<1x128xi32, #tpu.memory_space<vmem>> -> memref<128xi32, #tpu.memory_space<vmem>>
      %dma_start3A_123 = arith.constant 0 : i32
      %dma_start3A_124 = arith.constant 0 : i32
      %dma_start3A_125 = tpu.memref_slice %arg14[%dma_start3A_123, %dma_start3A_124] : memref<10240x64xf32, #tpu.memory_space<vmem_shared>> -> memref<10240x64xf32, #tpu.memory_space<vmem_shared>>
      tpu.enqueue_indirect_dma source(%arg9 : memref<128x64xf32, #tpu.memory_space<vmem>>) target(%dma_start3A_125 : memref<10240x64xf32, #tpu.memory_space<vmem_shared>>) offsets(%dma_start3A_122 : memref<128xi32, #tpu.memory_space<vmem>>) semaphore(%arg20 : memref<!tpu.dma_semaphore, #tpu.memory_space<semaphore_mem>>) {add = true}
      %ge3A = arith.constant 1 : i32
      %ge3A_126 = arith.cmpi sge, %add3A_113, %ge3A : i32
      %convert_element_type3A = arith.extui %ge3A_126 : i1 to i32
      %cond3A = arith.constant 0 : i32
      %cond3A_127 = arith.cmpi ne, %convert_element_type3A, %cond3A : i32
      scf.if %cond3A_127 {
        %sub3A_255 = arith.constant 1 : i32
        %sub3A_256 = arith.subi %add3A_113, %sub3A_255 : i32
        %dma_wait3A_257 = arith.constant 0 : i32
        %dma_wait3A_258 = tpu.memref_slice %arg8[%sub3A_256, %dma_wait3A_257] : memref<160x128xi32, #tpu.memory_space<vmem>> -> memref<1x128xi32, #tpu.memory_space<vmem>>
        %dma_wait3A_259 = tpu.memref_squeeze %dma_wait3A_258 : memref<1x128xi32, #tpu.memory_space<vmem>> -> memref<128xi32, #tpu.memory_space<vmem>>
        %dma_wait3A_260 = arith.constant 0 : i32
        %dma_wait3A_261 = arith.constant 0 : i32
        %dma_wait3A_262 = tpu.memref_slice %arg14[%dma_wait3A_260, %dma_wait3A_261] : memref<10240x64xf32, #tpu.memory_space<vmem_shared>> -> memref<10240x64xf32, #tpu.memory_space<vmem_shared>>
        tpu.wait_indirect_dma semaphore(%arg24 : memref<!tpu.dma_semaphore, #tpu.memory_space<semaphore_mem>>) src(%arg13 : memref<128x64xf32, #tpu.memory_space<vmem>>) dst(%dma_wait3A_262 : memref<10240x64xf32, #tpu.memory_space<vmem_shared>>)
      } else {
      }
      %add3A_128 = arith.constant 5 : i32
      %add3A_129 = arith.addi %add3A_113, %add3A_128 : i32
      %sub3A = arith.constant 1 : i32
      %sub3A_130 = arith.subi %add3A_129, %sub3A : i32
      %lt3A = arith.constant 160 : i32
      %lt3A_131 = arith.cmpi slt, %sub3A_130, %lt3A : i32
      %convert_element_type3A_132 = arith.extui %lt3A_131 : i1 to i32
      %cond3A_133 = arith.constant 0 : i32
      %cond3A_134 = arith.cmpi ne, %convert_element_type3A_132, %cond3A_133 : i32
      scf.if %cond3A_134 {
        %add3A_255 = arith.constant 5 : i32
        %add3A_256 = arith.addi %add3A_113, %add3A_255 : i32
        %sub3A_257 = arith.constant 1 : i32
        %sub3A_258 = arith.subi %add3A_256, %sub3A_257 : i32
        %dma_start3A_259 = arith.constant 0 : i32
        %dma_start3A_260 = tpu.memref_slice %arg7[%sub3A_258, %dma_start3A_259] : memref<160x128xi32, #tpu.memory_space<vmem>> -> memref<1x128xi32, #tpu.memory_space<vmem>>
        %dma_start3A_261 = tpu.memref_squeeze %dma_start3A_260 : memref<1x128xi32, #tpu.memory_space<vmem>> -> memref<128xi32, #tpu.memory_space<vmem>>
        %dma_start3A_262 = arith.constant 0 : i32
        %dma_start3A_263 = arith.constant 0 : i32
        %dma_start3A_264 = tpu.memref_slice %arg3[%dma_start3A_262, %dma_start3A_263] : memref<20000x64xf32, #tpu.memory_space<hbm>> -> memref<20000x64xf32, #tpu.memory_space<hbm>>
        tpu.enqueue_indirect_dma source(%dma_start3A_264 : memref<20000x64xf32, #tpu.memory_space<hbm>>) target(%arg13 : memref<128x64xf32, #tpu.memory_space<vmem>>) offsets(%dma_start3A_261 : memref<128xi32, #tpu.memory_space<vmem>>) semaphore(%arg19 : memref<!tpu.dma_semaphore, #tpu.memory_space<semaphore_mem>>)
      } else {
      }
      %mul3A_135 = arith.constant 5 : i32
      %mul3A_136 = arith.muli %scan3A_110, %mul3A_135 : i32
      %add3A_137 = arith.constant 1 : i32
      %add3A_138 = arith.addi %mul3A_136, %add3A_137 : i32
      %dma_wait3A_139 = arith.constant 0 : i32
      %dma_wait3A_140 = tpu.memref_slice %arg7[%add3A_138, %dma_wait3A_139] : memref<160x128xi32, #tpu.memory_space<vmem>> -> memref<1x128xi32, #tpu.memory_space<vmem>>
      %dma_wait3A_141 = tpu.memref_squeeze %dma_wait3A_140 : memref<1x128xi32, #tpu.memory_space<vmem>> -> memref<128xi32, #tpu.memory_space<vmem>>
      %dma_wait3A_142 = arith.constant 0 : i32
      %dma_wait3A_143 = arith.constant 0 : i32
      %dma_wait3A_144 = tpu.memref_slice %arg3[%dma_wait3A_142, %dma_wait3A_143] : memref<20000x64xf32, #tpu.memory_space<hbm>> -> memref<20000x64xf32, #tpu.memory_space<hbm>>
      tpu.wait_indirect_dma semaphore(%arg16 : memref<!tpu.dma_semaphore, #tpu.memory_space<semaphore_mem>>) src(%dma_wait3A_144 : memref<20000x64xf32, #tpu.memory_space<hbm>>) dst(%arg10 : memref<128x64xf32, #tpu.memory_space<vmem>>)
      %dma_start3A_145 = arith.constant 0 : i32
      %dma_start3A_146 = tpu.memref_slice %arg8[%add3A_138, %dma_start3A_145] : memref<160x128xi32, #tpu.memory_space<vmem>> -> memref<1x128xi32, #tpu.memory_space<vmem>>
      %dma_start3A_147 = tpu.memref_squeeze %dma_start3A_146 : memref<1x128xi32, #tpu.memory_space<vmem>> -> memref<128xi32, #tpu.memory_space<vmem>>
      %dma_start3A_148 = arith.constant 0 : i32
      %dma_start3A_149 = arith.constant 0 : i32
      %dma_start3A_150 = tpu.memref_slice %arg14[%dma_start3A_148, %dma_start3A_149] : memref<10240x64xf32, #tpu.memory_space<vmem_shared>> -> memref<10240x64xf32, #tpu.memory_space<vmem_shared>>
      tpu.enqueue_indirect_dma source(%arg10 : memref<128x64xf32, #tpu.memory_space<vmem>>) target(%dma_start3A_150 : memref<10240x64xf32, #tpu.memory_space<vmem_shared>>) offsets(%dma_start3A_147 : memref<128xi32, #tpu.memory_space<vmem>>) semaphore(%arg21 : memref<!tpu.dma_semaphore, #tpu.memory_space<semaphore_mem>>) {add = true}
      %ge3A_151 = arith.constant 1 : i32
      %ge3A_152 = arith.cmpi sge, %add3A_138, %ge3A_151 : i32
      %convert_element_type3A_153 = arith.extui %ge3A_152 : i1 to i32
      %cond3A_154 = arith.constant 0 : i32
      %cond3A_155 = arith.cmpi ne, %convert_element_type3A_153, %cond3A_154 : i32
      scf.if %cond3A_155 {
        %sub3A_255 = arith.constant 1 : i32
        %sub3A_256 = arith.subi %add3A_138, %sub3A_255 : i32
        %dma_wait3A_257 = arith.constant 0 : i32
        %dma_wait3A_258 = tpu.memref_slice %arg8[%sub3A_256, %dma_wait3A_257] : memref<160x128xi32, #tpu.memory_space<vmem>> -> memref<1x128xi32, #tpu.memory_space<vmem>>
        %dma_wait3A_259 = tpu.memref_squeeze %dma_wait3A_258 : memref<1x128xi32, #tpu.memory_space<vmem>> -> memref<128xi32, #tpu.memory_space<vmem>>
        %dma_wait3A_260 = arith.constant 0 : i32
        %dma_wait3A_261 = arith.constant 0 : i32
        %dma_wait3A_262 = tpu.memref_slice %arg14[%dma_wait3A_260, %dma_wait3A_261] : memref<10240x64xf32, #tpu.memory_space<vmem_shared>> -> memref<10240x64xf32, #tpu.memory_space<vmem_shared>>
        tpu.wait_indirect_dma semaphore(%arg20 : memref<!tpu.dma_semaphore, #tpu.memory_space<semaphore_mem>>) src(%arg9 : memref<128x64xf32, #tpu.memory_space<vmem>>) dst(%dma_wait3A_262 : memref<10240x64xf32, #tpu.memory_space<vmem_shared>>)
      } else {
      }
      %add3A_156 = arith.constant 5 : i32
      %add3A_157 = arith.addi %add3A_138, %add3A_156 : i32
      %sub3A_158 = arith.constant 1 : i32
      %sub3A_159 = arith.subi %add3A_157, %sub3A_158 : i32
      %lt3A_160 = arith.constant 160 : i32
      %lt3A_161 = arith.cmpi slt, %sub3A_159, %lt3A_160 : i32
      %convert_element_type3A_162 = arith.extui %lt3A_161 : i1 to i32
      %cond3A_163 = arith.constant 0 : i32
      %cond3A_164 = arith.cmpi ne, %convert_element_type3A_162, %cond3A_163 : i32
      scf.if %cond3A_164 {
        %add3A_255 = arith.constant 5 : i32
        %add3A_256 = arith.addi %add3A_138, %add3A_255 : i32
        %sub3A_257 = arith.constant 1 : i32
        %sub3A_258 = arith.subi %add3A_256, %sub3A_257 : i32
        %dma_start3A_259 = arith.constant 0 : i32
        %dma_start3A_260 = tpu.memref_slice %arg7[%sub3A_258, %dma_start3A_259] : memref<160x128xi32, #tpu.memory_space<vmem>> -> memref<1x128xi32, #tpu.memory_space<vmem>>
        %dma_start3A_261 = tpu.memref_squeeze %dma_start3A_260 : memref<1x128xi32, #tpu.memory_space<vmem>> -> memref<128xi32, #tpu.memory_space<vmem>>
        %dma_start3A_262 = arith.constant 0 : i32
        %dma_start3A_263 = arith.constant 0 : i32
        %dma_start3A_264 = tpu.memref_slice %arg3[%dma_start3A_262, %dma_start3A_263] : memref<20000x64xf32, #tpu.memory_space<hbm>> -> memref<20000x64xf32, #tpu.memory_space<hbm>>
        tpu.enqueue_indirect_dma source(%dma_start3A_264 : memref<20000x64xf32, #tpu.memory_space<hbm>>) target(%arg9 : memref<128x64xf32, #tpu.memory_space<vmem>>) offsets(%dma_start3A_261 : memref<128xi32, #tpu.memory_space<vmem>>) semaphore(%arg15 : memref<!tpu.dma_semaphore, #tpu.memory_space<semaphore_mem>>)
      } else {
      }
      %mul3A_165 = arith.constant 5 : i32
      %mul3A_166 = arith.muli %scan3A_110, %mul3A_165 : i32
      %add3A_167 = arith.constant 2 : i32
      %add3A_168 = arith.addi %mul3A_166, %add3A_167 : i32
      %dma_wait3A_169 = arith.constant 0 : i32
      %dma_wait3A_170 = tpu.memref_slice %arg7[%add3A_168, %dma_wait3A_169] : memref<160x128xi32, #tpu.memory_space<vmem>> -> memref<1x128xi32, #tpu.memory_space<vmem>>
      %dma_wait3A_171 = tpu.memref_squeeze %dma_wait3A_170 : memref<1x128xi32, #tpu.memory_space<vmem>> -> memref<128xi32, #tpu.memory_space<vmem>>
      %dma_wait3A_172 = arith.constant 0 : i32
      %dma_wait3A_173 = arith.constant 0 : i32
      %dma_wait3A_174 = tpu.memref_slice %arg3[%dma_wait3A_172, %dma_wait3A_173] : memref<20000x64xf32, #tpu.memory_space<hbm>> -> memref<20000x64xf32, #tpu.memory_space<hbm>>
      tpu.wait_indirect_dma semaphore(%arg17 : memref<!tpu.dma_semaphore, #tpu.memory_space<semaphore_mem>>) src(%dma_wait3A_174 : memref<20000x64xf32, #tpu.memory_space<hbm>>) dst(%arg11 : memref<128x64xf32, #tpu.memory_space<vmem>>)
      %dma_start3A_175 = arith.constant 0 : i32
      %dma_start3A_176 = tpu.memref_slice %arg8[%add3A_168, %dma_start3A_175] : memref<160x128xi32, #tpu.memory_space<vmem>> -> memref<1x128xi32, #tpu.memory_space<vmem>>
      %dma_start3A_177 = tpu.memref_squeeze %dma_start3A_176 : memref<1x128xi32, #tpu.memory_space<vmem>> -> memref<128xi32, #tpu.memory_space<vmem>>
      %dma_start3A_178 = arith.constant 0 : i32
      %dma_start3A_179 = arith.constant 0 : i32
      %dma_start3A_180 = tpu.memref_slice %arg14[%dma_start3A_178, %dma_start3A_179] : memref<10240x64xf32, #tpu.memory_space<vmem_shared>> -> memref<10240x64xf32, #tpu.memory_space<vmem_shared>>
      tpu.enqueue_indirect_dma source(%arg11 : memref<128x64xf32, #tpu.memory_space<vmem>>) target(%dma_start3A_180 : memref<10240x64xf32, #tpu.memory_space<vmem_shared>>) offsets(%dma_start3A_177 : memref<128xi32, #tpu.memory_space<vmem>>) semaphore(%arg22 : memref<!tpu.dma_semaphore, #tpu.memory_space<semaphore_mem>>) {add = true}
      %ge3A_181 = arith.constant 1 : i32
      %ge3A_182 = arith.cmpi sge, %add3A_168, %ge3A_181 : i32
      %convert_element_type3A_183 = arith.extui %ge3A_182 : i1 to i32
      %cond3A_184 = arith.constant 0 : i32
      %cond3A_185 = arith.cmpi ne, %convert_element_type3A_183, %cond3A_184 : i32
      scf.if %cond3A_185 {
        %sub3A_255 = arith.constant 1 : i32
        %sub3A_256 = arith.subi %add3A_168, %sub3A_255 : i32
        %dma_wait3A_257 = arith.constant 0 : i32
        %dma_wait3A_258 = tpu.memref_slice %arg8[%sub3A_256, %dma_wait3A_257] : memref<160x128xi32, #tpu.memory_space<vmem>> -> memref<1x128xi32, #tpu.memory_space<vmem>>
        %dma_wait3A_259 = tpu.memref_squeeze %dma_wait3A_258 : memref<1x128xi32, #tpu.memory_space<vmem>> -> memref<128xi32, #tpu.memory_space<vmem>>
        %dma_wait3A_260 = arith.constant 0 : i32
        %dma_wait3A_261 = arith.constant 0 : i32
        %dma_wait3A_262 = tpu.memref_slice %arg14[%dma_wait3A_260, %dma_wait3A_261] : memref<10240x64xf32, #tpu.memory_space<vmem_shared>> -> memref<10240x64xf32, #tpu.memory_space<vmem_shared>>
        tpu.wait_indirect_dma semaphore(%arg21 : memref<!tpu.dma_semaphore, #tpu.memory_space<semaphore_mem>>) src(%arg10 : memref<128x64xf32, #tpu.memory_space<vmem>>) dst(%dma_wait3A_262 : memref<10240x64xf32, #tpu.memory_space<vmem_shared>>)
      } else {
      }
      %add3A_186 = arith.constant 5 : i32
      %add3A_187 = arith.addi %add3A_168, %add3A_186 : i32
      %sub3A_188 = arith.constant 1 : i32
      %sub3A_189 = arith.subi %add3A_187, %sub3A_188 : i32
      %lt3A_190 = arith.constant 160 : i32
      %lt3A_191 = arith.cmpi slt, %sub3A_189, %lt3A_190 : i32
      %convert_element_type3A_192 = arith.extui %lt3A_191 : i1 to i32
      %cond3A_193 = arith.constant 0 : i32
      %cond3A_194 = arith.cmpi ne, %convert_element_type3A_192, %cond3A_193 : i32
      scf.if %cond3A_194 {
        %add3A_255 = arith.constant 5 : i32
        %add3A_256 = arith.addi %add3A_168, %add3A_255 : i32
        %sub3A_257 = arith.constant 1 : i32
        %sub3A_258 = arith.subi %add3A_256, %sub3A_257 : i32
        %dma_start3A_259 = arith.constant 0 : i32
        %dma_start3A_260 = tpu.memref_slice %arg7[%sub3A_258, %dma_start3A_259] : memref<160x128xi32, #tpu.memory_space<vmem>> -> memref<1x128xi32, #tpu.memory_space<vmem>>
        %dma_start3A_261 = tpu.memref_squeeze %dma_start3A_260 : memref<1x128xi32, #tpu.memory_space<vmem>> -> memref<128xi32, #tpu.memory_space<vmem>>
        %dma_start3A_262 = arith.constant 0 : i32
        %dma_start3A_263 = arith.constant 0 : i32
        %dma_start3A_264 = tpu.memref_slice %arg3[%dma_start3A_262, %dma_start3A_263] : memref<20000x64xf32, #tpu.memory_space<hbm>> -> memref<20000x64xf32, #tpu.memory_space<hbm>>
        tpu.enqueue_indirect_dma source(%dma_start3A_264 : memref<20000x64xf32, #tpu.memory_space<hbm>>) target(%arg10 : memref<128x64xf32, #tpu.memory_space<vmem>>) offsets(%dma_start3A_261 : memref<128xi32, #tpu.memory_space<vmem>>) semaphore(%arg16 : memref<!tpu.dma_semaphore, #tpu.memory_space<semaphore_mem>>)
      } else {
      }
      %mul3A_195 = arith.constant 5 : i32
      %mul3A_196 = arith.muli %scan3A_110, %mul3A_195 : i32
      %add3A_197 = arith.constant 3 : i32
      %add3A_198 = arith.addi %mul3A_196, %add3A_197 : i32
      %dma_wait3A_199 = arith.constant 0 : i32
      %dma_wait3A_200 = tpu.memref_slice %arg7[%add3A_198, %dma_wait3A_199] : memref<160x128xi32, #tpu.memory_space<vmem>> -> memref<1x128xi32, #tpu.memory_space<vmem>>
      %dma_wait3A_201 = tpu.memref_squeeze %dma_wait3A_200 : memref<1x128xi32, #tpu.memory_space<vmem>> -> memref<128xi32, #tpu.memory_space<vmem>>
      %dma_wait3A_202 = arith.constant 0 : i32
      %dma_wait3A_203 = arith.constant 0 : i32
      %dma_wait3A_204 = tpu.memref_slice %arg3[%dma_wait3A_202, %dma_wait3A_203] : memref<20000x64xf32, #tpu.memory_space<hbm>> -> memref<20000x64xf32, #tpu.memory_space<hbm>>
      tpu.wait_indirect_dma semaphore(%arg18 : memref<!tpu.dma_semaphore, #tpu.memory_space<semaphore_mem>>) src(%dma_wait3A_204 : memref<20000x64xf32, #tpu.memory_space<hbm>>) dst(%arg12 : memref<128x64xf32, #tpu.memory_space<vmem>>)
      %dma_start3A_205 = arith.constant 0 : i32
      %dma_start3A_206 = tpu.memref_slice %arg8[%add3A_198, %dma_start3A_205] : memref<160x128xi32, #tpu.memory_space<vmem>> -> memref<1x128xi32, #tpu.memory_space<vmem>>
      %dma_start3A_207 = tpu.memref_squeeze %dma_start3A_206 : memref<1x128xi32, #tpu.memory_space<vmem>> -> memref<128xi32, #tpu.memory_space<vmem>>
      %dma_start3A_208 = arith.constant 0 : i32
      %dma_start3A_209 = arith.constant 0 : i32
      %dma_start3A_210 = tpu.memref_slice %arg14[%dma_start3A_208, %dma_start3A_209] : memref<10240x64xf32, #tpu.memory_space<vmem_shared>> -> memref<10240x64xf32, #tpu.memory_space<vmem_shared>>
      tpu.enqueue_indirect_dma source(%arg12 : memref<128x64xf32, #tpu.memory_space<vmem>>) target(%dma_start3A_210 : memref<10240x64xf32, #tpu.memory_space<vmem_shared>>) offsets(%dma_start3A_207 : memref<128xi32, #tpu.memory_space<vmem>>) semaphore(%arg23 : memref<!tpu.dma_semaphore, #tpu.memory_space<semaphore_mem>>) {add = true}
      %ge3A_211 = arith.constant 1 : i32
      %ge3A_212 = arith.cmpi sge, %add3A_198, %ge3A_211 : i32
      %convert_element_type3A_213 = arith.extui %ge3A_212 : i1 to i32
      %cond3A_214 = arith.constant 0 : i32
      %cond3A_215 = arith.cmpi ne, %convert_element_type3A_213, %cond3A_214 : i32
      scf.if %cond3A_215 {
        %sub3A_255 = arith.constant 1 : i32
        %sub3A_256 = arith.subi %add3A_198, %sub3A_255 : i32
        %dma_wait3A_257 = arith.constant 0 : i32
        %dma_wait3A_258 = tpu.memref_slice %arg8[%sub3A_256, %dma_wait3A_257] : memref<160x128xi32, #tpu.memory_space<vmem>> -> memref<1x128xi32, #tpu.memory_space<vmem>>
        %dma_wait3A_259 = tpu.memref_squeeze %dma_wait3A_258 : memref<1x128xi32, #tpu.memory_space<vmem>> -> memref<128xi32, #tpu.memory_space<vmem>>
        %dma_wait3A_260 = arith.constant 0 : i32
        %dma_wait3A_261 = arith.constant 0 : i32
        %dma_wait3A_262 = tpu.memref_slice %arg14[%dma_wait3A_260, %dma_wait3A_261] : memref<10240x64xf32, #tpu.memory_space<vmem_shared>> -> memref<10240x64xf32, #tpu.memory_space<vmem_shared>>
        tpu.wait_indirect_dma semaphore(%arg22 : memref<!tpu.dma_semaphore, #tpu.memory_space<semaphore_mem>>) src(%arg11 : memref<128x64xf32, #tpu.memory_space<vmem>>) dst(%dma_wait3A_262 : memref<10240x64xf32, #tpu.memory_space<vmem_shared>>)
      } else {
      }
      %add3A_216 = arith.constant 5 : i32
      %add3A_217 = arith.addi %add3A_198, %add3A_216 : i32
      %sub3A_218 = arith.constant 1 : i32
      %sub3A_219 = arith.subi %add3A_217, %sub3A_218 : i32
      %lt3A_220 = arith.constant 160 : i32
      %lt3A_221 = arith.cmpi slt, %sub3A_219, %lt3A_220 : i32
      %convert_element_type3A_222 = arith.extui %lt3A_221 : i1 to i32
      %cond3A_223 = arith.constant 0 : i32
      %cond3A_224 = arith.cmpi ne, %convert_element_type3A_222, %cond3A_223 : i32
      scf.if %cond3A_224 {
        %add3A_255 = arith.constant 5 : i32
        %add3A_256 = arith.addi %add3A_198, %add3A_255 : i32
        %sub3A_257 = arith.constant 1 : i32
        %sub3A_258 = arith.subi %add3A_256, %sub3A_257 : i32
        %dma_start3A_259 = arith.constant 0 : i32
        %dma_start3A_260 = tpu.memref_slice %arg7[%sub3A_258, %dma_start3A_259] : memref<160x128xi32, #tpu.memory_space<vmem>> -> memref<1x128xi32, #tpu.memory_space<vmem>>
        %dma_start3A_261 = tpu.memref_squeeze %dma_start3A_260 : memref<1x128xi32, #tpu.memory_space<vmem>> -> memref<128xi32, #tpu.memory_space<vmem>>
        %dma_start3A_262 = arith.constant 0 : i32
        %dma_start3A_263 = arith.constant 0 : i32
        %dma_start3A_264 = tpu.memref_slice %arg3[%dma_start3A_262, %dma_start3A_263] : memref<20000x64xf32, #tpu.memory_space<hbm>> -> memref<20000x64xf32, #tpu.memory_space<hbm>>
        tpu.enqueue_indirect_dma source(%dma_start3A_264 : memref<20000x64xf32, #tpu.memory_space<hbm>>) target(%arg11 : memref<128x64xf32, #tpu.memory_space<vmem>>) offsets(%dma_start3A_261 : memref<128xi32, #tpu.memory_space<vmem>>) semaphore(%arg17 : memref<!tpu.dma_semaphore, #tpu.memory_space<semaphore_mem>>)
      } else {
      }
      %mul3A_225 = arith.constant 5 : i32
      %mul3A_226 = arith.muli %scan3A_110, %mul3A_225 : i32
      %add3A_227 = arith.constant 4 : i32
      %add3A_228 = arith.addi %mul3A_226, %add3A_227 : i32
      %dma_wait3A_229 = arith.constant 0 : i32
      %dma_wait3A_230 = tpu.memref_slice %arg7[%add3A_228, %dma_wait3A_229] : memref<160x128xi32, #tpu.memory_space<vmem>> -> memref<1x128xi32, #tpu.memory_space<vmem>>
      %dma_wait3A_231 = tpu.memref_squeeze %dma_wait3A_230 : memref<1x128xi32, #tpu.memory_space<vmem>> -> memref<128xi32, #tpu.memory_space<vmem>>
      %dma_wait3A_232 = arith.constant 0 : i32
      %dma_wait3A_233 = arith.constant 0 : i32
      %dma_wait3A_234 = tpu.memref_slice %arg3[%dma_wait3A_232, %dma_wait3A_233] : memref<20000x64xf32, #tpu.memory_space<hbm>> -> memref<20000x64xf32, #tpu.memory_space<hbm>>
      tpu.wait_indirect_dma semaphore(%arg19 : memref<!tpu.dma_semaphore, #tpu.memory_space<semaphore_mem>>) src(%dma_wait3A_234 : memref<20000x64xf32, #tpu.memory_space<hbm>>) dst(%arg13 : memref<128x64xf32, #tpu.memory_space<vmem>>)
      %dma_start3A_235 = arith.constant 0 : i32
      %dma_start3A_236 = tpu.memref_slice %arg8[%add3A_228, %dma_start3A_235] : memref<160x128xi32, #tpu.memory_space<vmem>> -> memref<1x128xi32, #tpu.memory_space<vmem>>
      %dma_start3A_237 = tpu.memref_squeeze %dma_start3A_236 : memref<1x128xi32, #tpu.memory_space<vmem>> -> memref<128xi32, #tpu.memory_space<vmem>>
      %dma_start3A_238 = arith.constant 0 : i32
      %dma_start3A_239 = arith.constant 0 : i32
      %dma_start3A_240 = tpu.memref_slice %arg14[%dma_start3A_238, %dma_start3A_239] : memref<10240x64xf32, #tpu.memory_space<vmem_shared>> -> memref<10240x64xf32, #tpu.memory_space<vmem_shared>>
      tpu.enqueue_indirect_dma source(%arg13 : memref<128x64xf32, #tpu.memory_space<vmem>>) target(%dma_start3A_240 : memref<10240x64xf32, #tpu.memory_space<vmem_shared>>) offsets(%dma_start3A_237 : memref<128xi32, #tpu.memory_space<vmem>>) semaphore(%arg24 : memref<!tpu.dma_semaphore, #tpu.memory_space<semaphore_mem>>) {add = true}
      %ge3A_241 = arith.constant 1 : i32
      %ge3A_242 = arith.cmpi sge, %add3A_228, %ge3A_241 : i32
      %convert_element_type3A_243 = arith.extui %ge3A_242 : i1 to i32
      %cond3A_244 = arith.constant 0 : i32
      %cond3A_245 = arith.cmpi ne, %convert_element_type3A_243, %cond3A_244 : i32
      scf.if %cond3A_245 {
        %sub3A_255 = arith.constant 1 : i32
        %sub3A_256 = arith.subi %add3A_228, %sub3A_255 : i32
        %dma_wait3A_257 = arith.constant 0 : i32
        %dma_wait3A_258 = tpu.memref_slice %arg8[%sub3A_256, %dma_wait3A_257] : memref<160x128xi32, #tpu.memory_space<vmem>> -> memref<1x128xi32, #tpu.memory_space<vmem>>
        %dma_wait3A_259 = tpu.memref_squeeze %dma_wait3A_258 : memref<1x128xi32, #tpu.memory_space<vmem>> -> memref<128xi32, #tpu.memory_space<vmem>>
        %dma_wait3A_260 = arith.constant 0 : i32
        %dma_wait3A_261 = arith.constant 0 : i32
        %dma_wait3A_262 = tpu.memref_slice %arg14[%dma_wait3A_260, %dma_wait3A_261] : memref<10240x64xf32, #tpu.memory_space<vmem_shared>> -> memref<10240x64xf32, #tpu.memory_space<vmem_shared>>
        tpu.wait_indirect_dma semaphore(%arg23 : memref<!tpu.dma_semaphore, #tpu.memory_space<semaphore_mem>>) src(%arg12 : memref<128x64xf32, #tpu.memory_space<vmem>>) dst(%dma_wait3A_262 : memref<10240x64xf32, #tpu.memory_space<vmem_shared>>)
      } else {
      }
      %add3A_246 = arith.constant 5 : i32
      %add3A_247 = arith.addi %add3A_228, %add3A_246 : i32
      %sub3A_248 = arith.constant 1 : i32
      %sub3A_249 = arith.subi %add3A_247, %sub3A_248 : i32
      %lt3A_250 = arith.constant 160 : i32
      %lt3A_251 = arith.cmpi slt, %sub3A_249, %lt3A_250 : i32
      %convert_element_type3A_252 = arith.extui %lt3A_251 : i1 to i32
      %cond3A_253 = arith.constant 0 : i32
      %cond3A_254 = arith.cmpi ne, %convert_element_type3A_252, %cond3A_253 : i32
      scf.if %cond3A_254 {
        %add3A_255 = arith.constant 5 : i32
        %add3A_256 = arith.addi %add3A_228, %add3A_255 : i32
        %sub3A_257 = arith.constant 1 : i32
        %sub3A_258 = arith.subi %add3A_256, %sub3A_257 : i32
        %dma_start3A_259 = arith.constant 0 : i32
        %dma_start3A_260 = tpu.memref_slice %arg7[%sub3A_258, %dma_start3A_259] : memref<160x128xi32, #tpu.memory_space<vmem>> -> memref<1x128xi32, #tpu.memory_space<vmem>>
        %dma_start3A_261 = tpu.memref_squeeze %dma_start3A_260 : memref<1x128xi32, #tpu.memory_space<vmem>> -> memref<128xi32, #tpu.memory_space<vmem>>
        %dma_start3A_262 = arith.constant 0 : i32
        %dma_start3A_263 = arith.constant 0 : i32
        %dma_start3A_264 = tpu.memref_slice %arg3[%dma_start3A_262, %dma_start3A_263] : memref<20000x64xf32, #tpu.memory_space<hbm>> -> memref<20000x64xf32, #tpu.memory_space<hbm>>
        tpu.enqueue_indirect_dma source(%dma_start3A_264 : memref<20000x64xf32, #tpu.memory_space<hbm>>) target(%arg12 : memref<128x64xf32, #tpu.memory_space<vmem>>) offsets(%dma_start3A_261 : memref<128xi32, #tpu.memory_space<vmem>>) semaphore(%arg18 : memref<!tpu.dma_semaphore, #tpu.memory_space<semaphore_mem>>)
      } else {
      }
    }
    %scan3A_100 = arith.constant 32 : i32
    %dma_wait3A_101 = arith.constant 159 : i32
    %dma_wait3A_102 = arith.constant 0 : i32
    %dma_wait3A_103 = tpu.memref_slice %arg8[%dma_wait3A_101, %dma_wait3A_102] : memref<160x128xi32, #tpu.memory_space<vmem>> -> memref<1x128xi32, #tpu.memory_space<vmem>>
    %dma_wait3A_104 = tpu.memref_squeeze %dma_wait3A_103 : memref<1x128xi32, #tpu.memory_space<vmem>> -> memref<128xi32, #tpu.memory_space<vmem>>
    %dma_wait3A_105 = arith.constant 0 : i32
    %dma_wait3A_106 = arith.constant 0 : i32
    %dma_wait3A_107 = tpu.memref_slice %arg14[%dma_wait3A_105, %dma_wait3A_106] : memref<10240x64xf32, #tpu.memory_space<vmem_shared>> -> memref<10240x64xf32, #tpu.memory_space<vmem_shared>>
    tpu.wait_indirect_dma semaphore(%arg24 : memref<!tpu.dma_semaphore, #tpu.memory_space<semaphore_mem>>) src(%arg13 : memref<128x64xf32, #tpu.memory_space<vmem>>) dst(%dma_wait3A_107 : memref<10240x64xf32, #tpu.memory_space<vmem_shared>>)
    %barrier3A_108 = arith.constant 0 : index
    tpu.barrier barrier_id(%barrier3A_108)
    %run_scoped3A_109 = arith.constant 1 : i32
    "tpu.region"() ({
      %run_scoped3A_110 = tpu.sem_alloc : memref<!tpu.dma_semaphore, #tpu.memory_space<semaphore_mem>>
      %dma_start3A_111 = arith.constant 0 : i32
      %dma_start3A_112 = tpu.memref_slice %arg6[%arg0, %run_scoped3A_109, %mul3A_0, %dma_start3A_111] : memref<2x2x10240x64xf32, #tpu.memory_space<hbm>> -> memref<1x1x640x64xf32, #tpu.memory_space<hbm>>
      %dma_start3A_113 = tpu.memref_squeeze %dma_start3A_112 : memref<1x1x640x64xf32, #tpu.memory_space<hbm>> -> memref<640x64xf32, #tpu.memory_space<hbm>>
      %dma_start3A_114 = arith.constant 0 : i32
      %dma_start3A_115 = tpu.memref_slice %arg14[%mul3A_0, %dma_start3A_114] : memref<10240x64xf32, #tpu.memory_space<vmem_shared>> -> memref<640x64xf32, #tpu.memory_space<vmem_shared>>
      tpu.enqueue_dma source(%dma_start3A_115 : memref<640x64xf32, #tpu.memory_space<vmem_shared>>) target(%dma_start3A_113 : memref<640x64xf32, #tpu.memory_space<hbm>>) target_semaphore(%run_scoped3A_110 : memref<!tpu.dma_semaphore, #tpu.memory_space<semaphore_mem>>)
      %dma_wait3A_116 = arith.constant 0 : i32
      %dma_wait3A_117 = tpu.memref_slice %arg6[%arg0, %run_scoped3A_109, %mul3A_0, %dma_wait3A_116] : memref<2x2x10240x64xf32, #tpu.memory_space<hbm>> -> memref<1x1x640x64xf32, #tpu.memory_space<hbm>>
      %dma_wait3A_118 = tpu.memref_squeeze %dma_wait3A_117 : memref<1x1x640x64xf32, #tpu.memory_space<hbm>> -> memref<640x64xf32, #tpu.memory_space<hbm>>
      %dma_wait3A_119 = arith.constant 0 : i32
      %dma_wait3A_120 = tpu.memref_slice %arg14[%mul3A_0, %dma_wait3A_119] : memref<10240x64xf32, #tpu.memory_space<vmem_shared>> -> memref<640x64xf32, #tpu.memory_space<vmem_shared>>
      tpu.wait_dma2 semaphore(%run_scoped3A_110 : memref<!tpu.dma_semaphore, #tpu.memory_space<semaphore_mem>>) src(%dma_wait3A_120 : memref<640x64xf32, #tpu.memory_space<vmem_shared>>) dst(%dma_wait3A_118 : memref<640x64xf32, #tpu.memory_space<hbm>>)
      tpu.yield
    }) : () -> ()
    return
  }
}

#map = affine_map<(d0, d1) -> (0, 0)>
#map1 = affine_map<(d0, d1) -> (0, 0, 0, 0)>
module attributes {stable_mosaic.version = 14 : i64} {
  func.func @_agg_body(%arg0: i32, %arg1: i32, %arg2: memref<20000x64xf32, #tpu.memory_space<hbm>>, %arg3: memref<20000x64xf32, #tpu.memory_space<hbm>>, %arg4: memref<2x16x160x128xi32, #tpu.memory_space<hbm>>, %arg5: memref<2x16x160x128xi32, #tpu.memory_space<hbm>>, %arg6: memref<2x2x10240x64xf32, #tpu.memory_space<hbm>>, %arg7: memref<160x128xi32, #tpu.memory_space<vmem>>, %arg8: memref<160x128xi32, #tpu.memory_space<vmem>>, %arg9: memref<128x64xf32, #tpu.memory_space<vmem>>, %arg10: memref<128x64xf32, #tpu.memory_space<vmem>>, %arg11: memref<128x64xf32, #tpu.memory_space<vmem>>, %arg12: memref<128x64xf32, #tpu.memory_space<vmem>>, %arg13: memref<128x64xf32, #tpu.memory_space<vmem>>, %arg14: memref<10240x64xf32, #tpu.memory_space<vmem_shared>>, %arg15: memref<!tpu.dma_semaphore, #tpu.memory_space<semaphore_mem>>, %arg16: memref<!tpu.dma_semaphore, #tpu.memory_space<semaphore_mem>>, %arg17: memref<!tpu.dma_semaphore, #tpu.memory_space<semaphore_mem>>, %arg18: memref<!tpu.dma_semaphore, #tpu.memory_space<semaphore_mem>>, %arg19: memref<!tpu.dma_semaphore, #tpu.memory_space<semaphore_mem>>, %arg20: memref<!tpu.dma_semaphore, #tpu.memory_space<semaphore_mem>>, %arg21: memref<!tpu.dma_semaphore, #tpu.memory_space<semaphore_mem>>, %arg22: memref<!tpu.dma_semaphore, #tpu.memory_space<semaphore_mem>>, %arg23: memref<!tpu.dma_semaphore, #tpu.memory_space<semaphore_mem>>, %arg24: memref<!tpu.dma_semaphore, #tpu.memory_space<semaphore_mem>>) attributes {dimension_semantics = [#tpu.dimension_semantics<core_parallel>, #tpu.dimension_semantics<subcore_parallel>], iteration_bounds = array<i64: 2, 16>, scalar_prefetch = 0 : i64, scratch_operands = 18 : i64, tpu.core_type = #tpu.core_type<sc_vector_subcore>, window_params = [{transform_indices = #map}, {transform_indices = #map}, {transform_indices = #map1}, {transform_indices = #map1}, {transform_indices = #map1}]} {
    "tpu.region"() ({
      %run_scoped3A_110 = tpu.sem_alloc : memref<!tpu.dma_semaphore, #tpu.memory_space<semaphore_mem>>
      %dma_start3A_111 = arith.constant 0 : i32
      %dma_start3A_112 = arith.constant 0 : i32
      %dma_start3A_113 = tpu.memref_slice %arg4[%arg0, %arg1, %dma_start3A_111, %dma_start3A_112] : memref<2x16x160x128xi32, #tpu.memory_space<hbm>> -> memref<1x1x160x128xi32, #tpu.memory_space<hbm>>
      %dma_start3A_114 = tpu.memref_squeeze %dma_start3A_113 : memref<1x1x160x128xi32, #tpu.memory_space<hbm>> -> memref<160x128xi32, #tpu.memory_space<hbm>>
      %dma_start3A_115 = arith.constant 0 : i32
      %dma_start3A_116 = arith.constant 0 : i32
      %dma_start3A_117 = tpu.memref_slice %arg4[%arg0, %arg1, %dma_start3A_115, %dma_start3A_116] : memref<2x16x160x128xi32, #tpu.memory_space<hbm>> -> memref<1x1x160x128xi32, #tpu.memory_space<hbm>>
      %dma_start3A_118 = tpu.memref_squeeze %dma_start3A_117 : memref<1x1x160x128xi32, #tpu.memory_space<hbm>> -> memref<160x128xi32, #tpu.memory_space<hbm>>
      tpu.enqueue_dma source(%dma_start3A_118 : memref<160x128xi32, #tpu.memory_space<hbm>>) target(%arg7 : memref<160x128xi32, #tpu.memory_space<vmem>>) target_semaphore(%run_scoped3A_110 : memref<!tpu.dma_semaphore, #tpu.memory_space<semaphore_mem>>)
      %dma_wait3A_119 = arith.constant 0 : i32
      %dma_wait3A_120 = arith.constant 0 : i32
      %dma_wait3A_121 = tpu.memref_slice %arg4[%arg0, %arg1, %dma_wait3A_119, %dma_wait3A_120] : memref<2x16x160x128xi32, #tpu.memory_space<hbm>> -> memref<1x1x160x128xi32, #tpu.memory_space<hbm>>
      %dma_wait3A_122 = tpu.memref_squeeze %dma_wait3A_121 : memref<1x1x160x128xi32, #tpu.memory_space<hbm>> -> memref<160x128xi32, #tpu.memory_space<hbm>>
      %dma_wait3A_123 = arith.constant 0 : i32
      %dma_wait3A_124 = arith.constant 0 : i32
      %dma_wait3A_125 = tpu.memref_slice %arg4[%arg0, %arg1, %dma_wait3A_123, %dma_wait3A_124] : memref<2x16x160x128xi32, #tpu.memory_space<hbm>> -> memref<1x1x160x128xi32, #tpu.memory_space<hbm>>
      %dma_wait3A_126 = tpu.memref_squeeze %dma_wait3A_125 : memref<1x1x160x128xi32, #tpu.memory_space<hbm>> -> memref<160x128xi32, #tpu.memory_space<hbm>>
      tpu.wait_dma2 semaphore(%run_scoped3A_110 : memref<!tpu.dma_semaphore, #tpu.memory_space<semaphore_mem>>) src(%dma_wait3A_126 : memref<160x128xi32, #tpu.memory_space<hbm>>) dst(%arg7 : memref<160x128xi32, #tpu.memory_space<vmem>>)
      tpu.yield
    }) : () -> ()
    "tpu.region"() ({
      %run_scoped3A_110 = tpu.sem_alloc : memref<!tpu.dma_semaphore, #tpu.memory_space<semaphore_mem>>
      %dma_start3A_111 = arith.constant 0 : i32
      %dma_start3A_112 = arith.constant 0 : i32
      %dma_start3A_113 = tpu.memref_slice %arg5[%arg0, %arg1, %dma_start3A_111, %dma_start3A_112] : memref<2x16x160x128xi32, #tpu.memory_space<hbm>> -> memref<1x1x160x128xi32, #tpu.memory_space<hbm>>
      %dma_start3A_114 = tpu.memref_squeeze %dma_start3A_113 : memref<1x1x160x128xi32, #tpu.memory_space<hbm>> -> memref<160x128xi32, #tpu.memory_space<hbm>>
      %dma_start3A_115 = arith.constant 0 : i32
      %dma_start3A_116 = arith.constant 0 : i32
      %dma_start3A_117 = tpu.memref_slice %arg5[%arg0, %arg1, %dma_start3A_115, %dma_start3A_116] : memref<2x16x160x128xi32, #tpu.memory_space<hbm>> -> memref<1x1x160x128xi32, #tpu.memory_space<hbm>>
      %dma_start3A_118 = tpu.memref_squeeze %dma_start3A_117 : memref<1x1x160x128xi32, #tpu.memory_space<hbm>> -> memref<160x128xi32, #tpu.memory_space<hbm>>
      tpu.enqueue_dma source(%dma_start3A_118 : memref<160x128xi32, #tpu.memory_space<hbm>>) target(%arg8 : memref<160x128xi32, #tpu.memory_space<vmem>>) target_semaphore(%run_scoped3A_110 : memref<!tpu.dma_semaphore, #tpu.memory_space<semaphore_mem>>)
      %dma_wait3A_119 = arith.constant 0 : i32
      %dma_wait3A_120 = arith.constant 0 : i32
      %dma_wait3A_121 = tpu.memref_slice %arg5[%arg0, %arg1, %dma_wait3A_119, %dma_wait3A_120] : memref<2x16x160x128xi32, #tpu.memory_space<hbm>> -> memref<1x1x160x128xi32, #tpu.memory_space<hbm>>
      %dma_wait3A_122 = tpu.memref_squeeze %dma_wait3A_121 : memref<1x1x160x128xi32, #tpu.memory_space<hbm>> -> memref<160x128xi32, #tpu.memory_space<hbm>>
      %dma_wait3A_123 = arith.constant 0 : i32
      %dma_wait3A_124 = arith.constant 0 : i32
      %dma_wait3A_125 = tpu.memref_slice %arg5[%arg0, %arg1, %dma_wait3A_123, %dma_wait3A_124] : memref<2x16x160x128xi32, #tpu.memory_space<hbm>> -> memref<1x1x160x128xi32, #tpu.memory_space<hbm>>
      %dma_wait3A_126 = tpu.memref_squeeze %dma_wait3A_125 : memref<1x1x160x128xi32, #tpu.memory_space<hbm>> -> memref<160x128xi32, #tpu.memory_space<hbm>>
      tpu.wait_dma2 semaphore(%run_scoped3A_110 : memref<!tpu.dma_semaphore, #tpu.memory_space<semaphore_mem>>) src(%dma_wait3A_126 : memref<160x128xi32, #tpu.memory_space<hbm>>) dst(%arg8 : memref<160x128xi32, #tpu.memory_space<vmem>>)
      tpu.yield
    }) : () -> ()
    %mul3A = arith.constant 640 : i32
    %mul3A_0 = arith.muli %arg1, %mul3A : i32
    %scan3A = arith.constant 0 : i32
    %scan3A_1 = arith.constant 0 : i32
    %scan3A_2 = arith.constant 128 : i32
    %scan3A_3 = arith.addi %scan3A_1, %scan3A_2 : i32
    %scan3A_4 = arith.constant 1 : i32
    %scan3A_5 = scf.for %scan3A_110 = %scan3A_1 to %scan3A_3 step %scan3A_4 iter_args(%scan3A_111 = %scan3A) -> (i32)  : i32 {
      %scan3A_112 = arith.constant 0 : i32
      %scan3A_113 = arith.constant 0 : i32
      %scan3A_114 = arith.constant 4 : i32
      %scan3A_115 = arith.addi %scan3A_113, %scan3A_114 : i32
      %scan3A_116 = arith.constant 1 : i32
      scf.for %scan3A_119 = %scan3A_113 to %scan3A_115 step %scan3A_116  : i32 {
        %broadcast_in_dim3A = arith.constant 0.000000e+00 : f32
        %broadcast_in_dim3A_120 = vector.broadcast %broadcast_in_dim3A : f32 to vector<16xf32>
        %mul3A_121 = arith.constant 16 : i32
        %mul3A_122 = arith.muli %scan3A_119, %mul3A_121 : i32
        %swap3A = arith.index_cast %scan3A_110 : i32 to index
        %swap3A_123 = arith.index_cast %mul3A_122 : i32 to index
        %swap3A_124 = tpu.vector_load %arg9[%swap3A, %swap3A_123] {strides = array<i32>} : memref<128x64xf32, #tpu.memory_space<vmem>>, vector<1x16xf32>,
        %swap3A_125 = vector.shape_cast %swap3A_124 : vector<1x16xf32> to vector<16xf32>
        %swap3A_126 = vector.shape_cast %broadcast_in_dim3A_120 : vector<16xf32> to vector<1x16xf32>
        tpu.vector_store %arg9[%swap3A, %swap3A_123], %swap3A_126 {strides = array<i32>} : memref<128x64xf32, #tpu.memory_space<vmem>>, vector<1x16xf32>,
      }
      %scan3A_117 = arith.constant 4 : i32
      %scan3A_118 = arith.constant 0 : i32
      scf.yield %scan3A_118 : i32
    }
    %scan3A_6 = arith.constant 128 : i32
    %scan3A_7 = arith.constant 0 : i32
    %scan3A_8 = arith.constant 0 : i32
    %scan3A_9 = arith.constant 5 : i32
    %scan3A_10 = arith.addi %scan3A_8, %scan3A_9 : i32
    %scan3A_11 = arith.constant 1 : i32
    scf.for %scan3A_110 = %scan3A_8 to %scan3A_10 step %scan3A_11  : i32 {
      %mul3A_111 = arith.constant 128 : i32
      %mul3A_112 = arith.muli %scan3A_110, %mul3A_111 : i32
      %add3A = arith.addi %mul3A_0, %mul3A_112 : i32
      "tpu.region"() ({
        %run_scoped3A_113 = tpu.sem_alloc : memref<!tpu.dma_semaphore, #tpu.memory_space<semaphore_mem>>
        %dma_start3A_114 = arith.constant 0 : i32
        %dma_start3A_115 = tpu.memref_slice %arg14[%add3A, %dma_start3A_114] : memref<10240x64xf32, #tpu.memory_space<vmem_shared>> -> memref<128x64xf32, #tpu.memory_space<vmem_shared>>
        %dma_start3A_116 = arith.constant 0 : i32
        %dma_start3A_117 = tpu.memref_slice %arg14[%add3A, %dma_start3A_116] : memref<10240x64xf32, #tpu.memory_space<vmem_shared>> -> memref<128x64xf32, #tpu.memory_space<vmem_shared>>
        tpu.enqueue_dma source(%arg9 : memref<128x64xf32, #tpu.memory_space<vmem>>) target(%dma_start3A_117 : memref<128x64xf32, #tpu.memory_space<vmem_shared>>) target_semaphore(%run_scoped3A_113 : memref<!tpu.dma_semaphore, #tpu.memory_space<semaphore_mem>>)
        %dma_wait3A_118 = arith.constant 0 : i32
        %dma_wait3A_119 = tpu.memref_slice %arg14[%add3A, %dma_wait3A_118] : memref<10240x64xf32, #tpu.memory_space<vmem_shared>> -> memref<128x64xf32, #tpu.memory_space<vmem_shared>>
        %dma_wait3A_120 = arith.constant 0 : i32
        %dma_wait3A_121 = tpu.memref_slice %arg14[%add3A, %dma_wait3A_120] : memref<10240x64xf32, #tpu.memory_space<vmem_shared>> -> memref<128x64xf32, #tpu.memory_space<vmem_shared>>
        tpu.wait_dma2 semaphore(%run_scoped3A_113 : memref<!tpu.dma_semaphore, #tpu.memory_space<semaphore_mem>>) src(%arg9 : memref<128x64xf32, #tpu.memory_space<vmem>>) dst(%dma_wait3A_121 : memref<128x64xf32, #tpu.memory_space<vmem_shared>>)
        tpu.yield
      }) : () -> ()
    }
    %scan3A_12 = arith.constant 5 : i32
    %dma_start3A = arith.constant 0 : i32
    %dma_start3A_13 = arith.constant 0 : i32
    %dma_start3A_14 = tpu.memref_slice %arg7[%dma_start3A, %dma_start3A_13] : memref<160x128xi32, #tpu.memory_space<vmem>> -> memref<1x128xi32, #tpu.memory_space<vmem>>
    %dma_start3A_15 = tpu.memref_squeeze %dma_start3A_14 : memref<1x128xi32, #tpu.memory_space<vmem>> -> memref<128xi32, #tpu.memory_space<vmem>>
    %dma_start3A_16 = arith.constant 0 : i32
    %dma_start3A_17 = arith.constant 0 : i32
    %dma_start3A_18 = tpu.memref_slice %arg2[%dma_start3A_16, %dma_start3A_17] : memref<20000x64xf32, #tpu.memory_space<hbm>> -> memref<20000x64xf32, #tpu.memory_space<hbm>>
    tpu.enqueue_indirect_dma source(%dma_start3A_18 : memref<20000x64xf32, #tpu.memory_space<hbm>>) target(%arg9 : memref<128x64xf32, #tpu.memory_space<vmem>>) offsets(%dma_start3A_15 : memref<128xi32, #tpu.memory_space<vmem>>) semaphore(%arg15 : memref<!tpu.dma_semaphore, #tpu.memory_space<semaphore_mem>>)
    %dma_start3A_19 = arith.constant 1 : i32
    %dma_start3A_20 = arith.constant 0 : i32
    %dma_start3A_21 = tpu.memref_slice %arg7[%dma_start3A_19, %dma_start3A_20] : memref<160x128xi32, #tpu.memory_space<vmem>> -> memref<1x128xi32, #tpu.memory_space<vmem>>
    %dma_start3A_22 = tpu.memref_squeeze %dma_start3A_21 : memref<1x128xi32, #tpu.memory_space<vmem>> -> memref<128xi32, #tpu.memory_space<vmem>>
    %dma_start3A_23 = arith.constant 0 : i32
    %dma_start3A_24 = arith.constant 0 : i32
    %dma_start3A_25 = tpu.memref_slice %arg2[%dma_start3A_23, %dma_start3A_24] : memref<20000x64xf32, #tpu.memory_space<hbm>> -> memref<20000x64xf32, #tpu.memory_space<hbm>>
    tpu.enqueue_indirect_dma source(%dma_start3A_25 : memref<20000x64xf32, #tpu.memory_space<hbm>>) target(%arg10 : memref<128x64xf32, #tpu.memory_space<vmem>>) offsets(%dma_start3A_22 : memref<128xi32, #tpu.memory_space<vmem>>) semaphore(%arg16 : memref<!tpu.dma_semaphore, #tpu.memory_space<semaphore_mem>>)
    %dma_start3A_26 = arith.constant 2 : i32
    %dma_start3A_27 = arith.constant 0 : i32
    %dma_start3A_28 = tpu.memref_slice %arg7[%dma_start3A_26, %dma_start3A_27] : memref<160x128xi32, #tpu.memory_space<vmem>> -> memref<1x128xi32, #tpu.memory_space<vmem>>
    %dma_start3A_29 = tpu.memref_squeeze %dma_start3A_28 : memref<1x128xi32, #tpu.memory_space<vmem>> -> memref<128xi32, #tpu.memory_space<vmem>>
    %dma_start3A_30 = arith.constant 0 : i32
    %dma_start3A_31 = arith.constant 0 : i32
    %dma_start3A_32 = tpu.memref_slice %arg2[%dma_start3A_30, %dma_start3A_31] : memref<20000x64xf32, #tpu.memory_space<hbm>> -> memref<20000x64xf32, #tpu.memory_space<hbm>>
    tpu.enqueue_indirect_dma source(%dma_start3A_32 : memref<20000x64xf32, #tpu.memory_space<hbm>>) target(%arg11 : memref<128x64xf32, #tpu.memory_space<vmem>>) offsets(%dma_start3A_29 : memref<128xi32, #tpu.memory_space<vmem>>) semaphore(%arg17 : memref<!tpu.dma_semaphore, #tpu.memory_space<semaphore_mem>>)
    %dma_start3A_33 = arith.constant 3 : i32
    %dma_start3A_34 = arith.constant 0 : i32
    %dma_start3A_35 = tpu.memref_slice %arg7[%dma_start3A_33, %dma_start3A_34] : memref<160x128xi32, #tpu.memory_space<vmem>> -> memref<1x128xi32, #tpu.memory_space<vmem>>
    %dma_start3A_36 = tpu.memref_squeeze %dma_start3A_35 : memref<1x128xi32, #tpu.memory_space<vmem>> -> memref<128xi32, #tpu.memory_space<vmem>>
    %dma_start3A_37 = arith.constant 0 : i32
    %dma_start3A_38 = arith.constant 0 : i32
    %dma_start3A_39 = tpu.memref_slice %arg2[%dma_start3A_37, %dma_start3A_38] : memref<20000x64xf32, #tpu.memory_space<hbm>> -> memref<20000x64xf32, #tpu.memory_space<hbm>>
    tpu.enqueue_indirect_dma source(%dma_start3A_39 : memref<20000x64xf32, #tpu.memory_space<hbm>>) target(%arg12 : memref<128x64xf32, #tpu.memory_space<vmem>>) offsets(%dma_start3A_36 : memref<128xi32, #tpu.memory_space<vmem>>) semaphore(%arg18 : memref<!tpu.dma_semaphore, #tpu.memory_space<semaphore_mem>>)
    %barrier3A = arith.constant 0 : index
    tpu.barrier barrier_id(%barrier3A)
    %scan3A_40 = arith.constant 0 : i32
    %scan3A_41 = arith.constant 0 : i32
    %scan3A_42 = arith.constant 32 : i32
    %scan3A_43 = arith.addi %scan3A_41, %scan3A_42 : i32
    %scan3A_44 = arith.constant 1 : i32
    scf.for %scan3A_110 = %scan3A_41 to %scan3A_43 step %scan3A_44  : i32 {
      %mul3A_111 = arith.constant 5 : i32
      %mul3A_112 = arith.muli %scan3A_110, %mul3A_111 : i32
      %add3A = arith.constant 0 : i32
      %add3A_113 = arith.addi %mul3A_112, %add3A : i32
      %dma_wait3A_114 = arith.constant 0 : i32
      %dma_wait3A_115 = tpu.memref_slice %arg7[%add3A_113, %dma_wait3A_114] : memref<160x128xi32, #tpu.memory_space<vmem>> -> memref<1x128xi32, #tpu.memory_space<vmem>>
      %dma_wait3A_116 = tpu.memref_squeeze %dma_wait3A_115 : memref<1x128xi32, #tpu.memory_space<vmem>> -> memref<128xi32, #tpu.memory_space<vmem>>
      %dma_wait3A_117 = arith.constant 0 : i32
      %dma_wait3A_118 = arith.constant 0 : i32
      %dma_wait3A_119 = tpu.memref_slice %arg2[%dma_wait3A_117, %dma_wait3A_118] : memref<20000x64xf32, #tpu.memory_space<hbm>> -> memref<20000x64xf32, #tpu.memory_space<hbm>>
      tpu.wait_indirect_dma semaphore(%arg15 : memref<!tpu.dma_semaphore, #tpu.memory_space<semaphore_mem>>) src(%dma_wait3A_119 : memref<20000x64xf32, #tpu.memory_space<hbm>>) dst(%arg9 : memref<128x64xf32, #tpu.memory_space<vmem>>)
      %dma_start3A_120 = arith.constant 0 : i32
      %dma_start3A_121 = tpu.memref_slice %arg8[%add3A_113, %dma_start3A_120] : memref<160x128xi32, #tpu.memory_space<vmem>> -> memref<1x128xi32, #tpu.memory_space<vmem>>
      %dma_start3A_122 = tpu.memref_squeeze %dma_start3A_121 : memref<1x128xi32, #tpu.memory_space<vmem>> -> memref<128xi32, #tpu.memory_space<vmem>>
      %dma_start3A_123 = arith.constant 0 : i32
      %dma_start3A_124 = arith.constant 0 : i32
      %dma_start3A_125 = tpu.memref_slice %arg14[%dma_start3A_123, %dma_start3A_124] : memref<10240x64xf32, #tpu.memory_space<vmem_shared>> -> memref<10240x64xf32, #tpu.memory_space<vmem_shared>>
      tpu.enqueue_indirect_dma source(%arg9 : memref<128x64xf32, #tpu.memory_space<vmem>>) target(%dma_start3A_125 : memref<10240x64xf32, #tpu.memory_space<vmem_shared>>) offsets(%dma_start3A_122 : memref<128xi32, #tpu.memory_space<vmem>>) semaphore(%arg20 : memref<!tpu.dma_semaphore, #tpu.memory_space<semaphore_mem>>) {add = true}
      %ge3A = arith.constant 1 : i32
      %ge3A_126 = arith.cmpi sge, %add3A_113, %ge3A : i32
      %convert_element_type3A = arith.extui %ge3A_126 : i1 to i32
      %cond3A = arith.constant 0 : i32
      %cond3A_127 = arith.cmpi ne, %convert_element_type3A, %cond3A : i32
      scf.if %cond3A_127 {
        %sub3A_255 = arith.constant 1 : i32
        %sub3A_256 = arith.subi %add3A_113, %sub3A_255 : i32
        %dma_wait3A_257 = arith.constant 0 : i32
        %dma_wait3A_258 = tpu.memref_slice %arg8[%sub3A_256, %dma_wait3A_257] : memref<160x128xi32, #tpu.memory_space<vmem>> -> memref<1x128xi32, #tpu.memory_space<vmem>>
        %dma_wait3A_259 = tpu.memref_squeeze %dma_wait3A_258 : memref<1x128xi32, #tpu.memory_space<vmem>> -> memref<128xi32, #tpu.memory_space<vmem>>
        %dma_wait3A_260 = arith.constant 0 : i32
        %dma_wait3A_261 = arith.constant 0 : i32
        %dma_wait3A_262 = tpu.memref_slice %arg14[%dma_wait3A_260, %dma_wait3A_261] : memref<10240x64xf32, #tpu.memory_space<vmem_shared>> -> memref<10240x64xf32, #tpu.memory_space<vmem_shared>>
        tpu.wait_indirect_dma semaphore(%arg24 : memref<!tpu.dma_semaphore, #tpu.memory_space<semaphore_mem>>) src(%arg13 : memref<128x64xf32, #tpu.memory_space<vmem>>) dst(%dma_wait3A_262 : memref<10240x64xf32, #tpu.memory_space<vmem_shared>>)
      } else {
      }
      %add3A_128 = arith.constant 5 : i32
      %add3A_129 = arith.addi %add3A_113, %add3A_128 : i32
      %sub3A = arith.constant 1 : i32
      %sub3A_130 = arith.subi %add3A_129, %sub3A : i32
      %lt3A = arith.constant 160 : i32
      %lt3A_131 = arith.cmpi slt, %sub3A_130, %lt3A : i32
      %convert_element_type3A_132 = arith.extui %lt3A_131 : i1 to i32
      %cond3A_133 = arith.constant 0 : i32
      %cond3A_134 = arith.cmpi ne, %convert_element_type3A_132, %cond3A_133 : i32
      scf.if %cond3A_134 {
        %add3A_255 = arith.constant 5 : i32
        %add3A_256 = arith.addi %add3A_113, %add3A_255 : i32
        %sub3A_257 = arith.constant 1 : i32
        %sub3A_258 = arith.subi %add3A_256, %sub3A_257 : i32
        %dma_start3A_259 = arith.constant 0 : i32
        %dma_start3A_260 = tpu.memref_slice %arg7[%sub3A_258, %dma_start3A_259] : memref<160x128xi32, #tpu.memory_space<vmem>> -> memref<1x128xi32, #tpu.memory_space<vmem>>
        %dma_start3A_261 = tpu.memref_squeeze %dma_start3A_260 : memref<1x128xi32, #tpu.memory_space<vmem>> -> memref<128xi32, #tpu.memory_space<vmem>>
        %dma_start3A_262 = arith.constant 0 : i32
        %dma_start3A_263 = arith.constant 0 : i32
        %dma_start3A_264 = tpu.memref_slice %arg2[%dma_start3A_262, %dma_start3A_263] : memref<20000x64xf32, #tpu.memory_space<hbm>> -> memref<20000x64xf32, #tpu.memory_space<hbm>>
        tpu.enqueue_indirect_dma source(%dma_start3A_264 : memref<20000x64xf32, #tpu.memory_space<hbm>>) target(%arg13 : memref<128x64xf32, #tpu.memory_space<vmem>>) offsets(%dma_start3A_261 : memref<128xi32, #tpu.memory_space<vmem>>) semaphore(%arg19 : memref<!tpu.dma_semaphore, #tpu.memory_space<semaphore_mem>>)
      } else {
      }
      %mul3A_135 = arith.constant 5 : i32
      %mul3A_136 = arith.muli %scan3A_110, %mul3A_135 : i32
      %add3A_137 = arith.constant 1 : i32
      %add3A_138 = arith.addi %mul3A_136, %add3A_137 : i32
      %dma_wait3A_139 = arith.constant 0 : i32
      %dma_wait3A_140 = tpu.memref_slice %arg7[%add3A_138, %dma_wait3A_139] : memref<160x128xi32, #tpu.memory_space<vmem>> -> memref<1x128xi32, #tpu.memory_space<vmem>>
      %dma_wait3A_141 = tpu.memref_squeeze %dma_wait3A_140 : memref<1x128xi32, #tpu.memory_space<vmem>> -> memref<128xi32, #tpu.memory_space<vmem>>
      %dma_wait3A_142 = arith.constant 0 : i32
      %dma_wait3A_143 = arith.constant 0 : i32
      %dma_wait3A_144 = tpu.memref_slice %arg2[%dma_wait3A_142, %dma_wait3A_143] : memref<20000x64xf32, #tpu.memory_space<hbm>> -> memref<20000x64xf32, #tpu.memory_space<hbm>>
      tpu.wait_indirect_dma semaphore(%arg16 : memref<!tpu.dma_semaphore, #tpu.memory_space<semaphore_mem>>) src(%dma_wait3A_144 : memref<20000x64xf32, #tpu.memory_space<hbm>>) dst(%arg10 : memref<128x64xf32, #tpu.memory_space<vmem>>)
      %dma_start3A_145 = arith.constant 0 : i32
      %dma_start3A_146 = tpu.memref_slice %arg8[%add3A_138, %dma_start3A_145] : memref<160x128xi32, #tpu.memory_space<vmem>> -> memref<1x128xi32, #tpu.memory_space<vmem>>
      %dma_start3A_147 = tpu.memref_squeeze %dma_start3A_146 : memref<1x128xi32, #tpu.memory_space<vmem>> -> memref<128xi32, #tpu.memory_space<vmem>>
      %dma_start3A_148 = arith.constant 0 : i32
      %dma_start3A_149 = arith.constant 0 : i32
      %dma_start3A_150 = tpu.memref_slice %arg14[%dma_start3A_148, %dma_start3A_149] : memref<10240x64xf32, #tpu.memory_space<vmem_shared>> -> memref<10240x64xf32, #tpu.memory_space<vmem_shared>>
      tpu.enqueue_indirect_dma source(%arg10 : memref<128x64xf32, #tpu.memory_space<vmem>>) target(%dma_start3A_150 : memref<10240x64xf32, #tpu.memory_space<vmem_shared>>) offsets(%dma_start3A_147 : memref<128xi32, #tpu.memory_space<vmem>>) semaphore(%arg21 : memref<!tpu.dma_semaphore, #tpu.memory_space<semaphore_mem>>) {add = true}
      %ge3A_151 = arith.constant 1 : i32
      %ge3A_152 = arith.cmpi sge, %add3A_138, %ge3A_151 : i32
      %convert_element_type3A_153 = arith.extui %ge3A_152 : i1 to i32
      %cond3A_154 = arith.constant 0 : i32
      %cond3A_155 = arith.cmpi ne, %convert_element_type3A_153, %cond3A_154 : i32
      scf.if %cond3A_155 {
        %sub3A_255 = arith.constant 1 : i32
        %sub3A_256 = arith.subi %add3A_138, %sub3A_255 : i32
        %dma_wait3A_257 = arith.constant 0 : i32
        %dma_wait3A_258 = tpu.memref_slice %arg8[%sub3A_256, %dma_wait3A_257] : memref<160x128xi32, #tpu.memory_space<vmem>> -> memref<1x128xi32, #tpu.memory_space<vmem>>
        %dma_wait3A_259 = tpu.memref_squeeze %dma_wait3A_258 : memref<1x128xi32, #tpu.memory_space<vmem>> -> memref<128xi32, #tpu.memory_space<vmem>>
        %dma_wait3A_260 = arith.constant 0 : i32
        %dma_wait3A_261 = arith.constant 0 : i32
        %dma_wait3A_262 = tpu.memref_slice %arg14[%dma_wait3A_260, %dma_wait3A_261] : memref<10240x64xf32, #tpu.memory_space<vmem_shared>> -> memref<10240x64xf32, #tpu.memory_space<vmem_shared>>
        tpu.wait_indirect_dma semaphore(%arg20 : memref<!tpu.dma_semaphore, #tpu.memory_space<semaphore_mem>>) src(%arg9 : memref<128x64xf32, #tpu.memory_space<vmem>>) dst(%dma_wait3A_262 : memref<10240x64xf32, #tpu.memory_space<vmem_shared>>)
      } else {
      }
      %add3A_156 = arith.constant 5 : i32
      %add3A_157 = arith.addi %add3A_138, %add3A_156 : i32
      %sub3A_158 = arith.constant 1 : i32
      %sub3A_159 = arith.subi %add3A_157, %sub3A_158 : i32
      %lt3A_160 = arith.constant 160 : i32
      %lt3A_161 = arith.cmpi slt, %sub3A_159, %lt3A_160 : i32
      %convert_element_type3A_162 = arith.extui %lt3A_161 : i1 to i32
      %cond3A_163 = arith.constant 0 : i32
      %cond3A_164 = arith.cmpi ne, %convert_element_type3A_162, %cond3A_163 : i32
      scf.if %cond3A_164 {
        %add3A_255 = arith.constant 5 : i32
        %add3A_256 = arith.addi %add3A_138, %add3A_255 : i32
        %sub3A_257 = arith.constant 1 : i32
        %sub3A_258 = arith.subi %add3A_256, %sub3A_257 : i32
        %dma_start3A_259 = arith.constant 0 : i32
        %dma_start3A_260 = tpu.memref_slice %arg7[%sub3A_258, %dma_start3A_259] : memref<160x128xi32, #tpu.memory_space<vmem>> -> memref<1x128xi32, #tpu.memory_space<vmem>>
        %dma_start3A_261 = tpu.memref_squeeze %dma_start3A_260 : memref<1x128xi32, #tpu.memory_space<vmem>> -> memref<128xi32, #tpu.memory_space<vmem>>
        %dma_start3A_262 = arith.constant 0 : i32
        %dma_start3A_263 = arith.constant 0 : i32
        %dma_start3A_264 = tpu.memref_slice %arg2[%dma_start3A_262, %dma_start3A_263] : memref<20000x64xf32, #tpu.memory_space<hbm>> -> memref<20000x64xf32, #tpu.memory_space<hbm>>
        tpu.enqueue_indirect_dma source(%dma_start3A_264 : memref<20000x64xf32, #tpu.memory_space<hbm>>) target(%arg9 : memref<128x64xf32, #tpu.memory_space<vmem>>) offsets(%dma_start3A_261 : memref<128xi32, #tpu.memory_space<vmem>>) semaphore(%arg15 : memref<!tpu.dma_semaphore, #tpu.memory_space<semaphore_mem>>)
      } else {
      }
      %mul3A_165 = arith.constant 5 : i32
      %mul3A_166 = arith.muli %scan3A_110, %mul3A_165 : i32
      %add3A_167 = arith.constant 2 : i32
      %add3A_168 = arith.addi %mul3A_166, %add3A_167 : i32
      %dma_wait3A_169 = arith.constant 0 : i32
      %dma_wait3A_170 = tpu.memref_slice %arg7[%add3A_168, %dma_wait3A_169] : memref<160x128xi32, #tpu.memory_space<vmem>> -> memref<1x128xi32, #tpu.memory_space<vmem>>
      %dma_wait3A_171 = tpu.memref_squeeze %dma_wait3A_170 : memref<1x128xi32, #tpu.memory_space<vmem>> -> memref<128xi32, #tpu.memory_space<vmem>>
      %dma_wait3A_172 = arith.constant 0 : i32
      %dma_wait3A_173 = arith.constant 0 : i32
      %dma_wait3A_174 = tpu.memref_slice %arg2[%dma_wait3A_172, %dma_wait3A_173] : memref<20000x64xf32, #tpu.memory_space<hbm>> -> memref<20000x64xf32, #tpu.memory_space<hbm>>
      tpu.wait_indirect_dma semaphore(%arg17 : memref<!tpu.dma_semaphore, #tpu.memory_space<semaphore_mem>>) src(%dma_wait3A_174 : memref<20000x64xf32, #tpu.memory_space<hbm>>) dst(%arg11 : memref<128x64xf32, #tpu.memory_space<vmem>>)
      %dma_start3A_175 = arith.constant 0 : i32
      %dma_start3A_176 = tpu.memref_slice %arg8[%add3A_168, %dma_start3A_175] : memref<160x128xi32, #tpu.memory_space<vmem>> -> memref<1x128xi32, #tpu.memory_space<vmem>>
      %dma_start3A_177 = tpu.memref_squeeze %dma_start3A_176 : memref<1x128xi32, #tpu.memory_space<vmem>> -> memref<128xi32, #tpu.memory_space<vmem>>
      %dma_start3A_178 = arith.constant 0 : i32
      %dma_start3A_179 = arith.constant 0 : i32
      %dma_start3A_180 = tpu.memref_slice %arg14[%dma_start3A_178, %dma_start3A_179] : memref<10240x64xf32, #tpu.memory_space<vmem_shared>> -> memref<10240x64xf32, #tpu.memory_space<vmem_shared>>
      tpu.enqueue_indirect_dma source(%arg11 : memref<128x64xf32, #tpu.memory_space<vmem>>) target(%dma_start3A_180 : memref<10240x64xf32, #tpu.memory_space<vmem_shared>>) offsets(%dma_start3A_177 : memref<128xi32, #tpu.memory_space<vmem>>) semaphore(%arg22 : memref<!tpu.dma_semaphore, #tpu.memory_space<semaphore_mem>>) {add = true}
      %ge3A_181 = arith.constant 1 : i32
      %ge3A_182 = arith.cmpi sge, %add3A_168, %ge3A_181 : i32
      %convert_element_type3A_183 = arith.extui %ge3A_182 : i1 to i32
      %cond3A_184 = arith.constant 0 : i32
      %cond3A_185 = arith.cmpi ne, %convert_element_type3A_183, %cond3A_184 : i32
      scf.if %cond3A_185 {
        %sub3A_255 = arith.constant 1 : i32
        %sub3A_256 = arith.subi %add3A_168, %sub3A_255 : i32
        %dma_wait3A_257 = arith.constant 0 : i32
        %dma_wait3A_258 = tpu.memref_slice %arg8[%sub3A_256, %dma_wait3A_257] : memref<160x128xi32, #tpu.memory_space<vmem>> -> memref<1x128xi32, #tpu.memory_space<vmem>>
        %dma_wait3A_259 = tpu.memref_squeeze %dma_wait3A_258 : memref<1x128xi32, #tpu.memory_space<vmem>> -> memref<128xi32, #tpu.memory_space<vmem>>
        %dma_wait3A_260 = arith.constant 0 : i32
        %dma_wait3A_261 = arith.constant 0 : i32
        %dma_wait3A_262 = tpu.memref_slice %arg14[%dma_wait3A_260, %dma_wait3A_261] : memref<10240x64xf32, #tpu.memory_space<vmem_shared>> -> memref<10240x64xf32, #tpu.memory_space<vmem_shared>>
        tpu.wait_indirect_dma semaphore(%arg21 : memref<!tpu.dma_semaphore, #tpu.memory_space<semaphore_mem>>) src(%arg10 : memref<128x64xf32, #tpu.memory_space<vmem>>) dst(%dma_wait3A_262 : memref<10240x64xf32, #tpu.memory_space<vmem_shared>>)
      } else {
      }
      %add3A_186 = arith.constant 5 : i32
      %add3A_187 = arith.addi %add3A_168, %add3A_186 : i32
      %sub3A_188 = arith.constant 1 : i32
      %sub3A_189 = arith.subi %add3A_187, %sub3A_188 : i32
      %lt3A_190 = arith.constant 160 : i32
      %lt3A_191 = arith.cmpi slt, %sub3A_189, %lt3A_190 : i32
      %convert_element_type3A_192 = arith.extui %lt3A_191 : i1 to i32
      %cond3A_193 = arith.constant 0 : i32
      %cond3A_194 = arith.cmpi ne, %convert_element_type3A_192, %cond3A_193 : i32
      scf.if %cond3A_194 {
        %add3A_255 = arith.constant 5 : i32
        %add3A_256 = arith.addi %add3A_168, %add3A_255 : i32
        %sub3A_257 = arith.constant 1 : i32
        %sub3A_258 = arith.subi %add3A_256, %sub3A_257 : i32
        %dma_start3A_259 = arith.constant 0 : i32
        %dma_start3A_260 = tpu.memref_slice %arg7[%sub3A_258, %dma_start3A_259] : memref<160x128xi32, #tpu.memory_space<vmem>> -> memref<1x128xi32, #tpu.memory_space<vmem>>
        %dma_start3A_261 = tpu.memref_squeeze %dma_start3A_260 : memref<1x128xi32, #tpu.memory_space<vmem>> -> memref<128xi32, #tpu.memory_space<vmem>>
        %dma_start3A_262 = arith.constant 0 : i32
        %dma_start3A_263 = arith.constant 0 : i32
        %dma_start3A_264 = tpu.memref_slice %arg2[%dma_start3A_262, %dma_start3A_263] : memref<20000x64xf32, #tpu.memory_space<hbm>> -> memref<20000x64xf32, #tpu.memory_space<hbm>>
        tpu.enqueue_indirect_dma source(%dma_start3A_264 : memref<20000x64xf32, #tpu.memory_space<hbm>>) target(%arg10 : memref<128x64xf32, #tpu.memory_space<vmem>>) offsets(%dma_start3A_261 : memref<128xi32, #tpu.memory_space<vmem>>) semaphore(%arg16 : memref<!tpu.dma_semaphore, #tpu.memory_space<semaphore_mem>>)
      } else {
      }
      %mul3A_195 = arith.constant 5 : i32
      %mul3A_196 = arith.muli %scan3A_110, %mul3A_195 : i32
      %add3A_197 = arith.constant 3 : i32
      %add3A_198 = arith.addi %mul3A_196, %add3A_197 : i32
      %dma_wait3A_199 = arith.constant 0 : i32
      %dma_wait3A_200 = tpu.memref_slice %arg7[%add3A_198, %dma_wait3A_199] : memref<160x128xi32, #tpu.memory_space<vmem>> -> memref<1x128xi32, #tpu.memory_space<vmem>>
      %dma_wait3A_201 = tpu.memref_squeeze %dma_wait3A_200 : memref<1x128xi32, #tpu.memory_space<vmem>> -> memref<128xi32, #tpu.memory_space<vmem>>
      %dma_wait3A_202 = arith.constant 0 : i32
      %dma_wait3A_203 = arith.constant 0 : i32
      %dma_wait3A_204 = tpu.memref_slice %arg2[%dma_wait3A_202, %dma_wait3A_203] : memref<20000x64xf32, #tpu.memory_space<hbm>> -> memref<20000x64xf32, #tpu.memory_space<hbm>>
      tpu.wait_indirect_dma semaphore(%arg18 : memref<!tpu.dma_semaphore, #tpu.memory_space<semaphore_mem>>) src(%dma_wait3A_204 : memref<20000x64xf32, #tpu.memory_space<hbm>>) dst(%arg12 : memref<128x64xf32, #tpu.memory_space<vmem>>)
      %dma_start3A_205 = arith.constant 0 : i32
      %dma_start3A_206 = tpu.memref_slice %arg8[%add3A_198, %dma_start3A_205] : memref<160x128xi32, #tpu.memory_space<vmem>> -> memref<1x128xi32, #tpu.memory_space<vmem>>
      %dma_start3A_207 = tpu.memref_squeeze %dma_start3A_206 : memref<1x128xi32, #tpu.memory_space<vmem>> -> memref<128xi32, #tpu.memory_space<vmem>>
      %dma_start3A_208 = arith.constant 0 : i32
      %dma_start3A_209 = arith.constant 0 : i32
      %dma_start3A_210 = tpu.memref_slice %arg14[%dma_start3A_208, %dma_start3A_209] : memref<10240x64xf32, #tpu.memory_space<vmem_shared>> -> memref<10240x64xf32, #tpu.memory_space<vmem_shared>>
      tpu.enqueue_indirect_dma source(%arg12 : memref<128x64xf32, #tpu.memory_space<vmem>>) target(%dma_start3A_210 : memref<10240x64xf32, #tpu.memory_space<vmem_shared>>) offsets(%dma_start3A_207 : memref<128xi32, #tpu.memory_space<vmem>>) semaphore(%arg23 : memref<!tpu.dma_semaphore, #tpu.memory_space<semaphore_mem>>) {add = true}
      %ge3A_211 = arith.constant 1 : i32
      %ge3A_212 = arith.cmpi sge, %add3A_198, %ge3A_211 : i32
      %convert_element_type3A_213 = arith.extui %ge3A_212 : i1 to i32
      %cond3A_214 = arith.constant 0 : i32
      %cond3A_215 = arith.cmpi ne, %convert_element_type3A_213, %cond3A_214 : i32
      scf.if %cond3A_215 {
        %sub3A_255 = arith.constant 1 : i32
        %sub3A_256 = arith.subi %add3A_198, %sub3A_255 : i32
        %dma_wait3A_257 = arith.constant 0 : i32
        %dma_wait3A_258 = tpu.memref_slice %arg8[%sub3A_256, %dma_wait3A_257] : memref<160x128xi32, #tpu.memory_space<vmem>> -> memref<1x128xi32, #tpu.memory_space<vmem>>
        %dma_wait3A_259 = tpu.memref_squeeze %dma_wait3A_258 : memref<1x128xi32, #tpu.memory_space<vmem>> -> memref<128xi32, #tpu.memory_space<vmem>>
        %dma_wait3A_260 = arith.constant 0 : i32
        %dma_wait3A_261 = arith.constant 0 : i32
        %dma_wait3A_262 = tpu.memref_slice %arg14[%dma_wait3A_260, %dma_wait3A_261] : memref<10240x64xf32, #tpu.memory_space<vmem_shared>> -> memref<10240x64xf32, #tpu.memory_space<vmem_shared>>
        tpu.wait_indirect_dma semaphore(%arg22 : memref<!tpu.dma_semaphore, #tpu.memory_space<semaphore_mem>>) src(%arg11 : memref<128x64xf32, #tpu.memory_space<vmem>>) dst(%dma_wait3A_262 : memref<10240x64xf32, #tpu.memory_space<vmem_shared>>)
      } else {
      }
      %add3A_216 = arith.constant 5 : i32
      %add3A_217 = arith.addi %add3A_198, %add3A_216 : i32
      %sub3A_218 = arith.constant 1 : i32
      %sub3A_219 = arith.subi %add3A_217, %sub3A_218 : i32
      %lt3A_220 = arith.constant 160 : i32
      %lt3A_221 = arith.cmpi slt, %sub3A_219, %lt3A_220 : i32
      %convert_element_type3A_222 = arith.extui %lt3A_221 : i1 to i32
      %cond3A_223 = arith.constant 0 : i32
      %cond3A_224 = arith.cmpi ne, %convert_element_type3A_222, %cond3A_223 : i32
      scf.if %cond3A_224 {
        %add3A_255 = arith.constant 5 : i32
        %add3A_256 = arith.addi %add3A_198, %add3A_255 : i32
        %sub3A_257 = arith.constant 1 : i32
        %sub3A_258 = arith.subi %add3A_256, %sub3A_257 : i32
        %dma_start3A_259 = arith.constant 0 : i32
        %dma_start3A_260 = tpu.memref_slice %arg7[%sub3A_258, %dma_start3A_259] : memref<160x128xi32, #tpu.memory_space<vmem>> -> memref<1x128xi32, #tpu.memory_space<vmem>>
        %dma_start3A_261 = tpu.memref_squeeze %dma_start3A_260 : memref<1x128xi32, #tpu.memory_space<vmem>> -> memref<128xi32, #tpu.memory_space<vmem>>
        %dma_start3A_262 = arith.constant 0 : i32
        %dma_start3A_263 = arith.constant 0 : i32
        %dma_start3A_264 = tpu.memref_slice %arg2[%dma_start3A_262, %dma_start3A_263] : memref<20000x64xf32, #tpu.memory_space<hbm>> -> memref<20000x64xf32, #tpu.memory_space<hbm>>
        tpu.enqueue_indirect_dma source(%dma_start3A_264 : memref<20000x64xf32, #tpu.memory_space<hbm>>) target(%arg11 : memref<128x64xf32, #tpu.memory_space<vmem>>) offsets(%dma_start3A_261 : memref<128xi32, #tpu.memory_space<vmem>>) semaphore(%arg17 : memref<!tpu.dma_semaphore, #tpu.memory_space<semaphore_mem>>)
      } else {
      }
      %mul3A_225 = arith.constant 5 : i32
      %mul3A_226 = arith.muli %scan3A_110, %mul3A_225 : i32
      %add3A_227 = arith.constant 4 : i32
      %add3A_228 = arith.addi %mul3A_226, %add3A_227 : i32
      %dma_wait3A_229 = arith.constant 0 : i32
      %dma_wait3A_230 = tpu.memref_slice %arg7[%add3A_228, %dma_wait3A_229] : memref<160x128xi32, #tpu.memory_space<vmem>> -> memref<1x128xi32, #tpu.memory_space<vmem>>
      %dma_wait3A_231 = tpu.memref_squeeze %dma_wait3A_230 : memref<1x128xi32, #tpu.memory_space<vmem>> -> memref<128xi32, #tpu.memory_space<vmem>>
      %dma_wait3A_232 = arith.constant 0 : i32
      %dma_wait3A_233 = arith.constant 0 : i32
      %dma_wait3A_234 = tpu.memref_slice %arg2[%dma_wait3A_232, %dma_wait3A_233] : memref<20000x64xf32, #tpu.memory_space<hbm>> -> memref<20000x64xf32, #tpu.memory_space<hbm>>
      tpu.wait_indirect_dma semaphore(%arg19 : memref<!tpu.dma_semaphore, #tpu.memory_space<semaphore_mem>>) src(%dma_wait3A_234 : memref<20000x64xf32, #tpu.memory_space<hbm>>) dst(%arg13 : memref<128x64xf32, #tpu.memory_space<vmem>>)
      %dma_start3A_235 = arith.constant 0 : i32
      %dma_start3A_236 = tpu.memref_slice %arg8[%add3A_228, %dma_start3A_235] : memref<160x128xi32, #tpu.memory_space<vmem>> -> memref<1x128xi32, #tpu.memory_space<vmem>>
      %dma_start3A_237 = tpu.memref_squeeze %dma_start3A_236 : memref<1x128xi32, #tpu.memory_space<vmem>> -> memref<128xi32, #tpu.memory_space<vmem>>
      %dma_start3A_238 = arith.constant 0 : i32
      %dma_start3A_239 = arith.constant 0 : i32
      %dma_start3A_240 = tpu.memref_slice %arg14[%dma_start3A_238, %dma_start3A_239] : memref<10240x64xf32, #tpu.memory_space<vmem_shared>> -> memref<10240x64xf32, #tpu.memory_space<vmem_shared>>
      tpu.enqueue_indirect_dma source(%arg13 : memref<128x64xf32, #tpu.memory_space<vmem>>) target(%dma_start3A_240 : memref<10240x64xf32, #tpu.memory_space<vmem_shared>>) offsets(%dma_start3A_237 : memref<128xi32, #tpu.memory_space<vmem>>) semaphore(%arg24 : memref<!tpu.dma_semaphore, #tpu.memory_space<semaphore_mem>>) {add = true}
      %ge3A_241 = arith.constant 1 : i32
      %ge3A_242 = arith.cmpi sge, %add3A_228, %ge3A_241 : i32
      %convert_element_type3A_243 = arith.extui %ge3A_242 : i1 to i32
      %cond3A_244 = arith.constant 0 : i32
      %cond3A_245 = arith.cmpi ne, %convert_element_type3A_243, %cond3A_244 : i32
      scf.if %cond3A_245 {
        %sub3A_255 = arith.constant 1 : i32
        %sub3A_256 = arith.subi %add3A_228, %sub3A_255 : i32
        %dma_wait3A_257 = arith.constant 0 : i32
        %dma_wait3A_258 = tpu.memref_slice %arg8[%sub3A_256, %dma_wait3A_257] : memref<160x128xi32, #tpu.memory_space<vmem>> -> memref<1x128xi32, #tpu.memory_space<vmem>>
        %dma_wait3A_259 = tpu.memref_squeeze %dma_wait3A_258 : memref<1x128xi32, #tpu.memory_space<vmem>> -> memref<128xi32, #tpu.memory_space<vmem>>
        %dma_wait3A_260 = arith.constant 0 : i32
        %dma_wait3A_261 = arith.constant 0 : i32
        %dma_wait3A_262 = tpu.memref_slice %arg14[%dma_wait3A_260, %dma_wait3A_261] : memref<10240x64xf32, #tpu.memory_space<vmem_shared>> -> memref<10240x64xf32, #tpu.memory_space<vmem_shared>>
        tpu.wait_indirect_dma semaphore(%arg23 : memref<!tpu.dma_semaphore, #tpu.memory_space<semaphore_mem>>) src(%arg12 : memref<128x64xf32, #tpu.memory_space<vmem>>) dst(%dma_wait3A_262 : memref<10240x64xf32, #tpu.memory_space<vmem_shared>>)
      } else {
      }
      %add3A_246 = arith.constant 5 : i32
      %add3A_247 = arith.addi %add3A_228, %add3A_246 : i32
      %sub3A_248 = arith.constant 1 : i32
      %sub3A_249 = arith.subi %add3A_247, %sub3A_248 : i32
      %lt3A_250 = arith.constant 160 : i32
      %lt3A_251 = arith.cmpi slt, %sub3A_249, %lt3A_250 : i32
      %convert_element_type3A_252 = arith.extui %lt3A_251 : i1 to i32
      %cond3A_253 = arith.constant 0 : i32
      %cond3A_254 = arith.cmpi ne, %convert_element_type3A_252, %cond3A_253 : i32
      scf.if %cond3A_254 {
        %add3A_255 = arith.constant 5 : i32
        %add3A_256 = arith.addi %add3A_228, %add3A_255 : i32
        %sub3A_257 = arith.constant 1 : i32
        %sub3A_258 = arith.subi %add3A_256, %sub3A_257 : i32
        %dma_start3A_259 = arith.constant 0 : i32
        %dma_start3A_260 = tpu.memref_slice %arg7[%sub3A_258, %dma_start3A_259] : memref<160x128xi32, #tpu.memory_space<vmem>> -> memref<1x128xi32, #tpu.memory_space<vmem>>
        %dma_start3A_261 = tpu.memref_squeeze %dma_start3A_260 : memref<1x128xi32, #tpu.memory_space<vmem>> -> memref<128xi32, #tpu.memory_space<vmem>>
        %dma_start3A_262 = arith.constant 0 : i32
        %dma_start3A_263 = arith.constant 0 : i32
        %dma_start3A_264 = tpu.memref_slice %arg2[%dma_start3A_262, %dma_start3A_263] : memref<20000x64xf32, #tpu.memory_space<hbm>> -> memref<20000x64xf32, #tpu.memory_space<hbm>>
        tpu.enqueue_indirect_dma source(%dma_start3A_264 : memref<20000x64xf32, #tpu.memory_space<hbm>>) target(%arg12 : memref<128x64xf32, #tpu.memory_space<vmem>>) offsets(%dma_start3A_261 : memref<128xi32, #tpu.memory_space<vmem>>) semaphore(%arg18 : memref<!tpu.dma_semaphore, #tpu.memory_space<semaphore_mem>>)
      } else {
      }
    }
    %scan3A_45 = arith.constant 32 : i32
    %dma_wait3A = arith.constant 159 : i32
    %dma_wait3A_46 = arith.constant 0 : i32
    %dma_wait3A_47 = tpu.memref_slice %arg8[%dma_wait3A, %dma_wait3A_46] : memref<160x128xi32, #tpu.memory_space<vmem>> -> memref<1x128xi32, #tpu.memory_space<vmem>>
    %dma_wait3A_48 = tpu.memref_squeeze %dma_wait3A_47 : memref<1x128xi32, #tpu.memory_space<vmem>> -> memref<128xi32, #tpu.memory_space<vmem>>
    %dma_wait3A_49 = arith.constant 0 : i32
    %dma_wait3A_50 = arith.constant 0 : i32
    %dma_wait3A_51 = tpu.memref_slice %arg14[%dma_wait3A_49, %dma_wait3A_50] : memref<10240x64xf32, #tpu.memory_space<vmem_shared>> -> memref<10240x64xf32, #tpu.memory_space<vmem_shared>>
    tpu.wait_indirect_dma semaphore(%arg24 : memref<!tpu.dma_semaphore, #tpu.memory_space<semaphore_mem>>) src(%arg13 : memref<128x64xf32, #tpu.memory_space<vmem>>) dst(%dma_wait3A_51 : memref<10240x64xf32, #tpu.memory_space<vmem_shared>>)
    %barrier3A_52 = arith.constant 0 : index
    tpu.barrier barrier_id(%barrier3A_52)
    %run_scoped3A = arith.constant 0 : i32
    "tpu.region"() ({
      %run_scoped3A_110 = tpu.sem_alloc : memref<!tpu.dma_semaphore, #tpu.memory_space<semaphore_mem>>
      %dma_start3A_111 = arith.constant 0 : i32
      %dma_start3A_112 = tpu.memref_slice %arg6[%arg0, %run_scoped3A, %mul3A_0, %dma_start3A_111] : memref<2x2x10240x64xf32, #tpu.memory_space<hbm>> -> memref<1x1x640x64xf32, #tpu.memory_space<hbm>>
      %dma_start3A_113 = tpu.memref_squeeze %dma_start3A_112 : memref<1x1x640x64xf32, #tpu.memory_space<hbm>> -> memref<640x64xf32, #tpu.memory_space<hbm>>
      %dma_start3A_114 = arith.constant 0 : i32
      %dma_start3A_115 = tpu.memref_slice %arg14[%mul3A_0, %dma_start3A_114] : memref<10240x64xf32, #tpu.memory_space<vmem_shared>> -> memref<640x64xf32, #tpu.memory_space<vmem_shared>>
      tpu.enqueue_dma source(%dma_start3A_115 : memref<640x64xf32, #tpu.memory_space<vmem_shared>>) target(%dma_start3A_113 : memref<640x64xf32, #tpu.memory_space<hbm>>) target_semaphore(%run_scoped3A_110 : memref<!tpu.dma_semaphore, #tpu.memory_space<semaphore_mem>>)
      %dma_wait3A_116 = arith.constant 0 : i32
      %dma_wait3A_117 = tpu.memref_slice %arg6[%arg0, %run_scoped3A, %mul3A_0, %dma_wait3A_116] : memref<2x2x10240x64xf32, #tpu.memory_space<hbm>> -> memref<1x1x640x64xf32, #tpu.memory_space<hbm>>
      %dma_wait3A_118 = tpu.memref_squeeze %dma_wait3A_117 : memref<1x1x640x64xf32, #tpu.memory_space<hbm>> -> memref<640x64xf32, #tpu.memory_space<hbm>>
      %dma_wait3A_119 = arith.constant 0 : i32
      %dma_wait3A_120 = tpu.memref_slice %arg14[%mul3A_0, %dma_wait3A_119] : memref<10240x64xf32, #tpu.memory_space<vmem_shared>> -> memref<640x64xf32, #tpu.memory_space<vmem_shared>>
      tpu.wait_dma2 semaphore(%run_scoped3A_110 : memref<!tpu.dma_semaphore, #tpu.memory_space<semaphore_mem>>) src(%dma_wait3A_120 : memref<640x64xf32, #tpu.memory_space<vmem_shared>>) dst(%dma_wait3A_118 : memref<640x64xf32, #tpu.memory_space<hbm>>)
      tpu.yield
    }) : () -> ()
    %scan3A_53 = arith.constant 0 : i32
    %scan3A_54 = arith.constant 0 : i32
    %scan3A_55 = arith.constant 128 : i32
    %scan3A_56 = arith.addi %scan3A_54, %scan3A_55 : i32
    %scan3A_57 = arith.constant 1 : i32
    %scan3A_58 = scf.for %scan3A_110 = %scan3A_54 to %scan3A_56 step %scan3A_57 iter_args(%scan3A_111 = %scan3A_53) -> (i32)  : i32 {
      %scan3A_112 = arith.constant 0 : i32
      %scan3A_113 = arith.constant 0 : i32
      %scan3A_114 = arith.constant 4 : i32
      %scan3A_115 = arith.addi %scan3A_113, %scan3A_114 : i32
      %scan3A_116 = arith.constant 1 : i32
      scf.for %scan3A_119 = %scan3A_113 to %scan3A_115 step %scan3A_116  : i32 {
        %broadcast_in_dim3A = arith.constant 0.000000e+00 : f32
        %broadcast_in_dim3A_120 = vector.broadcast %broadcast_in_dim3A : f32 to vector<16xf32>
        %mul3A_121 = arith.constant 16 : i32
        %mul3A_122 = arith.muli %scan3A_119, %mul3A_121 : i32
        %swap3A = arith.index_cast %scan3A_110 : i32 to index
        %swap3A_123 = arith.index_cast %mul3A_122 : i32 to index
        %swap3A_124 = tpu.vector_load %arg9[%swap3A, %swap3A_123] {strides = array<i32>} : memref<128x64xf32, #tpu.memory_space<vmem>>, vector<1x16xf32>,
        %swap3A_125 = vector.shape_cast %swap3A_124 : vector<1x16xf32> to vector<16xf32>
        %swap3A_126 = vector.shape_cast %broadcast_in_dim3A_120 : vector<16xf32> to vector<1x16xf32>
        tpu.vector_store %arg9[%swap3A, %swap3A_123], %swap3A_126 {strides = array<i32>} : memref<128x64xf32, #tpu.memory_space<vmem>>, vector<1x16xf32>,
      }
      %scan3A_117 = arith.constant 4 : i32
      %scan3A_118 = arith.constant 0 : i32
      scf.yield %scan3A_118 : i32
    }
    %scan3A_59 = arith.constant 128 : i32
    %scan3A_60 = arith.constant 0 : i32
    %scan3A_61 = arith.constant 0 : i32
    %scan3A_62 = arith.constant 5 : i32
    %scan3A_63 = arith.addi %scan3A_61, %scan3A_62 : i32
    %scan3A_64 = arith.constant 1 : i32
    scf.for %scan3A_110 = %scan3A_61 to %scan3A_63 step %scan3A_64  : i32 {
      %mul3A_111 = arith.constant 128 : i32
      %mul3A_112 = arith.muli %scan3A_110, %mul3A_111 : i32
      %add3A = arith.addi %mul3A_0, %mul3A_112 : i32
      "tpu.region"() ({
        %run_scoped3A_113 = tpu.sem_alloc : memref<!tpu.dma_semaphore, #tpu.memory_space<semaphore_mem>>
        %dma_start3A_114 = arith.constant 0 : i32
        %dma_start3A_115 = tpu.memref_slice %arg14[%add3A, %dma_start3A_114] : memref<10240x64xf32, #tpu.memory_space<vmem_shared>> -> memref<128x64xf32, #tpu.memory_space<vmem_shared>>
        %dma_start3A_116 = arith.constant 0 : i32
        %dma_start3A_117 = tpu.memref_slice %arg14[%add3A, %dma_start3A_116] : memref<10240x64xf32, #tpu.memory_space<vmem_shared>> -> memref<128x64xf32, #tpu.memory_space<vmem_shared>>
        tpu.enqueue_dma source(%arg9 : memref<128x64xf32, #tpu.memory_space<vmem>>) target(%dma_start3A_117 : memref<128x64xf32, #tpu.memory_space<vmem_shared>>) target_semaphore(%run_scoped3A_113 : memref<!tpu.dma_semaphore, #tpu.memory_space<semaphore_mem>>)
        %dma_wait3A_118 = arith.constant 0 : i32
        %dma_wait3A_119 = tpu.memref_slice %arg14[%add3A, %dma_wait3A_118] : memref<10240x64xf32, #tpu.memory_space<vmem_shared>> -> memref<128x64xf32, #tpu.memory_space<vmem_shared>>
        %dma_wait3A_120 = arith.constant 0 : i32
        %dma_wait3A_121 = tpu.memref_slice %arg14[%add3A, %dma_wait3A_120] : memref<10240x64xf32, #tpu.memory_space<vmem_shared>> -> memref<128x64xf32, #tpu.memory_space<vmem_shared>>
        tpu.wait_dma2 semaphore(%run_scoped3A_113 : memref<!tpu.dma_semaphore, #tpu.memory_space<semaphore_mem>>) src(%arg9 : memref<128x64xf32, #tpu.memory_space<vmem>>) dst(%dma_wait3A_121 : memref<128x64xf32, #tpu.memory_space<vmem_shared>>)
        tpu.yield
      }) : () -> ()
    }
    %scan3A_65 = arith.constant 5 : i32
    %dma_start3A_66 = arith.constant 0 : i32
    %dma_start3A_67 = arith.constant 0 : i32
    %dma_start3A_68 = tpu.memref_slice %arg7[%dma_start3A_66, %dma_start3A_67] : memref<160x128xi32, #tpu.memory_space<vmem>> -> memref<1x128xi32, #tpu.memory_space<vmem>>
    %dma_start3A_69 = tpu.memref_squeeze %dma_start3A_68 : memref<1x128xi32, #tpu.memory_space<vmem>> -> memref<128xi32, #tpu.memory_space<vmem>>
    %dma_start3A_70 = arith.constant 0 : i32
    %dma_start3A_71 = arith.constant 0 : i32
    %dma_start3A_72 = tpu.memref_slice %arg3[%dma_start3A_70, %dma_start3A_71] : memref<20000x64xf32, #tpu.memory_space<hbm>> -> memref<20000x64xf32, #tpu.memory_space<hbm>>
    tpu.enqueue_indirect_dma source(%dma_start3A_72 : memref<20000x64xf32, #tpu.memory_space<hbm>>) target(%arg9 : memref<128x64xf32, #tpu.memory_space<vmem>>) offsets(%dma_start3A_69 : memref<128xi32, #tpu.memory_space<vmem>>) semaphore(%arg15 : memref<!tpu.dma_semaphore, #tpu.memory_space<semaphore_mem>>)
    %dma_start3A_73 = arith.constant 1 : i32
    %dma_start3A_74 = arith.constant 0 : i32
    %dma_start3A_75 = tpu.memref_slice %arg7[%dma_start3A_73, %dma_start3A_74] : memref<160x128xi32, #tpu.memory_space<vmem>> -> memref<1x128xi32, #tpu.memory_space<vmem>>
    %dma_start3A_76 = tpu.memref_squeeze %dma_start3A_75 : memref<1x128xi32, #tpu.memory_space<vmem>> -> memref<128xi32, #tpu.memory_space<vmem>>
    %dma_start3A_77 = arith.constant 0 : i32
    %dma_start3A_78 = arith.constant 0 : i32
    %dma_start3A_79 = tpu.memref_slice %arg3[%dma_start3A_77, %dma_start3A_78] : memref<20000x64xf32, #tpu.memory_space<hbm>> -> memref<20000x64xf32, #tpu.memory_space<hbm>>
    tpu.enqueue_indirect_dma source(%dma_start3A_79 : memref<20000x64xf32, #tpu.memory_space<hbm>>) target(%arg10 : memref<128x64xf32, #tpu.memory_space<vmem>>) offsets(%dma_start3A_76 : memref<128xi32, #tpu.memory_space<vmem>>) semaphore(%arg16 : memref<!tpu.dma_semaphore, #tpu.memory_space<semaphore_mem>>)
    %dma_start3A_80 = arith.constant 2 : i32
    %dma_start3A_81 = arith.constant 0 : i32
    %dma_start3A_82 = tpu.memref_slice %arg7[%dma_start3A_80, %dma_start3A_81] : memref<160x128xi32, #tpu.memory_space<vmem>> -> memref<1x128xi32, #tpu.memory_space<vmem>>
    %dma_start3A_83 = tpu.memref_squeeze %dma_start3A_82 : memref<1x128xi32, #tpu.memory_space<vmem>> -> memref<128xi32, #tpu.memory_space<vmem>>
    %dma_start3A_84 = arith.constant 0 : i32
    %dma_start3A_85 = arith.constant 0 : i32
    %dma_start3A_86 = tpu.memref_slice %arg3[%dma_start3A_84, %dma_start3A_85] : memref<20000x64xf32, #tpu.memory_space<hbm>> -> memref<20000x64xf32, #tpu.memory_space<hbm>>
    tpu.enqueue_indirect_dma source(%dma_start3A_86 : memref<20000x64xf32, #tpu.memory_space<hbm>>) target(%arg11 : memref<128x64xf32, #tpu.memory_space<vmem>>) offsets(%dma_start3A_83 : memref<128xi32, #tpu.memory_space<vmem>>) semaphore(%arg17 : memref<!tpu.dma_semaphore, #tpu.memory_space<semaphore_mem>>)
    %dma_start3A_87 = arith.constant 3 : i32
    %dma_start3A_88 = arith.constant 0 : i32
    %dma_start3A_89 = tpu.memref_slice %arg7[%dma_start3A_87, %dma_start3A_88] : memref<160x128xi32, #tpu.memory_space<vmem>> -> memref<1x128xi32, #tpu.memory_space<vmem>>
    %dma_start3A_90 = tpu.memref_squeeze %dma_start3A_89 : memref<1x128xi32, #tpu.memory_space<vmem>> -> memref<128xi32, #tpu.memory_space<vmem>>
    %dma_start3A_91 = arith.constant 0 : i32
    %dma_start3A_92 = arith.constant 0 : i32
    %dma_start3A_93 = tpu.memref_slice %arg3[%dma_start3A_91, %dma_start3A_92] : memref<20000x64xf32, #tpu.memory_space<hbm>> -> memref<20000x64xf32, #tpu.memory_space<hbm>>
    tpu.enqueue_indirect_dma source(%dma_start3A_93 : memref<20000x64xf32, #tpu.memory_space<hbm>>) target(%arg12 : memref<128x64xf32, #tpu.memory_space<vmem>>) offsets(%dma_start3A_90 : memref<128xi32, #tpu.memory_space<vmem>>) semaphore(%arg18 : memref<!tpu.dma_semaphore, #tpu.memory_space<semaphore_mem>>)
    %barrier3A_94 = arith.constant 0 : index
    tpu.barrier barrier_id(%barrier3A_94)
    %scan3A_95 = arith.constant 0 : i32
    %scan3A_96 = arith.constant 0 : i32
    %scan3A_97 = arith.constant 32 : i32
    %scan3A_98 = arith.addi %scan3A_96, %scan3A_97 : i32
    %scan3A_99 = arith.constant 1 : i32
    scf.for %scan3A_110 = %scan3A_96 to %scan3A_98 step %scan3A_99  : i32 {
      %mul3A_111 = arith.constant 5 : i32
      %mul3A_112 = arith.muli %scan3A_110, %mul3A_111 : i32
      %add3A = arith.constant 0 : i32
      %add3A_113 = arith.addi %mul3A_112, %add3A : i32
      %dma_wait3A_114 = arith.constant 0 : i32
      %dma_wait3A_115 = tpu.memref_slice %arg7[%add3A_113, %dma_wait3A_114] : memref<160x128xi32, #tpu.memory_space<vmem>> -> memref<1x128xi32, #tpu.memory_space<vmem>>
      %dma_wait3A_116 = tpu.memref_squeeze %dma_wait3A_115 : memref<1x128xi32, #tpu.memory_space<vmem>> -> memref<128xi32, #tpu.memory_space<vmem>>
      %dma_wait3A_117 = arith.constant 0 : i32
      %dma_wait3A_118 = arith.constant 0 : i32
      %dma_wait3A_119 = tpu.memref_slice %arg3[%dma_wait3A_117, %dma_wait3A_118] : memref<20000x64xf32, #tpu.memory_space<hbm>> -> memref<20000x64xf32, #tpu.memory_space<hbm>>
      tpu.wait_indirect_dma semaphore(%arg15 : memref<!tpu.dma_semaphore, #tpu.memory_space<semaphore_mem>>) src(%dma_wait3A_119 : memref<20000x64xf32, #tpu.memory_space<hbm>>) dst(%arg9 : memref<128x64xf32, #tpu.memory_space<vmem>>)
      %dma_start3A_120 = arith.constant 0 : i32
      %dma_start3A_121 = tpu.memref_slice %arg8[%add3A_113, %dma_start3A_120] : memref<160x128xi32, #tpu.memory_space<vmem>> -> memref<1x128xi32, #tpu.memory_space<vmem>>
      %dma_start3A_122 = tpu.memref_squeeze %dma_start3A_121 : memref<1x128xi32, #tpu.memory_space<vmem>> -> memref<128xi32, #tpu.memory_space<vmem>>
      %dma_start3A_123 = arith.constant 0 : i32
      %dma_start3A_124 = arith.constant 0 : i32
      %dma_start3A_125 = tpu.memref_slice %arg14[%dma_start3A_123, %dma_start3A_124] : memref<10240x64xf32, #tpu.memory_space<vmem_shared>> -> memref<10240x64xf32, #tpu.memory_space<vmem_shared>>
      tpu.enqueue_indirect_dma source(%arg9 : memref<128x64xf32, #tpu.memory_space<vmem>>) target(%dma_start3A_125 : memref<10240x64xf32, #tpu.memory_space<vmem_shared>>) offsets(%dma_start3A_122 : memref<128xi32, #tpu.memory_space<vmem>>) semaphore(%arg20 : memref<!tpu.dma_semaphore, #tpu.memory_space<semaphore_mem>>) {add = true}
      %ge3A = arith.constant 1 : i32
      %ge3A_126 = arith.cmpi sge, %add3A_113, %ge3A : i32
      %convert_element_type3A = arith.extui %ge3A_126 : i1 to i32
      %cond3A = arith.constant 0 : i32
      %cond3A_127 = arith.cmpi ne, %convert_element_type3A, %cond3A : i32
      scf.if %cond3A_127 {
        %sub3A_255 = arith.constant 1 : i32
        %sub3A_256 = arith.subi %add3A_113, %sub3A_255 : i32
        %dma_wait3A_257 = arith.constant 0 : i32
        %dma_wait3A_258 = tpu.memref_slice %arg8[%sub3A_256, %dma_wait3A_257] : memref<160x128xi32, #tpu.memory_space<vmem>> -> memref<1x128xi32, #tpu.memory_space<vmem>>
        %dma_wait3A_259 = tpu.memref_squeeze %dma_wait3A_258 : memref<1x128xi32, #tpu.memory_space<vmem>> -> memref<128xi32, #tpu.memory_space<vmem>>
        %dma_wait3A_260 = arith.constant 0 : i32
        %dma_wait3A_261 = arith.constant 0 : i32
        %dma_wait3A_262 = tpu.memref_slice %arg14[%dma_wait3A_260, %dma_wait3A_261] : memref<10240x64xf32, #tpu.memory_space<vmem_shared>> -> memref<10240x64xf32, #tpu.memory_space<vmem_shared>>
        tpu.wait_indirect_dma semaphore(%arg24 : memref<!tpu.dma_semaphore, #tpu.memory_space<semaphore_mem>>) src(%arg13 : memref<128x64xf32, #tpu.memory_space<vmem>>) dst(%dma_wait3A_262 : memref<10240x64xf32, #tpu.memory_space<vmem_shared>>)
      } else {
      }
      %add3A_128 = arith.constant 5 : i32
      %add3A_129 = arith.addi %add3A_113, %add3A_128 : i32
      %sub3A = arith.constant 1 : i32
      %sub3A_130 = arith.subi %add3A_129, %sub3A : i32
      %lt3A = arith.constant 160 : i32
      %lt3A_131 = arith.cmpi slt, %sub3A_130, %lt3A : i32
      %convert_element_type3A_132 = arith.extui %lt3A_131 : i1 to i32
      %cond3A_133 = arith.constant 0 : i32
      %cond3A_134 = arith.cmpi ne, %convert_element_type3A_132, %cond3A_133 : i32
      scf.if %cond3A_134 {
        %add3A_255 = arith.constant 5 : i32
        %add3A_256 = arith.addi %add3A_113, %add3A_255 : i32
        %sub3A_257 = arith.constant 1 : i32
        %sub3A_258 = arith.subi %add3A_256, %sub3A_257 : i32
        %dma_start3A_259 = arith.constant 0 : i32
        %dma_start3A_260 = tpu.memref_slice %arg7[%sub3A_258, %dma_start3A_259] : memref<160x128xi32, #tpu.memory_space<vmem>> -> memref<1x128xi32, #tpu.memory_space<vmem>>
        %dma_start3A_261 = tpu.memref_squeeze %dma_start3A_260 : memref<1x128xi32, #tpu.memory_space<vmem>> -> memref<128xi32, #tpu.memory_space<vmem>>
        %dma_start3A_262 = arith.constant 0 : i32
        %dma_start3A_263 = arith.constant 0 : i32
        %dma_start3A_264 = tpu.memref_slice %arg3[%dma_start3A_262, %dma_start3A_263] : memref<20000x64xf32, #tpu.memory_space<hbm>> -> memref<20000x64xf32, #tpu.memory_space<hbm>>
        tpu.enqueue_indirect_dma source(%dma_start3A_264 : memref<20000x64xf32, #tpu.memory_space<hbm>>) target(%arg13 : memref<128x64xf32, #tpu.memory_space<vmem>>) offsets(%dma_start3A_261 : memref<128xi32, #tpu.memory_space<vmem>>) semaphore(%arg19 : memref<!tpu.dma_semaphore, #tpu.memory_space<semaphore_mem>>)
      } else {
      }
      %mul3A_135 = arith.constant 5 : i32
      %mul3A_136 = arith.muli %scan3A_110, %mul3A_135 : i32
      %add3A_137 = arith.constant 1 : i32
      %add3A_138 = arith.addi %mul3A_136, %add3A_137 : i32
      %dma_wait3A_139 = arith.constant 0 : i32
      %dma_wait3A_140 = tpu.memref_slice %arg7[%add3A_138, %dma_wait3A_139] : memref<160x128xi32, #tpu.memory_space<vmem>> -> memref<1x128xi32, #tpu.memory_space<vmem>>
      %dma_wait3A_141 = tpu.memref_squeeze %dma_wait3A_140 : memref<1x128xi32, #tpu.memory_space<vmem>> -> memref<128xi32, #tpu.memory_space<vmem>>
      %dma_wait3A_142 = arith.constant 0 : i32
      %dma_wait3A_143 = arith.constant 0 : i32
      %dma_wait3A_144 = tpu.memref_slice %arg3[%dma_wait3A_142, %dma_wait3A_143] : memref<20000x64xf32, #tpu.memory_space<hbm>> -> memref<20000x64xf32, #tpu.memory_space<hbm>>
      tpu.wait_indirect_dma semaphore(%arg16 : memref<!tpu.dma_semaphore, #tpu.memory_space<semaphore_mem>>) src(%dma_wait3A_144 : memref<20000x64xf32, #tpu.memory_space<hbm>>) dst(%arg10 : memref<128x64xf32, #tpu.memory_space<vmem>>)
      %dma_start3A_145 = arith.constant 0 : i32
      %dma_start3A_146 = tpu.memref_slice %arg8[%add3A_138, %dma_start3A_145] : memref<160x128xi32, #tpu.memory_space<vmem>> -> memref<1x128xi32, #tpu.memory_space<vmem>>
      %dma_start3A_147 = tpu.memref_squeeze %dma_start3A_146 : memref<1x128xi32, #tpu.memory_space<vmem>> -> memref<128xi32, #tpu.memory_space<vmem>>
      %dma_start3A_148 = arith.constant 0 : i32
      %dma_start3A_149 = arith.constant 0 : i32
      %dma_start3A_150 = tpu.memref_slice %arg14[%dma_start3A_148, %dma_start3A_149] : memref<10240x64xf32, #tpu.memory_space<vmem_shared>> -> memref<10240x64xf32, #tpu.memory_space<vmem_shared>>
      tpu.enqueue_indirect_dma source(%arg10 : memref<128x64xf32, #tpu.memory_space<vmem>>) target(%dma_start3A_150 : memref<10240x64xf32, #tpu.memory_space<vmem_shared>>) offsets(%dma_start3A_147 : memref<128xi32, #tpu.memory_space<vmem>>) semaphore(%arg21 : memref<!tpu.dma_semaphore, #tpu.memory_space<semaphore_mem>>) {add = true}
      %ge3A_151 = arith.constant 1 : i32
      %ge3A_152 = arith.cmpi sge, %add3A_138, %ge3A_151 : i32
      %convert_element_type3A_153 = arith.extui %ge3A_152 : i1 to i32
      %cond3A_154 = arith.constant 0 : i32
      %cond3A_155 = arith.cmpi ne, %convert_element_type3A_153, %cond3A_154 : i32
      scf.if %cond3A_155 {
        %sub3A_255 = arith.constant 1 : i32
        %sub3A_256 = arith.subi %add3A_138, %sub3A_255 : i32
        %dma_wait3A_257 = arith.constant 0 : i32
        %dma_wait3A_258 = tpu.memref_slice %arg8[%sub3A_256, %dma_wait3A_257] : memref<160x128xi32, #tpu.memory_space<vmem>> -> memref<1x128xi32, #tpu.memory_space<vmem>>
        %dma_wait3A_259 = tpu.memref_squeeze %dma_wait3A_258 : memref<1x128xi32, #tpu.memory_space<vmem>> -> memref<128xi32, #tpu.memory_space<vmem>>
        %dma_wait3A_260 = arith.constant 0 : i32
        %dma_wait3A_261 = arith.constant 0 : i32
        %dma_wait3A_262 = tpu.memref_slice %arg14[%dma_wait3A_260, %dma_wait3A_261] : memref<10240x64xf32, #tpu.memory_space<vmem_shared>> -> memref<10240x64xf32, #tpu.memory_space<vmem_shared>>
        tpu.wait_indirect_dma semaphore(%arg20 : memref<!tpu.dma_semaphore, #tpu.memory_space<semaphore_mem>>) src(%arg9 : memref<128x64xf32, #tpu.memory_space<vmem>>) dst(%dma_wait3A_262 : memref<10240x64xf32, #tpu.memory_space<vmem_shared>>)
      } else {
      }
      %add3A_156 = arith.constant 5 : i32
      %add3A_157 = arith.addi %add3A_138, %add3A_156 : i32
      %sub3A_158 = arith.constant 1 : i32
      %sub3A_159 = arith.subi %add3A_157, %sub3A_158 : i32
      %lt3A_160 = arith.constant 160 : i32
      %lt3A_161 = arith.cmpi slt, %sub3A_159, %lt3A_160 : i32
      %convert_element_type3A_162 = arith.extui %lt3A_161 : i1 to i32
      %cond3A_163 = arith.constant 0 : i32
      %cond3A_164 = arith.cmpi ne, %convert_element_type3A_162, %cond3A_163 : i32
      scf.if %cond3A_164 {
        %add3A_255 = arith.constant 5 : i32
        %add3A_256 = arith.addi %add3A_138, %add3A_255 : i32
        %sub3A_257 = arith.constant 1 : i32
        %sub3A_258 = arith.subi %add3A_256, %sub3A_257 : i32
        %dma_start3A_259 = arith.constant 0 : i32
        %dma_start3A_260 = tpu.memref_slice %arg7[%sub3A_258, %dma_start3A_259] : memref<160x128xi32, #tpu.memory_space<vmem>> -> memref<1x128xi32, #tpu.memory_space<vmem>>
        %dma_start3A_261 = tpu.memref_squeeze %dma_start3A_260 : memref<1x128xi32, #tpu.memory_space<vmem>> -> memref<128xi32, #tpu.memory_space<vmem>>
        %dma_start3A_262 = arith.constant 0 : i32
        %dma_start3A_263 = arith.constant 0 : i32
        %dma_start3A_264 = tpu.memref_slice %arg3[%dma_start3A_262, %dma_start3A_263] : memref<20000x64xf32, #tpu.memory_space<hbm>> -> memref<20000x64xf32, #tpu.memory_space<hbm>>
        tpu.enqueue_indirect_dma source(%dma_start3A_264 : memref<20000x64xf32, #tpu.memory_space<hbm>>) target(%arg9 : memref<128x64xf32, #tpu.memory_space<vmem>>) offsets(%dma_start3A_261 : memref<128xi32, #tpu.memory_space<vmem>>) semaphore(%arg15 : memref<!tpu.dma_semaphore, #tpu.memory_space<semaphore_mem>>)
      } else {
      }
      %mul3A_165 = arith.constant 5 : i32
      %mul3A_166 = arith.muli %scan3A_110, %mul3A_165 : i32
      %add3A_167 = arith.constant 2 : i32
      %add3A_168 = arith.addi %mul3A_166, %add3A_167 : i32
      %dma_wait3A_169 = arith.constant 0 : i32
      %dma_wait3A_170 = tpu.memref_slice %arg7[%add3A_168, %dma_wait3A_169] : memref<160x128xi32, #tpu.memory_space<vmem>> -> memref<1x128xi32, #tpu.memory_space<vmem>>
      %dma_wait3A_171 = tpu.memref_squeeze %dma_wait3A_170 : memref<1x128xi32, #tpu.memory_space<vmem>> -> memref<128xi32, #tpu.memory_space<vmem>>
      %dma_wait3A_172 = arith.constant 0 : i32
      %dma_wait3A_173 = arith.constant 0 : i32
      %dma_wait3A_174 = tpu.memref_slice %arg3[%dma_wait3A_172, %dma_wait3A_173] : memref<20000x64xf32, #tpu.memory_space<hbm>> -> memref<20000x64xf32, #tpu.memory_space<hbm>>
      tpu.wait_indirect_dma semaphore(%arg17 : memref<!tpu.dma_semaphore, #tpu.memory_space<semaphore_mem>>) src(%dma_wait3A_174 : memref<20000x64xf32, #tpu.memory_space<hbm>>) dst(%arg11 : memref<128x64xf32, #tpu.memory_space<vmem>>)
      %dma_start3A_175 = arith.constant 0 : i32
      %dma_start3A_176 = tpu.memref_slice %arg8[%add3A_168, %dma_start3A_175] : memref<160x128xi32, #tpu.memory_space<vmem>> -> memref<1x128xi32, #tpu.memory_space<vmem>>
      %dma_start3A_177 = tpu.memref_squeeze %dma_start3A_176 : memref<1x128xi32, #tpu.memory_space<vmem>> -> memref<128xi32, #tpu.memory_space<vmem>>
      %dma_start3A_178 = arith.constant 0 : i32
      %dma_start3A_179 = arith.constant 0 : i32
      %dma_start3A_180 = tpu.memref_slice %arg14[%dma_start3A_178, %dma_start3A_179] : memref<10240x64xf32, #tpu.memory_space<vmem_shared>> -> memref<10240x64xf32, #tpu.memory_space<vmem_shared>>
      tpu.enqueue_indirect_dma source(%arg11 : memref<128x64xf32, #tpu.memory_space<vmem>>) target(%dma_start3A_180 : memref<10240x64xf32, #tpu.memory_space<vmem_shared>>) offsets(%dma_start3A_177 : memref<128xi32, #tpu.memory_space<vmem>>) semaphore(%arg22 : memref<!tpu.dma_semaphore, #tpu.memory_space<semaphore_mem>>) {add = true}
      %ge3A_181 = arith.constant 1 : i32
      %ge3A_182 = arith.cmpi sge, %add3A_168, %ge3A_181 : i32
      %convert_element_type3A_183 = arith.extui %ge3A_182 : i1 to i32
      %cond3A_184 = arith.constant 0 : i32
      %cond3A_185 = arith.cmpi ne, %convert_element_type3A_183, %cond3A_184 : i32
      scf.if %cond3A_185 {
        %sub3A_255 = arith.constant 1 : i32
        %sub3A_256 = arith.subi %add3A_168, %sub3A_255 : i32
        %dma_wait3A_257 = arith.constant 0 : i32
        %dma_wait3A_258 = tpu.memref_slice %arg8[%sub3A_256, %dma_wait3A_257] : memref<160x128xi32, #tpu.memory_space<vmem>> -> memref<1x128xi32, #tpu.memory_space<vmem>>
        %dma_wait3A_259 = tpu.memref_squeeze %dma_wait3A_258 : memref<1x128xi32, #tpu.memory_space<vmem>> -> memref<128xi32, #tpu.memory_space<vmem>>
        %dma_wait3A_260 = arith.constant 0 : i32
        %dma_wait3A_261 = arith.constant 0 : i32
        %dma_wait3A_262 = tpu.memref_slice %arg14[%dma_wait3A_260, %dma_wait3A_261] : memref<10240x64xf32, #tpu.memory_space<vmem_shared>> -> memref<10240x64xf32, #tpu.memory_space<vmem_shared>>
        tpu.wait_indirect_dma semaphore(%arg21 : memref<!tpu.dma_semaphore, #tpu.memory_space<semaphore_mem>>) src(%arg10 : memref<128x64xf32, #tpu.memory_space<vmem>>) dst(%dma_wait3A_262 : memref<10240x64xf32, #tpu.memory_space<vmem_shared>>)
      } else {
      }
      %add3A_186 = arith.constant 5 : i32
      %add3A_187 = arith.addi %add3A_168, %add3A_186 : i32
      %sub3A_188 = arith.constant 1 : i32
      %sub3A_189 = arith.subi %add3A_187, %sub3A_188 : i32
      %lt3A_190 = arith.constant 160 : i32
      %lt3A_191 = arith.cmpi slt, %sub3A_189, %lt3A_190 : i32
      %convert_element_type3A_192 = arith.extui %lt3A_191 : i1 to i32
      %cond3A_193 = arith.constant 0 : i32
      %cond3A_194 = arith.cmpi ne, %convert_element_type3A_192, %cond3A_193 : i32
      scf.if %cond3A_194 {
        %add3A_255 = arith.constant 5 : i32
        %add3A_256 = arith.addi %add3A_168, %add3A_255 : i32
        %sub3A_257 = arith.constant 1 : i32
        %sub3A_258 = arith.subi %add3A_256, %sub3A_257 : i32
        %dma_start3A_259 = arith.constant 0 : i32
        %dma_start3A_260 = tpu.memref_slice %arg7[%sub3A_258, %dma_start3A_259] : memref<160x128xi32, #tpu.memory_space<vmem>> -> memref<1x128xi32, #tpu.memory_space<vmem>>
        %dma_start3A_261 = tpu.memref_squeeze %dma_start3A_260 : memref<1x128xi32, #tpu.memory_space<vmem>> -> memref<128xi32, #tpu.memory_space<vmem>>
        %dma_start3A_262 = arith.constant 0 : i32
        %dma_start3A_263 = arith.constant 0 : i32
        %dma_start3A_264 = tpu.memref_slice %arg3[%dma_start3A_262, %dma_start3A_263] : memref<20000x64xf32, #tpu.memory_space<hbm>> -> memref<20000x64xf32, #tpu.memory_space<hbm>>
        tpu.enqueue_indirect_dma source(%dma_start3A_264 : memref<20000x64xf32, #tpu.memory_space<hbm>>) target(%arg10 : memref<128x64xf32, #tpu.memory_space<vmem>>) offsets(%dma_start3A_261 : memref<128xi32, #tpu.memory_space<vmem>>) semaphore(%arg16 : memref<!tpu.dma_semaphore, #tpu.memory_space<semaphore_mem>>)
      } else {
      }
      %mul3A_195 = arith.constant 5 : i32
      %mul3A_196 = arith.muli %scan3A_110, %mul3A_195 : i32
      %add3A_197 = arith.constant 3 : i32
      %add3A_198 = arith.addi %mul3A_196, %add3A_197 : i32
      %dma_wait3A_199 = arith.constant 0 : i32
      %dma_wait3A_200 = tpu.memref_slice %arg7[%add3A_198, %dma_wait3A_199] : memref<160x128xi32, #tpu.memory_space<vmem>> -> memref<1x128xi32, #tpu.memory_space<vmem>>
      %dma_wait3A_201 = tpu.memref_squeeze %dma_wait3A_200 : memref<1x128xi32, #tpu.memory_space<vmem>> -> memref<128xi32, #tpu.memory_space<vmem>>
      %dma_wait3A_202 = arith.constant 0 : i32
      %dma_wait3A_203 = arith.constant 0 : i32
      %dma_wait3A_204 = tpu.memref_slice %arg3[%dma_wait3A_202, %dma_wait3A_203] : memref<20000x64xf32, #tpu.memory_space<hbm>> -> memref<20000x64xf32, #tpu.memory_space<hbm>>
      tpu.wait_indirect_dma semaphore(%arg18 : memref<!tpu.dma_semaphore, #tpu.memory_space<semaphore_mem>>) src(%dma_wait3A_204 : memref<20000x64xf32, #tpu.memory_space<hbm>>) dst(%arg12 : memref<128x64xf32, #tpu.memory_space<vmem>>)
      %dma_start3A_205 = arith.constant 0 : i32
      %dma_start3A_206 = tpu.memref_slice %arg8[%add3A_198, %dma_start3A_205] : memref<160x128xi32, #tpu.memory_space<vmem>> -> memref<1x128xi32, #tpu.memory_space<vmem>>
      %dma_start3A_207 = tpu.memref_squeeze %dma_start3A_206 : memref<1x128xi32, #tpu.memory_space<vmem>> -> memref<128xi32, #tpu.memory_space<vmem>>
      %dma_start3A_208 = arith.constant 0 : i32
      %dma_start3A_209 = arith.constant 0 : i32
      %dma_start3A_210 = tpu.memref_slice %arg14[%dma_start3A_208, %dma_start3A_209] : memref<10240x64xf32, #tpu.memory_space<vmem_shared>> -> memref<10240x64xf32, #tpu.memory_space<vmem_shared>>
      tpu.enqueue_indirect_dma source(%arg12 : memref<128x64xf32, #tpu.memory_space<vmem>>) target(%dma_start3A_210 : memref<10240x64xf32, #tpu.memory_space<vmem_shared>>) offsets(%dma_start3A_207 : memref<128xi32, #tpu.memory_space<vmem>>) semaphore(%arg23 : memref<!tpu.dma_semaphore, #tpu.memory_space<semaphore_mem>>) {add = true}
      %ge3A_211 = arith.constant 1 : i32
      %ge3A_212 = arith.cmpi sge, %add3A_198, %ge3A_211 : i32
      %convert_element_type3A_213 = arith.extui %ge3A_212 : i1 to i32
      %cond3A_214 = arith.constant 0 : i32
      %cond3A_215 = arith.cmpi ne, %convert_element_type3A_213, %cond3A_214 : i32
      scf.if %cond3A_215 {
        %sub3A_255 = arith.constant 1 : i32
        %sub3A_256 = arith.subi %add3A_198, %sub3A_255 : i32
        %dma_wait3A_257 = arith.constant 0 : i32
        %dma_wait3A_258 = tpu.memref_slice %arg8[%sub3A_256, %dma_wait3A_257] : memref<160x128xi32, #tpu.memory_space<vmem>> -> memref<1x128xi32, #tpu.memory_space<vmem>>
        %dma_wait3A_259 = tpu.memref_squeeze %dma_wait3A_258 : memref<1x128xi32, #tpu.memory_space<vmem>> -> memref<128xi32, #tpu.memory_space<vmem>>
        %dma_wait3A_260 = arith.constant 0 : i32
        %dma_wait3A_261 = arith.constant 0 : i32
        %dma_wait3A_262 = tpu.memref_slice %arg14[%dma_wait3A_260, %dma_wait3A_261] : memref<10240x64xf32, #tpu.memory_space<vmem_shared>> -> memref<10240x64xf32, #tpu.memory_space<vmem_shared>>
        tpu.wait_indirect_dma semaphore(%arg22 : memref<!tpu.dma_semaphore, #tpu.memory_space<semaphore_mem>>) src(%arg11 : memref<128x64xf32, #tpu.memory_space<vmem>>) dst(%dma_wait3A_262 : memref<10240x64xf32, #tpu.memory_space<vmem_shared>>)
      } else {
      }
      %add3A_216 = arith.constant 5 : i32
      %add3A_217 = arith.addi %add3A_198, %add3A_216 : i32
      %sub3A_218 = arith.constant 1 : i32
      %sub3A_219 = arith.subi %add3A_217, %sub3A_218 : i32
      %lt3A_220 = arith.constant 160 : i32
      %lt3A_221 = arith.cmpi slt, %sub3A_219, %lt3A_220 : i32
      %convert_element_type3A_222 = arith.extui %lt3A_221 : i1 to i32
      %cond3A_223 = arith.constant 0 : i32
      %cond3A_224 = arith.cmpi ne, %convert_element_type3A_222, %cond3A_223 : i32
      scf.if %cond3A_224 {
        %add3A_255 = arith.constant 5 : i32
        %add3A_256 = arith.addi %add3A_198, %add3A_255 : i32
        %sub3A_257 = arith.constant 1 : i32
        %sub3A_258 = arith.subi %add3A_256, %sub3A_257 : i32
        %dma_start3A_259 = arith.constant 0 : i32
        %dma_start3A_260 = tpu.memref_slice %arg7[%sub3A_258, %dma_start3A_259] : memref<160x128xi32, #tpu.memory_space<vmem>> -> memref<1x128xi32, #tpu.memory_space<vmem>>
        %dma_start3A_261 = tpu.memref_squeeze %dma_start3A_260 : memref<1x128xi32, #tpu.memory_space<vmem>> -> memref<128xi32, #tpu.memory_space<vmem>>
        %dma_start3A_262 = arith.constant 0 : i32
        %dma_start3A_263 = arith.constant 0 : i32
        %dma_start3A_264 = tpu.memref_slice %arg3[%dma_start3A_262, %dma_start3A_263] : memref<20000x64xf32, #tpu.memory_space<hbm>> -> memref<20000x64xf32, #tpu.memory_space<hbm>>
        tpu.enqueue_indirect_dma source(%dma_start3A_264 : memref<20000x64xf32, #tpu.memory_space<hbm>>) target(%arg11 : memref<128x64xf32, #tpu.memory_space<vmem>>) offsets(%dma_start3A_261 : memref<128xi32, #tpu.memory_space<vmem>>) semaphore(%arg17 : memref<!tpu.dma_semaphore, #tpu.memory_space<semaphore_mem>>)
      } else {
      }
      %mul3A_225 = arith.constant 5 : i32
      %mul3A_226 = arith.muli %scan3A_110, %mul3A_225 : i32
      %add3A_227 = arith.constant 4 : i32
      %add3A_228 = arith.addi %mul3A_226, %add3A_227 : i32
      %dma_wait3A_229 = arith.constant 0 : i32
      %dma_wait3A_230 = tpu.memref_slice %arg7[%add3A_228, %dma_wait3A_229] : memref<160x128xi32, #tpu.memory_space<vmem>> -> memref<1x128xi32, #tpu.memory_space<vmem>>
      %dma_wait3A_231 = tpu.memref_squeeze %dma_wait3A_230 : memref<1x128xi32, #tpu.memory_space<vmem>> -> memref<128xi32, #tpu.memory_space<vmem>>
      %dma_wait3A_232 = arith.constant 0 : i32
      %dma_wait3A_233 = arith.constant 0 : i32
      %dma_wait3A_234 = tpu.memref_slice %arg3[%dma_wait3A_232, %dma_wait3A_233] : memref<20000x64xf32, #tpu.memory_space<hbm>> -> memref<20000x64xf32, #tpu.memory_space<hbm>>
      tpu.wait_indirect_dma semaphore(%arg19 : memref<!tpu.dma_semaphore, #tpu.memory_space<semaphore_mem>>) src(%dma_wait3A_234 : memref<20000x64xf32, #tpu.memory_space<hbm>>) dst(%arg13 : memref<128x64xf32, #tpu.memory_space<vmem>>)
      %dma_start3A_235 = arith.constant 0 : i32
      %dma_start3A_236 = tpu.memref_slice %arg8[%add3A_228, %dma_start3A_235] : memref<160x128xi32, #tpu.memory_space<vmem>> -> memref<1x128xi32, #tpu.memory_space<vmem>>
      %dma_start3A_237 = tpu.memref_squeeze %dma_start3A_236 : memref<1x128xi32, #tpu.memory_space<vmem>> -> memref<128xi32, #tpu.memory_space<vmem>>
      %dma_start3A_238 = arith.constant 0 : i32
      %dma_start3A_239 = arith.constant 0 : i32
      %dma_start3A_240 = tpu.memref_slice %arg14[%dma_start3A_238, %dma_start3A_239] : memref<10240x64xf32, #tpu.memory_space<vmem_shared>> -> memref<10240x64xf32, #tpu.memory_space<vmem_shared>>
      tpu.enqueue_indirect_dma source(%arg13 : memref<128x64xf32, #tpu.memory_space<vmem>>) target(%dma_start3A_240 : memref<10240x64xf32, #tpu.memory_space<vmem_shared>>) offsets(%dma_start3A_237 : memref<128xi32, #tpu.memory_space<vmem>>) semaphore(%arg24 : memref<!tpu.dma_semaphore, #tpu.memory_space<semaphore_mem>>) {add = true}
      %ge3A_241 = arith.constant 1 : i32
      %ge3A_242 = arith.cmpi sge, %add3A_228, %ge3A_241 : i32
      %convert_element_type3A_243 = arith.extui %ge3A_242 : i1 to i32
      %cond3A_244 = arith.constant 0 : i32
      %cond3A_245 = arith.cmpi ne, %convert_element_type3A_243, %cond3A_244 : i32
      scf.if %cond3A_245 {
        %sub3A_255 = arith.constant 1 : i32
        %sub3A_256 = arith.subi %add3A_228, %sub3A_255 : i32
        %dma_wait3A_257 = arith.constant 0 : i32
        %dma_wait3A_258 = tpu.memref_slice %arg8[%sub3A_256, %dma_wait3A_257] : memref<160x128xi32, #tpu.memory_space<vmem>> -> memref<1x128xi32, #tpu.memory_space<vmem>>
        %dma_wait3A_259 = tpu.memref_squeeze %dma_wait3A_258 : memref<1x128xi32, #tpu.memory_space<vmem>> -> memref<128xi32, #tpu.memory_space<vmem>>
        %dma_wait3A_260 = arith.constant 0 : i32
        %dma_wait3A_261 = arith.constant 0 : i32
        %dma_wait3A_262 = tpu.memref_slice %arg14[%dma_wait3A_260, %dma_wait3A_261] : memref<10240x64xf32, #tpu.memory_space<vmem_shared>> -> memref<10240x64xf32, #tpu.memory_space<vmem_shared>>
        tpu.wait_indirect_dma semaphore(%arg23 : memref<!tpu.dma_semaphore, #tpu.memory_space<semaphore_mem>>) src(%arg12 : memref<128x64xf32, #tpu.memory_space<vmem>>) dst(%dma_wait3A_262 : memref<10240x64xf32, #tpu.memory_space<vmem_shared>>)
      } else {
      }
      %add3A_246 = arith.constant 5 : i32
      %add3A_247 = arith.addi %add3A_228, %add3A_246 : i32
      %sub3A_248 = arith.constant 1 : i32
      %sub3A_249 = arith.subi %add3A_247, %sub3A_248 : i32
      %lt3A_250 = arith.constant 160 : i32
      %lt3A_251 = arith.cmpi slt, %sub3A_249, %lt3A_250 : i32
      %convert_element_type3A_252 = arith.extui %lt3A_251 : i1 to i32
      %cond3A_253 = arith.constant 0 : i32
      %cond3A_254 = arith.cmpi ne, %convert_element_type3A_252, %cond3A_253 : i32
      scf.if %cond3A_254 {
        %add3A_255 = arith.constant 5 : i32
        %add3A_256 = arith.addi %add3A_228, %add3A_255 : i32
        %sub3A_257 = arith.constant 1 : i32
        %sub3A_258 = arith.subi %add3A_256, %sub3A_257 : i32
        %dma_start3A_259 = arith.constant 0 : i32
        %dma_start3A_260 = tpu.memref_slice %arg7[%sub3A_258, %dma_start3A_259] : memref<160x128xi32, #tpu.memory_space<vmem>> -> memref<1x128xi32, #tpu.memory_space<vmem>>
        %dma_start3A_261 = tpu.memref_squeeze %dma_start3A_260 : memref<1x128xi32, #tpu.memory_space<vmem>> -> memref<128xi32, #tpu.memory_space<vmem>>
        %dma_start3A_262 = arith.constant 0 : i32
        %dma_start3A_263 = arith.constant 0 : i32
        %dma_start3A_264 = tpu.memref_slice %arg3[%dma_start3A_262, %dma_start3A_263] : memref<20000x64xf32, #tpu.memory_space<hbm>> -> memref<20000x64xf32, #tpu.memory_space<hbm>>
        tpu.enqueue_indirect_dma source(%dma_start3A_264 : memref<20000x64xf32, #tpu.memory_space<hbm>>) target(%arg12 : memref<128x64xf32, #tpu.memory_space<vmem>>) offsets(%dma_start3A_261 : memref<128xi32, #tpu.memory_space<vmem>>) semaphore(%arg18 : memref<!tpu.dma_semaphore, #tpu.memory_space<semaphore_mem>>)
      } else {
      }
    }
    %scan3A_100 = arith.constant 32 : i32
    %dma_wait3A_101 = arith.constant 159 : i32
    %dma_wait3A_102 = arith.constant 0 : i32
    %dma_wait3A_103 = tpu.memref_slice %arg8[%dma_wait3A_101, %dma_wait3A_102] : memref<160x128xi32, #tpu.memory_space<vmem>> -> memref<1x128xi32, #tpu.memory_space<vmem>>
    %dma_wait3A_104 = tpu.memref_squeeze %dma_wait3A_103 : memref<1x128xi32, #tpu.memory_space<vmem>> -> memref<128xi32, #tpu.memory_space<vmem>>
    %dma_wait3A_105 = arith.constant 0 : i32
    %dma_wait3A_106 = arith.constant 0 : i32
    %dma_wait3A_107 = tpu.memref_slice %arg14[%dma_wait3A_105, %dma_wait3A_106] : memref<10240x64xf32, #tpu.memory_space<vmem_shared>> -> memref<10240x64xf32, #tpu.memory_space<vmem_shared>>
    tpu.wait_indirect_dma semaphore(%arg24 : memref<!tpu.dma_semaphore, #tpu.memory_space<semaphore_mem>>) src(%arg13 : memref<128x64xf32, #tpu.memory_space<vmem>>) dst(%dma_wait3A_107 : memref<10240x64xf32, #tpu.memory_space<vmem_shared>>)
    %barrier3A_108 = arith.constant 0 : index
    tpu.barrier barrier_id(%barrier3A_108)
    %run_scoped3A_109 = arith.constant 1 : i32
    "tpu.region"() ({
      %run_scoped3A_110 = tpu.sem_alloc : memref<!tpu.dma_semaphore, #tpu.memory_space<semaphore_mem>>
      %dma_start3A_111 = arith.constant 0 : i32
      %dma_start3A_112 = tpu.memref_slice %arg6[%arg0, %run_scoped3A_109, %mul3A_0, %dma_start3A_111] : memref<2x2x10240x64xf32, #tpu.memory_space<hbm>> -> memref<1x1x640x64xf32, #tpu.memory_space<hbm>>
      %dma_start3A_113 = tpu.memref_squeeze %dma_start3A_112 : memref<1x1x640x64xf32, #tpu.memory_space<hbm>> -> memref<640x64xf32, #tpu.memory_space<hbm>>
      %dma_start3A_114 = arith.constant 0 : i32
      %dma_start3A_115 = tpu.memref_slice %arg14[%mul3A_0, %dma_start3A_114] : memref<10240x64xf32, #tpu.memory_space<vmem_shared>> -> memref<640x64xf32, #tpu.memory_space<vmem_shared>>
      tpu.enqueue_dma source(%dma_start3A_115 : memref<640x64xf32, #tpu.memory_space<vmem_shared>>) target(%dma_start3A_113 : memref<640x64xf32, #tpu.memory_space<hbm>>) target_semaphore(%run_scoped3A_110 : memref<!tpu.dma_semaphore, #tpu.memory_space<semaphore_mem>>)
      %dma_wait3A_116 = arith.constant 0 : i32
      %dma_wait3A_117 = tpu.memref_slice %arg6[%arg0, %run_scoped3A_109, %mul3A_0, %dma_wait3A_116] : memref<2x2x10240x64xf32, #tpu.memory_space<hbm>> -> memref<1x1x640x64xf32, #tpu.memory_space<hbm>>
      %dma_wait3A_118 = tpu.memref_squeeze %dma_wait3A_117 : memref<1x1x640x64xf32, #tpu.memory_space<hbm>> -> memref<640x64xf32, #tpu.memory_space<hbm>>
      %dma_wait3A_119 = arith.constant 0 : i32
      %dma_wait3A_120 = tpu.memref_slice %arg14[%mul3A_0, %dma_wait3A_119] : memref<10240x64xf32, #tpu.memory_space<vmem_shared>> -> memref<640x64xf32, #tpu.memory_space<vmem_shared>>
      tpu.wait_dma2 semaphore(%run_scoped3A_110 : memref<!tpu.dma_semaphore, #tpu.memory_space<semaphore_mem>>) src(%dma_wait3A_120 : memref<640x64xf32, #tpu.memory_space<vmem_shared>>) dst(%dma_wait3A_118 : memref<640x64xf32, #tpu.memory_space<hbm>>)
      tpu.yield
    }) : () -> ()
    return
  }
}

#map = affine_map<(d0, d1) -> (0, 0, 0, 0)>
#map1 = affine_map<(d0, d1) -> (0, 0, 0)>
module attributes {stable_mosaic.version = 14 : i64} {
  func.func @_count_body(%arg0: i32, %arg1: i32, %arg2: memref<2x16x160x128xi32, #tpu.memory_space<hbm>>, %arg3: memref<2x10240x64xf32, #tpu.memory_space<hbm>>, %arg4: memref<160x128xi32, #tpu.memory_space<vmem>>, %arg5: memref<128x64xf32, #tpu.memory_space<vmem>>, %arg6: memref<10240x64xf32, #tpu.memory_space<vmem_shared>>) attributes {dimension_semantics = [#tpu.dimension_semantics<core_parallel>, #tpu.dimension_semantics<subcore_parallel>], iteration_bounds = array<i64: 2, 16>, scalar_prefetch = 0 : i64, scratch_operands = 3 : i64, tpu.core_type = #tpu.core_type<sc_vector_subcore>, window_params = [{transform_indices = #map}, {transform_indices = #map1}]} {
    "tpu.region"() ({
      %run_scoped3A = tpu.sem_alloc : memref<!tpu.dma_semaphore, #tpu.memory_space<semaphore_mem>>
      %dma_start3A = arith.constant 0 : i32
      %dma_start3A_27 = arith.constant 0 : i32
      %dma_start3A_28 = tpu.memref_slice %arg2[%arg0, %arg1, %dma_start3A, %dma_start3A_27] : memref<2x16x160x128xi32, #tpu.memory_space<hbm>> -> memref<1x1x160x128xi32, #tpu.memory_space<hbm>>
      %dma_start3A_29 = tpu.memref_squeeze %dma_start3A_28 : memref<1x1x160x128xi32, #tpu.memory_space<hbm>> -> memref<160x128xi32, #tpu.memory_space<hbm>>
      %dma_start3A_30 = arith.constant 0 : i32
      %dma_start3A_31 = arith.constant 0 : i32
      %dma_start3A_32 = tpu.memref_slice %arg2[%arg0, %arg1, %dma_start3A_30, %dma_start3A_31] : memref<2x16x160x128xi32, #tpu.memory_space<hbm>> -> memref<1x1x160x128xi32, #tpu.memory_space<hbm>>
      %dma_start3A_33 = tpu.memref_squeeze %dma_start3A_32 : memref<1x1x160x128xi32, #tpu.memory_space<hbm>> -> memref<160x128xi32, #tpu.memory_space<hbm>>
      tpu.enqueue_dma source(%dma_start3A_33 : memref<160x128xi32, #tpu.memory_space<hbm>>) target(%arg4 : memref<160x128xi32, #tpu.memory_space<vmem>>) target_semaphore(%run_scoped3A : memref<!tpu.dma_semaphore, #tpu.memory_space<semaphore_mem>>)
      %dma_wait3A = arith.constant 0 : i32
      %dma_wait3A_34 = arith.constant 0 : i32
      %dma_wait3A_35 = tpu.memref_slice %arg2[%arg0, %arg1, %dma_wait3A, %dma_wait3A_34] : memref<2x16x160x128xi32, #tpu.memory_space<hbm>> -> memref<1x1x160x128xi32, #tpu.memory_space<hbm>>
      %dma_wait3A_36 = tpu.memref_squeeze %dma_wait3A_35 : memref<1x1x160x128xi32, #tpu.memory_space<hbm>> -> memref<160x128xi32, #tpu.memory_space<hbm>>
      %dma_wait3A_37 = arith.constant 0 : i32
      %dma_wait3A_38 = arith.constant 0 : i32
      %dma_wait3A_39 = tpu.memref_slice %arg2[%arg0, %arg1, %dma_wait3A_37, %dma_wait3A_38] : memref<2x16x160x128xi32, #tpu.memory_space<hbm>> -> memref<1x1x160x128xi32, #tpu.memory_space<hbm>>
      %dma_wait3A_40 = tpu.memref_squeeze %dma_wait3A_39 : memref<1x1x160x128xi32, #tpu.memory_space<hbm>> -> memref<160x128xi32, #tpu.memory_space<hbm>>
      tpu.wait_dma2 semaphore(%run_scoped3A : memref<!tpu.dma_semaphore, #tpu.memory_space<semaphore_mem>>) src(%dma_wait3A_40 : memref<160x128xi32, #tpu.memory_space<hbm>>) dst(%arg4 : memref<160x128xi32, #tpu.memory_space<vmem>>)
      tpu.yield
    }) : () -> ()
    %scan3A = arith.constant 0 : i32
    %scan3A_0 = arith.constant 0 : i32
    %scan3A_1 = arith.constant 128 : i32
    %scan3A_2 = arith.addi %scan3A_0, %scan3A_1 : i32
    %scan3A_3 = arith.constant 1 : i32
    %scan3A_4 = scf.for %scan3A_27 = %scan3A_0 to %scan3A_2 step %scan3A_3 iter_args(%scan3A_28 = %scan3A) -> (i32)  : i32 {
      %scan3A_29 = arith.constant 0 : i32
      %scan3A_30 = arith.constant 0 : i32
      %scan3A_31 = arith.constant 4 : i32
      %scan3A_32 = arith.addi %scan3A_30, %scan3A_31 : i32
      %scan3A_33 = arith.constant 1 : i32
      scf.for %scan3A_36 = %scan3A_30 to %scan3A_32 step %scan3A_33  : i32 {
        %broadcast_in_dim3A = arith.constant 0.000000e+00 : f32
        %broadcast_in_dim3A_37 = vector.broadcast %broadcast_in_dim3A : f32 to vector<16xf32>
        %mul3A_38 = arith.constant 16 : i32
        %mul3A_39 = arith.muli %scan3A_36, %mul3A_38 : i32
        %swap3A = arith.index_cast %scan3A_27 : i32 to index
        %swap3A_40 = arith.index_cast %mul3A_39 : i32 to index
        %swap3A_41 = tpu.vector_load %arg5[%swap3A, %swap3A_40] {strides = array<i32>} : memref<128x64xf32, #tpu.memory_space<vmem>>, vector<1x16xf32>,
        %swap3A_42 = vector.shape_cast %swap3A_41 : vector<1x16xf32> to vector<16xf32>
        %swap3A_43 = vector.shape_cast %broadcast_in_dim3A_37 : vector<16xf32> to vector<1x16xf32>
        tpu.vector_store %arg5[%swap3A, %swap3A_40], %swap3A_43 {strides = array<i32>} : memref<128x64xf32, #tpu.memory_space<vmem>>, vector<1x16xf32>,
      }
      %scan3A_34 = arith.constant 4 : i32
      %scan3A_35 = arith.constant 0 : i32
      scf.yield %scan3A_35 : i32
    }
    %scan3A_5 = arith.constant 128 : i32
    %mul3A = arith.constant 640 : i32
    %mul3A_6 = arith.muli %arg1, %mul3A : i32
    %scan3A_7 = arith.constant 0 : i32
    %scan3A_8 = arith.constant 0 : i32
    %scan3A_9 = arith.constant 5 : i32
    %scan3A_10 = arith.addi %scan3A_8, %scan3A_9 : i32
    %scan3A_11 = arith.constant 1 : i32
    scf.for %scan3A_27 = %scan3A_8 to %scan3A_10 step %scan3A_11  : i32 {
      %mul3A_28 = arith.constant 128 : i32
      %mul3A_29 = arith.muli %scan3A_27, %mul3A_28 : i32
      %add3A = arith.addi %mul3A_6, %mul3A_29 : i32
      "tpu.region"() ({
        %run_scoped3A = tpu.sem_alloc : memref<!tpu.dma_semaphore, #tpu.memory_space<semaphore_mem>>
        %dma_start3A = arith.constant 0 : i32
        %dma_start3A_30 = tpu.memref_slice %arg6[%add3A, %dma_start3A] : memref<10240x64xf32, #tpu.memory_space<vmem_shared>> -> memref<128x64xf32, #tpu.memory_space<vmem_shared>>
        %dma_start3A_31 = arith.constant 0 : i32
        %dma_start3A_32 = tpu.memref_slice %arg6[%add3A, %dma_start3A_31] : memref<10240x64xf32, #tpu.memory_space<vmem_shared>> -> memref<128x64xf32, #tpu.memory_space<vmem_shared>>
        tpu.enqueue_dma source(%arg5 : memref<128x64xf32, #tpu.memory_space<vmem>>) target(%dma_start3A_32 : memref<128x64xf32, #tpu.memory_space<vmem_shared>>) target_semaphore(%run_scoped3A : memref<!tpu.dma_semaphore, #tpu.memory_space<semaphore_mem>>)
        %dma_wait3A = arith.constant 0 : i32
        %dma_wait3A_33 = tpu.memref_slice %arg6[%add3A, %dma_wait3A] : memref<10240x64xf32, #tpu.memory_space<vmem_shared>> -> memref<128x64xf32, #tpu.memory_space<vmem_shared>>
        %dma_wait3A_34 = arith.constant 0 : i32
        %dma_wait3A_35 = tpu.memref_slice %arg6[%add3A, %dma_wait3A_34] : memref<10240x64xf32, #tpu.memory_space<vmem_shared>> -> memref<128x64xf32, #tpu.memory_space<vmem_shared>>
        tpu.wait_dma2 semaphore(%run_scoped3A : memref<!tpu.dma_semaphore, #tpu.memory_space<semaphore_mem>>) src(%arg5 : memref<128x64xf32, #tpu.memory_space<vmem>>) dst(%dma_wait3A_35 : memref<128x64xf32, #tpu.memory_space<vmem_shared>>)
        tpu.yield
      }) : () -> ()
    }
    %scan3A_12 = arith.constant 5 : i32
    %scan3A_13 = arith.constant 0 : i32
    %scan3A_14 = arith.constant 0 : i32
    %scan3A_15 = arith.constant 128 : i32
    %scan3A_16 = arith.addi %scan3A_14, %scan3A_15 : i32
    %scan3A_17 = arith.constant 1 : i32
    %scan3A_18 = scf.for %scan3A_27 = %scan3A_14 to %scan3A_16 step %scan3A_17 iter_args(%scan3A_28 = %scan3A_13) -> (i32)  : i32 {
      %scan3A_29 = arith.constant 0 : i32
      %scan3A_30 = arith.constant 0 : i32
      %scan3A_31 = arith.constant 4 : i32
      %scan3A_32 = arith.addi %scan3A_30, %scan3A_31 : i32
      %scan3A_33 = arith.constant 1 : i32
      scf.for %scan3A_36 = %scan3A_30 to %scan3A_32 step %scan3A_33  : i32 {
        %broadcast_in_dim3A = arith.constant 1.000000e+00 : f32
        %broadcast_in_dim3A_37 = vector.broadcast %broadcast_in_dim3A : f32 to vector<16xf32>
        %mul3A_38 = arith.constant 16 : i32
        %mul3A_39 = arith.muli %scan3A_36, %mul3A_38 : i32
        %swap3A = arith.index_cast %scan3A_27 : i32 to index
        %swap3A_40 = arith.index_cast %mul3A_39 : i32 to index
        %swap3A_41 = tpu.vector_load %arg5[%swap3A, %swap3A_40] {strides = array<i32>} : memref<128x64xf32, #tpu.memory_space<vmem>>, vector<1x16xf32>,
        %swap3A_42 = vector.shape_cast %swap3A_41 : vector<1x16xf32> to vector<16xf32>
        %swap3A_43 = vector.shape_cast %broadcast_in_dim3A_37 : vector<16xf32> to vector<1x16xf32>
        tpu.vector_store %arg5[%swap3A, %swap3A_40], %swap3A_43 {strides = array<i32>} : memref<128x64xf32, #tpu.memory_space<vmem>>, vector<1x16xf32>,
      }
      %scan3A_34 = arith.constant 4 : i32
      %scan3A_35 = arith.constant 0 : i32
      scf.yield %scan3A_35 : i32
    }
    %scan3A_19 = arith.constant 128 : i32
    %barrier3A = arith.constant 0 : index
    tpu.barrier barrier_id(%barrier3A)
    %scan3A_20 = arith.constant 0 : i32
    %scan3A_21 = arith.constant 0 : i32
    %scan3A_22 = arith.constant 160 : i32
    %scan3A_23 = arith.addi %scan3A_21, %scan3A_22 : i32
    %scan3A_24 = arith.constant 1 : i32
    scf.for %scan3A_27 = %scan3A_21 to %scan3A_23 step %scan3A_24  : i32 {
      "tpu.region"() ({
        %run_scoped3A = tpu.sem_alloc : memref<!tpu.dma_semaphore, #tpu.memory_space<semaphore_mem>>
        %dma_start3A = arith.constant 0 : i32
        %dma_start3A_28 = tpu.memref_slice %arg4[%scan3A_27, %dma_start3A] : memref<160x128xi32, #tpu.memory_space<vmem>> -> memref<1x128xi32, #tpu.memory_space<vmem>>
        %dma_start3A_29 = tpu.memref_squeeze %dma_start3A_28 : memref<1x128xi32, #tpu.memory_space<vmem>> -> memref<128xi32, #tpu.memory_space<vmem>>
        %dma_start3A_30 = arith.constant 0 : i32
        %dma_start3A_31 = arith.constant 0 : i32
        %dma_start3A_32 = tpu.memref_slice %arg6[%dma_start3A_30, %dma_start3A_31] : memref<10240x64xf32, #tpu.memory_space<vmem_shared>> -> memref<10240x64xf32, #tpu.memory_space<vmem_shared>>
        tpu.enqueue_indirect_dma source(%arg5 : memref<128x64xf32, #tpu.memory_space<vmem>>) target(%dma_start3A_32 : memref<10240x64xf32, #tpu.memory_space<vmem_shared>>) offsets(%dma_start3A_29 : memref<128xi32, #tpu.memory_space<vmem>>) semaphore(%run_scoped3A : memref<!tpu.dma_semaphore, #tpu.memory_space<semaphore_mem>>) {add = true}
        %dma_wait3A = arith.constant 0 : i32
        %dma_wait3A_33 = tpu.memref_slice %arg4[%scan3A_27, %dma_wait3A] : memref<160x128xi32, #tpu.memory_space<vmem>> -> memref<1x128xi32, #tpu.memory_space<vmem>>
        %dma_wait3A_34 = tpu.memref_squeeze %dma_wait3A_33 : memref<1x128xi32, #tpu.memory_space<vmem>> -> memref<128xi32, #tpu.memory_space<vmem>>
        %dma_wait3A_35 = arith.constant 0 : i32
        %dma_wait3A_36 = arith.constant 0 : i32
        %dma_wait3A_37 = tpu.memref_slice %arg6[%dma_wait3A_35, %dma_wait3A_36] : memref<10240x64xf32, #tpu.memory_space<vmem_shared>> -> memref<10240x64xf32, #tpu.memory_space<vmem_shared>>
        tpu.wait_indirect_dma semaphore(%run_scoped3A : memref<!tpu.dma_semaphore, #tpu.memory_space<semaphore_mem>>) src(%arg5 : memref<128x64xf32, #tpu.memory_space<vmem>>) dst(%dma_wait3A_37 : memref<10240x64xf32, #tpu.memory_space<vmem_shared>>)
        tpu.yield
      }) : () -> ()
    }
    %scan3A_25 = arith.constant 160 : i32
    %barrier3A_26 = arith.constant 0 : index
    tpu.barrier barrier_id(%barrier3A_26)
    "tpu.region"() ({
      %run_scoped3A = tpu.sem_alloc : memref<!tpu.dma_semaphore, #tpu.memory_space<semaphore_mem>>
      %dma_start3A = arith.constant 0 : i32
      %dma_start3A_27 = tpu.memref_slice %arg3[%arg0, %mul3A_6, %dma_start3A] : memref<2x10240x64xf32, #tpu.memory_space<hbm>> -> memref<1x640x64xf32, #tpu.memory_space<hbm>>
      %dma_start3A_28 = tpu.memref_squeeze %dma_start3A_27 : memref<1x640x64xf32, #tpu.memory_space<hbm>> -> memref<640x64xf32, #tpu.memory_space<hbm>>
      %dma_start3A_29 = arith.constant 0 : i32
      %dma_start3A_30 = tpu.memref_slice %arg6[%mul3A_6, %dma_start3A_29] : memref<10240x64xf32, #tpu.memory_space<vmem_shared>> -> memref<640x64xf32, #tpu.memory_space<vmem_shared>>
      tpu.enqueue_dma source(%dma_start3A_30 : memref<640x64xf32, #tpu.memory_space<vmem_shared>>) target(%dma_start3A_28 : memref<640x64xf32, #tpu.memory_space<hbm>>) target_semaphore(%run_scoped3A : memref<!tpu.dma_semaphore, #tpu.memory_space<semaphore_mem>>)
      %dma_wait3A = arith.constant 0 : i32
      %dma_wait3A_31 = tpu.memref_slice %arg3[%arg0, %mul3A_6, %dma_wait3A] : memref<2x10240x64xf32, #tpu.memory_space<hbm>> -> memref<1x640x64xf32, #tpu.memory_space<hbm>>
      %dma_wait3A_32 = tpu.memref_squeeze %dma_wait3A_31 : memref<1x640x64xf32, #tpu.memory_space<hbm>> -> memref<640x64xf32, #tpu.memory_space<hbm>>
      %dma_wait3A_33 = arith.constant 0 : i32
      %dma_wait3A_34 = tpu.memref_slice %arg6[%mul3A_6, %dma_wait3A_33] : memref<10240x64xf32, #tpu.memory_space<vmem_shared>> -> memref<640x64xf32, #tpu.memory_space<vmem_shared>>
      tpu.wait_dma2 semaphore(%run_scoped3A : memref<!tpu.dma_semaphore, #tpu.memory_space<semaphore_mem>>) src(%dma_wait3A_34 : memref<640x64xf32, #tpu.memory_space<vmem_shared>>) dst(%dma_wait3A_32 : memref<640x64xf32, #tpu.memory_space<hbm>>)
      tpu.yield
    }) : () -> ()
    return
  }
}

#map = affine_map<(d0, d1) -> (0, 0)>
#map1 = affine_map<(d0, d1) -> (0, 0, 0, 0)>
module attributes {stable_mosaic.version = 14 : i64} {
  func.func @_agg_body(%arg0: i32, %arg1: i32, %arg2: memref<20000x64xf32, #tpu.memory_space<hbm>>, %arg3: memref<20000x64xf32, #tpu.memory_space<hbm>>, %arg4: memref<2x16x160x128xi32, #tpu.memory_space<hbm>>, %arg5: memref<2x16x160x128xi32, #tpu.memory_space<hbm>>, %arg6: memref<2x2x10240x64xf32, #tpu.memory_space<hbm>>, %arg7: memref<160x128xi32, #tpu.memory_space<vmem>>, %arg8: memref<160x128xi32, #tpu.memory_space<vmem>>, %arg9: memref<128x64xf32, #tpu.memory_space<vmem>>, %arg10: memref<128x64xf32, #tpu.memory_space<vmem>>, %arg11: memref<128x64xf32, #tpu.memory_space<vmem>>, %arg12: memref<128x64xf32, #tpu.memory_space<vmem>>, %arg13: memref<128x64xf32, #tpu.memory_space<vmem>>, %arg14: memref<10240x64xf32, #tpu.memory_space<vmem_shared>>, %arg15: memref<!tpu.dma_semaphore, #tpu.memory_space<semaphore_mem>>, %arg16: memref<!tpu.dma_semaphore, #tpu.memory_space<semaphore_mem>>, %arg17: memref<!tpu.dma_semaphore, #tpu.memory_space<semaphore_mem>>, %arg18: memref<!tpu.dma_semaphore, #tpu.memory_space<semaphore_mem>>, %arg19: memref<!tpu.dma_semaphore, #tpu.memory_space<semaphore_mem>>, %arg20: memref<!tpu.dma_semaphore, #tpu.memory_space<semaphore_mem>>, %arg21: memref<!tpu.dma_semaphore, #tpu.memory_space<semaphore_mem>>, %arg22: memref<!tpu.dma_semaphore, #tpu.memory_space<semaphore_mem>>, %arg23: memref<!tpu.dma_semaphore, #tpu.memory_space<semaphore_mem>>, %arg24: memref<!tpu.dma_semaphore, #tpu.memory_space<semaphore_mem>>) attributes {dimension_semantics = [#tpu.dimension_semantics<core_parallel>, #tpu.dimension_semantics<subcore_parallel>], iteration_bounds = array<i64: 2, 16>, scalar_prefetch = 0 : i64, scratch_operands = 18 : i64, tpu.core_type = #tpu.core_type<sc_vector_subcore>, window_params = [{transform_indices = #map}, {transform_indices = #map}, {transform_indices = #map1}, {transform_indices = #map1}, {transform_indices = #map1}]} {
    "tpu.region"() ({
      %run_scoped3A_110 = tpu.sem_alloc : memref<!tpu.dma_semaphore, #tpu.memory_space<semaphore_mem>>
      %dma_start3A_111 = arith.constant 0 : i32
      %dma_start3A_112 = arith.constant 0 : i32
      %dma_start3A_113 = tpu.memref_slice %arg4[%arg0, %arg1, %dma_start3A_111, %dma_start3A_112] : memref<2x16x160x128xi32, #tpu.memory_space<hbm>> -> memref<1x1x160x128xi32, #tpu.memory_space<hbm>>
      %dma_start3A_114 = tpu.memref_squeeze %dma_start3A_113 : memref<1x1x160x128xi32, #tpu.memory_space<hbm>> -> memref<160x128xi32, #tpu.memory_space<hbm>>
      %dma_start3A_115 = arith.constant 0 : i32
      %dma_start3A_116 = arith.constant 0 : i32
      %dma_start3A_117 = tpu.memref_slice %arg4[%arg0, %arg1, %dma_start3A_115, %dma_start3A_116] : memref<2x16x160x128xi32, #tpu.memory_space<hbm>> -> memref<1x1x160x128xi32, #tpu.memory_space<hbm>>
      %dma_start3A_118 = tpu.memref_squeeze %dma_start3A_117 : memref<1x1x160x128xi32, #tpu.memory_space<hbm>> -> memref<160x128xi32, #tpu.memory_space<hbm>>
      tpu.enqueue_dma source(%dma_start3A_118 : memref<160x128xi32, #tpu.memory_space<hbm>>) target(%arg7 : memref<160x128xi32, #tpu.memory_space<vmem>>) target_semaphore(%run_scoped3A_110 : memref<!tpu.dma_semaphore, #tpu.memory_space<semaphore_mem>>)
      %dma_wait3A_119 = arith.constant 0 : i32
      %dma_wait3A_120 = arith.constant 0 : i32
      %dma_wait3A_121 = tpu.memref_slice %arg4[%arg0, %arg1, %dma_wait3A_119, %dma_wait3A_120] : memref<2x16x160x128xi32, #tpu.memory_space<hbm>> -> memref<1x1x160x128xi32, #tpu.memory_space<hbm>>
      %dma_wait3A_122 = tpu.memref_squeeze %dma_wait3A_121 : memref<1x1x160x128xi32, #tpu.memory_space<hbm>> -> memref<160x128xi32, #tpu.memory_space<hbm>>
      %dma_wait3A_123 = arith.constant 0 : i32
      %dma_wait3A_124 = arith.constant 0 : i32
      %dma_wait3A_125 = tpu.memref_slice %arg4[%arg0, %arg1, %dma_wait3A_123, %dma_wait3A_124] : memref<2x16x160x128xi32, #tpu.memory_space<hbm>> -> memref<1x1x160x128xi32, #tpu.memory_space<hbm>>
      %dma_wait3A_126 = tpu.memref_squeeze %dma_wait3A_125 : memref<1x1x160x128xi32, #tpu.memory_space<hbm>> -> memref<160x128xi32, #tpu.memory_space<hbm>>
      tpu.wait_dma2 semaphore(%run_scoped3A_110 : memref<!tpu.dma_semaphore, #tpu.memory_space<semaphore_mem>>) src(%dma_wait3A_126 : memref<160x128xi32, #tpu.memory_space<hbm>>) dst(%arg7 : memref<160x128xi32, #tpu.memory_space<vmem>>)
      tpu.yield
    }) : () -> ()
    "tpu.region"() ({
      %run_scoped3A_110 = tpu.sem_alloc : memref<!tpu.dma_semaphore, #tpu.memory_space<semaphore_mem>>
      %dma_start3A_111 = arith.constant 0 : i32
      %dma_start3A_112 = arith.constant 0 : i32
      %dma_start3A_113 = tpu.memref_slice %arg5[%arg0, %arg1, %dma_start3A_111, %dma_start3A_112] : memref<2x16x160x128xi32, #tpu.memory_space<hbm>> -> memref<1x1x160x128xi32, #tpu.memory_space<hbm>>
      %dma_start3A_114 = tpu.memref_squeeze %dma_start3A_113 : memref<1x1x160x128xi32, #tpu.memory_space<hbm>> -> memref<160x128xi32, #tpu.memory_space<hbm>>
      %dma_start3A_115 = arith.constant 0 : i32
      %dma_start3A_116 = arith.constant 0 : i32
      %dma_start3A_117 = tpu.memref_slice %arg5[%arg0, %arg1, %dma_start3A_115, %dma_start3A_116] : memref<2x16x160x128xi32, #tpu.memory_space<hbm>> -> memref<1x1x160x128xi32, #tpu.memory_space<hbm>>
      %dma_start3A_118 = tpu.memref_squeeze %dma_start3A_117 : memref<1x1x160x128xi32, #tpu.memory_space<hbm>> -> memref<160x128xi32, #tpu.memory_space<hbm>>
      tpu.enqueue_dma source(%dma_start3A_118 : memref<160x128xi32, #tpu.memory_space<hbm>>) target(%arg8 : memref<160x128xi32, #tpu.memory_space<vmem>>) target_semaphore(%run_scoped3A_110 : memref<!tpu.dma_semaphore, #tpu.memory_space<semaphore_mem>>)
      %dma_wait3A_119 = arith.constant 0 : i32
      %dma_wait3A_120 = arith.constant 0 : i32
      %dma_wait3A_121 = tpu.memref_slice %arg5[%arg0, %arg1, %dma_wait3A_119, %dma_wait3A_120] : memref<2x16x160x128xi32, #tpu.memory_space<hbm>> -> memref<1x1x160x128xi32, #tpu.memory_space<hbm>>
      %dma_wait3A_122 = tpu.memref_squeeze %dma_wait3A_121 : memref<1x1x160x128xi32, #tpu.memory_space<hbm>> -> memref<160x128xi32, #tpu.memory_space<hbm>>
      %dma_wait3A_123 = arith.constant 0 : i32
      %dma_wait3A_124 = arith.constant 0 : i32
      %dma_wait3A_125 = tpu.memref_slice %arg5[%arg0, %arg1, %dma_wait3A_123, %dma_wait3A_124] : memref<2x16x160x128xi32, #tpu.memory_space<hbm>> -> memref<1x1x160x128xi32, #tpu.memory_space<hbm>>
      %dma_wait3A_126 = tpu.memref_squeeze %dma_wait3A_125 : memref<1x1x160x128xi32, #tpu.memory_space<hbm>> -> memref<160x128xi32, #tpu.memory_space<hbm>>
      tpu.wait_dma2 semaphore(%run_scoped3A_110 : memref<!tpu.dma_semaphore, #tpu.memory_space<semaphore_mem>>) src(%dma_wait3A_126 : memref<160x128xi32, #tpu.memory_space<hbm>>) dst(%arg8 : memref<160x128xi32, #tpu.memory_space<vmem>>)
      tpu.yield
    }) : () -> ()
    %mul3A = arith.constant 640 : i32
    %mul3A_0 = arith.muli %arg1, %mul3A : i32
    %scan3A = arith.constant 0 : i32
    %scan3A_1 = arith.constant 0 : i32
    %scan3A_2 = arith.constant 128 : i32
    %scan3A_3 = arith.addi %scan3A_1, %scan3A_2 : i32
    %scan3A_4 = arith.constant 1 : i32
    %scan3A_5 = scf.for %scan3A_110 = %scan3A_1 to %scan3A_3 step %scan3A_4 iter_args(%scan3A_111 = %scan3A) -> (i32)  : i32 {
      %scan3A_112 = arith.constant 0 : i32
      %scan3A_113 = arith.constant 0 : i32
      %scan3A_114 = arith.constant 4 : i32
      %scan3A_115 = arith.addi %scan3A_113, %scan3A_114 : i32
      %scan3A_116 = arith.constant 1 : i32
      scf.for %scan3A_119 = %scan3A_113 to %scan3A_115 step %scan3A_116  : i32 {
        %broadcast_in_dim3A = arith.constant 0.000000e+00 : f32
        %broadcast_in_dim3A_120 = vector.broadcast %broadcast_in_dim3A : f32 to vector<16xf32>
        %mul3A_121 = arith.constant 16 : i32
        %mul3A_122 = arith.muli %scan3A_119, %mul3A_121 : i32
        %swap3A = arith.index_cast %scan3A_110 : i32 to index
        %swap3A_123 = arith.index_cast %mul3A_122 : i32 to index
        %swap3A_124 = tpu.vector_load %arg9[%swap3A, %swap3A_123] {strides = array<i32>} : memref<128x64xf32, #tpu.memory_space<vmem>>, vector<1x16xf32>,
        %swap3A_125 = vector.shape_cast %swap3A_124 : vector<1x16xf32> to vector<16xf32>
        %swap3A_126 = vector.shape_cast %broadcast_in_dim3A_120 : vector<16xf32> to vector<1x16xf32>
        tpu.vector_store %arg9[%swap3A, %swap3A_123], %swap3A_126 {strides = array<i32>} : memref<128x64xf32, #tpu.memory_space<vmem>>, vector<1x16xf32>,
      }
      %scan3A_117 = arith.constant 4 : i32
      %scan3A_118 = arith.constant 0 : i32
      scf.yield %scan3A_118 : i32
    }
    %scan3A_6 = arith.constant 128 : i32
    %scan3A_7 = arith.constant 0 : i32
    %scan3A_8 = arith.constant 0 : i32
    %scan3A_9 = arith.constant 5 : i32
    %scan3A_10 = arith.addi %scan3A_8, %scan3A_9 : i32
    %scan3A_11 = arith.constant 1 : i32
    scf.for %scan3A_110 = %scan3A_8 to %scan3A_10 step %scan3A_11  : i32 {
      %mul3A_111 = arith.constant 128 : i32
      %mul3A_112 = arith.muli %scan3A_110, %mul3A_111 : i32
      %add3A = arith.addi %mul3A_0, %mul3A_112 : i32
      "tpu.region"() ({
        %run_scoped3A_113 = tpu.sem_alloc : memref<!tpu.dma_semaphore, #tpu.memory_space<semaphore_mem>>
        %dma_start3A_114 = arith.constant 0 : i32
        %dma_start3A_115 = tpu.memref_slice %arg14[%add3A, %dma_start3A_114] : memref<10240x64xf32, #tpu.memory_space<vmem_shared>> -> memref<128x64xf32, #tpu.memory_space<vmem_shared>>
        %dma_start3A_116 = arith.constant 0 : i32
        %dma_start3A_117 = tpu.memref_slice %arg14[%add3A, %dma_start3A_116] : memref<10240x64xf32, #tpu.memory_space<vmem_shared>> -> memref<128x64xf32, #tpu.memory_space<vmem_shared>>
        tpu.enqueue_dma source(%arg9 : memref<128x64xf32, #tpu.memory_space<vmem>>) target(%dma_start3A_117 : memref<128x64xf32, #tpu.memory_space<vmem_shared>>) target_semaphore(%run_scoped3A_113 : memref<!tpu.dma_semaphore, #tpu.memory_space<semaphore_mem>>)
        %dma_wait3A_118 = arith.constant 0 : i32
        %dma_wait3A_119 = tpu.memref_slice %arg14[%add3A, %dma_wait3A_118] : memref<10240x64xf32, #tpu.memory_space<vmem_shared>> -> memref<128x64xf32, #tpu.memory_space<vmem_shared>>
        %dma_wait3A_120 = arith.constant 0 : i32
        %dma_wait3A_121 = tpu.memref_slice %arg14[%add3A, %dma_wait3A_120] : memref<10240x64xf32, #tpu.memory_space<vmem_shared>> -> memref<128x64xf32, #tpu.memory_space<vmem_shared>>
        tpu.wait_dma2 semaphore(%run_scoped3A_113 : memref<!tpu.dma_semaphore, #tpu.memory_space<semaphore_mem>>) src(%arg9 : memref<128x64xf32, #tpu.memory_space<vmem>>) dst(%dma_wait3A_121 : memref<128x64xf32, #tpu.memory_space<vmem_shared>>)
        tpu.yield
      }) : () -> ()
    }
    %scan3A_12 = arith.constant 5 : i32
    %dma_start3A = arith.constant 0 : i32
    %dma_start3A_13 = arith.constant 0 : i32
    %dma_start3A_14 = tpu.memref_slice %arg7[%dma_start3A, %dma_start3A_13] : memref<160x128xi32, #tpu.memory_space<vmem>> -> memref<1x128xi32, #tpu.memory_space<vmem>>
    %dma_start3A_15 = tpu.memref_squeeze %dma_start3A_14 : memref<1x128xi32, #tpu.memory_space<vmem>> -> memref<128xi32, #tpu.memory_space<vmem>>
    %dma_start3A_16 = arith.constant 0 : i32
    %dma_start3A_17 = arith.constant 0 : i32
    %dma_start3A_18 = tpu.memref_slice %arg2[%dma_start3A_16, %dma_start3A_17] : memref<20000x64xf32, #tpu.memory_space<hbm>> -> memref<20000x64xf32, #tpu.memory_space<hbm>>
    tpu.enqueue_indirect_dma source(%dma_start3A_18 : memref<20000x64xf32, #tpu.memory_space<hbm>>) target(%arg9 : memref<128x64xf32, #tpu.memory_space<vmem>>) offsets(%dma_start3A_15 : memref<128xi32, #tpu.memory_space<vmem>>) semaphore(%arg15 : memref<!tpu.dma_semaphore, #tpu.memory_space<semaphore_mem>>)
    %dma_start3A_19 = arith.constant 1 : i32
    %dma_start3A_20 = arith.constant 0 : i32
    %dma_start3A_21 = tpu.memref_slice %arg7[%dma_start3A_19, %dma_start3A_20] : memref<160x128xi32, #tpu.memory_space<vmem>> -> memref<1x128xi32, #tpu.memory_space<vmem>>
    %dma_start3A_22 = tpu.memref_squeeze %dma_start3A_21 : memref<1x128xi32, #tpu.memory_space<vmem>> -> memref<128xi32, #tpu.memory_space<vmem>>
    %dma_start3A_23 = arith.constant 0 : i32
    %dma_start3A_24 = arith.constant 0 : i32
    %dma_start3A_25 = tpu.memref_slice %arg2[%dma_start3A_23, %dma_start3A_24] : memref<20000x64xf32, #tpu.memory_space<hbm>> -> memref<20000x64xf32, #tpu.memory_space<hbm>>
    tpu.enqueue_indirect_dma source(%dma_start3A_25 : memref<20000x64xf32, #tpu.memory_space<hbm>>) target(%arg10 : memref<128x64xf32, #tpu.memory_space<vmem>>) offsets(%dma_start3A_22 : memref<128xi32, #tpu.memory_space<vmem>>) semaphore(%arg16 : memref<!tpu.dma_semaphore, #tpu.memory_space<semaphore_mem>>)
    %dma_start3A_26 = arith.constant 2 : i32
    %dma_start3A_27 = arith.constant 0 : i32
    %dma_start3A_28 = tpu.memref_slice %arg7[%dma_start3A_26, %dma_start3A_27] : memref<160x128xi32, #tpu.memory_space<vmem>> -> memref<1x128xi32, #tpu.memory_space<vmem>>
    %dma_start3A_29 = tpu.memref_squeeze %dma_start3A_28 : memref<1x128xi32, #tpu.memory_space<vmem>> -> memref<128xi32, #tpu.memory_space<vmem>>
    %dma_start3A_30 = arith.constant 0 : i32
    %dma_start3A_31 = arith.constant 0 : i32
    %dma_start3A_32 = tpu.memref_slice %arg2[%dma_start3A_30, %dma_start3A_31] : memref<20000x64xf32, #tpu.memory_space<hbm>> -> memref<20000x64xf32, #tpu.memory_space<hbm>>
    tpu.enqueue_indirect_dma source(%dma_start3A_32 : memref<20000x64xf32, #tpu.memory_space<hbm>>) target(%arg11 : memref<128x64xf32, #tpu.memory_space<vmem>>) offsets(%dma_start3A_29 : memref<128xi32, #tpu.memory_space<vmem>>) semaphore(%arg17 : memref<!tpu.dma_semaphore, #tpu.memory_space<semaphore_mem>>)
    %dma_start3A_33 = arith.constant 3 : i32
    %dma_start3A_34 = arith.constant 0 : i32
    %dma_start3A_35 = tpu.memref_slice %arg7[%dma_start3A_33, %dma_start3A_34] : memref<160x128xi32, #tpu.memory_space<vmem>> -> memref<1x128xi32, #tpu.memory_space<vmem>>
    %dma_start3A_36 = tpu.memref_squeeze %dma_start3A_35 : memref<1x128xi32, #tpu.memory_space<vmem>> -> memref<128xi32, #tpu.memory_space<vmem>>
    %dma_start3A_37 = arith.constant 0 : i32
    %dma_start3A_38 = arith.constant 0 : i32
    %dma_start3A_39 = tpu.memref_slice %arg2[%dma_start3A_37, %dma_start3A_38] : memref<20000x64xf32, #tpu.memory_space<hbm>> -> memref<20000x64xf32, #tpu.memory_space<hbm>>
    tpu.enqueue_indirect_dma source(%dma_start3A_39 : memref<20000x64xf32, #tpu.memory_space<hbm>>) target(%arg12 : memref<128x64xf32, #tpu.memory_space<vmem>>) offsets(%dma_start3A_36 : memref<128xi32, #tpu.memory_space<vmem>>) semaphore(%arg18 : memref<!tpu.dma_semaphore, #tpu.memory_space<semaphore_mem>>)
    %barrier3A = arith.constant 0 : index
    tpu.barrier barrier_id(%barrier3A)
    %scan3A_40 = arith.constant 0 : i32
    %scan3A_41 = arith.constant 0 : i32
    %scan3A_42 = arith.constant 32 : i32
    %scan3A_43 = arith.addi %scan3A_41, %scan3A_42 : i32
    %scan3A_44 = arith.constant 1 : i32
    scf.for %scan3A_110 = %scan3A_41 to %scan3A_43 step %scan3A_44  : i32 {
      %mul3A_111 = arith.constant 5 : i32
      %mul3A_112 = arith.muli %scan3A_110, %mul3A_111 : i32
      %add3A = arith.constant 0 : i32
      %add3A_113 = arith.addi %mul3A_112, %add3A : i32
      %dma_wait3A_114 = arith.constant 0 : i32
      %dma_wait3A_115 = tpu.memref_slice %arg7[%add3A_113, %dma_wait3A_114] : memref<160x128xi32, #tpu.memory_space<vmem>> -> memref<1x128xi32, #tpu.memory_space<vmem>>
      %dma_wait3A_116 = tpu.memref_squeeze %dma_wait3A_115 : memref<1x128xi32, #tpu.memory_space<vmem>> -> memref<128xi32, #tpu.memory_space<vmem>>
      %dma_wait3A_117 = arith.constant 0 : i32
      %dma_wait3A_118 = arith.constant 0 : i32
      %dma_wait3A_119 = tpu.memref_slice %arg2[%dma_wait3A_117, %dma_wait3A_118] : memref<20000x64xf32, #tpu.memory_space<hbm>> -> memref<20000x64xf32, #tpu.memory_space<hbm>>
      tpu.wait_indirect_dma semaphore(%arg15 : memref<!tpu.dma_semaphore, #tpu.memory_space<semaphore_mem>>) src(%dma_wait3A_119 : memref<20000x64xf32, #tpu.memory_space<hbm>>) dst(%arg9 : memref<128x64xf32, #tpu.memory_space<vmem>>)
      %dma_start3A_120 = arith.constant 0 : i32
      %dma_start3A_121 = tpu.memref_slice %arg8[%add3A_113, %dma_start3A_120] : memref<160x128xi32, #tpu.memory_space<vmem>> -> memref<1x128xi32, #tpu.memory_space<vmem>>
      %dma_start3A_122 = tpu.memref_squeeze %dma_start3A_121 : memref<1x128xi32, #tpu.memory_space<vmem>> -> memref<128xi32, #tpu.memory_space<vmem>>
      %dma_start3A_123 = arith.constant 0 : i32
      %dma_start3A_124 = arith.constant 0 : i32
      %dma_start3A_125 = tpu.memref_slice %arg14[%dma_start3A_123, %dma_start3A_124] : memref<10240x64xf32, #tpu.memory_space<vmem_shared>> -> memref<10240x64xf32, #tpu.memory_space<vmem_shared>>
      tpu.enqueue_indirect_dma source(%arg9 : memref<128x64xf32, #tpu.memory_space<vmem>>) target(%dma_start3A_125 : memref<10240x64xf32, #tpu.memory_space<vmem_shared>>) offsets(%dma_start3A_122 : memref<128xi32, #tpu.memory_space<vmem>>) semaphore(%arg20 : memref<!tpu.dma_semaphore, #tpu.memory_space<semaphore_mem>>) {add = true}
      %ge3A = arith.constant 1 : i32
      %ge3A_126 = arith.cmpi sge, %add3A_113, %ge3A : i32
      %convert_element_type3A = arith.extui %ge3A_126 : i1 to i32
      %cond3A = arith.constant 0 : i32
      %cond3A_127 = arith.cmpi ne, %convert_element_type3A, %cond3A : i32
      scf.if %cond3A_127 {
        %sub3A_255 = arith.constant 1 : i32
        %sub3A_256 = arith.subi %add3A_113, %sub3A_255 : i32
        %dma_wait3A_257 = arith.constant 0 : i32
        %dma_wait3A_258 = tpu.memref_slice %arg8[%sub3A_256, %dma_wait3A_257] : memref<160x128xi32, #tpu.memory_space<vmem>> -> memref<1x128xi32, #tpu.memory_space<vmem>>
        %dma_wait3A_259 = tpu.memref_squeeze %dma_wait3A_258 : memref<1x128xi32, #tpu.memory_space<vmem>> -> memref<128xi32, #tpu.memory_space<vmem>>
        %dma_wait3A_260 = arith.constant 0 : i32
        %dma_wait3A_261 = arith.constant 0 : i32
        %dma_wait3A_262 = tpu.memref_slice %arg14[%dma_wait3A_260, %dma_wait3A_261] : memref<10240x64xf32, #tpu.memory_space<vmem_shared>> -> memref<10240x64xf32, #tpu.memory_space<vmem_shared>>
        tpu.wait_indirect_dma semaphore(%arg24 : memref<!tpu.dma_semaphore, #tpu.memory_space<semaphore_mem>>) src(%arg13 : memref<128x64xf32, #tpu.memory_space<vmem>>) dst(%dma_wait3A_262 : memref<10240x64xf32, #tpu.memory_space<vmem_shared>>)
      } else {
      }
      %add3A_128 = arith.constant 5 : i32
      %add3A_129 = arith.addi %add3A_113, %add3A_128 : i32
      %sub3A = arith.constant 1 : i32
      %sub3A_130 = arith.subi %add3A_129, %sub3A : i32
      %lt3A = arith.constant 160 : i32
      %lt3A_131 = arith.cmpi slt, %sub3A_130, %lt3A : i32
      %convert_element_type3A_132 = arith.extui %lt3A_131 : i1 to i32
      %cond3A_133 = arith.constant 0 : i32
      %cond3A_134 = arith.cmpi ne, %convert_element_type3A_132, %cond3A_133 : i32
      scf.if %cond3A_134 {
        %add3A_255 = arith.constant 5 : i32
        %add3A_256 = arith.addi %add3A_113, %add3A_255 : i32
        %sub3A_257 = arith.constant 1 : i32
        %sub3A_258 = arith.subi %add3A_256, %sub3A_257 : i32
        %dma_start3A_259 = arith.constant 0 : i32
        %dma_start3A_260 = tpu.memref_slice %arg7[%sub3A_258, %dma_start3A_259] : memref<160x128xi32, #tpu.memory_space<vmem>> -> memref<1x128xi32, #tpu.memory_space<vmem>>
        %dma_start3A_261 = tpu.memref_squeeze %dma_start3A_260 : memref<1x128xi32, #tpu.memory_space<vmem>> -> memref<128xi32, #tpu.memory_space<vmem>>
        %dma_start3A_262 = arith.constant 0 : i32
        %dma_start3A_263 = arith.constant 0 : i32
        %dma_start3A_264 = tpu.memref_slice %arg2[%dma_start3A_262, %dma_start3A_263] : memref<20000x64xf32, #tpu.memory_space<hbm>> -> memref<20000x64xf32, #tpu.memory_space<hbm>>
        tpu.enqueue_indirect_dma source(%dma_start3A_264 : memref<20000x64xf32, #tpu.memory_space<hbm>>) target(%arg13 : memref<128x64xf32, #tpu.memory_space<vmem>>) offsets(%dma_start3A_261 : memref<128xi32, #tpu.memory_space<vmem>>) semaphore(%arg19 : memref<!tpu.dma_semaphore, #tpu.memory_space<semaphore_mem>>)
      } else {
      }
      %mul3A_135 = arith.constant 5 : i32
      %mul3A_136 = arith.muli %scan3A_110, %mul3A_135 : i32
      %add3A_137 = arith.constant 1 : i32
      %add3A_138 = arith.addi %mul3A_136, %add3A_137 : i32
      %dma_wait3A_139 = arith.constant 0 : i32
      %dma_wait3A_140 = tpu.memref_slice %arg7[%add3A_138, %dma_wait3A_139] : memref<160x128xi32, #tpu.memory_space<vmem>> -> memref<1x128xi32, #tpu.memory_space<vmem>>
      %dma_wait3A_141 = tpu.memref_squeeze %dma_wait3A_140 : memref<1x128xi32, #tpu.memory_space<vmem>> -> memref<128xi32, #tpu.memory_space<vmem>>
      %dma_wait3A_142 = arith.constant 0 : i32
      %dma_wait3A_143 = arith.constant 0 : i32
      %dma_wait3A_144 = tpu.memref_slice %arg2[%dma_wait3A_142, %dma_wait3A_143] : memref<20000x64xf32, #tpu.memory_space<hbm>> -> memref<20000x64xf32, #tpu.memory_space<hbm>>
      tpu.wait_indirect_dma semaphore(%arg16 : memref<!tpu.dma_semaphore, #tpu.memory_space<semaphore_mem>>) src(%dma_wait3A_144 : memref<20000x64xf32, #tpu.memory_space<hbm>>) dst(%arg10 : memref<128x64xf32, #tpu.memory_space<vmem>>)
      %dma_start3A_145 = arith.constant 0 : i32
      %dma_start3A_146 = tpu.memref_slice %arg8[%add3A_138, %dma_start3A_145] : memref<160x128xi32, #tpu.memory_space<vmem>> -> memref<1x128xi32, #tpu.memory_space<vmem>>
      %dma_start3A_147 = tpu.memref_squeeze %dma_start3A_146 : memref<1x128xi32, #tpu.memory_space<vmem>> -> memref<128xi32, #tpu.memory_space<vmem>>
      %dma_start3A_148 = arith.constant 0 : i32
      %dma_start3A_149 = arith.constant 0 : i32
      %dma_start3A_150 = tpu.memref_slice %arg14[%dma_start3A_148, %dma_start3A_149] : memref<10240x64xf32, #tpu.memory_space<vmem_shared>> -> memref<10240x64xf32, #tpu.memory_space<vmem_shared>>
      tpu.enqueue_indirect_dma source(%arg10 : memref<128x64xf32, #tpu.memory_space<vmem>>) target(%dma_start3A_150 : memref<10240x64xf32, #tpu.memory_space<vmem_shared>>) offsets(%dma_start3A_147 : memref<128xi32, #tpu.memory_space<vmem>>) semaphore(%arg21 : memref<!tpu.dma_semaphore, #tpu.memory_space<semaphore_mem>>) {add = true}
      %ge3A_151 = arith.constant 1 : i32
      %ge3A_152 = arith.cmpi sge, %add3A_138, %ge3A_151 : i32
      %convert_element_type3A_153 = arith.extui %ge3A_152 : i1 to i32
      %cond3A_154 = arith.constant 0 : i32
      %cond3A_155 = arith.cmpi ne, %convert_element_type3A_153, %cond3A_154 : i32
      scf.if %cond3A_155 {
        %sub3A_255 = arith.constant 1 : i32
        %sub3A_256 = arith.subi %add3A_138, %sub3A_255 : i32
        %dma_wait3A_257 = arith.constant 0 : i32
        %dma_wait3A_258 = tpu.memref_slice %arg8[%sub3A_256, %dma_wait3A_257] : memref<160x128xi32, #tpu.memory_space<vmem>> -> memref<1x128xi32, #tpu.memory_space<vmem>>
        %dma_wait3A_259 = tpu.memref_squeeze %dma_wait3A_258 : memref<1x128xi32, #tpu.memory_space<vmem>> -> memref<128xi32, #tpu.memory_space<vmem>>
        %dma_wait3A_260 = arith.constant 0 : i32
        %dma_wait3A_261 = arith.constant 0 : i32
        %dma_wait3A_262 = tpu.memref_slice %arg14[%dma_wait3A_260, %dma_wait3A_261] : memref<10240x64xf32, #tpu.memory_space<vmem_shared>> -> memref<10240x64xf32, #tpu.memory_space<vmem_shared>>
        tpu.wait_indirect_dma semaphore(%arg20 : memref<!tpu.dma_semaphore, #tpu.memory_space<semaphore_mem>>) src(%arg9 : memref<128x64xf32, #tpu.memory_space<vmem>>) dst(%dma_wait3A_262 : memref<10240x64xf32, #tpu.memory_space<vmem_shared>>)
      } else {
      }
      %add3A_156 = arith.constant 5 : i32
      %add3A_157 = arith.addi %add3A_138, %add3A_156 : i32
      %sub3A_158 = arith.constant 1 : i32
      %sub3A_159 = arith.subi %add3A_157, %sub3A_158 : i32
      %lt3A_160 = arith.constant 160 : i32
      %lt3A_161 = arith.cmpi slt, %sub3A_159, %lt3A_160 : i32
      %convert_element_type3A_162 = arith.extui %lt3A_161 : i1 to i32
      %cond3A_163 = arith.constant 0 : i32
      %cond3A_164 = arith.cmpi ne, %convert_element_type3A_162, %cond3A_163 : i32
      scf.if %cond3A_164 {
        %add3A_255 = arith.constant 5 : i32
        %add3A_256 = arith.addi %add3A_138, %add3A_255 : i32
        %sub3A_257 = arith.constant 1 : i32
        %sub3A_258 = arith.subi %add3A_256, %sub3A_257 : i32
        %dma_start3A_259 = arith.constant 0 : i32
        %dma_start3A_260 = tpu.memref_slice %arg7[%sub3A_258, %dma_start3A_259] : memref<160x128xi32, #tpu.memory_space<vmem>> -> memref<1x128xi32, #tpu.memory_space<vmem>>
        %dma_start3A_261 = tpu.memref_squeeze %dma_start3A_260 : memref<1x128xi32, #tpu.memory_space<vmem>> -> memref<128xi32, #tpu.memory_space<vmem>>
        %dma_start3A_262 = arith.constant 0 : i32
        %dma_start3A_263 = arith.constant 0 : i32
        %dma_start3A_264 = tpu.memref_slice %arg2[%dma_start3A_262, %dma_start3A_263] : memref<20000x64xf32, #tpu.memory_space<hbm>> -> memref<20000x64xf32, #tpu.memory_space<hbm>>
        tpu.enqueue_indirect_dma source(%dma_start3A_264 : memref<20000x64xf32, #tpu.memory_space<hbm>>) target(%arg9 : memref<128x64xf32, #tpu.memory_space<vmem>>) offsets(%dma_start3A_261 : memref<128xi32, #tpu.memory_space<vmem>>) semaphore(%arg15 : memref<!tpu.dma_semaphore, #tpu.memory_space<semaphore_mem>>)
      } else {
      }
      %mul3A_165 = arith.constant 5 : i32
      %mul3A_166 = arith.muli %scan3A_110, %mul3A_165 : i32
      %add3A_167 = arith.constant 2 : i32
      %add3A_168 = arith.addi %mul3A_166, %add3A_167 : i32
      %dma_wait3A_169 = arith.constant 0 : i32
      %dma_wait3A_170 = tpu.memref_slice %arg7[%add3A_168, %dma_wait3A_169] : memref<160x128xi32, #tpu.memory_space<vmem>> -> memref<1x128xi32, #tpu.memory_space<vmem>>
      %dma_wait3A_171 = tpu.memref_squeeze %dma_wait3A_170 : memref<1x128xi32, #tpu.memory_space<vmem>> -> memref<128xi32, #tpu.memory_space<vmem>>
      %dma_wait3A_172 = arith.constant 0 : i32
      %dma_wait3A_173 = arith.constant 0 : i32
      %dma_wait3A_174 = tpu.memref_slice %arg2[%dma_wait3A_172, %dma_wait3A_173] : memref<20000x64xf32, #tpu.memory_space<hbm>> -> memref<20000x64xf32, #tpu.memory_space<hbm>>
      tpu.wait_indirect_dma semaphore(%arg17 : memref<!tpu.dma_semaphore, #tpu.memory_space<semaphore_mem>>) src(%dma_wait3A_174 : memref<20000x64xf32, #tpu.memory_space<hbm>>) dst(%arg11 : memref<128x64xf32, #tpu.memory_space<vmem>>)
      %dma_start3A_175 = arith.constant 0 : i32
      %dma_start3A_176 = tpu.memref_slice %arg8[%add3A_168, %dma_start3A_175] : memref<160x128xi32, #tpu.memory_space<vmem>> -> memref<1x128xi32, #tpu.memory_space<vmem>>
      %dma_start3A_177 = tpu.memref_squeeze %dma_start3A_176 : memref<1x128xi32, #tpu.memory_space<vmem>> -> memref<128xi32, #tpu.memory_space<vmem>>
      %dma_start3A_178 = arith.constant 0 : i32
      %dma_start3A_179 = arith.constant 0 : i32
      %dma_start3A_180 = tpu.memref_slice %arg14[%dma_start3A_178, %dma_start3A_179] : memref<10240x64xf32, #tpu.memory_space<vmem_shared>> -> memref<10240x64xf32, #tpu.memory_space<vmem_shared>>
      tpu.enqueue_indirect_dma source(%arg11 : memref<128x64xf32, #tpu.memory_space<vmem>>) target(%dma_start3A_180 : memref<10240x64xf32, #tpu.memory_space<vmem_shared>>) offsets(%dma_start3A_177 : memref<128xi32, #tpu.memory_space<vmem>>) semaphore(%arg22 : memref<!tpu.dma_semaphore, #tpu.memory_space<semaphore_mem>>) {add = true}
      %ge3A_181 = arith.constant 1 : i32
      %ge3A_182 = arith.cmpi sge, %add3A_168, %ge3A_181 : i32
      %convert_element_type3A_183 = arith.extui %ge3A_182 : i1 to i32
      %cond3A_184 = arith.constant 0 : i32
      %cond3A_185 = arith.cmpi ne, %convert_element_type3A_183, %cond3A_184 : i32
      scf.if %cond3A_185 {
        %sub3A_255 = arith.constant 1 : i32
        %sub3A_256 = arith.subi %add3A_168, %sub3A_255 : i32
        %dma_wait3A_257 = arith.constant 0 : i32
        %dma_wait3A_258 = tpu.memref_slice %arg8[%sub3A_256, %dma_wait3A_257] : memref<160x128xi32, #tpu.memory_space<vmem>> -> memref<1x128xi32, #tpu.memory_space<vmem>>
        %dma_wait3A_259 = tpu.memref_squeeze %dma_wait3A_258 : memref<1x128xi32, #tpu.memory_space<vmem>> -> memref<128xi32, #tpu.memory_space<vmem>>
        %dma_wait3A_260 = arith.constant 0 : i32
        %dma_wait3A_261 = arith.constant 0 : i32
        %dma_wait3A_262 = tpu.memref_slice %arg14[%dma_wait3A_260, %dma_wait3A_261] : memref<10240x64xf32, #tpu.memory_space<vmem_shared>> -> memref<10240x64xf32, #tpu.memory_space<vmem_shared>>
        tpu.wait_indirect_dma semaphore(%arg21 : memref<!tpu.dma_semaphore, #tpu.memory_space<semaphore_mem>>) src(%arg10 : memref<128x64xf32, #tpu.memory_space<vmem>>) dst(%dma_wait3A_262 : memref<10240x64xf32, #tpu.memory_space<vmem_shared>>)
      } else {
      }
      %add3A_186 = arith.constant 5 : i32
      %add3A_187 = arith.addi %add3A_168, %add3A_186 : i32
      %sub3A_188 = arith.constant 1 : i32
      %sub3A_189 = arith.subi %add3A_187, %sub3A_188 : i32
      %lt3A_190 = arith.constant 160 : i32
      %lt3A_191 = arith.cmpi slt, %sub3A_189, %lt3A_190 : i32
      %convert_element_type3A_192 = arith.extui %lt3A_191 : i1 to i32
      %cond3A_193 = arith.constant 0 : i32
      %cond3A_194 = arith.cmpi ne, %convert_element_type3A_192, %cond3A_193 : i32
      scf.if %cond3A_194 {
        %add3A_255 = arith.constant 5 : i32
        %add3A_256 = arith.addi %add3A_168, %add3A_255 : i32
        %sub3A_257 = arith.constant 1 : i32
        %sub3A_258 = arith.subi %add3A_256, %sub3A_257 : i32
        %dma_start3A_259 = arith.constant 0 : i32
        %dma_start3A_260 = tpu.memref_slice %arg7[%sub3A_258, %dma_start3A_259] : memref<160x128xi32, #tpu.memory_space<vmem>> -> memref<1x128xi32, #tpu.memory_space<vmem>>
        %dma_start3A_261 = tpu.memref_squeeze %dma_start3A_260 : memref<1x128xi32, #tpu.memory_space<vmem>> -> memref<128xi32, #tpu.memory_space<vmem>>
        %dma_start3A_262 = arith.constant 0 : i32
        %dma_start3A_263 = arith.constant 0 : i32
        %dma_start3A_264 = tpu.memref_slice %arg2[%dma_start3A_262, %dma_start3A_263] : memref<20000x64xf32, #tpu.memory_space<hbm>> -> memref<20000x64xf32, #tpu.memory_space<hbm>>
        tpu.enqueue_indirect_dma source(%dma_start3A_264 : memref<20000x64xf32, #tpu.memory_space<hbm>>) target(%arg10 : memref<128x64xf32, #tpu.memory_space<vmem>>) offsets(%dma_start3A_261 : memref<128xi32, #tpu.memory_space<vmem>>) semaphore(%arg16 : memref<!tpu.dma_semaphore, #tpu.memory_space<semaphore_mem>>)
      } else {
      }
      %mul3A_195 = arith.constant 5 : i32
      %mul3A_196 = arith.muli %scan3A_110, %mul3A_195 : i32
      %add3A_197 = arith.constant 3 : i32
      %add3A_198 = arith.addi %mul3A_196, %add3A_197 : i32
      %dma_wait3A_199 = arith.constant 0 : i32
      %dma_wait3A_200 = tpu.memref_slice %arg7[%add3A_198, %dma_wait3A_199] : memref<160x128xi32, #tpu.memory_space<vmem>> -> memref<1x128xi32, #tpu.memory_space<vmem>>
      %dma_wait3A_201 = tpu.memref_squeeze %dma_wait3A_200 : memref<1x128xi32, #tpu.memory_space<vmem>> -> memref<128xi32, #tpu.memory_space<vmem>>
      %dma_wait3A_202 = arith.constant 0 : i32
      %dma_wait3A_203 = arith.constant 0 : i32
      %dma_wait3A_204 = tpu.memref_slice %arg2[%dma_wait3A_202, %dma_wait3A_203] : memref<20000x64xf32, #tpu.memory_space<hbm>> -> memref<20000x64xf32, #tpu.memory_space<hbm>>
      tpu.wait_indirect_dma semaphore(%arg18 : memref<!tpu.dma_semaphore, #tpu.memory_space<semaphore_mem>>) src(%dma_wait3A_204 : memref<20000x64xf32, #tpu.memory_space<hbm>>) dst(%arg12 : memref<128x64xf32, #tpu.memory_space<vmem>>)
      %dma_start3A_205 = arith.constant 0 : i32
      %dma_start3A_206 = tpu.memref_slice %arg8[%add3A_198, %dma_start3A_205] : memref<160x128xi32, #tpu.memory_space<vmem>> -> memref<1x128xi32, #tpu.memory_space<vmem>>
      %dma_start3A_207 = tpu.memref_squeeze %dma_start3A_206 : memref<1x128xi32, #tpu.memory_space<vmem>> -> memref<128xi32, #tpu.memory_space<vmem>>
      %dma_start3A_208 = arith.constant 0 : i32
      %dma_start3A_209 = arith.constant 0 : i32
      %dma_start3A_210 = tpu.memref_slice %arg14[%dma_start3A_208, %dma_start3A_209] : memref<10240x64xf32, #tpu.memory_space<vmem_shared>> -> memref<10240x64xf32, #tpu.memory_space<vmem_shared>>
      tpu.enqueue_indirect_dma source(%arg12 : memref<128x64xf32, #tpu.memory_space<vmem>>) target(%dma_start3A_210 : memref<10240x64xf32, #tpu.memory_space<vmem_shared>>) offsets(%dma_start3A_207 : memref<128xi32, #tpu.memory_space<vmem>>) semaphore(%arg23 : memref<!tpu.dma_semaphore, #tpu.memory_space<semaphore_mem>>) {add = true}
      %ge3A_211 = arith.constant 1 : i32
      %ge3A_212 = arith.cmpi sge, %add3A_198, %ge3A_211 : i32
      %convert_element_type3A_213 = arith.extui %ge3A_212 : i1 to i32
      %cond3A_214 = arith.constant 0 : i32
      %cond3A_215 = arith.cmpi ne, %convert_element_type3A_213, %cond3A_214 : i32
      scf.if %cond3A_215 {
        %sub3A_255 = arith.constant 1 : i32
        %sub3A_256 = arith.subi %add3A_198, %sub3A_255 : i32
        %dma_wait3A_257 = arith.constant 0 : i32
        %dma_wait3A_258 = tpu.memref_slice %arg8[%sub3A_256, %dma_wait3A_257] : memref<160x128xi32, #tpu.memory_space<vmem>> -> memref<1x128xi32, #tpu.memory_space<vmem>>
        %dma_wait3A_259 = tpu.memref_squeeze %dma_wait3A_258 : memref<1x128xi32, #tpu.memory_space<vmem>> -> memref<128xi32, #tpu.memory_space<vmem>>
        %dma_wait3A_260 = arith.constant 0 : i32
        %dma_wait3A_261 = arith.constant 0 : i32
        %dma_wait3A_262 = tpu.memref_slice %arg14[%dma_wait3A_260, %dma_wait3A_261] : memref<10240x64xf32, #tpu.memory_space<vmem_shared>> -> memref<10240x64xf32, #tpu.memory_space<vmem_shared>>
        tpu.wait_indirect_dma semaphore(%arg22 : memref<!tpu.dma_semaphore, #tpu.memory_space<semaphore_mem>>) src(%arg11 : memref<128x64xf32, #tpu.memory_space<vmem>>) dst(%dma_wait3A_262 : memref<10240x64xf32, #tpu.memory_space<vmem_shared>>)
      } else {
      }
      %add3A_216 = arith.constant 5 : i32
      %add3A_217 = arith.addi %add3A_198, %add3A_216 : i32
      %sub3A_218 = arith.constant 1 : i32
      %sub3A_219 = arith.subi %add3A_217, %sub3A_218 : i32
      %lt3A_220 = arith.constant 160 : i32
      %lt3A_221 = arith.cmpi slt, %sub3A_219, %lt3A_220 : i32
      %convert_element_type3A_222 = arith.extui %lt3A_221 : i1 to i32
      %cond3A_223 = arith.constant 0 : i32
      %cond3A_224 = arith.cmpi ne, %convert_element_type3A_222, %cond3A_223 : i32
      scf.if %cond3A_224 {
        %add3A_255 = arith.constant 5 : i32
        %add3A_256 = arith.addi %add3A_198, %add3A_255 : i32
        %sub3A_257 = arith.constant 1 : i32
        %sub3A_258 = arith.subi %add3A_256, %sub3A_257 : i32
        %dma_start3A_259 = arith.constant 0 : i32
        %dma_start3A_260 = tpu.memref_slice %arg7[%sub3A_258, %dma_start3A_259] : memref<160x128xi32, #tpu.memory_space<vmem>> -> memref<1x128xi32, #tpu.memory_space<vmem>>
        %dma_start3A_261 = tpu.memref_squeeze %dma_start3A_260 : memref<1x128xi32, #tpu.memory_space<vmem>> -> memref<128xi32, #tpu.memory_space<vmem>>
        %dma_start3A_262 = arith.constant 0 : i32
        %dma_start3A_263 = arith.constant 0 : i32
        %dma_start3A_264 = tpu.memref_slice %arg2[%dma_start3A_262, %dma_start3A_263] : memref<20000x64xf32, #tpu.memory_space<hbm>> -> memref<20000x64xf32, #tpu.memory_space<hbm>>
        tpu.enqueue_indirect_dma source(%dma_start3A_264 : memref<20000x64xf32, #tpu.memory_space<hbm>>) target(%arg11 : memref<128x64xf32, #tpu.memory_space<vmem>>) offsets(%dma_start3A_261 : memref<128xi32, #tpu.memory_space<vmem>>) semaphore(%arg17 : memref<!tpu.dma_semaphore, #tpu.memory_space<semaphore_mem>>)
      } else {
      }
      %mul3A_225 = arith.constant 5 : i32
      %mul3A_226 = arith.muli %scan3A_110, %mul3A_225 : i32
      %add3A_227 = arith.constant 4 : i32
      %add3A_228 = arith.addi %mul3A_226, %add3A_227 : i32
      %dma_wait3A_229 = arith.constant 0 : i32
      %dma_wait3A_230 = tpu.memref_slice %arg7[%add3A_228, %dma_wait3A_229] : memref<160x128xi32, #tpu.memory_space<vmem>> -> memref<1x128xi32, #tpu.memory_space<vmem>>
      %dma_wait3A_231 = tpu.memref_squeeze %dma_wait3A_230 : memref<1x128xi32, #tpu.memory_space<vmem>> -> memref<128xi32, #tpu.memory_space<vmem>>
      %dma_wait3A_232 = arith.constant 0 : i32
      %dma_wait3A_233 = arith.constant 0 : i32
      %dma_wait3A_234 = tpu.memref_slice %arg2[%dma_wait3A_232, %dma_wait3A_233] : memref<20000x64xf32, #tpu.memory_space<hbm>> -> memref<20000x64xf32, #tpu.memory_space<hbm>>
      tpu.wait_indirect_dma semaphore(%arg19 : memref<!tpu.dma_semaphore, #tpu.memory_space<semaphore_mem>>) src(%dma_wait3A_234 : memref<20000x64xf32, #tpu.memory_space<hbm>>) dst(%arg13 : memref<128x64xf32, #tpu.memory_space<vmem>>)
      %dma_start3A_235 = arith.constant 0 : i32
      %dma_start3A_236 = tpu.memref_slice %arg8[%add3A_228, %dma_start3A_235] : memref<160x128xi32, #tpu.memory_space<vmem>> -> memref<1x128xi32, #tpu.memory_space<vmem>>
      %dma_start3A_237 = tpu.memref_squeeze %dma_start3A_236 : memref<1x128xi32, #tpu.memory_space<vmem>> -> memref<128xi32, #tpu.memory_space<vmem>>
      %dma_start3A_238 = arith.constant 0 : i32
      %dma_start3A_239 = arith.constant 0 : i32
      %dma_start3A_240 = tpu.memref_slice %arg14[%dma_start3A_238, %dma_start3A_239] : memref<10240x64xf32, #tpu.memory_space<vmem_shared>> -> memref<10240x64xf32, #tpu.memory_space<vmem_shared>>
      tpu.enqueue_indirect_dma source(%arg13 : memref<128x64xf32, #tpu.memory_space<vmem>>) target(%dma_start3A_240 : memref<10240x64xf32, #tpu.memory_space<vmem_shared>>) offsets(%dma_start3A_237 : memref<128xi32, #tpu.memory_space<vmem>>) semaphore(%arg24 : memref<!tpu.dma_semaphore, #tpu.memory_space<semaphore_mem>>) {add = true}
      %ge3A_241 = arith.constant 1 : i32
      %ge3A_242 = arith.cmpi sge, %add3A_228, %ge3A_241 : i32
      %convert_element_type3A_243 = arith.extui %ge3A_242 : i1 to i32
      %cond3A_244 = arith.constant 0 : i32
      %cond3A_245 = arith.cmpi ne, %convert_element_type3A_243, %cond3A_244 : i32
      scf.if %cond3A_245 {
        %sub3A_255 = arith.constant 1 : i32
        %sub3A_256 = arith.subi %add3A_228, %sub3A_255 : i32
        %dma_wait3A_257 = arith.constant 0 : i32
        %dma_wait3A_258 = tpu.memref_slice %arg8[%sub3A_256, %dma_wait3A_257] : memref<160x128xi32, #tpu.memory_space<vmem>> -> memref<1x128xi32, #tpu.memory_space<vmem>>
        %dma_wait3A_259 = tpu.memref_squeeze %dma_wait3A_258 : memref<1x128xi32, #tpu.memory_space<vmem>> -> memref<128xi32, #tpu.memory_space<vmem>>
        %dma_wait3A_260 = arith.constant 0 : i32
        %dma_wait3A_261 = arith.constant 0 : i32
        %dma_wait3A_262 = tpu.memref_slice %arg14[%dma_wait3A_260, %dma_wait3A_261] : memref<10240x64xf32, #tpu.memory_space<vmem_shared>> -> memref<10240x64xf32, #tpu.memory_space<vmem_shared>>
        tpu.wait_indirect_dma semaphore(%arg23 : memref<!tpu.dma_semaphore, #tpu.memory_space<semaphore_mem>>) src(%arg12 : memref<128x64xf32, #tpu.memory_space<vmem>>) dst(%dma_wait3A_262 : memref<10240x64xf32, #tpu.memory_space<vmem_shared>>)
      } else {
      }
      %add3A_246 = arith.constant 5 : i32
      %add3A_247 = arith.addi %add3A_228, %add3A_246 : i32
      %sub3A_248 = arith.constant 1 : i32
      %sub3A_249 = arith.subi %add3A_247, %sub3A_248 : i32
      %lt3A_250 = arith.constant 160 : i32
      %lt3A_251 = arith.cmpi slt, %sub3A_249, %lt3A_250 : i32
      %convert_element_type3A_252 = arith.extui %lt3A_251 : i1 to i32
      %cond3A_253 = arith.constant 0 : i32
      %cond3A_254 = arith.cmpi ne, %convert_element_type3A_252, %cond3A_253 : i32
      scf.if %cond3A_254 {
        %add3A_255 = arith.constant 5 : i32
        %add3A_256 = arith.addi %add3A_228, %add3A_255 : i32
        %sub3A_257 = arith.constant 1 : i32
        %sub3A_258 = arith.subi %add3A_256, %sub3A_257 : i32
        %dma_start3A_259 = arith.constant 0 : i32
        %dma_start3A_260 = tpu.memref_slice %arg7[%sub3A_258, %dma_start3A_259] : memref<160x128xi32, #tpu.memory_space<vmem>> -> memref<1x128xi32, #tpu.memory_space<vmem>>
        %dma_start3A_261 = tpu.memref_squeeze %dma_start3A_260 : memref<1x128xi32, #tpu.memory_space<vmem>> -> memref<128xi32, #tpu.memory_space<vmem>>
        %dma_start3A_262 = arith.constant 0 : i32
        %dma_start3A_263 = arith.constant 0 : i32
        %dma_start3A_264 = tpu.memref_slice %arg2[%dma_start3A_262, %dma_start3A_263] : memref<20000x64xf32, #tpu.memory_space<hbm>> -> memref<20000x64xf32, #tpu.memory_space<hbm>>
        tpu.enqueue_indirect_dma source(%dma_start3A_264 : memref<20000x64xf32, #tpu.memory_space<hbm>>) target(%arg12 : memref<128x64xf32, #tpu.memory_space<vmem>>) offsets(%dma_start3A_261 : memref<128xi32, #tpu.memory_space<vmem>>) semaphore(%arg18 : memref<!tpu.dma_semaphore, #tpu.memory_space<semaphore_mem>>)
      } else {
      }
    }
    %scan3A_45 = arith.constant 32 : i32
    %dma_wait3A = arith.constant 159 : i32
    %dma_wait3A_46 = arith.constant 0 : i32
    %dma_wait3A_47 = tpu.memref_slice %arg8[%dma_wait3A, %dma_wait3A_46] : memref<160x128xi32, #tpu.memory_space<vmem>> -> memref<1x128xi32, #tpu.memory_space<vmem>>
    %dma_wait3A_48 = tpu.memref_squeeze %dma_wait3A_47 : memref<1x128xi32, #tpu.memory_space<vmem>> -> memref<128xi32, #tpu.memory_space<vmem>>
    %dma_wait3A_49 = arith.constant 0 : i32
    %dma_wait3A_50 = arith.constant 0 : i32
    %dma_wait3A_51 = tpu.memref_slice %arg14[%dma_wait3A_49, %dma_wait3A_50] : memref<10240x64xf32, #tpu.memory_space<vmem_shared>> -> memref<10240x64xf32, #tpu.memory_space<vmem_shared>>
    tpu.wait_indirect_dma semaphore(%arg24 : memref<!tpu.dma_semaphore, #tpu.memory_space<semaphore_mem>>) src(%arg13 : memref<128x64xf32, #tpu.memory_space<vmem>>) dst(%dma_wait3A_51 : memref<10240x64xf32, #tpu.memory_space<vmem_shared>>)
    %barrier3A_52 = arith.constant 0 : index
    tpu.barrier barrier_id(%barrier3A_52)
    %run_scoped3A = arith.constant 0 : i32
    "tpu.region"() ({
      %run_scoped3A_110 = tpu.sem_alloc : memref<!tpu.dma_semaphore, #tpu.memory_space<semaphore_mem>>
      %dma_start3A_111 = arith.constant 0 : i32
      %dma_start3A_112 = tpu.memref_slice %arg6[%arg0, %run_scoped3A, %mul3A_0, %dma_start3A_111] : memref<2x2x10240x64xf32, #tpu.memory_space<hbm>> -> memref<1x1x640x64xf32, #tpu.memory_space<hbm>>
      %dma_start3A_113 = tpu.memref_squeeze %dma_start3A_112 : memref<1x1x640x64xf32, #tpu.memory_space<hbm>> -> memref<640x64xf32, #tpu.memory_space<hbm>>
      %dma_start3A_114 = arith.constant 0 : i32
      %dma_start3A_115 = tpu.memref_slice %arg14[%mul3A_0, %dma_start3A_114] : memref<10240x64xf32, #tpu.memory_space<vmem_shared>> -> memref<640x64xf32, #tpu.memory_space<vmem_shared>>
      tpu.enqueue_dma source(%dma_start3A_115 : memref<640x64xf32, #tpu.memory_space<vmem_shared>>) target(%dma_start3A_113 : memref<640x64xf32, #tpu.memory_space<hbm>>) target_semaphore(%run_scoped3A_110 : memref<!tpu.dma_semaphore, #tpu.memory_space<semaphore_mem>>)
      %dma_wait3A_116 = arith.constant 0 : i32
      %dma_wait3A_117 = tpu.memref_slice %arg6[%arg0, %run_scoped3A, %mul3A_0, %dma_wait3A_116] : memref<2x2x10240x64xf32, #tpu.memory_space<hbm>> -> memref<1x1x640x64xf32, #tpu.memory_space<hbm>>
      %dma_wait3A_118 = tpu.memref_squeeze %dma_wait3A_117 : memref<1x1x640x64xf32, #tpu.memory_space<hbm>> -> memref<640x64xf32, #tpu.memory_space<hbm>>
      %dma_wait3A_119 = arith.constant 0 : i32
      %dma_wait3A_120 = tpu.memref_slice %arg14[%mul3A_0, %dma_wait3A_119] : memref<10240x64xf32, #tpu.memory_space<vmem_shared>> -> memref<640x64xf32, #tpu.memory_space<vmem_shared>>
      tpu.wait_dma2 semaphore(%run_scoped3A_110 : memref<!tpu.dma_semaphore, #tpu.memory_space<semaphore_mem>>) src(%dma_wait3A_120 : memref<640x64xf32, #tpu.memory_space<vmem_shared>>) dst(%dma_wait3A_118 : memref<640x64xf32, #tpu.memory_space<hbm>>)
      tpu.yield
    }) : () -> ()
    %scan3A_53 = arith.constant 0 : i32
    %scan3A_54 = arith.constant 0 : i32
    %scan3A_55 = arith.constant 128 : i32
    %scan3A_56 = arith.addi %scan3A_54, %scan3A_55 : i32
    %scan3A_57 = arith.constant 1 : i32
    %scan3A_58 = scf.for %scan3A_110 = %scan3A_54 to %scan3A_56 step %scan3A_57 iter_args(%scan3A_111 = %scan3A_53) -> (i32)  : i32 {
      %scan3A_112 = arith.constant 0 : i32
      %scan3A_113 = arith.constant 0 : i32
      %scan3A_114 = arith.constant 4 : i32
      %scan3A_115 = arith.addi %scan3A_113, %scan3A_114 : i32
      %scan3A_116 = arith.constant 1 : i32
      scf.for %scan3A_119 = %scan3A_113 to %scan3A_115 step %scan3A_116  : i32 {
        %broadcast_in_dim3A = arith.constant 0.000000e+00 : f32
        %broadcast_in_dim3A_120 = vector.broadcast %broadcast_in_dim3A : f32 to vector<16xf32>
        %mul3A_121 = arith.constant 16 : i32
        %mul3A_122 = arith.muli %scan3A_119, %mul3A_121 : i32
        %swap3A = arith.index_cast %scan3A_110 : i32 to index
        %swap3A_123 = arith.index_cast %mul3A_122 : i32 to index
        %swap3A_124 = tpu.vector_load %arg9[%swap3A, %swap3A_123] {strides = array<i32>} : memref<128x64xf32, #tpu.memory_space<vmem>>, vector<1x16xf32>,
        %swap3A_125 = vector.shape_cast %swap3A_124 : vector<1x16xf32> to vector<16xf32>
        %swap3A_126 = vector.shape_cast %broadcast_in_dim3A_120 : vector<16xf32> to vector<1x16xf32>
        tpu.vector_store %arg9[%swap3A, %swap3A_123], %swap3A_126 {strides = array<i32>} : memref<128x64xf32, #tpu.memory_space<vmem>>, vector<1x16xf32>,
      }
      %scan3A_117 = arith.constant 4 : i32
      %scan3A_118 = arith.constant 0 : i32
      scf.yield %scan3A_118 : i32
    }
    %scan3A_59 = arith.constant 128 : i32
    %scan3A_60 = arith.constant 0 : i32
    %scan3A_61 = arith.constant 0 : i32
    %scan3A_62 = arith.constant 5 : i32
    %scan3A_63 = arith.addi %scan3A_61, %scan3A_62 : i32
    %scan3A_64 = arith.constant 1 : i32
    scf.for %scan3A_110 = %scan3A_61 to %scan3A_63 step %scan3A_64  : i32 {
      %mul3A_111 = arith.constant 128 : i32
      %mul3A_112 = arith.muli %scan3A_110, %mul3A_111 : i32
      %add3A = arith.addi %mul3A_0, %mul3A_112 : i32
      "tpu.region"() ({
        %run_scoped3A_113 = tpu.sem_alloc : memref<!tpu.dma_semaphore, #tpu.memory_space<semaphore_mem>>
        %dma_start3A_114 = arith.constant 0 : i32
        %dma_start3A_115 = tpu.memref_slice %arg14[%add3A, %dma_start3A_114] : memref<10240x64xf32, #tpu.memory_space<vmem_shared>> -> memref<128x64xf32, #tpu.memory_space<vmem_shared>>
        %dma_start3A_116 = arith.constant 0 : i32
        %dma_start3A_117 = tpu.memref_slice %arg14[%add3A, %dma_start3A_116] : memref<10240x64xf32, #tpu.memory_space<vmem_shared>> -> memref<128x64xf32, #tpu.memory_space<vmem_shared>>
        tpu.enqueue_dma source(%arg9 : memref<128x64xf32, #tpu.memory_space<vmem>>) target(%dma_start3A_117 : memref<128x64xf32, #tpu.memory_space<vmem_shared>>) target_semaphore(%run_scoped3A_113 : memref<!tpu.dma_semaphore, #tpu.memory_space<semaphore_mem>>)
        %dma_wait3A_118 = arith.constant 0 : i32
        %dma_wait3A_119 = tpu.memref_slice %arg14[%add3A, %dma_wait3A_118] : memref<10240x64xf32, #tpu.memory_space<vmem_shared>> -> memref<128x64xf32, #tpu.memory_space<vmem_shared>>
        %dma_wait3A_120 = arith.constant 0 : i32
        %dma_wait3A_121 = tpu.memref_slice %arg14[%add3A, %dma_wait3A_120] : memref<10240x64xf32, #tpu.memory_space<vmem_shared>> -> memref<128x64xf32, #tpu.memory_space<vmem_shared>>
        tpu.wait_dma2 semaphore(%run_scoped3A_113 : memref<!tpu.dma_semaphore, #tpu.memory_space<semaphore_mem>>) src(%arg9 : memref<128x64xf32, #tpu.memory_space<vmem>>) dst(%dma_wait3A_121 : memref<128x64xf32, #tpu.memory_space<vmem_shared>>)
        tpu.yield
      }) : () -> ()
    }
    %scan3A_65 = arith.constant 5 : i32
    %dma_start3A_66 = arith.constant 0 : i32
    %dma_start3A_67 = arith.constant 0 : i32
    %dma_start3A_68 = tpu.memref_slice %arg7[%dma_start3A_66, %dma_start3A_67] : memref<160x128xi32, #tpu.memory_space<vmem>> -> memref<1x128xi32, #tpu.memory_space<vmem>>
    %dma_start3A_69 = tpu.memref_squeeze %dma_start3A_68 : memref<1x128xi32, #tpu.memory_space<vmem>> -> memref<128xi32, #tpu.memory_space<vmem>>
    %dma_start3A_70 = arith.constant 0 : i32
    %dma_start3A_71 = arith.constant 0 : i32
    %dma_start3A_72 = tpu.memref_slice %arg3[%dma_start3A_70, %dma_start3A_71] : memref<20000x64xf32, #tpu.memory_space<hbm>> -> memref<20000x64xf32, #tpu.memory_space<hbm>>
    tpu.enqueue_indirect_dma source(%dma_start3A_72 : memref<20000x64xf32, #tpu.memory_space<hbm>>) target(%arg9 : memref<128x64xf32, #tpu.memory_space<vmem>>) offsets(%dma_start3A_69 : memref<128xi32, #tpu.memory_space<vmem>>) semaphore(%arg15 : memref<!tpu.dma_semaphore, #tpu.memory_space<semaphore_mem>>)
    %dma_start3A_73 = arith.constant 1 : i32
    %dma_start3A_74 = arith.constant 0 : i32
    %dma_start3A_75 = tpu.memref_slice %arg7[%dma_start3A_73, %dma_start3A_74] : memref<160x128xi32, #tpu.memory_space<vmem>> -> memref<1x128xi32, #tpu.memory_space<vmem>>
    %dma_start3A_76 = tpu.memref_squeeze %dma_start3A_75 : memref<1x128xi32, #tpu.memory_space<vmem>> -> memref<128xi32, #tpu.memory_space<vmem>>
    %dma_start3A_77 = arith.constant 0 : i32
    %dma_start3A_78 = arith.constant 0 : i32
    %dma_start3A_79 = tpu.memref_slice %arg3[%dma_start3A_77, %dma_start3A_78] : memref<20000x64xf32, #tpu.memory_space<hbm>> -> memref<20000x64xf32, #tpu.memory_space<hbm>>
    tpu.enqueue_indirect_dma source(%dma_start3A_79 : memref<20000x64xf32, #tpu.memory_space<hbm>>) target(%arg10 : memref<128x64xf32, #tpu.memory_space<vmem>>) offsets(%dma_start3A_76 : memref<128xi32, #tpu.memory_space<vmem>>) semaphore(%arg16 : memref<!tpu.dma_semaphore, #tpu.memory_space<semaphore_mem>>)
    %dma_start3A_80 = arith.constant 2 : i32
    %dma_start3A_81 = arith.constant 0 : i32
    %dma_start3A_82 = tpu.memref_slice %arg7[%dma_start3A_80, %dma_start3A_81] : memref<160x128xi32, #tpu.memory_space<vmem>> -> memref<1x128xi32, #tpu.memory_space<vmem>>
    %dma_start3A_83 = tpu.memref_squeeze %dma_start3A_82 : memref<1x128xi32, #tpu.memory_space<vmem>> -> memref<128xi32, #tpu.memory_space<vmem>>
    %dma_start3A_84 = arith.constant 0 : i32
    %dma_start3A_85 = arith.constant 0 : i32
    %dma_start3A_86 = tpu.memref_slice %arg3[%dma_start3A_84, %dma_start3A_85] : memref<20000x64xf32, #tpu.memory_space<hbm>> -> memref<20000x64xf32, #tpu.memory_space<hbm>>
    tpu.enqueue_indirect_dma source(%dma_start3A_86 : memref<20000x64xf32, #tpu.memory_space<hbm>>) target(%arg11 : memref<128x64xf32, #tpu.memory_space<vmem>>) offsets(%dma_start3A_83 : memref<128xi32, #tpu.memory_space<vmem>>) semaphore(%arg17 : memref<!tpu.dma_semaphore, #tpu.memory_space<semaphore_mem>>)
    %dma_start3A_87 = arith.constant 3 : i32
    %dma_start3A_88 = arith.constant 0 : i32
    %dma_start3A_89 = tpu.memref_slice %arg7[%dma_start3A_87, %dma_start3A_88] : memref<160x128xi32, #tpu.memory_space<vmem>> -> memref<1x128xi32, #tpu.memory_space<vmem>>
    %dma_start3A_90 = tpu.memref_squeeze %dma_start3A_89 : memref<1x128xi32, #tpu.memory_space<vmem>> -> memref<128xi32, #tpu.memory_space<vmem>>
    %dma_start3A_91 = arith.constant 0 : i32
    %dma_start3A_92 = arith.constant 0 : i32
    %dma_start3A_93 = tpu.memref_slice %arg3[%dma_start3A_91, %dma_start3A_92] : memref<20000x64xf32, #tpu.memory_space<hbm>> -> memref<20000x64xf32, #tpu.memory_space<hbm>>
    tpu.enqueue_indirect_dma source(%dma_start3A_93 : memref<20000x64xf32, #tpu.memory_space<hbm>>) target(%arg12 : memref<128x64xf32, #tpu.memory_space<vmem>>) offsets(%dma_start3A_90 : memref<128xi32, #tpu.memory_space<vmem>>) semaphore(%arg18 : memref<!tpu.dma_semaphore, #tpu.memory_space<semaphore_mem>>)
    %barrier3A_94 = arith.constant 0 : index
    tpu.barrier barrier_id(%barrier3A_94)
    %scan3A_95 = arith.constant 0 : i32
    %scan3A_96 = arith.constant 0 : i32
    %scan3A_97 = arith.constant 32 : i32
    %scan3A_98 = arith.addi %scan3A_96, %scan3A_97 : i32
    %scan3A_99 = arith.constant 1 : i32
    scf.for %scan3A_110 = %scan3A_96 to %scan3A_98 step %scan3A_99  : i32 {
      %mul3A_111 = arith.constant 5 : i32
      %mul3A_112 = arith.muli %scan3A_110, %mul3A_111 : i32
      %add3A = arith.constant 0 : i32
      %add3A_113 = arith.addi %mul3A_112, %add3A : i32
      %dma_wait3A_114 = arith.constant 0 : i32
      %dma_wait3A_115 = tpu.memref_slice %arg7[%add3A_113, %dma_wait3A_114] : memref<160x128xi32, #tpu.memory_space<vmem>> -> memref<1x128xi32, #tpu.memory_space<vmem>>
      %dma_wait3A_116 = tpu.memref_squeeze %dma_wait3A_115 : memref<1x128xi32, #tpu.memory_space<vmem>> -> memref<128xi32, #tpu.memory_space<vmem>>
      %dma_wait3A_117 = arith.constant 0 : i32
      %dma_wait3A_118 = arith.constant 0 : i32
      %dma_wait3A_119 = tpu.memref_slice %arg3[%dma_wait3A_117, %dma_wait3A_118] : memref<20000x64xf32, #tpu.memory_space<hbm>> -> memref<20000x64xf32, #tpu.memory_space<hbm>>
      tpu.wait_indirect_dma semaphore(%arg15 : memref<!tpu.dma_semaphore, #tpu.memory_space<semaphore_mem>>) src(%dma_wait3A_119 : memref<20000x64xf32, #tpu.memory_space<hbm>>) dst(%arg9 : memref<128x64xf32, #tpu.memory_space<vmem>>)
      %dma_start3A_120 = arith.constant 0 : i32
      %dma_start3A_121 = tpu.memref_slice %arg8[%add3A_113, %dma_start3A_120] : memref<160x128xi32, #tpu.memory_space<vmem>> -> memref<1x128xi32, #tpu.memory_space<vmem>>
      %dma_start3A_122 = tpu.memref_squeeze %dma_start3A_121 : memref<1x128xi32, #tpu.memory_space<vmem>> -> memref<128xi32, #tpu.memory_space<vmem>>
      %dma_start3A_123 = arith.constant 0 : i32
      %dma_start3A_124 = arith.constant 0 : i32
      %dma_start3A_125 = tpu.memref_slice %arg14[%dma_start3A_123, %dma_start3A_124] : memref<10240x64xf32, #tpu.memory_space<vmem_shared>> -> memref<10240x64xf32, #tpu.memory_space<vmem_shared>>
      tpu.enqueue_indirect_dma source(%arg9 : memref<128x64xf32, #tpu.memory_space<vmem>>) target(%dma_start3A_125 : memref<10240x64xf32, #tpu.memory_space<vmem_shared>>) offsets(%dma_start3A_122 : memref<128xi32, #tpu.memory_space<vmem>>) semaphore(%arg20 : memref<!tpu.dma_semaphore, #tpu.memory_space<semaphore_mem>>) {add = true}
      %ge3A = arith.constant 1 : i32
      %ge3A_126 = arith.cmpi sge, %add3A_113, %ge3A : i32
      %convert_element_type3A = arith.extui %ge3A_126 : i1 to i32
      %cond3A = arith.constant 0 : i32
      %cond3A_127 = arith.cmpi ne, %convert_element_type3A, %cond3A : i32
      scf.if %cond3A_127 {
        %sub3A_255 = arith.constant 1 : i32
        %sub3A_256 = arith.subi %add3A_113, %sub3A_255 : i32
        %dma_wait3A_257 = arith.constant 0 : i32
        %dma_wait3A_258 = tpu.memref_slice %arg8[%sub3A_256, %dma_wait3A_257] : memref<160x128xi32, #tpu.memory_space<vmem>> -> memref<1x128xi32, #tpu.memory_space<vmem>>
        %dma_wait3A_259 = tpu.memref_squeeze %dma_wait3A_258 : memref<1x128xi32, #tpu.memory_space<vmem>> -> memref<128xi32, #tpu.memory_space<vmem>>
        %dma_wait3A_260 = arith.constant 0 : i32
        %dma_wait3A_261 = arith.constant 0 : i32
        %dma_wait3A_262 = tpu.memref_slice %arg14[%dma_wait3A_260, %dma_wait3A_261] : memref<10240x64xf32, #tpu.memory_space<vmem_shared>> -> memref<10240x64xf32, #tpu.memory_space<vmem_shared>>
        tpu.wait_indirect_dma semaphore(%arg24 : memref<!tpu.dma_semaphore, #tpu.memory_space<semaphore_mem>>) src(%arg13 : memref<128x64xf32, #tpu.memory_space<vmem>>) dst(%dma_wait3A_262 : memref<10240x64xf32, #tpu.memory_space<vmem_shared>>)
      } else {
      }
      %add3A_128 = arith.constant 5 : i32
      %add3A_129 = arith.addi %add3A_113, %add3A_128 : i32
      %sub3A = arith.constant 1 : i32
      %sub3A_130 = arith.subi %add3A_129, %sub3A : i32
      %lt3A = arith.constant 160 : i32
      %lt3A_131 = arith.cmpi slt, %sub3A_130, %lt3A : i32
      %convert_element_type3A_132 = arith.extui %lt3A_131 : i1 to i32
      %cond3A_133 = arith.constant 0 : i32
      %cond3A_134 = arith.cmpi ne, %convert_element_type3A_132, %cond3A_133 : i32
      scf.if %cond3A_134 {
        %add3A_255 = arith.constant 5 : i32
        %add3A_256 = arith.addi %add3A_113, %add3A_255 : i32
        %sub3A_257 = arith.constant 1 : i32
        %sub3A_258 = arith.subi %add3A_256, %sub3A_257 : i32
        %dma_start3A_259 = arith.constant 0 : i32
        %dma_start3A_260 = tpu.memref_slice %arg7[%sub3A_258, %dma_start3A_259] : memref<160x128xi32, #tpu.memory_space<vmem>> -> memref<1x128xi32, #tpu.memory_space<vmem>>
        %dma_start3A_261 = tpu.memref_squeeze %dma_start3A_260 : memref<1x128xi32, #tpu.memory_space<vmem>> -> memref<128xi32, #tpu.memory_space<vmem>>
        %dma_start3A_262 = arith.constant 0 : i32
        %dma_start3A_263 = arith.constant 0 : i32
        %dma_start3A_264 = tpu.memref_slice %arg3[%dma_start3A_262, %dma_start3A_263] : memref<20000x64xf32, #tpu.memory_space<hbm>> -> memref<20000x64xf32, #tpu.memory_space<hbm>>
        tpu.enqueue_indirect_dma source(%dma_start3A_264 : memref<20000x64xf32, #tpu.memory_space<hbm>>) target(%arg13 : memref<128x64xf32, #tpu.memory_space<vmem>>) offsets(%dma_start3A_261 : memref<128xi32, #tpu.memory_space<vmem>>) semaphore(%arg19 : memref<!tpu.dma_semaphore, #tpu.memory_space<semaphore_mem>>)
      } else {
      }
      %mul3A_135 = arith.constant 5 : i32
      %mul3A_136 = arith.muli %scan3A_110, %mul3A_135 : i32
      %add3A_137 = arith.constant 1 : i32
      %add3A_138 = arith.addi %mul3A_136, %add3A_137 : i32
      %dma_wait3A_139 = arith.constant 0 : i32
      %dma_wait3A_140 = tpu.memref_slice %arg7[%add3A_138, %dma_wait3A_139] : memref<160x128xi32, #tpu.memory_space<vmem>> -> memref<1x128xi32, #tpu.memory_space<vmem>>
      %dma_wait3A_141 = tpu.memref_squeeze %dma_wait3A_140 : memref<1x128xi32, #tpu.memory_space<vmem>> -> memref<128xi32, #tpu.memory_space<vmem>>
      %dma_wait3A_142 = arith.constant 0 : i32
      %dma_wait3A_143 = arith.constant 0 : i32
      %dma_wait3A_144 = tpu.memref_slice %arg3[%dma_wait3A_142, %dma_wait3A_143] : memref<20000x64xf32, #tpu.memory_space<hbm>> -> memref<20000x64xf32, #tpu.memory_space<hbm>>
      tpu.wait_indirect_dma semaphore(%arg16 : memref<!tpu.dma_semaphore, #tpu.memory_space<semaphore_mem>>) src(%dma_wait3A_144 : memref<20000x64xf32, #tpu.memory_space<hbm>>) dst(%arg10 : memref<128x64xf32, #tpu.memory_space<vmem>>)
      %dma_start3A_145 = arith.constant 0 : i32
      %dma_start3A_146 = tpu.memref_slice %arg8[%add3A_138, %dma_start3A_145] : memref<160x128xi32, #tpu.memory_space<vmem>> -> memref<1x128xi32, #tpu.memory_space<vmem>>
      %dma_start3A_147 = tpu.memref_squeeze %dma_start3A_146 : memref<1x128xi32, #tpu.memory_space<vmem>> -> memref<128xi32, #tpu.memory_space<vmem>>
      %dma_start3A_148 = arith.constant 0 : i32
      %dma_start3A_149 = arith.constant 0 : i32
      %dma_start3A_150 = tpu.memref_slice %arg14[%dma_start3A_148, %dma_start3A_149] : memref<10240x64xf32, #tpu.memory_space<vmem_shared>> -> memref<10240x64xf32, #tpu.memory_space<vmem_shared>>
      tpu.enqueue_indirect_dma source(%arg10 : memref<128x64xf32, #tpu.memory_space<vmem>>) target(%dma_start3A_150 : memref<10240x64xf32, #tpu.memory_space<vmem_shared>>) offsets(%dma_start3A_147 : memref<128xi32, #tpu.memory_space<vmem>>) semaphore(%arg21 : memref<!tpu.dma_semaphore, #tpu.memory_space<semaphore_mem>>) {add = true}
      %ge3A_151 = arith.constant 1 : i32
      %ge3A_152 = arith.cmpi sge, %add3A_138, %ge3A_151 : i32
      %convert_element_type3A_153 = arith.extui %ge3A_152 : i1 to i32
      %cond3A_154 = arith.constant 0 : i32
      %cond3A_155 = arith.cmpi ne, %convert_element_type3A_153, %cond3A_154 : i32
      scf.if %cond3A_155 {
        %sub3A_255 = arith.constant 1 : i32
        %sub3A_256 = arith.subi %add3A_138, %sub3A_255 : i32
        %dma_wait3A_257 = arith.constant 0 : i32
        %dma_wait3A_258 = tpu.memref_slice %arg8[%sub3A_256, %dma_wait3A_257] : memref<160x128xi32, #tpu.memory_space<vmem>> -> memref<1x128xi32, #tpu.memory_space<vmem>>
        %dma_wait3A_259 = tpu.memref_squeeze %dma_wait3A_258 : memref<1x128xi32, #tpu.memory_space<vmem>> -> memref<128xi32, #tpu.memory_space<vmem>>
        %dma_wait3A_260 = arith.constant 0 : i32
        %dma_wait3A_261 = arith.constant 0 : i32
        %dma_wait3A_262 = tpu.memref_slice %arg14[%dma_wait3A_260, %dma_wait3A_261] : memref<10240x64xf32, #tpu.memory_space<vmem_shared>> -> memref<10240x64xf32, #tpu.memory_space<vmem_shared>>
        tpu.wait_indirect_dma semaphore(%arg20 : memref<!tpu.dma_semaphore, #tpu.memory_space<semaphore_mem>>) src(%arg9 : memref<128x64xf32, #tpu.memory_space<vmem>>) dst(%dma_wait3A_262 : memref<10240x64xf32, #tpu.memory_space<vmem_shared>>)
      } else {
      }
      %add3A_156 = arith.constant 5 : i32
      %add3A_157 = arith.addi %add3A_138, %add3A_156 : i32
      %sub3A_158 = arith.constant 1 : i32
      %sub3A_159 = arith.subi %add3A_157, %sub3A_158 : i32
      %lt3A_160 = arith.constant 160 : i32
      %lt3A_161 = arith.cmpi slt, %sub3A_159, %lt3A_160 : i32
      %convert_element_type3A_162 = arith.extui %lt3A_161 : i1 to i32
      %cond3A_163 = arith.constant 0 : i32
      %cond3A_164 = arith.cmpi ne, %convert_element_type3A_162, %cond3A_163 : i32
      scf.if %cond3A_164 {
        %add3A_255 = arith.constant 5 : i32
        %add3A_256 = arith.addi %add3A_138, %add3A_255 : i32
        %sub3A_257 = arith.constant 1 : i32
        %sub3A_258 = arith.subi %add3A_256, %sub3A_257 : i32
        %dma_start3A_259 = arith.constant 0 : i32
        %dma_start3A_260 = tpu.memref_slice %arg7[%sub3A_258, %dma_start3A_259] : memref<160x128xi32, #tpu.memory_space<vmem>> -> memref<1x128xi32, #tpu.memory_space<vmem>>
        %dma_start3A_261 = tpu.memref_squeeze %dma_start3A_260 : memref<1x128xi32, #tpu.memory_space<vmem>> -> memref<128xi32, #tpu.memory_space<vmem>>
        %dma_start3A_262 = arith.constant 0 : i32
        %dma_start3A_263 = arith.constant 0 : i32
        %dma_start3A_264 = tpu.memref_slice %arg3[%dma_start3A_262, %dma_start3A_263] : memref<20000x64xf32, #tpu.memory_space<hbm>> -> memref<20000x64xf32, #tpu.memory_space<hbm>>
        tpu.enqueue_indirect_dma source(%dma_start3A_264 : memref<20000x64xf32, #tpu.memory_space<hbm>>) target(%arg9 : memref<128x64xf32, #tpu.memory_space<vmem>>) offsets(%dma_start3A_261 : memref<128xi32, #tpu.memory_space<vmem>>) semaphore(%arg15 : memref<!tpu.dma_semaphore, #tpu.memory_space<semaphore_mem>>)
      } else {
      }
      %mul3A_165 = arith.constant 5 : i32
      %mul3A_166 = arith.muli %scan3A_110, %mul3A_165 : i32
      %add3A_167 = arith.constant 2 : i32
      %add3A_168 = arith.addi %mul3A_166, %add3A_167 : i32
      %dma_wait3A_169 = arith.constant 0 : i32
      %dma_wait3A_170 = tpu.memref_slice %arg7[%add3A_168, %dma_wait3A_169] : memref<160x128xi32, #tpu.memory_space<vmem>> -> memref<1x128xi32, #tpu.memory_space<vmem>>
      %dma_wait3A_171 = tpu.memref_squeeze %dma_wait3A_170 : memref<1x128xi32, #tpu.memory_space<vmem>> -> memref<128xi32, #tpu.memory_space<vmem>>
      %dma_wait3A_172 = arith.constant 0 : i32
      %dma_wait3A_173 = arith.constant 0 : i32
      %dma_wait3A_174 = tpu.memref_slice %arg3[%dma_wait3A_172, %dma_wait3A_173] : memref<20000x64xf32, #tpu.memory_space<hbm>> -> memref<20000x64xf32, #tpu.memory_space<hbm>>
      tpu.wait_indirect_dma semaphore(%arg17 : memref<!tpu.dma_semaphore, #tpu.memory_space<semaphore_mem>>) src(%dma_wait3A_174 : memref<20000x64xf32, #tpu.memory_space<hbm>>) dst(%arg11 : memref<128x64xf32, #tpu.memory_space<vmem>>)
      %dma_start3A_175 = arith.constant 0 : i32
      %dma_start3A_176 = tpu.memref_slice %arg8[%add3A_168, %dma_start3A_175] : memref<160x128xi32, #tpu.memory_space<vmem>> -> memref<1x128xi32, #tpu.memory_space<vmem>>
      %dma_start3A_177 = tpu.memref_squeeze %dma_start3A_176 : memref<1x128xi32, #tpu.memory_space<vmem>> -> memref<128xi32, #tpu.memory_space<vmem>>
      %dma_start3A_178 = arith.constant 0 : i32
      %dma_start3A_179 = arith.constant 0 : i32
      %dma_start3A_180 = tpu.memref_slice %arg14[%dma_start3A_178, %dma_start3A_179] : memref<10240x64xf32, #tpu.memory_space<vmem_shared>> -> memref<10240x64xf32, #tpu.memory_space<vmem_shared>>
      tpu.enqueue_indirect_dma source(%arg11 : memref<128x64xf32, #tpu.memory_space<vmem>>) target(%dma_start3A_180 : memref<10240x64xf32, #tpu.memory_space<vmem_shared>>) offsets(%dma_start3A_177 : memref<128xi32, #tpu.memory_space<vmem>>) semaphore(%arg22 : memref<!tpu.dma_semaphore, #tpu.memory_space<semaphore_mem>>) {add = true}
      %ge3A_181 = arith.constant 1 : i32
      %ge3A_182 = arith.cmpi sge, %add3A_168, %ge3A_181 : i32
      %convert_element_type3A_183 = arith.extui %ge3A_182 : i1 to i32
      %cond3A_184 = arith.constant 0 : i32
      %cond3A_185 = arith.cmpi ne, %convert_element_type3A_183, %cond3A_184 : i32
      scf.if %cond3A_185 {
        %sub3A_255 = arith.constant 1 : i32
        %sub3A_256 = arith.subi %add3A_168, %sub3A_255 : i32
        %dma_wait3A_257 = arith.constant 0 : i32
        %dma_wait3A_258 = tpu.memref_slice %arg8[%sub3A_256, %dma_wait3A_257] : memref<160x128xi32, #tpu.memory_space<vmem>> -> memref<1x128xi32, #tpu.memory_space<vmem>>
        %dma_wait3A_259 = tpu.memref_squeeze %dma_wait3A_258 : memref<1x128xi32, #tpu.memory_space<vmem>> -> memref<128xi32, #tpu.memory_space<vmem>>
        %dma_wait3A_260 = arith.constant 0 : i32
        %dma_wait3A_261 = arith.constant 0 : i32
        %dma_wait3A_262 = tpu.memref_slice %arg14[%dma_wait3A_260, %dma_wait3A_261] : memref<10240x64xf32, #tpu.memory_space<vmem_shared>> -> memref<10240x64xf32, #tpu.memory_space<vmem_shared>>
        tpu.wait_indirect_dma semaphore(%arg21 : memref<!tpu.dma_semaphore, #tpu.memory_space<semaphore_mem>>) src(%arg10 : memref<128x64xf32, #tpu.memory_space<vmem>>) dst(%dma_wait3A_262 : memref<10240x64xf32, #tpu.memory_space<vmem_shared>>)
      } else {
      }
      %add3A_186 = arith.constant 5 : i32
      %add3A_187 = arith.addi %add3A_168, %add3A_186 : i32
      %sub3A_188 = arith.constant 1 : i32
      %sub3A_189 = arith.subi %add3A_187, %sub3A_188 : i32
      %lt3A_190 = arith.constant 160 : i32
      %lt3A_191 = arith.cmpi slt, %sub3A_189, %lt3A_190 : i32
      %convert_element_type3A_192 = arith.extui %lt3A_191 : i1 to i32
      %cond3A_193 = arith.constant 0 : i32
      %cond3A_194 = arith.cmpi ne, %convert_element_type3A_192, %cond3A_193 : i32
      scf.if %cond3A_194 {
        %add3A_255 = arith.constant 5 : i32
        %add3A_256 = arith.addi %add3A_168, %add3A_255 : i32
        %sub3A_257 = arith.constant 1 : i32
        %sub3A_258 = arith.subi %add3A_256, %sub3A_257 : i32
        %dma_start3A_259 = arith.constant 0 : i32
        %dma_start3A_260 = tpu.memref_slice %arg7[%sub3A_258, %dma_start3A_259] : memref<160x128xi32, #tpu.memory_space<vmem>> -> memref<1x128xi32, #tpu.memory_space<vmem>>
        %dma_start3A_261 = tpu.memref_squeeze %dma_start3A_260 : memref<1x128xi32, #tpu.memory_space<vmem>> -> memref<128xi32, #tpu.memory_space<vmem>>
        %dma_start3A_262 = arith.constant 0 : i32
        %dma_start3A_263 = arith.constant 0 : i32
        %dma_start3A_264 = tpu.memref_slice %arg3[%dma_start3A_262, %dma_start3A_263] : memref<20000x64xf32, #tpu.memory_space<hbm>> -> memref<20000x64xf32, #tpu.memory_space<hbm>>
        tpu.enqueue_indirect_dma source(%dma_start3A_264 : memref<20000x64xf32, #tpu.memory_space<hbm>>) target(%arg10 : memref<128x64xf32, #tpu.memory_space<vmem>>) offsets(%dma_start3A_261 : memref<128xi32, #tpu.memory_space<vmem>>) semaphore(%arg16 : memref<!tpu.dma_semaphore, #tpu.memory_space<semaphore_mem>>)
      } else {
      }
      %mul3A_195 = arith.constant 5 : i32
      %mul3A_196 = arith.muli %scan3A_110, %mul3A_195 : i32
      %add3A_197 = arith.constant 3 : i32
      %add3A_198 = arith.addi %mul3A_196, %add3A_197 : i32
      %dma_wait3A_199 = arith.constant 0 : i32
      %dma_wait3A_200 = tpu.memref_slice %arg7[%add3A_198, %dma_wait3A_199] : memref<160x128xi32, #tpu.memory_space<vmem>> -> memref<1x128xi32, #tpu.memory_space<vmem>>
      %dma_wait3A_201 = tpu.memref_squeeze %dma_wait3A_200 : memref<1x128xi32, #tpu.memory_space<vmem>> -> memref<128xi32, #tpu.memory_space<vmem>>
      %dma_wait3A_202 = arith.constant 0 : i32
      %dma_wait3A_203 = arith.constant 0 : i32
      %dma_wait3A_204 = tpu.memref_slice %arg3[%dma_wait3A_202, %dma_wait3A_203] : memref<20000x64xf32, #tpu.memory_space<hbm>> -> memref<20000x64xf32, #tpu.memory_space<hbm>>
      tpu.wait_indirect_dma semaphore(%arg18 : memref<!tpu.dma_semaphore, #tpu.memory_space<semaphore_mem>>) src(%dma_wait3A_204 : memref<20000x64xf32, #tpu.memory_space<hbm>>) dst(%arg12 : memref<128x64xf32, #tpu.memory_space<vmem>>)
      %dma_start3A_205 = arith.constant 0 : i32
      %dma_start3A_206 = tpu.memref_slice %arg8[%add3A_198, %dma_start3A_205] : memref<160x128xi32, #tpu.memory_space<vmem>> -> memref<1x128xi32, #tpu.memory_space<vmem>>
      %dma_start3A_207 = tpu.memref_squeeze %dma_start3A_206 : memref<1x128xi32, #tpu.memory_space<vmem>> -> memref<128xi32, #tpu.memory_space<vmem>>
      %dma_start3A_208 = arith.constant 0 : i32
      %dma_start3A_209 = arith.constant 0 : i32
      %dma_start3A_210 = tpu.memref_slice %arg14[%dma_start3A_208, %dma_start3A_209] : memref<10240x64xf32, #tpu.memory_space<vmem_shared>> -> memref<10240x64xf32, #tpu.memory_space<vmem_shared>>
      tpu.enqueue_indirect_dma source(%arg12 : memref<128x64xf32, #tpu.memory_space<vmem>>) target(%dma_start3A_210 : memref<10240x64xf32, #tpu.memory_space<vmem_shared>>) offsets(%dma_start3A_207 : memref<128xi32, #tpu.memory_space<vmem>>) semaphore(%arg23 : memref<!tpu.dma_semaphore, #tpu.memory_space<semaphore_mem>>) {add = true}
      %ge3A_211 = arith.constant 1 : i32
      %ge3A_212 = arith.cmpi sge, %add3A_198, %ge3A_211 : i32
      %convert_element_type3A_213 = arith.extui %ge3A_212 : i1 to i32
      %cond3A_214 = arith.constant 0 : i32
      %cond3A_215 = arith.cmpi ne, %convert_element_type3A_213, %cond3A_214 : i32
      scf.if %cond3A_215 {
        %sub3A_255 = arith.constant 1 : i32
        %sub3A_256 = arith.subi %add3A_198, %sub3A_255 : i32
        %dma_wait3A_257 = arith.constant 0 : i32
        %dma_wait3A_258 = tpu.memref_slice %arg8[%sub3A_256, %dma_wait3A_257] : memref<160x128xi32, #tpu.memory_space<vmem>> -> memref<1x128xi32, #tpu.memory_space<vmem>>
        %dma_wait3A_259 = tpu.memref_squeeze %dma_wait3A_258 : memref<1x128xi32, #tpu.memory_space<vmem>> -> memref<128xi32, #tpu.memory_space<vmem>>
        %dma_wait3A_260 = arith.constant 0 : i32
        %dma_wait3A_261 = arith.constant 0 : i32
        %dma_wait3A_262 = tpu.memref_slice %arg14[%dma_wait3A_260, %dma_wait3A_261] : memref<10240x64xf32, #tpu.memory_space<vmem_shared>> -> memref<10240x64xf32, #tpu.memory_space<vmem_shared>>
        tpu.wait_indirect_dma semaphore(%arg22 : memref<!tpu.dma_semaphore, #tpu.memory_space<semaphore_mem>>) src(%arg11 : memref<128x64xf32, #tpu.memory_space<vmem>>) dst(%dma_wait3A_262 : memref<10240x64xf32, #tpu.memory_space<vmem_shared>>)
      } else {
      }
      %add3A_216 = arith.constant 5 : i32
      %add3A_217 = arith.addi %add3A_198, %add3A_216 : i32
      %sub3A_218 = arith.constant 1 : i32
      %sub3A_219 = arith.subi %add3A_217, %sub3A_218 : i32
      %lt3A_220 = arith.constant 160 : i32
      %lt3A_221 = arith.cmpi slt, %sub3A_219, %lt3A_220 : i32
      %convert_element_type3A_222 = arith.extui %lt3A_221 : i1 to i32
      %cond3A_223 = arith.constant 0 : i32
      %cond3A_224 = arith.cmpi ne, %convert_element_type3A_222, %cond3A_223 : i32
      scf.if %cond3A_224 {
        %add3A_255 = arith.constant 5 : i32
        %add3A_256 = arith.addi %add3A_198, %add3A_255 : i32
        %sub3A_257 = arith.constant 1 : i32
        %sub3A_258 = arith.subi %add3A_256, %sub3A_257 : i32
        %dma_start3A_259 = arith.constant 0 : i32
        %dma_start3A_260 = tpu.memref_slice %arg7[%sub3A_258, %dma_start3A_259] : memref<160x128xi32, #tpu.memory_space<vmem>> -> memref<1x128xi32, #tpu.memory_space<vmem>>
        %dma_start3A_261 = tpu.memref_squeeze %dma_start3A_260 : memref<1x128xi32, #tpu.memory_space<vmem>> -> memref<128xi32, #tpu.memory_space<vmem>>
        %dma_start3A_262 = arith.constant 0 : i32
        %dma_start3A_263 = arith.constant 0 : i32
        %dma_start3A_264 = tpu.memref_slice %arg3[%dma_start3A_262, %dma_start3A_263] : memref<20000x64xf32, #tpu.memory_space<hbm>> -> memref<20000x64xf32, #tpu.memory_space<hbm>>
        tpu.enqueue_indirect_dma source(%dma_start3A_264 : memref<20000x64xf32, #tpu.memory_space<hbm>>) target(%arg11 : memref<128x64xf32, #tpu.memory_space<vmem>>) offsets(%dma_start3A_261 : memref<128xi32, #tpu.memory_space<vmem>>) semaphore(%arg17 : memref<!tpu.dma_semaphore, #tpu.memory_space<semaphore_mem>>)
      } else {
      }
      %mul3A_225 = arith.constant 5 : i32
      %mul3A_226 = arith.muli %scan3A_110, %mul3A_225 : i32
      %add3A_227 = arith.constant 4 : i32
      %add3A_228 = arith.addi %mul3A_226, %add3A_227 : i32
      %dma_wait3A_229 = arith.constant 0 : i32
      %dma_wait3A_230 = tpu.memref_slice %arg7[%add3A_228, %dma_wait3A_229] : memref<160x128xi32, #tpu.memory_space<vmem>> -> memref<1x128xi32, #tpu.memory_space<vmem>>
      %dma_wait3A_231 = tpu.memref_squeeze %dma_wait3A_230 : memref<1x128xi32, #tpu.memory_space<vmem>> -> memref<128xi32, #tpu.memory_space<vmem>>
      %dma_wait3A_232 = arith.constant 0 : i32
      %dma_wait3A_233 = arith.constant 0 : i32
      %dma_wait3A_234 = tpu.memref_slice %arg3[%dma_wait3A_232, %dma_wait3A_233] : memref<20000x64xf32, #tpu.memory_space<hbm>> -> memref<20000x64xf32, #tpu.memory_space<hbm>>
      tpu.wait_indirect_dma semaphore(%arg19 : memref<!tpu.dma_semaphore, #tpu.memory_space<semaphore_mem>>) src(%dma_wait3A_234 : memref<20000x64xf32, #tpu.memory_space<hbm>>) dst(%arg13 : memref<128x64xf32, #tpu.memory_space<vmem>>)
      %dma_start3A_235 = arith.constant 0 : i32
      %dma_start3A_236 = tpu.memref_slice %arg8[%add3A_228, %dma_start3A_235] : memref<160x128xi32, #tpu.memory_space<vmem>> -> memref<1x128xi32, #tpu.memory_space<vmem>>
      %dma_start3A_237 = tpu.memref_squeeze %dma_start3A_236 : memref<1x128xi32, #tpu.memory_space<vmem>> -> memref<128xi32, #tpu.memory_space<vmem>>
      %dma_start3A_238 = arith.constant 0 : i32
      %dma_start3A_239 = arith.constant 0 : i32
      %dma_start3A_240 = tpu.memref_slice %arg14[%dma_start3A_238, %dma_start3A_239] : memref<10240x64xf32, #tpu.memory_space<vmem_shared>> -> memref<10240x64xf32, #tpu.memory_space<vmem_shared>>
      tpu.enqueue_indirect_dma source(%arg13 : memref<128x64xf32, #tpu.memory_space<vmem>>) target(%dma_start3A_240 : memref<10240x64xf32, #tpu.memory_space<vmem_shared>>) offsets(%dma_start3A_237 : memref<128xi32, #tpu.memory_space<vmem>>) semaphore(%arg24 : memref<!tpu.dma_semaphore, #tpu.memory_space<semaphore_mem>>) {add = true}
      %ge3A_241 = arith.constant 1 : i32
      %ge3A_242 = arith.cmpi sge, %add3A_228, %ge3A_241 : i32
      %convert_element_type3A_243 = arith.extui %ge3A_242 : i1 to i32
      %cond3A_244 = arith.constant 0 : i32
      %cond3A_245 = arith.cmpi ne, %convert_element_type3A_243, %cond3A_244 : i32
      scf.if %cond3A_245 {
        %sub3A_255 = arith.constant 1 : i32
        %sub3A_256 = arith.subi %add3A_228, %sub3A_255 : i32
        %dma_wait3A_257 = arith.constant 0 : i32
        %dma_wait3A_258 = tpu.memref_slice %arg8[%sub3A_256, %dma_wait3A_257] : memref<160x128xi32, #tpu.memory_space<vmem>> -> memref<1x128xi32, #tpu.memory_space<vmem>>
        %dma_wait3A_259 = tpu.memref_squeeze %dma_wait3A_258 : memref<1x128xi32, #tpu.memory_space<vmem>> -> memref<128xi32, #tpu.memory_space<vmem>>
        %dma_wait3A_260 = arith.constant 0 : i32
        %dma_wait3A_261 = arith.constant 0 : i32
        %dma_wait3A_262 = tpu.memref_slice %arg14[%dma_wait3A_260, %dma_wait3A_261] : memref<10240x64xf32, #tpu.memory_space<vmem_shared>> -> memref<10240x64xf32, #tpu.memory_space<vmem_shared>>
        tpu.wait_indirect_dma semaphore(%arg23 : memref<!tpu.dma_semaphore, #tpu.memory_space<semaphore_mem>>) src(%arg12 : memref<128x64xf32, #tpu.memory_space<vmem>>) dst(%dma_wait3A_262 : memref<10240x64xf32, #tpu.memory_space<vmem_shared>>)
      } else {
      }
      %add3A_246 = arith.constant 5 : i32
      %add3A_247 = arith.addi %add3A_228, %add3A_246 : i32
      %sub3A_248 = arith.constant 1 : i32
      %sub3A_249 = arith.subi %add3A_247, %sub3A_248 : i32
      %lt3A_250 = arith.constant 160 : i32
      %lt3A_251 = arith.cmpi slt, %sub3A_249, %lt3A_250 : i32
      %convert_element_type3A_252 = arith.extui %lt3A_251 : i1 to i32
      %cond3A_253 = arith.constant 0 : i32
      %cond3A_254 = arith.cmpi ne, %convert_element_type3A_252, %cond3A_253 : i32
      scf.if %cond3A_254 {
        %add3A_255 = arith.constant 5 : i32
        %add3A_256 = arith.addi %add3A_228, %add3A_255 : i32
        %sub3A_257 = arith.constant 1 : i32
        %sub3A_258 = arith.subi %add3A_256, %sub3A_257 : i32
        %dma_start3A_259 = arith.constant 0 : i32
        %dma_start3A_260 = tpu.memref_slice %arg7[%sub3A_258, %dma_start3A_259] : memref<160x128xi32, #tpu.memory_space<vmem>> -> memref<1x128xi32, #tpu.memory_space<vmem>>
        %dma_start3A_261 = tpu.memref_squeeze %dma_start3A_260 : memref<1x128xi32, #tpu.memory_space<vmem>> -> memref<128xi32, #tpu.memory_space<vmem>>
        %dma_start3A_262 = arith.constant 0 : i32
        %dma_start3A_263 = arith.constant 0 : i32
        %dma_start3A_264 = tpu.memref_slice %arg3[%dma_start3A_262, %dma_start3A_263] : memref<20000x64xf32, #tpu.memory_space<hbm>> -> memref<20000x64xf32, #tpu.memory_space<hbm>>
        tpu.enqueue_indirect_dma source(%dma_start3A_264 : memref<20000x64xf32, #tpu.memory_space<hbm>>) target(%arg12 : memref<128x64xf32, #tpu.memory_space<vmem>>) offsets(%dma_start3A_261 : memref<128xi32, #tpu.memory_space<vmem>>) semaphore(%arg18 : memref<!tpu.dma_semaphore, #tpu.memory_space<semaphore_mem>>)
      } else {
      }
    }
    %scan3A_100 = arith.constant 32 : i32
    %dma_wait3A_101 = arith.constant 159 : i32
    %dma_wait3A_102 = arith.constant 0 : i32
    %dma_wait3A_103 = tpu.memref_slice %arg8[%dma_wait3A_101, %dma_wait3A_102] : memref<160x128xi32, #tpu.memory_space<vmem>> -> memref<1x128xi32, #tpu.memory_space<vmem>>
    %dma_wait3A_104 = tpu.memref_squeeze %dma_wait3A_103 : memref<1x128xi32, #tpu.memory_space<vmem>> -> memref<128xi32, #tpu.memory_space<vmem>>
    %dma_wait3A_105 = arith.constant 0 : i32
    %dma_wait3A_106 = arith.constant 0 : i32
    %dma_wait3A_107 = tpu.memref_slice %arg14[%dma_wait3A_105, %dma_wait3A_106] : memref<10240x64xf32, #tpu.memory_space<vmem_shared>> -> memref<10240x64xf32, #tpu.memory_space<vmem_shared>>
    tpu.wait_indirect_dma semaphore(%arg24 : memref<!tpu.dma_semaphore, #tpu.memory_space<semaphore_mem>>) src(%arg13 : memref<128x64xf32, #tpu.memory_space<vmem>>) dst(%dma_wait3A_107 : memref<10240x64xf32, #tpu.memory_space<vmem_shared>>)
    %barrier3A_108 = arith.constant 0 : index
    tpu.barrier barrier_id(%barrier3A_108)
    %run_scoped3A_109 = arith.constant 1 : i32
    "tpu.region"() ({
      %run_scoped3A_110 = tpu.sem_alloc : memref<!tpu.dma_semaphore, #tpu.memory_space<semaphore_mem>>
      %dma_start3A_111 = arith.constant 0 : i32
      %dma_start3A_112 = tpu.memref_slice %arg6[%arg0, %run_scoped3A_109, %mul3A_0, %dma_start3A_111] : memref<2x2x10240x64xf32, #tpu.memory_space<hbm>> -> memref<1x1x640x64xf32, #tpu.memory_space<hbm>>
      %dma_start3A_113 = tpu.memref_squeeze %dma_start3A_112 : memref<1x1x640x64xf32, #tpu.memory_space<hbm>> -> memref<640x64xf32, #tpu.memory_space<hbm>>
      %dma_start3A_114 = arith.constant 0 : i32
      %dma_start3A_115 = tpu.memref_slice %arg14[%mul3A_0, %dma_start3A_114] : memref<10240x64xf32, #tpu.memory_space<vmem_shared>> -> memref<640x64xf32, #tpu.memory_space<vmem_shared>>
      tpu.enqueue_dma source(%dma_start3A_115 : memref<640x64xf32, #tpu.memory_space<vmem_shared>>) target(%dma_start3A_113 : memref<640x64xf32, #tpu.memory_space<hbm>>) target_semaphore(%run_scoped3A_110 : memref<!tpu.dma_semaphore, #tpu.memory_space<semaphore_mem>>)
      %dma_wait3A_116 = arith.constant 0 : i32
      %dma_wait3A_117 = tpu.memref_slice %arg6[%arg0, %run_scoped3A_109, %mul3A_0, %dma_wait3A_116] : memref<2x2x10240x64xf32, #tpu.memory_space<hbm>> -> memref<1x1x640x64xf32, #tpu.memory_space<hbm>>
      %dma_wait3A_118 = tpu.memref_squeeze %dma_wait3A_117 : memref<1x1x640x64xf32, #tpu.memory_space<hbm>> -> memref<640x64xf32, #tpu.memory_space<hbm>>
      %dma_wait3A_119 = arith.constant 0 : i32
      %dma_wait3A_120 = tpu.memref_slice %arg14[%mul3A_0, %dma_wait3A_119] : memref<10240x64xf32, #tpu.memory_space<vmem_shared>> -> memref<640x64xf32, #tpu.memory_space<vmem_shared>>
      tpu.wait_dma2 semaphore(%run_scoped3A_110 : memref<!tpu.dma_semaphore, #tpu.memory_space<semaphore_mem>>) src(%dma_wait3A_120 : memref<640x64xf32, #tpu.memory_space<vmem_shared>>) dst(%dma_wait3A_118 : memref<640x64xf32, #tpu.memory_space<hbm>>)
      tpu.yield
    }) : () -> ()
    return
  }
}

module attributes {stable_mosaic.version = 14 : i64} {
  func.func @_layer_body(%arg0: i32, %arg1: memref<2x2x1000x64xf32, #tpu.memory_space<vmem>>, %arg2: memref<2x1000x8xf32, #tpu.memory_space<vmem>>, %arg3: memref<2x1000x64xf32, #tpu.memory_space<vmem>>, %arg4: memref<2x1000x64xf32, #tpu.memory_space<vmem>>, %arg5: memref<128x128xf32, #tpu.memory_space<vmem>>, %arg6: memref<128x128xf32, #tpu.memory_space<vmem>>, %arg7: memref<128x128xf32, #tpu.memory_space<vmem>>, %arg8: memref<128x128xf32, #tpu.memory_space<vmem>>, %arg9: memref<1x128xf32, #tpu.memory_space<vmem>>, %arg10: memref<1x128xf32, #tpu.memory_space<vmem>>, %arg11: memref<1x128xf32, #tpu.memory_space<vmem>>, %arg12: memref<1x128xf32, #tpu.memory_space<vmem>>, %arg13: memref<1x128xf32, #tpu.memory_space<vmem>>, %arg14: memref<1x128xf32, #tpu.memory_space<vmem>>, %arg15: memref<2x1000x64xf32, #tpu.memory_space<vmem>>, %arg16: memref<2x1000x64xf32, #tpu.memory_space<vmem>>) attributes {dimension_semantics = [#tpu.dimension_semantics<arbitrary>], iteration_bounds = array<i64: 10>, scalar_prefetch = 0 : i64, scratch_operands = 0 : i64, tpu.core_type = #tpu.core_type<tc>, window_params = [{transform_indices = @transform_0, window_bounds = array<i64: 2, 2, 1000, 64>}, {transform_indices = @transform_1, window_bounds = array<i64: 2, 1000, 8>}, {transform_indices = @transform_2, window_bounds = array<i64: 2, 1000, 64>}, {transform_indices = @transform_3, window_bounds = array<i64: 2, 1000, 64>}, {pipeline_mode = #tpu.pipeline_mode<synchronous>, transform_indices = @transform_4, window_bounds = array<i64: 128, 128>}, {pipeline_mode = #tpu.pipeline_mode<synchronous>, transform_indices = @transform_5, window_bounds = array<i64: 128, 128>}, {pipeline_mode = #tpu.pipeline_mode<synchronous>, transform_indices = @transform_6, window_bounds = array<i64: 128, 128>}, {pipeline_mode = #tpu.pipeline_mode<synchronous>, transform_indices = @transform_7, window_bounds = array<i64: 128, 128>}, {pipeline_mode = #tpu.pipeline_mode<synchronous>, transform_indices = @transform_8, window_bounds = array<i64: 1, 128>}, {pipeline_mode = #tpu.pipeline_mode<synchronous>, transform_indices = @transform_9, window_bounds = array<i64: 1, 128>}, {pipeline_mode = #tpu.pipeline_mode<synchronous>, transform_indices = @transform_10, window_bounds = array<i64: 1, 128>}, {pipeline_mode = #tpu.pipeline_mode<synchronous>, transform_indices = @transform_11, window_bounds = array<i64: 1, 128>}, {pipeline_mode = #tpu.pipeline_mode<synchronous>, transform_indices = @transform_12, window_bounds = array<i64: 1, 128>}, {pipeline_mode = #tpu.pipeline_mode<synchronous>, transform_indices = @transform_13, window_bounds = array<i64: 1, 128>}, {transform_indices = @transform_14, window_bounds = array<i64: 2, 1000, 64>}, {transform_indices = @transform_15, window_bounds = array<i64: 2, 1000, 64>}]} {
    %get3A = arith.constant 0 : index
    %get3A_0 = arith.constant 0 : index
    %get3A_1 = arith.constant 0 : index
    %get3A_2 = vector.load %arg3[%get3A, %get3A_0, %get3A_1] : memref<2x1000x64xf32, #tpu.memory_space<vmem>>, vector<1x1000x64xf32>
    %get3A_3 = vector.shape_cast %get3A_2 : vector<1x1000x64xf32> to vector<1000x64xf32>
    %get3A_4 = arith.constant 0 : index
    %get3A_5 = arith.constant 0 : index
    %get3A_6 = arith.constant 0 : index
    %get3A_7 = vector.load %arg4[%get3A_4, %get3A_5, %get3A_6] : memref<2x1000x64xf32, #tpu.memory_space<vmem>>, vector<1x1000x64xf32>
    %get3A_8 = vector.shape_cast %get3A_7 : vector<1x1000x64xf32> to vector<1000x64xf32>
    %concatenate3A = tpu.concatenate %get3A_3, %get3A_8 in 1 : vector<1000x64xf32>, vector<1000x64xf32> -> vector<1000x128xf32>
    %get3A_9 = arith.constant 1 : index
    %get3A_10 = arith.constant 0 : index
    %get3A_11 = arith.constant 0 : index
    %get3A_12 = vector.load %arg3[%get3A_9, %get3A_10, %get3A_11] : memref<2x1000x64xf32, #tpu.memory_space<vmem>>, vector<1x1000x64xf32>
    %get3A_13 = vector.shape_cast %get3A_12 : vector<1x1000x64xf32> to vector<1000x64xf32>
    %get3A_14 = arith.constant 1 : index
    %get3A_15 = arith.constant 0 : index
    %get3A_16 = arith.constant 0 : index
    %get3A_17 = vector.load %arg4[%get3A_14, %get3A_15, %get3A_16] : memref<2x1000x64xf32, #tpu.memory_space<vmem>>, vector<1x1000x64xf32>
    %get3A_18 = vector.shape_cast %get3A_17 : vector<1x1000x64xf32> to vector<1000x64xf32>
    %concatenate3A_19 = tpu.concatenate %get3A_13, %get3A_18 in 1 : vector<1000x64xf32>, vector<1000x64xf32> -> vector<1000x128xf32>
    %get3A_20 = arith.constant 0 : index
    %get3A_21 = arith.constant 0 : index
    %get3A_22 = arith.constant 0 : index
    %get3A_23 = arith.constant 0 : index
    %get3A_24 = vector.load %arg1[%get3A_20, %get3A_21, %get3A_22, %get3A_23] : memref<2x2x1000x64xf32, #tpu.memory_space<vmem>>, vector<1x1x1000x64xf32>
    %get3A_25 = vector.shape_cast %get3A_24 : vector<1x1x1000x64xf32> to vector<1000x64xf32>
    %get3A_26 = arith.constant 0 : index
    %get3A_27 = arith.constant 1 : index
    %get3A_28 = arith.constant 0 : index
    %get3A_29 = arith.constant 0 : index
    %get3A_30 = vector.load %arg1[%get3A_26, %get3A_27, %get3A_28, %get3A_29] : memref<2x2x1000x64xf32, #tpu.memory_space<vmem>>, vector<1x1x1000x64xf32>
    %get3A_31 = vector.shape_cast %get3A_30 : vector<1x1x1000x64xf32> to vector<1000x64xf32>
    %concatenate3A_32 = tpu.concatenate %get3A_25, %get3A_31 in 1 : vector<1000x64xf32>, vector<1000x64xf32> -> vector<1000x128xf32>
    %get3A_33 = arith.constant 1 : index
    %get3A_34 = arith.constant 0 : index
    %get3A_35 = arith.constant 0 : index
    %get3A_36 = arith.constant 0 : index
    %get3A_37 = vector.load %arg1[%get3A_33, %get3A_34, %get3A_35, %get3A_36] : memref<2x2x1000x64xf32, #tpu.memory_space<vmem>>, vector<1x1x1000x64xf32>
    %get3A_38 = vector.shape_cast %get3A_37 : vector<1x1x1000x64xf32> to vector<1000x64xf32>
    %get3A_39 = arith.constant 1 : index
    %get3A_40 = arith.constant 1 : index
    %get3A_41 = arith.constant 0 : index
    %get3A_42 = arith.constant 0 : index
    %get3A_43 = vector.load %arg1[%get3A_39, %get3A_40, %get3A_41, %get3A_42] : memref<2x2x1000x64xf32, #tpu.memory_space<vmem>>, vector<1x1x1000x64xf32>
    %get3A_44 = vector.shape_cast %get3A_43 : vector<1x1x1000x64xf32> to vector<1000x64xf32>
    %concatenate3A_45 = tpu.concatenate %get3A_38, %get3A_44 in 1 : vector<1000x64xf32>, vector<1000x64xf32> -> vector<1000x128xf32>
    %get3A_46 = arith.constant 0 : index
    %get3A_47 = arith.constant 0 : index
    %get3A_48 = arith.constant 0 : index
    %get3A_49 = vector.load %arg2[%get3A_46, %get3A_47, %get3A_48] : memref<2x1000x8xf32, #tpu.memory_space<vmem>>, vector<1x1000x8xf32>
    %get3A_50 = vector.shape_cast %get3A_49 : vector<1x1000x8xf32> to vector<1000x8xf32>
    %slice3A = vector.extract_strided_slice %get3A_50 {offsets = [0, 0], sizes = [1000, 1], strides = [1, 1]} : vector<1000x8xf32> to vector<1000x1xf32>
    %max3A = arith.constant 1.000000e+00 : f32
    %max3A_51 = vector.broadcast %max3A : f32 to vector<1000x1xf32>
    %max3A_52 = arith.maximumf %slice3A, %max3A_51 : vector<1000x1xf32>
    %div3A = vector.broadcast %max3A_52 : vector<1000x1xf32> to vector<1000x128xf32>
    %div3A_53 = arith.divf %concatenate3A_32, %div3A : vector<1000x128xf32>
    %get3A_54 = arith.constant 1 : index
    %get3A_55 = arith.constant 0 : index
    %get3A_56 = arith.constant 0 : index
    %get3A_57 = vector.load %arg2[%get3A_54, %get3A_55, %get3A_56] : memref<2x1000x8xf32, #tpu.memory_space<vmem>>, vector<1x1000x8xf32>
    %get3A_58 = vector.shape_cast %get3A_57 : vector<1x1000x8xf32> to vector<1000x8xf32>
    %slice3A_59 = vector.extract_strided_slice %get3A_58 {offsets = [0, 0], sizes = [1000, 1], strides = [1, 1]} : vector<1000x8xf32> to vector<1000x1xf32>
    %max3A_60 = arith.constant 1.000000e+00 : f32
    %max3A_61 = vector.broadcast %max3A_60 : f32 to vector<1000x1xf32>
    %max3A_62 = arith.maximumf %slice3A_59, %max3A_61 : vector<1000x1xf32>
    %div3A_63 = vector.broadcast %max3A_62 : vector<1000x1xf32> to vector<1000x128xf32>
    %div3A_64 = arith.divf %concatenate3A_45, %div3A_63 : vector<1000x128xf32>
    %get3A_65 = arith.constant 0 : index
    %get3A_66 = arith.constant 0 : index
    %get3A_67 = vector.load %arg5[%get3A_65, %get3A_66] : memref<128x128xf32, #tpu.memory_space<vmem>>, vector<128x128xf32>
    %dot_general3A = arith.constant dense<0.000000e+00> : vector<1000x128xf32>
    %dot_general3A_68 = tpu.matmul %div3A_53, %get3A_67, %dot_general3A {dimension_numbers = #tpu.dot_dimension_numbers<[1], [0], [0], [1], [0, 0, 1, 1], [], []>, transpose_lhs_hint = false} : vector<1000x128xf32>, vector<128x128xf32>, vector<1000x128xf32> -> vector<1000x128xf32>
    %get3A_69 = arith.constant 0 : index
    %get3A_70 = arith.constant 0 : index
    %get3A_71 = vector.load %arg6[%get3A_69, %get3A_70] : memref<128x128xf32, #tpu.memory_space<vmem>>, vector<128x128xf32>
    %dot_general3A_72 = arith.constant dense<0.000000e+00> : vector<1000x128xf32>
    %dot_general3A_73 = tpu.matmul %concatenate3A_19, %get3A_71, %dot_general3A_72 {dimension_numbers = #tpu.dot_dimension_numbers<[1], [0], [0], [1], [0, 0, 1, 1], [], []>, transpose_lhs_hint = false} : vector<1000x128xf32>, vector<128x128xf32>, vector<1000x128xf32> -> vector<1000x128xf32>
    %add3A = arith.addf %dot_general3A_68, %dot_general3A_73 : vector<1000x128xf32>
    %get3A_74 = arith.constant 0 : index
    %get3A_75 = arith.constant 0 : index
    %get3A_76 = vector.load %arg9[%get3A_74, %get3A_75] : memref<1x128xf32, #tpu.memory_space<vmem>>, vector<1x128xf32>
    %add3A_77 = vector.broadcast %get3A_76 : vector<1x128xf32> to vector<1000x128xf32>
    %add3A_78 = arith.addf %add3A, %add3A_77 : vector<1000x128xf32>
    %get3A_79 = arith.constant 0 : index
    %get3A_80 = arith.constant 0 : index
    %get3A_81 = vector.load %arg7[%get3A_79, %get3A_80] : memref<128x128xf32, #tpu.memory_space<vmem>>, vector<128x128xf32>
    %dot_general3A_82 = arith.constant dense<0.000000e+00> : vector<1000x128xf32>
    %dot_general3A_83 = tpu.matmul %div3A_64, %get3A_81, %dot_general3A_82 {dimension_numbers = #tpu.dot_dimension_numbers<[1], [0], [0], [1], [0, 0, 1, 1], [], []>, transpose_lhs_hint = false} : vector<1000x128xf32>, vector<128x128xf32>, vector<1000x128xf32> -> vector<1000x128xf32>
    %get3A_84 = arith.constant 0 : index
    %get3A_85 = arith.constant 0 : index
    %get3A_86 = vector.load %arg8[%get3A_84, %get3A_85] : memref<128x128xf32, #tpu.memory_space<vmem>>, vector<128x128xf32>
    %dot_general3A_87 = arith.constant dense<0.000000e+00> : vector<1000x128xf32>
    %dot_general3A_88 = tpu.matmul %concatenate3A, %get3A_86, %dot_general3A_87 {dimension_numbers = #tpu.dot_dimension_numbers<[1], [0], [0], [1], [0, 0, 1, 1], [], []>, transpose_lhs_hint = false} : vector<1000x128xf32>, vector<128x128xf32>, vector<1000x128xf32> -> vector<1000x128xf32>
    %add3A_89 = arith.addf %dot_general3A_83, %dot_general3A_88 : vector<1000x128xf32>
    %get3A_90 = arith.constant 0 : index
    %get3A_91 = arith.constant 0 : index
    %get3A_92 = vector.load %arg10[%get3A_90, %get3A_91] : memref<1x128xf32, #tpu.memory_space<vmem>>, vector<1x128xf32>
    %add3A_93 = vector.broadcast %get3A_92 : vector<1x128xf32> to vector<1000x128xf32>
    %add3A_94 = arith.addf %add3A_89, %add3A_93 : vector<1000x128xf32>
    %get3A_95 = arith.constant 0 : index
    %get3A_96 = arith.constant 0 : index
    %get3A_97 = vector.load %arg11[%get3A_95, %get3A_96] : memref<1x128xf32, #tpu.memory_space<vmem>>, vector<1x128xf32>
    %get3A_98 = arith.constant 0 : index
    %get3A_99 = arith.constant 0 : index
    %get3A_100 = vector.load %arg12[%get3A_98, %get3A_99] : memref<1x128xf32, #tpu.memory_space<vmem>>, vector<1x128xf32>
    %reduce_sum3A = arith.constant dense<0.000000e+00> : vector<1000xf32>
    %reduce_sum3A_101 = vector.multi_reduction <add>, %add3A_94, %reduce_sum3A [1] : vector<1000x128xf32> to vector<1000xf32>
    %broadcast_in_dim3A = vector.shape_cast %reduce_sum3A_101 : vector<1000xf32> to vector<1000x1xf32>
    %div3A_102 = arith.constant 1.280000e+02 : f32
    %div3A_103 = vector.broadcast %div3A_102 : f32 to vector<1000x1xf32>
    %div3A_104 = arith.divf %broadcast_in_dim3A, %div3A_103 : vector<1000x1xf32>
    %sub3A = vector.broadcast %div3A_104 : vector<1000x1xf32> to vector<1000x128xf32>
    %sub3A_105 = arith.subf %add3A_94, %sub3A : vector<1000x128xf32>
    %mul3A = arith.mulf %sub3A_105, %sub3A_105 : vector<1000x128xf32>
    %reduce_sum3A_106 = arith.constant dense<0.000000e+00> : vector<1000xf32>
    %reduce_sum3A_107 = vector.multi_reduction <add>, %mul3A, %reduce_sum3A_106 [1] : vector<1000x128xf32> to vector<1000xf32>
    %broadcast_in_dim3A_108 = vector.shape_cast %reduce_sum3A_107 : vector<1000xf32> to vector<1000x1xf32>
    %div3A_109 = arith.constant 1.280000e+02 : f32
    %div3A_110 = vector.broadcast %div3A_109 : f32 to vector<1000x1xf32>
    %div3A_111 = arith.divf %broadcast_in_dim3A_108, %div3A_110 : vector<1000x1xf32>
    %add3A_112 = arith.constant 9.99999974E-6 : f32
    %add3A_113 = vector.broadcast %add3A_112 : f32 to vector<1000x1xf32>
    %add3A_114 = arith.addf %div3A_111, %add3A_113 : vector<1000x1xf32>
    %rsqrt3A = math.rsqrt %add3A_114 : vector<1000x1xf32>
    %mul3A_115 = vector.broadcast %rsqrt3A : vector<1000x1xf32> to vector<1000x128xf32>
    %mul3A_116 = arith.mulf %sub3A_105, %mul3A_115 : vector<1000x128xf32>
    %mul3A_117 = vector.broadcast %get3A_97 : vector<1x128xf32> to vector<1000x128xf32>
    %mul3A_118 = arith.mulf %mul3A_116, %mul3A_117 : vector<1000x128xf32>
    %add3A_119 = vector.broadcast %get3A_100 : vector<1x128xf32> to vector<1000x128xf32>
    %add3A_120 = arith.addf %mul3A_118, %add3A_119 : vector<1000x128xf32>
    %get3A_121 = arith.constant 0 : index
    %get3A_122 = arith.constant 0 : index
    %get3A_123 = vector.load %arg13[%get3A_121, %get3A_122] : memref<1x128xf32, #tpu.memory_space<vmem>>, vector<1x128xf32>
    %get3A_124 = arith.constant 0 : index
    %get3A_125 = arith.constant 0 : index
    %get3A_126 = vector.load %arg14[%get3A_124, %get3A_125] : memref<1x128xf32, #tpu.memory_space<vmem>>, vector<1x128xf32>
    %reduce_sum3A_127 = arith.constant dense<0.000000e+00> : vector<1000xf32>
    %reduce_sum3A_128 = vector.multi_reduction <add>, %add3A_78, %reduce_sum3A_127 [1] : vector<1000x128xf32> to vector<1000xf32>
    %broadcast_in_dim3A_129 = vector.shape_cast %reduce_sum3A_128 : vector<1000xf32> to vector<1000x1xf32>
    %div3A_130 = arith.constant 1.280000e+02 : f32
    %div3A_131 = vector.broadcast %div3A_130 : f32 to vector<1000x1xf32>
    %div3A_132 = arith.divf %broadcast_in_dim3A_129, %div3A_131 : vector<1000x1xf32>
    %sub3A_133 = vector.broadcast %div3A_132 : vector<1000x1xf32> to vector<1000x128xf32>
    %sub3A_134 = arith.subf %add3A_78, %sub3A_133 : vector<1000x128xf32>
    %mul3A_135 = arith.mulf %sub3A_134, %sub3A_134 : vector<1000x128xf32>
    %reduce_sum3A_136 = arith.constant dense<0.000000e+00> : vector<1000xf32>
    %reduce_sum3A_137 = vector.multi_reduction <add>, %mul3A_135, %reduce_sum3A_136 [1] : vector<1000x128xf32> to vector<1000xf32>
    %broadcast_in_dim3A_138 = vector.shape_cast %reduce_sum3A_137 : vector<1000xf32> to vector<1000x1xf32>
    %div3A_139 = arith.constant 1.280000e+02 : f32
    %div3A_140 = vector.broadcast %div3A_139 : f32 to vector<1000x1xf32>
    %div3A_141 = arith.divf %broadcast_in_dim3A_138, %div3A_140 : vector<1000x1xf32>
    %add3A_142 = arith.constant 9.99999974E-6 : f32
    %add3A_143 = vector.broadcast %add3A_142 : f32 to vector<1000x1xf32>
    %add3A_144 = arith.addf %div3A_141, %add3A_143 : vector<1000x1xf32>
    %rsqrt3A_145 = math.rsqrt %add3A_144 : vector<1000x1xf32>
    %mul3A_146 = vector.broadcast %rsqrt3A_145 : vector<1000x1xf32> to vector<1000x128xf32>
    %mul3A_147 = arith.mulf %sub3A_134, %mul3A_146 : vector<1000x128xf32>
    %mul3A_148 = vector.broadcast %get3A_123 : vector<1x128xf32> to vector<1000x128xf32>
    %mul3A_149 = arith.mulf %mul3A_147, %mul3A_148 : vector<1000x128xf32>
    %add3A_150 = vector.broadcast %get3A_126 : vector<1x128xf32> to vector<1000x128xf32>
    %add3A_151 = arith.addf %mul3A_149, %add3A_150 : vector<1000x128xf32>
    %slice3A_152 = vector.extract_strided_slice %add3A_120 {offsets = [0, 0], sizes = [1000, 64], strides = [1, 1]} : vector<1000x128xf32> to vector<1000x64xf32>
    %swap3A = arith.constant 0 : index
    %swap3A_153 = arith.constant 0 : index
    %swap3A_154 = arith.constant 0 : index
    %swap3A_155 = vector.load %arg15[%swap3A, %swap3A_153, %swap3A_154] : memref<2x1000x64xf32, #tpu.memory_space<vmem>>, vector<1x1000x64xf32>
    %swap3A_156 = vector.shape_cast %swap3A_155 : vector<1x1000x64xf32> to vector<1000x64xf32>
    %swap3A_157 = vector.shape_cast %slice3A_152 : vector<1000x64xf32> to vector<1x1000x64xf32>
    tpu.vector_store %arg15[%swap3A, %swap3A_153, %swap3A_154], %swap3A_157 {strides = array<i32>} : memref<2x1000x64xf32, #tpu.memory_space<vmem>>, vector<1x1000x64xf32>,
    %slice3A_158 = vector.extract_strided_slice %add3A_151 {offsets = [0, 0], sizes = [1000, 64], strides = [1, 1]} : vector<1000x128xf32> to vector<1000x64xf32>
    %swap3A_159 = arith.constant 1 : index
    %swap3A_160 = arith.constant 0 : index
    %swap3A_161 = arith.constant 0 : index
    %swap3A_162 = vector.load %arg15[%swap3A_159, %swap3A_160, %swap3A_161] : memref<2x1000x64xf32, #tpu.memory_space<vmem>>, vector<1x1000x64xf32>
    %swap3A_163 = vector.shape_cast %swap3A_162 : vector<1x1000x64xf32> to vector<1000x64xf32>
    %swap3A_164 = vector.shape_cast %slice3A_158 : vector<1000x64xf32> to vector<1x1000x64xf32>
    tpu.vector_store %arg15[%swap3A_159, %swap3A_160, %swap3A_161], %swap3A_164 {strides = array<i32>} : memref<2x1000x64xf32, #tpu.memory_space<vmem>>, vector<1x1000x64xf32>,
    %slice3A_165 = vector.extract_strided_slice %add3A_120 {offsets = [0, 64], sizes = [1000, 64], strides = [1, 1]} : vector<1000x128xf32> to vector<1000x64xf32>
    %swap3A_166 = arith.constant 0 : index
    %swap3A_167 = arith.constant 0 : index
    %swap3A_168 = arith.constant 0 : index
    %swap3A_169 = vector.load %arg16[%swap3A_166, %swap3A_167, %swap3A_168] : memref<2x1000x64xf32, #tpu.memory_space<vmem>>, vector<1x1000x64xf32>
    %swap3A_170 = vector.shape_cast %swap3A_169 : vector<1x1000x64xf32> to vector<1000x64xf32>
    %swap3A_171 = vector.shape_cast %slice3A_165 : vector<1000x64xf32> to vector<1x1000x64xf32>
    tpu.vector_store %arg16[%swap3A_166, %swap3A_167, %swap3A_168], %swap3A_171 {strides = array<i32>} : memref<2x1000x64xf32, #tpu.memory_space<vmem>>, vector<1x1000x64xf32>,
    %slice3A_172 = vector.extract_strided_slice %add3A_151 {offsets = [0, 64], sizes = [1000, 64], strides = [1, 1]} : vector<1000x128xf32> to vector<1000x64xf32>
    %swap3A_173 = arith.constant 1 : index
    %swap3A_174 = arith.constant 0 : index
    %swap3A_175 = arith.constant 0 : index
    %swap3A_176 = vector.load %arg16[%swap3A_173, %swap3A_174, %swap3A_175] : memref<2x1000x64xf32, #tpu.memory_space<vmem>>, vector<1x1000x64xf32>
    %swap3A_177 = vector.shape_cast %swap3A_176 : vector<1x1000x64xf32> to vector<1000x64xf32>
    %swap3A_178 = vector.shape_cast %slice3A_172 : vector<1000x64xf32> to vector<1x1000x64xf32>
    tpu.vector_store %arg16[%swap3A_173, %swap3A_174, %swap3A_175], %swap3A_178 {strides = array<i32>} : memref<2x1000x64xf32, #tpu.memory_space<vmem>>, vector<1x1000x64xf32>,
    return
  }
  func.func @transform_0(%arg0: i32) -> (i32, i32, i32, i32) {
    %c0_i32 = arith.constant 0 : i32
    %c0_i32_0 = arith.constant 0 : i32
    %c0_i32_1 = arith.constant 0 : i32
    %c0_i32_2 = arith.constant 0 : i32
    return %c0_i32, %c0_i32_0, %arg0, %c0_i32_1 : i32, i32, i32, i32
  }
  func.func @transform_1(%arg0: i32) -> (i32, i32, i32) {
    %c0_i32 = arith.constant 0 : i32
    %c0_i32_0 = arith.constant 0 : i32
    %c0_i32_1 = arith.constant 0 : i32
    return %c0_i32, %arg0, %c0_i32_0 : i32, i32, i32
  }
  func.func @transform_2(%arg0: i32) -> (i32, i32, i32) {
    %c0_i32 = arith.constant 0 : i32
    %c0_i32_0 = arith.constant 0 : i32
    %c0_i32_1 = arith.constant 0 : i32
    return %c0_i32, %arg0, %c0_i32_0 : i32, i32, i32
  }
  func.func @transform_3(%arg0: i32) -> (i32, i32, i32) {
    %c0_i32 = arith.constant 0 : i32
    %c0_i32_0 = arith.constant 0 : i32
    %c0_i32_1 = arith.constant 0 : i32
    return %c0_i32, %arg0, %c0_i32_0 : i32, i32, i32
  }
  func.func @transform_4(%arg0: i32) -> (i32, i32) {
    %c0_i32 = arith.constant 0 : i32
    %c0_i32_0 = arith.constant 0 : i32
    %c0_i32_1 = arith.constant 0 : i32
    return %c0_i32, %c0_i32_0 : i32, i32
  }
  func.func @transform_5(%arg0: i32) -> (i32, i32) {
    %c0_i32 = arith.constant 0 : i32
    %c0_i32_0 = arith.constant 0 : i32
    %c0_i32_1 = arith.constant 0 : i32
    return %c0_i32, %c0_i32_0 : i32, i32
  }
  func.func @transform_6(%arg0: i32) -> (i32, i32) {
    %c0_i32 = arith.constant 0 : i32
    %c0_i32_0 = arith.constant 0 : i32
    %c0_i32_1 = arith.constant 0 : i32
    return %c0_i32, %c0_i32_0 : i32, i32
  }
  func.func @transform_7(%arg0: i32) -> (i32, i32) {
    %c0_i32 = arith.constant 0 : i32
    %c0_i32_0 = arith.constant 0 : i32
    %c0_i32_1 = arith.constant 0 : i32
    return %c0_i32, %c0_i32_0 : i32, i32
  }
  func.func @transform_8(%arg0: i32) -> (i32, i32) {
    %c0_i32 = arith.constant 0 : i32
    %c0_i32_0 = arith.constant 0 : i32
    %c0_i32_1 = arith.constant 0 : i32
    return %c0_i32, %c0_i32_0 : i32, i32
  }
  func.func @transform_9(%arg0: i32) -> (i32, i32) {
    %c0_i32 = arith.constant 0 : i32
    %c0_i32_0 = arith.constant 0 : i32
    %c0_i32_1 = arith.constant 0 : i32
    return %c0_i32, %c0_i32_0 : i32, i32
  }
  func.func @transform_10(%arg0: i32) -> (i32, i32) {
    %c0_i32 = arith.constant 0 : i32
    %c0_i32_0 = arith.constant 0 : i32
    %c0_i32_1 = arith.constant 0 : i32
    return %c0_i32, %c0_i32_0 : i32, i32
  }
  func.func @transform_11(%arg0: i32) -> (i32, i32) {
    %c0_i32 = arith.constant 0 : i32
    %c0_i32_0 = arith.constant 0 : i32
    %c0_i32_1 = arith.constant 0 : i32
    return %c0_i32, %c0_i32_0 : i32, i32
  }
  func.func @transform_12(%arg0: i32) -> (i32, i32) {
    %c0_i32 = arith.constant 0 : i32
    %c0_i32_0 = arith.constant 0 : i32
    %c0_i32_1 = arith.constant 0 : i32
    return %c0_i32, %c0_i32_0 : i32, i32
  }
  func.func @transform_13(%arg0: i32) -> (i32, i32) {
    %c0_i32 = arith.constant 0 : i32
    %c0_i32_0 = arith.constant 0 : i32
    %c0_i32_1 = arith.constant 0 : i32
    return %c0_i32, %c0_i32_0 : i32, i32
  }
  func.func @transform_14(%arg0: i32) -> (i32, i32, i32) {
    %c0_i32 = arith.constant 0 : i32
    %c0_i32_0 = arith.constant 0 : i32
    %c0_i32_1 = arith.constant 0 : i32
    return %c0_i32, %arg0, %c0_i32_0 : i32, i32, i32
  }
  func.func @transform_15(%arg0: i32) -> (i32, i32, i32) {
    %c0_i32 = arith.constant 0 : i32
    %c0_i32_0 = arith.constant 0 : i32
    %c0_i32_1 = arith.constant 0 : i32
    return %c0_i32, %arg0, %c0_i32_0 : i32, i32, i32
  }
}

</mosaic_0001>

<sc_bundles>
// kernel: kernel.12.cloned.1.call-start
scs
__scs_entry_jumppad:
0x0: {  	(pc) =	sbr.rel $0x88, $3  }
0x1: {  	(tag) =	ssettag $0x0;
	lr =	simm.s32 $0x1  }
0x2: {  	[smem:$0x3F79] =	sst lr;
	_ =	strace $0xD0000000  }
0x3: {  	_ = 	snop  }
0x4: {  	_ = 	snop  }
0x5: {  	_ = 	snop  }
0x6: {  	_ = 	snop  }
0x7: {  	_ = 	snop  }
__scs_overlays_trampoline_lowered:
0x8: {  	[smem:$0x3F88] =	sst s0  }
0x9: {  	[smem:$0x3F89] =	sst s1  }
0xa: {  	[smem:$0x3F8A] =	sst s2  }
0xb: {  	[smem:$0x3F8B] =	sst s3  }
0xc: {  	[smem:$0x3F8C] =	sst s4  }
0xd: {  	[smem:$0x3F8D] =	sst s5  }
0xe: {  	[smem:$0x3F8E] =	sst s6  }
0xf: {  	[smem:$0x3F8F] =	sst s7  }
0x10: {  	[smem:$0x3F90] =	sst s8  }
0x11: {  	[smem:$0x3F91] =	sst s9;
	s0 =	simm.s32 @!p0 $0x0  }
0x12: {  	s1 =	sld [smem:$0x3F77];
	s0 =	simm.s32 @p0 $0x1  }
0x13: {  	[smem:$0x3F92] =	sst s0;
	s0 =	simm.s32 @!p1 $0x0  }
0x14: {  	s2 =	sld [smem:$0x3F76];
	s0 =	simm.s32 @p1 $0x1  }
0x15: {  	[smem:$0x3F93] =	sst s0;
	s0 =	simm.s32 @!p2 $0x0  }
0x16: {  	s3 =	sld [smem:$0x3FDB];
	s0 =	simm.s32 @p2 $0x1  }
0x17: {  	s4 =	simm.s32 $0x1BF5;
	[smem:$0x3F95] =	sst s0  }
0x18: {  	s0 =	sld [smem:$0x3F78];
	_ =	swait.ge [sflag:s4], $0x0  }
0x19: {  	s7 =	sld [smem:$0x3F79]  }
0x1a: {  	s8 =	sadd.s32 $0xFFFFE003, lr  }
0x1b: {  	s9 =	sadd.s32 $0xFFFFFEF7, lr;
	s5 =	simm.s32 $0xFFFFFFFF;
	p2 =	slt.u32 s8, $0xFFFFF086  }
0x1c: {  	p1 =	slt.u32 s9, $0xF7A;
	s5 =	simm.s32 @!p2 $0x0  }
0x1d: {  	s5 =	simm.s32 @p1 $0x1;
	p0 =	seq.s32 s7, s2  }
0x1e: {  	s7 =	smul.u32 @!p0 $0xF7A, s2;
	p2 =	seq.s32 @!p0 s5, $0x0  }
0x1f: {  	s9 =	smul.u32 $0xF7A, s1;
	s8 =	simm.s32 @!p0 $0x1BF5;
	p2 =	por !p2, p0  }
0x20: {  	[sflag:s8] =	ssyncset.s32 @!p0 $0xFFFFF086;
	s6 =	sadd.s32 @!p0 s3, s7;
	s7 =	simm.s32 @!p0 $0x108  }
0x21: {  	s3 =	sadd.s32 s3, s9;
	s6 =	sadd.s32 @!p0 $0x88, s6;
	s7 =	simm.s32 @p2 $0x1082  }
0x22: {  	[simem:s7], [sflag:s8] =	dma.local @!p0 [hbm:s6], $0xF7A  }
0x23: {  	s9 =	sor.u32 $0xD0000000, s2;
	s6 =	simm.s32 $0x108;
	_ =	swait.ge @!p0 [sflag:s8], $0x0  }
0x24: {  	s3 =	sadd.s32 $0x88, s3;
	s6 =	simm.s32 @!p1 $0x1082;
	[sflag:s4] =	ssyncset.s32 $0xFFFFF086  }
0x25: {  	[simem:s6], [sflag:s4] =	dma.local [hbm:s3], $0xF7A  }
0x26: {  	[smem:$0x3F79] =	sst s1;
	(tag) =	ssettag s2;
	_ =	strace s9  }
0x27: {  	s1 =	sld [smem:$0x3F89]  }
0x28: {  	s2 =	sld [smem:$0x3F8A]  }
0x29: {  	s4 =	sld [smem:$0x3F8C]  }
0x2a: {  	p0 =	seq.s32 s5, $0x0;
	s5 =	sld [smem:$0x3F8D]  }
0x2b: {  	s6 =	sld [smem:$0x3F8E]  }
0x2c: {  	s7 =	sld [smem:$0x3F8F]  }
0x2d: {  	s3 =	simm.s32 $0x108;
	s8 =	sld [smem:$0x3F90]  }
0x2e: {  	s3 =	simm.s32 @!p0 $0x1082;
	s9 =	sld [smem:$0x3F91]  }
0x2f: {  	lr =	sadd.s32 s0, s3;
	s0 =	sld [smem:$0x3F88]  }
0x30: {  	s3 =	sld [smem:$0x3F8B]  }
0x31: {  	[smem:$0x3F94] =	sst s10  }
0x32: {  	s10 =	sld [smem:$0x3F92];
	_ =	sdelay $0x3  }
0x33: {  	p0 =	seq.s32 s10, $0x1;
	s10 =	sld [smem:$0x3F94];
	_ =	sdelay $0x3  }
0x34: {  	[smem:$0x3F94] =	sst s10  }
0x35: {  	s10 =	sld [smem:$0x3F93];
	_ =	sdelay $0x3  }
0x36: {  	p1 =	seq.s32 s10, $0x1;
	s10 =	sld [smem:$0x3F94];
	_ =	sdelay $0x3  }
0x37: {  	[smem:$0x3F94] =	sst s10  }
0x38: {  	s10 =	sld [smem:$0x3F95]  }
0x39: {  	_ = 	snop;
	(pc) =	sbr.ind lr, $3  }
0x3a: {  	_ = 	snop  }
0x3b: {  	_ = 	snop  }
0x3c: {  	p2 =	seq.s32 s10, $0x1;
	s10 =	sld [smem:$0x3F94]  }
0x3d: {  	_ =	shalt  }
0x3e: {  	_ =	shalt  }
0x3f: {  	_ =	shalt  }
0x40: {  	_ =	shalt  }
0x41: {  	_ =	shalt  }
0x42: {  	_ =	shalt  }
0x43: {  	_ =	shalt  }
0x44: {  	_ =	shalt  }
0x45: {  	_ =	shalt  }
0x46: {  	_ =	shalt  }
0x47: {  	_ =	shalt  }
0x48: {  	_ =	shalt  }
0x49: {  	_ =	shalt  }
0x4a: {  	_ =	shalt  }
0x4b: {  	_ =	shalt  }
0x4c: {  	_ =	shalt  }
0x4d: {  	_ =	shalt  }
0x4e: {  	_ =	shalt  }
0x4f: {  	_ =	shalt  }
0x50: {  	_ =	shalt  }
0x51: {  	_ =	shalt  }
0x52: {  	_ =	shalt  }
0x53: {  	_ =	shalt  }
0x54: {  	_ =	shalt  }
0x55: {  	_ =	shalt  }
0x56: {  	_ =	shalt  }
0x57: {  	_ =	shalt  }
0x58: {  	_ =	shalt  }
0x59: {  	_ =	shalt  }
0x5a: {  	_ =	shalt  }
0x5b: {  	_ =	shalt  }
0x5c: {  	_ =	shalt  }
0x5d: {  	_ =	shalt  }
0x5e: {  	_ =	shalt  }
0x5f: {  	_ =	shalt  }
0x60: {  	_ =	shalt  }
0x61: {  	_ =	shalt  }
0x62: {  	_ =	shalt  }
0x63: {  	_ =	shalt  }
0x64: {  	_ =	shalt  }
0x65: {  	_ =	shalt  }
0x66: {  	_ =	shalt  }
0x67: {  	_ =	shalt  }
0x68: {  	_ =	shalt  }
0x69: {  	_ =	shalt  }
0x6a: {  	_ =	shalt  }
0x6b: {  	_ =	shalt  }
0x6c: {  	_ =	shalt  }
0x6d: {  	_ =	shalt  }
0x6e: {  	_ =	shalt  }
0x6f: {  	_ =	shalt  }
0x70: {  	_ =	shalt  }
0x71: {  	_ =	shalt  }
0x72: {  	_ =	shalt  }
0x73: {  	_ =	shalt  }
0x74: {  	_ =	shalt  }
0x75: {  	_ =	shalt  }
0x76: {  	_ =	shalt  }
0x77: {  	_ =	shalt  }
0x78: {  	_ =	shalt  }
0x79: {  	_ =	shalt  }
0x7a: {  	_ =	shalt  }
0x7b: {  	_ =	shalt  }
0x7c: {  	_ =	shalt  }
0x7d: {  	_ =	shalt  }
0x7e: {  	_ =	shalt  }
0x7f: {  	_ =	shalt  }
0x80: {  	_ =	shalt  }
0x81: {  	_ =	shalt  }
0x82: {  	_ =	shalt  }
0x83: {  	_ =	shalt  }
0x84: {  	_ =	shalt  }
0x85: {  	_ =	shalt  }
0x86: {  	_ =	shalt  }
0x87: {  	_ =	shalt  }
.Lfunc_end0:
.L_simem_size_0:
called_computation.1_lowered:
.L_overlay_start_0:
0x88: {  	s2 =	sld [smem:$0x3FD9]  }
0x89: {  	s3 =	sld [smem:$0x3FFE];
	_ =	sdelay $0x1  }
0x8a: {  	s1 =	srdreg.scid  }
0x8b: {  	s0 =	sand.u32 $0x1, s1  }
0x8c: {  	s17 =	sshll.u32 s0, $0xA;
	s2 =	sadd.s32 s3, s2  }
0x8d: {  	s2 =	sadd.s32 s2, s17  }
0x8e: {  	[smem:$0x3FA0] =	sst s2  }
0x8f: {  	_ = 	snop  }
0x90: {  	s2 =	sld [smem:$0x3FD0];
	(tm) =	ssettm $0x1  }
0x91: {  	s18 =	sld [smem:$0x3FFB];
	_ =	sdelay $0x3  }
0x92: {  	_ =	strace s18  }
0x93: {  	s3 =	sld [smem:$0x3FFC];
	_ =	sdelay $0x3  }
0x94: {  	_ =	strace s3  }
0x95: {  	s3 =	sld [smem:$0x3FFD];
	_ =	sdelay $0x3  }
0x96: {  	_ =	strace s3  }
0x97: {  	_ =	strace $0x8FFFFFFF  }
0x98: {  	s19 =	sld [smem:$0x3FDB];
	_ =	sdelay $0x1  }
0x99: {  	s4 =	simm.s32 $_scs_section_size  }
0x9a: {  	s5 =	simm.s32 $_size__tile_overlayer_lowered;
	s6 =	simm.s32 $_tile_overlayer_lowered  }
0x9b: {  	s22 =	simm.s32 $0x1BFF;
	s21 =	sshll.u32 s6, $0x1;
	s3 =	sadd.s32 s4, s19  }
0x9c: {  	s7 =	simm.s32 $0x0;
	s20 =	sshll.u32 s5, $0x1;
	s5 =	sadd.s32 s21, s3  }
0x9d: {  	[timem:s7], [sflag:s22] =	dma.local [hbm:s5], s20  }
0x9e: {  	_ =	swait.ge [sflag:s22], s20  }
0x9f: {  	s4 =	ssub.s32 $0x0, s20;
	[sflag:s22] =	ssyncset.done $0x0  }
0xa0: {  	[sflag:s22] =	ssyncadd.s32 s4;
	_ =	sdelay $0x1  }
0xa1: {  	s23 =	simm.s32 $0x1B8B  }
0xa2: {  	_ =	swait.ge [sflag:s23], $0x1  }
0xa3: {  	[sflag:s23] =	ssyncset.done $0x0  }
0xa4: {  	s25 =	simm.s32 $0x1B8E;
	s24 =	sld [smem:$0x3FFE];
	[sflag:s23] =	ssyncadd.s32 $0xFFFFFFFF  }
0xa5: {  	s26 =	simm.s32 $execute0_lowered;
	[smem:$0x3FD2] =	sst s25  }
0xa6: {  	s5 =	sshll.u32 s26, $0x1;
	_ =	strace $0x80000046;
	[dreg:$0x1] =	wrdreg $0xFFFFFFFF  }
0xa7: {  	s28 =	simm.s32 $_size_execute0_lowered;
	s3 =	sadd.s32 s3, s5;
	[dreg:$0x0] =	wrdreg $0x0  }
0xa8: {  	s5 =	sshll.u32 s28, $0x1;
	[dreg:$0x2] =	wrdreg s3  }
0xa9: {  	[dreg:$0x3] =	wrdreg s5  }
0xaa: {  	[dreg:$0x4] =	wrdreg $0xC0  }
0xab: {  	_ =	task [dreg:s7], $0x5FFFF  }
0xac: {  	[dreg:$0x1] =	wrdreg $0xFFFFFFFF  }
0xad: {  	[dreg:$0x0] =	wrdreg $0x60  }
0xae: {  	[dreg:$0x2] =	wrdreg s2  }
0xaf: {  	[dreg:$0x3] =	wrdreg s24  }
0xb0: {  	[dreg:$0x4] =	wrdreg $0x140000  }
0xb1: {  	[dreg:$0x5] =	wrdreg $0xA  }
0xb2: {  	_ =	task.clear_ibuf [dreg:s7], $0x6FFFF;
	_ =	strace $0x90000046  }
0xb3: {  	s29 =	simm.s32 $0xA;
	_ =	strace $0x80000048  }
0xb4: {  	_ =	swait.ge [sflag:s29], $0x1  }
0xb5: {  	[sflag:s29] =	ssyncadd.s32 $0xFFFFFFFF  }
0xb6: {  	_ =	strace $0x90000048  }
0xb7: {  	_ =	sfence  }
0xb8: {  	s30 =	sld [smem:$0x0];
	_ =	sdelay $0x2  }
0xb9: {  	s31 =	sshll.u32 s1, $0xD;
	s1 =	sshrl.u32 s1, $0x2  }
0xba: {  	s3 =	sand.u32 $0x4000, s31;
	s1 =	sadd.s32 s1, s30  }
0xbb: {  	s0 =	sor.u32 s3, s0;
	s1 =	sshll.u32 s1, $0x11  }
0xbc: {  	s0 =	sor.u32 s1, s0  }
0xbd: {  	s0 =	sadd.s32 $0x8F2B, s0  }
0xbe: {  	[sflag:s0] =	ssyncadd.remote.s32 $0x1  }
0xbf: {  	_ =	sfence.sel $0xFFFF  }
0xc0: {  	[dreg:$0x0] =	wrdreg $0xFFFFFFFF;
	(pc) =	sbr.abs _section_cstart, $3  }
0xc1: {  	[dreg:$0x1] =	wrdreg $0xFFFFFFFF  }
0xc2: {  	_ =	task.clear_ibuf [dreg:s7], $0x2FFFF;
	_ =	strace $0x9FFFFFFF  }
0xc3: {  	(tm) =	ssettm $0x7FFFFFFF  }
tec
execute0_lowered:
.L_overlay_start_1:
0x0: {  	(tag) =	ssettag $0x1  }
0x1: {  	s1 =	rddreg [dreg:$0x0]  }
0x2: {  	s0 =	srdreg.scid;
	s2 =	rddreg [dreg:$0x1]  }
0x3: {  	s8 =	stileid.u32;
	s3 =	rddreg [dreg:$0x2]  }
0x4: {  	s5 =	simm.s32 $0x0;
	s17 =	simm.s32 $0xB;
	s19 =	simm.s32 $0xA000  }
0x5: {  	s29 =	simm.s32 $0x12000;
	s30 =	simm.s32 $0x2;
	s6 =	smul.u32 $0x5000, s8  }
0x6: {  	s10 =	simm.s32 $0x4;
	s12 =	simm.s32 $0x8;
	s9 =	smul.u32 $0xA000, s8  }
0x7: {  	s31 =	simm.s32 $0x9;
	s0 =	sand.u32 $0x1, s0;
	s8 =	smul.u32 $0x28000, s8  }
0x8: {  	[smem:$0x7FF] =	sst s5;
	s5 =	sadd.s32 $0xB7C00, s2;
	s4 =	smul.u32 $0x50000, s0  }
0x9: {  	s7 =	smul.u32 $0x140000, s0;
	_ =	strace $0x80000047;
	s0 =	ssub.s32 $0x2, s0  }
0xa: {  	s21 =	sshrl.u32 s0, $0x1;
	s23 =	sshrl.u32 s8, $0x2;
	s25 =	sadd.s32 s9, s3  }
0xb: {  	s4 =	sadd.s32 s6, s4;
	s20 =	sadd.s32 s9, s7;
	s0 =	ssub.s32 s0, s21  }
0xc: {  	s8 =	sadd.s32 s23, s3;
	[dreg:$0x7] =	wrdreg s25;
	s21 =	simm.s32 $0xC000  }
0xd: {  	s23 =	simm.s32 $0xE000;
	s25 =	simm.s32 $0x10000;
	s7 =	simm.s32 $0x7  }
0xe: {  	s9 =	simm.s32 $0x0;
	s4 =	sshrl.u32 s4, $0x3;
	s6 =	sshrl.u32 s20, $0x3  }
0xf: {  	s0 =	smax.u32 s0, $0x1;
	s14 =	sadd.s32 $0x2000, s8;
	s15 =	sadd.s32 $0x4000, s8  }
0x10: {  	s26 =	sadd.s32 $0x6000, s8;
	s28 =	sadd.s32 $0x8000, s8;
	[dreg:$0x9] =	wrdreg s0  }
0x11: {  	s20 =	simm.s32 $0x80;
	s4 =	sadd.s32 s4, s2;
	[dreg:$0xa] =	wrdreg s26  }
.Ltmp0:
0x12: {  	[dreg:$0xb] =	wrdreg s28;
	s22 =	sadd.s32 $0xF2E00, s4;
	(pc) =	sbr.rel .LBB2_1-.Ltmp0, $4  }
0x13: {  	s2 =	sadd.s32 s6, s2;
	s4 =	sadd.s32 $0xDEE00, s4;
	[dreg:$0x4] =	wrdreg s22  }
0x14: {  	s26 =	simm.s32 $0x1;
	s24 =	sadd.s32 $0x106E00, s2;
	[dreg:$0x5] =	wrdreg s4  }
0x15: {  	s6 =	simm.s32 $0xA;
	s2 =	sadd.s32 $0x11AE00, s2;
	[dreg:$0x6] =	wrdreg s24  }
0x16: {  	v0 =	vimm.f32 $0.0e+00;
	[dreg:$0x8] =	wrdreg s2;
	s2 =	simm.s32 $0x6;
	s24 =	simm.s32 $0x5  }
.LBB2_11:
0x17: {  	_ =	swait.ge [sflag:s24], $0x2000  }
0x18: {  	[sflag:s24] =	ssyncset.done $0x0  }
0x19: {  	[sflag:s24] =	ssyncadd.s32 $0xFFFFE000  }
0x1a: {  	[spmem:s3] =	stream.indirect.scatter.add.f32 [tilespmem:s29], [sflag:$0xA], $0x40, s18, s20, $0xb8;
	[tilespmem:$0x1E000] =	vst v63  }
0x1b: {  	_ =	swait.ge [sflag:s31], $0x2000  }
0x1c: {  	[sflag:s31] =	ssyncset.done $0x0  }
0x1d: {  	[sflag:s31] =	ssyncadd.s32 $0xFFFFE000  }
0x1e: {  	_ =	swait.ge [sflag:s6], $0x2000  }
0x1f: {  	[sflag:s6] =	ssyncset.done $0x0  }
0x20: {  	[sflag:s6] =	ssyncadd.s32 $0xFFFFE000  }
0x21: {  	[bflag:$0x0] =	sbarrier.arrive $0xFFFF  }
0x22: {  	s0 =	rddreg [dreg:$0x8]  }
0x23: {  	[hbm:s0], [sflag:s11] =	dma.local [spmem:s22], $0x1400  }
0x24: {  	_ =	swait.ge [sflag:s17], $0x1400  }
0x25: {  	s9 =	sadd.s32 $0x1, s9;
	s28 =	rddreg [dreg:$0x9]  }
0x26: {  	p0 =	sne.s32 s9, s28  }
.Ltmp1:
0x27: {  	_ = 	snop;
	(pc) =	sbr.rel @!p0 .LBB2_12-.Ltmp1, $3  }
0x28: {  	_ =	sdelay $0x1  }
0x29: {  	s14 =	smov.u32 s16;
	[sflag:s17] =	ssyncset.done $0x0  }
0x2a: {  	s15 =	smov.u32 s8;
	s8 =	smov.u32 s4;
	[sflag:s17] =	ssyncadd.s32 $0xFFFFEC00  }
.LBB2_1:
0x2b: {  	s0 =	simm.s32 $0x0;
	s11 =	rddreg [dreg:$0x4]  }
0x2c: {  	[tilespmem:s0], [sflag:$0xB] =	stream.linear.gather [hbm4b:s11+s0], $0x5000, $0x38;
	[tilespmem:$0x1E000] =	vst v63  }
0x2d: {  	_ =	swait.ge [sflag:s17], $0x5000  }
0x2e: {  	[sflag:s17] =	ssyncset.done $0x0  }
0x2f: {  	s4 =	simm.s32 $0x5000;
	s28 =	rddreg [dreg:$0x5];
	[sflag:s17] =	ssyncadd.s32 $0xFFFFB000  }
0x30: {  	[tilespmem:s4], [sflag:$0xB] =	stream.linear.gather [hbm4b:s28+s0], $0x5000, $0x38;
	[tilespmem:$0x1E000] =	vst v63  }
0x31: {  	_ =	swait.ge [sflag:s17], $0x5000  }
0x32: {  	[sflag:s17] =	ssyncset.done $0x0  }
0x33: {  	s11 =	simm.s32 $0x100;
	s0 =	simm.s32 $0x0;
	[sflag:s17] =	ssyncadd.s32 $0xFFFFB000  }
.LBB2_2:
0x34: {  	p0 =	sne.s32 s11, $0x7F00;
	[tilespmem:s0+$0xA030] =	vst v0;
	s18 =	smov.u32 s11;
	s11 =	sadd.s32 $0x100, s11  }
.Ltmp2:
0x35: {  	[tilespmem:s0+$0xA020] =	vst v0;
	(pc) =	sbr.rel @p0 .LBB2_2-.Ltmp2, $3  }
0x36: {  	[tilespmem:s0+$0xA000] =	vst v0  }
0x37: {  	[tilespmem:s0+$0xA010] =	vst v0;
	_ =	sdelay $0x1  }
0x38: {  	s0 =	sshra.s32 s18, $0x2  }
0x39: {  	[tilespmem:s0+$0xA030] =	vst v0  }
0x3a: {  	[tilespmem:s0+$0xA020] =	vst v0  }
0x3b: {  	[tilespmem:s0+$0xA000] =	vst v0  }
0x3c: {  	[tilespmem:s0+$0xA010] =	vst v0  }
0x3d: {  	[spmem:s8] =	stream.linear.scatter [tilespmem:s19], [sflag:$0xB], $0x2000, $0x38;
	[tilespmem:$0x1E000] =	vst v63  }
0x3e: {  	_ =	swait.ge [sflag:s17], $0x2000  }
0x3f: {  	[sflag:s17] =	ssyncset.done $0x0  }
0x40: {  	[sflag:s17] =	ssyncadd.s32 $0xFFFFE000  }
0x41: {  	[spmem:s14] =	stream.linear.scatter [tilespmem:s19], [sflag:$0xB], $0x2000, $0x38;
	[tilespmem:$0x1E000] =	vst v63  }
0x42: {  	_ =	swait.ge [sflag:s17], $0x2000  }
0x43: {  	[sflag:s17] =	ssyncset.done $0x0  }
0x44: {  	[sflag:s17] =	ssyncadd.s32 $0xFFFFE000  }
0x45: {  	[spmem:s15] =	stream.linear.scatter [tilespmem:s19], [sflag:$0xB], $0x2000, $0x38;
	[tilespmem:$0x1E000] =	vst v63  }
0x46: {  	_ =	swait.ge [sflag:s17], $0x2000  }
0x47: {  	[sflag:s17] =	ssyncset.done $0x0  }
0x48: {  	s18 =	rddreg [dreg:$0xa];
	[sflag:s17] =	ssyncadd.s32 $0xFFFFE000  }
0x49: {  	[spmem:s18] =	stream.linear.scatter [tilespmem:s19], [sflag:$0xB], $0x2000, $0x38;
	[tilespmem:$0x1E000] =	vst v63  }
0x4a: {  	_ =	swait.ge [sflag:s17], $0x2000  }
0x4b: {  	[sflag:s17] =	ssyncset.done $0x0  }
0x4c: {  	s22 =	rddreg [dreg:$0xb];
	[sflag:s17] =	ssyncadd.s32 $0xFFFFE000  }
0x4d: {  	[spmem:s22] =	stream.linear.scatter [tilespmem:s19], [sflag:$0xB], $0x2000, $0x38;
	[tilespmem:$0x1E000] =	vst v63  }
0x4e: {  	_ =	swait.ge [sflag:s17], $0x2000  }
0x4f: {  	[sflag:s17] =	ssyncset.done $0x0  }
0x50: {  	s11 =	simm.s32 $0x0;
	[sflag:s17] =	ssyncadd.s32 $0xFFFFE000  }
0x51: {  	[tilespmem:s19], [sflag:$0x1] =	stream.indirect.gather [hbm4b:s1+s20], $0x40, s11, s20, $0xb8;
	[tilespmem:$0x1E000] =	vst v63  }
0x52: {  	_ = 	snop  }
0x53: {  	[tilespmem:s21], [sflag:$0x2] =	stream.indirect.gather [hbm4b:s1+s20], $0x40, s20, s20, $0xb8;
	[tilespmem:$0x1E000] =	vst v63  }
0x54: {  	s28 =	simm.s32 $0x100  }
0x55: {  	[tilespmem:s23], [sflag:$0x3] =	stream.indirect.gather [hbm4b:s1+s20], $0x40, s28, s20, $0xb8;
	[tilespmem:$0x1E000] =	vst v63  }
0x56: {  	s4 =	simm.s32 $0x180  }
0x57: {  	[tilespmem:s25], [sflag:$0x4] =	stream.indirect.gather [hbm4b:s1+s20], $0x40, s4, s20, $0xb8;
	[tilespmem:$0x1E000] =	vst v63  }
0x58: {  	[bflag:$0x0] =	sbarrier.arrive $0xFFFF  }
0x59: {  	_ =	swait.ge [sflag:s26], $0x2000  }
0x5a: {  	[sflag:s26] =	ssyncset.done $0x0  }
0x5b: {  	s13 =	simm.s32 $0x5000;
	[sflag:s26] =	ssyncadd.s32 $0xFFFFE000  }
0x5c: {  	[spmem:s3] =	stream.indirect.scatter.add.f32 [tilespmem:s19], [sflag:$0x6], $0x40, s13, s20, $0xb8;
	[tilespmem:$0x1E000] =	vst v63  }
0x5d: {  	s16 =	simm.s32 $0x200  }
0x5e: {  	[tilespmem:s29], [sflag:$0x5] =	stream.indirect.gather [hbm4b:s1+s20], $0x40, s16, s20, $0xb8;
	[tilespmem:$0x1E000] =	vst v63  }
0x5f: {  	_ =	swait.ge [sflag:s30], $0x2000  }
0x60: {  	[sflag:s30] =	ssyncset.done $0x0  }
0x61: {  	s18 =	simm.s32 $0x5080;
	[sflag:s30] =	ssyncadd.s32 $0xFFFFE000  }
0x62: {  	[spmem:s3] =	stream.indirect.scatter.add.f32 [tilespmem:s21], [sflag:$0x7], $0x40, s18, s20, $0xb8;
	[tilespmem:$0x1E000] =	vst v63  }
0x63: {  	_ =	swait.ge [sflag:s2], $0x2000  }
0x64: {  	[sflag:s2] =	ssyncset.done $0x0  }
0x65: {  	s22 =	simm.s32 $0x280;
	s28 =	simm.s32 $0x3;
	[sflag:s2] =	ssyncadd.s32 $0xFFFFE000  }
0x66: {  	[tilespmem:s19], [sflag:$0x1] =	stream.indirect.gather [hbm4b:s1+s20], $0x40, s22, s20, $0xb8;
	[tilespmem:$0x1E000] =	vst v63  }
0x67: {  	_ =	swait.ge [sflag:s28], $0x2000  }
0x68: {  	[sflag:s28] =	ssyncset.done $0x0  }
0x69: {  	s4 =	simm.s32 $0x5100;
	[sflag:s28] =	ssyncadd.s32 $0xFFFFE000  }
0x6a: {  	[spmem:s3] =	stream.indirect.scatter.add.f32 [tilespmem:s23], [sflag:$0x8], $0x40, s4, s20, $0xb8;
	[tilespmem:$0x1E000] =	vst v63  }
0x6b: {  	_ =	swait.ge [sflag:s7], $0x2000  }
0x6c: {  	[sflag:s7] =	ssyncset.done $0x0  }
0x6d: {  	s13 =	simm.s32 $0x300;
	[sflag:s7] =	ssyncadd.s32 $0xFFFFE000  }
0x6e: {  	[tilespmem:s21], [sflag:$0x2] =	stream.indirect.gather [hbm4b:s1+s20], $0x40, s13, s20, $0xb8;
	[tilespmem:$0x1E000] =	vst v63  }
0x6f: {  	_ =	swait.ge [sflag:s10], $0x2000  }
0x70: {  	[sflag:s10] =	ssyncset.done $0x0  }
0x71: {  	s16 =	simm.s32 $0x5180;
	[sflag:s10] =	ssyncadd.s32 $0xFFFFE000  }
0x72: {  	[spmem:s3] =	stream.indirect.scatter.add.f32 [tilespmem:s25], [sflag:$0x9], $0x40, s16, s20, $0xb8;
	[tilespmem:$0x1E000] =	vst v63  }
0x73: {  	_ =	swait.ge [sflag:s12], $0x2000  }
0x74: {  	[sflag:s12] =	ssyncset.done $0x0  }
0x75: {  	s18 =	simm.s32 $0x380;
	[sflag:s12] =	ssyncadd.s32 $0xFFFFE000  }
0x76: {  	[tilespmem:s23], [sflag:$0x3] =	stream.indirect.gather [hbm4b:s1+s20], $0x40, s18, s20, $0xb8;
	[tilespmem:$0x1E000] =	vst v63  }
0x77: {  	_ =	swait.ge [sflag:s24], $0x2000  }
0x78: {  	[sflag:s24] =	ssyncset.done $0x0  }
0x79: {  	s22 =	simm.s32 $0x5200;
	[sflag:s24] =	ssyncadd.s32 $0xFFFFE000  }
0x7a: {  	[spmem:s3] =	stream.indirect.scatter.add.f32 [tilespmem:s29], [sflag:$0xA], $0x40, s22, s20, $0xb8;
	[tilespmem:$0x1E000] =	vst v63  }
0x7b: {  	_ =	swait.ge [sflag:s31], $0x2000  }
0x7c: {  	[sflag:s31] =	ssyncset.done $0x0  }
0x7d: {  	s28 =	simm.s32 $0x400;
	[sflag:s31] =	ssyncadd.s32 $0xFFFFE000  }
0x7e: {  	[tilespmem:s25], [sflag:$0x4] =	stream.indirect.gather [hbm4b:s1+s20], $0x40, s28, s20, $0xb8;
	[tilespmem:$0x1E000] =	vst v63  }
.LBB2_4:
0x7f: {  	_ =	swait.ge [sflag:s26], $0x2000  }
0x80: {  	s22 =	sshra.s32 s11, $0x2;
	[sflag:s26] =	ssyncset.done $0x0  }
0x81: {  	s0 =	sadd.s32 $0x5280, s22;
	[sflag:s26] =	ssyncadd.s32 $0xFFFFE000  }
0x82: {  	[spmem:s3] =	stream.indirect.scatter.add.f32 [tilespmem:s19], [sflag:$0x6], $0x40, s0, s20, $0xb8;
	[tilespmem:$0x1E000] =	vst v63  }
0x83: {  	_ =	swait.ge [sflag:s6], $0x2000  }
0x84: {  	[sflag:s6] =	ssyncset.done $0x0  }
0x85: {  	s16 =	sadd.s32 $0x480, s22;
	[sflag:s6] =	ssyncadd.s32 $0xFFFFE000  }
0x86: {  	[tilespmem:s29], [sflag:$0x5] =	stream.indirect.gather [hbm4b:s1+s20], $0x40, s16, s20, $0xb8;
	[tilespmem:$0x1E000] =	vst v63  }
0x87: {  	_ =	swait.ge [sflag:s30], $0x2000  }
0x88: {  	[sflag:s30] =	ssyncset.done $0x0  }
0x89: {  	s18 =	sadd.s32 $0x5300, s22;
	[sflag:s30] =	ssyncadd.s32 $0xFFFFE000  }
0x8a: {  	[spmem:s3] =	stream.indirect.scatter.add.f32 [tilespmem:s21], [sflag:$0x7], $0x40, s18, s20, $0xb8;
	[tilespmem:$0x1E000] =	vst v63  }
0x8b: {  	_ =	swait.ge [sflag:s2], $0x2000  }
0x8c: {  	p0 =	seq.s32 s11, $0x12C00;
	[sflag:s2] =	ssyncset.done $0x0  }
0x8d: {  	s0 =	simm.s32 @p0 $0x3;
	[sflag:s2] =	ssyncadd.s32 $0xFFFFE000  }
0x8e: {  	_ =	swait.ge @p0 [sflag:s0], $0x2000  }
0x8f: {  	[sflag:s0] =	ssyncset.done @p0 $0x0  }
0x90: {  	[sflag:s0] =	ssyncadd.s32 @p0 $0xFFFFE000;
	s0 =	sshra.s32 @p0 s11, $0x2  }
0x91: {  	s28 =	simm.s32 @p0 $0xE000;
	s18 =	simm.s32 @p0 $0x80;
	s0 =	sadd.s32 @p0 $0x5380, s0  }
0x92: {  	[spmem:s3] =	stream.indirect.scatter.add.f32 @p0 [tilespmem:s28], [sflag:$0x8], $0x40, s0, s18, $0xb8;
	[tilespmem:$0x1E000] =	vst v63  }
0x93: {  	s0 =	simm.s32 @p0 $0x7  }
0x94: {  	_ =	swait.ge @p0 [sflag:s0], $0x2000  }
0x95: {  	[sflag:s0] =	ssyncset.done @p0 $0x0  }
0x96: {  	[sflag:s0] =	ssyncadd.s32 @p0 $0xFFFFE000;
	s0 =	sshra.s32 @!p0 s11, $0x2  }
0x97: {  	s13 =	simm.s32 @!p0 $0xA000;
	s28 =	simm.s32 @!p0 $0x80;
	s18 =	sadd.s32 @!p0 $0x500, s0  }
0x98: {  	[tilespmem:s13], [sflag:$0x1] =	stream.indirect.gather @!p0 [hbm4b:s1+s28], $0x40, s18, s28, $0xb8;
	[tilespmem:$0x1E000] =	vst v63  }
0x99: {  	s13 =	simm.s32 @!p0 $0x3  }
0x9a: {  	_ =	swait.ge @!p0 [sflag:s13], $0x2000  }
0x9b: {  	[sflag:s13] =	ssyncset.done @!p0 $0x0  }
0x9c: {  	s18 =	simm.s32 @!p0 $0xE000;
	[sflag:s13] =	ssyncadd.s32 @!p0 $0xFFFFE000;
	s13 =	sadd.s32 @!p0 $0x5380, s0  }
0x9d: {  	[spmem:s3] =	stream.indirect.scatter.add.f32 @!p0 [tilespmem:s18], [sflag:$0x8], $0x40, s13, s28, $0xb8;
	[tilespmem:$0x1E000] =	vst v63  }
0x9e: {  	s13 =	simm.s32 @!p0 $0x7  }
0x9f: {  	_ =	swait.ge @!p0 [sflag:s13], $0x2000  }
0xa0: {  	[sflag:s13] =	ssyncset.done @!p0 $0x0  }
0xa1: {  	s0 =	sadd.s32 @!p0 $0x580, s0;
	[sflag:s13] =	ssyncadd.s32 @!p0 $0xFFFFE000;
	s13 =	simm.s32 @!p0 $0xC000  }
0xa2: {  	[tilespmem:s13], [sflag:$0x2] =	stream.indirect.gather @!p0 [hbm4b:s1+s28], $0x40, s0, s28, $0xb8;
	[tilespmem:$0x1E000] =	vst v63  }
0xa3: {  	_ =	swait.ge [sflag:s10], $0x2000  }
0xa4: {  	[sflag:s10] =	ssyncset.done $0x0  }
.Ltmp3:
0xa5: {  	s28 =	sadd.s32 $0x5400, s22;
	[sflag:s10] =	ssyncadd.s32 $0xFFFFE000;
	(pc) =	sbr.rel @p0 .LBB2_6-.Ltmp3, $4  }
0xa6: {  	[spmem:s3] =	stream.indirect.scatter.add.f32 [tilespmem:s25], [sflag:$0x9], $0x40, s28, s20, $0xb8;
	[tilespmem:$0x1E000] =	vst v63  }
0xa7: {  	_ =	swait.ge [sflag:s12], $0x2000  }
0xa8: {  	[sflag:s12] =	ssyncset.done $0x0  }
0xa9: {  	s0 =	sadd.s32 $0x5480, s22;
	[sflag:s12] =	ssyncadd.s32 $0xFFFFE000  }
0xaa: {  	s13 =	sadd.s32 $0x600, s22  }
0xab: {  	[tilespmem:s23], [sflag:$0x3] =	stream.indirect.gather [hbm4b:s1+s20], $0x40, s13, s20, $0xb8;
	[tilespmem:$0x1E000] =	vst v63  }
0xac: {  	_ =	swait.ge [sflag:s24], $0x2000  }
0xad: {  	[sflag:s24] =	ssyncset.done $0x0  }
0xae: {  	[sflag:s24] =	ssyncadd.s32 $0xFFFFE000  }
0xaf: {  	[spmem:s3] =	stream.indirect.scatter.add.f32 [tilespmem:s29], [sflag:$0xA], $0x40, s0, s20, $0xb8;
	[tilespmem:$0x1E000] =	vst v63  }
.Ltmp4:
0xb0: {  	_ = 	snop;
	(pc) =	sbr.rel .LBB2_4-.Ltmp4, $4  }
0xb1: {  	_ =	swait.ge [sflag:s31], $0x2000  }
0xb2: {  	[sflag:s31] =	ssyncset.done $0x0  }
0xb3: {  	s28 =	sadd.s32 $0x680, s22;
	s11 =	sadd.s32 $0xA00, s11;
	[sflag:s31] =	ssyncadd.s32 $0xFFFFE000  }
0xb4: {  	[tilespmem:s25], [sflag:$0x4] =	stream.indirect.gather [hbm4b:s1+s20], $0x40, s28, s20, $0xb8;
	[tilespmem:$0x1E000] =	vst v63  }
.LBB2_6:
0xb5: {  	_ =	swait.ge [sflag:s24], $0x2000  }
0xb6: {  	[sflag:s24] =	ssyncset.done $0x0  }
0xb7: {  	[sflag:s24] =	ssyncadd.s32 $0xFFFFE000  }
0xb8: {  	[spmem:s3] =	stream.indirect.scatter.add.f32 [tilespmem:s29], [sflag:$0xA], $0x40, s0, s20, $0xb8;
	[tilespmem:$0x1E000] =	vst v63  }
0xb9: {  	_ =	swait.ge [sflag:s31], $0x2000  }
0xba: {  	[sflag:s31] =	ssyncset.done $0x0  }
0xbb: {  	[sflag:s31] =	ssyncadd.s32 $0xFFFFE000  }
0xbc: {  	_ =	swait.ge [sflag:s6], $0x2000  }
0xbd: {  	[sflag:s6] =	ssyncset.done $0x0  }
0xbe: {  	[sflag:s6] =	ssyncadd.s32 $0xFFFFE000  }
0xbf: {  	s13 =	stileid.u32;
	[bflag:$0x0] =	sbarrier.arrive $0xFFFF  }
0xc0: {  	s0 =	sshll.u32 s13, $0x6;
	s16 =	rddreg [dreg:$0x7]  }
0xc1: {  	s11 =	sor.u32 $0x1C0B, s0;
	s18 =	rddreg [dreg:$0x6];
	s22 =	sshrl.u32 s16, $0x3  }
0xc2: {  	[hbm:s18], [sflag:s11] =	dma.local [spmem:s22], $0x1400  }
0xc3: {  	_ =	swait.ge [sflag:s17], $0x1400  }
0xc4: {  	[sflag:s17] =	ssyncset.done $0x0  }
0xc5: {  	s28 =	simm.s32 $0x100;
	s0 =	simm.s32 $0x0;
	[sflag:s17] =	ssyncadd.s32 $0xFFFFEC00  }
.LBB2_7:
0xc6: {  	p0 =	sne.s32 s28, $0x7F00;
	[tilespmem:s0+$0xA030] =	vst v0;
	s13 =	smov.u32 s28;
	s28 =	sadd.s32 $0x100, s28  }
.Ltmp5:
0xc7: {  	[tilespmem:s0+$0xA020] =	vst v0;
	(pc) =	sbr.rel @p0 .LBB2_7-.Ltmp5, $3  }
0xc8: {  	[tilespmem:s0+$0xA000] =	vst v0  }
0xc9: {  	[tilespmem:s0+$0xA010] =	vst v0;
	_ =	sdelay $0x1  }
0xca: {  	s0 =	sshra.s32 s13, $0x2  }
0xcb: {  	[tilespmem:s0+$0xA030] =	vst v0  }
0xcc: {  	[tilespmem:s0+$0xA020] =	vst v0  }
0xcd: {  	[tilespmem:s0+$0xA000] =	vst v0  }
0xce: {  	[tilespmem:s0+$0xA010] =	vst v0  }
0xcf: {  	[spmem:s8] =	stream.linear.scatter [tilespmem:s19], [sflag:$0xB], $0x2000, $0x38;
	[tilespmem:$0x1E000] =	vst v63  }
0xd0: {  	_ =	swait.ge [sflag:s17], $0x2000  }
0xd1: {  	[sflag:s17] =	ssyncset.done $0x0  }
0xd2: {  	[sflag:s17] =	ssyncadd.s32 $0xFFFFE000  }
0xd3: {  	[spmem:s14] =	stream.linear.scatter [tilespmem:s19], [sflag:$0xB], $0x2000, $0x38;
	[tilespmem:$0x1E000] =	vst v63  }
0xd4: {  	_ =	swait.ge [sflag:s17], $0x2000  }
0xd5: {  	[sflag:s17] =	ssyncset.done $0x0  }
0xd6: {  	[sflag:s17] =	ssyncadd.s32 $0xFFFFE000  }
0xd7: {  	[spmem:s15] =	stream.linear.scatter [tilespmem:s19], [sflag:$0xB], $0x2000, $0x38;
	[tilespmem:$0x1E000] =	vst v63  }
0xd8: {  	_ =	swait.ge [sflag:s17], $0x2000  }
0xd9: {  	[sflag:s17] =	ssyncset.done $0x0  }
0xda: {  	s16 =	smov.u32 s14;
	s14 =	rddreg [dreg:$0xa];
	[sflag:s17] =	ssyncadd.s32 $0xFFFFE000  }
0xdb: {  	[spmem:s14] =	stream.linear.scatter [tilespmem:s19], [sflag:$0xB], $0x2000, $0x38;
	[tilespmem:$0x1E000] =	vst v63  }
0xdc: {  	_ =	swait.ge [sflag:s17], $0x2000  }
0xdd: {  	s4 =	smov.u32 s8;
	[sflag:s17] =	ssyncset.done $0x0  }
0xde: {  	s8 =	smov.u32 s15;
	s15 =	rddreg [dreg:$0xb];
	[sflag:s17] =	ssyncadd.s32 $0xFFFFE000  }
0xdf: {  	[spmem:s15] =	stream.linear.scatter [tilespmem:s19], [sflag:$0xB], $0x2000, $0x38;
	[tilespmem:$0x1E000] =	vst v63  }
0xe0: {  	_ =	swait.ge [sflag:s17], $0x2000  }
0xe1: {  	[sflag:s17] =	ssyncset.done $0x0  }
0xe2: {  	s28 =	simm.s32 $0x0;
	[sflag:s17] =	ssyncadd.s32 $0xFFFFE000  }
0xe3: {  	[tilespmem:s19], [sflag:$0x1] =	stream.indirect.gather [hbm4b:s5+s20], $0x40, s28, s20, $0xb8;
	[tilespmem:$0x1E000] =	vst v63  }
0xe4: {  	_ = 	snop  }
0xe5: {  	[tilespmem:s21], [sflag:$0x2] =	stream.indirect.gather [hbm4b:s5+s20], $0x40, s20, s20, $0xb8;
	[tilespmem:$0x1E000] =	vst v63  }
0xe6: {  	s18 =	simm.s32 $0x100  }
0xe7: {  	[tilespmem:s23], [sflag:$0x3] =	stream.indirect.gather [hbm4b:s5+s20], $0x40, s18, s20, $0xb8;
	[tilespmem:$0x1E000] =	vst v63  }
0xe8: {  	s13 =	simm.s32 $0x180  }
0xe9: {  	[tilespmem:s25], [sflag:$0x4] =	stream.indirect.gather [hbm4b:s5+s20], $0x40, s13, s20, $0xb8;
	[tilespmem:$0x1E000] =	vst v63  }
0xea: {  	[bflag:$0x0] =	sbarrier.arrive $0xFFFF  }
0xeb: {  	_ =	swait.ge [sflag:s26], $0x2000  }
0xec: {  	[sflag:s26] =	ssyncset.done $0x0  }
0xed: {  	s14 =	simm.s32 $0x5000;
	[sflag:s26] =	ssyncadd.s32 $0xFFFFE000  }
0xee: {  	[spmem:s3] =	stream.indirect.scatter.add.f32 [tilespmem:s19], [sflag:$0x6], $0x40, s14, s20, $0xb8;
	[tilespmem:$0x1E000] =	vst v63  }
0xef: {  	s15 =	simm.s32 $0x200  }
0xf0: {  	[tilespmem:s29], [sflag:$0x5] =	stream.indirect.gather [hbm4b:s5+s20], $0x40, s15, s20, $0xb8;
	[tilespmem:$0x1E000] =	vst v63  }
0xf1: {  	_ =	swait.ge [sflag:s30], $0x2000  }
0xf2: {  	[sflag:s30] =	ssyncset.done $0x0  }
0xf3: {  	s18 =	simm.s32 $0x5080;
	[sflag:s30] =	ssyncadd.s32 $0xFFFFE000  }
0xf4: {  	[spmem:s3] =	stream.indirect.scatter.add.f32 [tilespmem:s21], [sflag:$0x7], $0x40, s18, s20, $0xb8;
	[tilespmem:$0x1E000] =	vst v63  }
0xf5: {  	_ =	swait.ge [sflag:s2], $0x2000  }
0xf6: {  	[sflag:s2] =	ssyncset.done $0x0  }
0xf7: {  	s13 =	simm.s32 $0x280;
	s14 =	simm.s32 $0x3;
	[sflag:s2] =	ssyncadd.s32 $0xFFFFE000  }
0xf8: {  	[tilespmem:s19], [sflag:$0x1] =	stream.indirect.gather [hbm4b:s5+s20], $0x40, s13, s20, $0xb8;
	[tilespmem:$0x1E000] =	vst v63  }
0xf9: {  	_ =	swait.ge [sflag:s14], $0x2000  }
0xfa: {  	[sflag:s14] =	ssyncset.done $0x0  }
0xfb: {  	s15 =	simm.s32 $0x5100;
	[sflag:s14] =	ssyncadd.s32 $0xFFFFE000  }
0xfc: {  	[spmem:s3] =	stream.indirect.scatter.add.f32 [tilespmem:s23], [sflag:$0x8], $0x40, s15, s20, $0xb8;
	[tilespmem:$0x1E000] =	vst v63  }
0xfd: {  	_ =	swait.ge [sflag:s7], $0x2000  }
0xfe: {  	[sflag:s7] =	ssyncset.done $0x0  }
0xff: {  	s18 =	simm.s32 $0x300;
	[sflag:s7] =	ssyncadd.s32 $0xFFFFE000  }
0x100: {  	[tilespmem:s21], [sflag:$0x2] =	stream.indirect.gather [hbm4b:s5+s20], $0x40, s18, s20, $0xb8;
	[tilespmem:$0x1E000] =	vst v63  }
0x101: {  	_ =	swait.ge [sflag:s10], $0x2000  }
0x102: {  	[sflag:s10] =	ssyncset.done $0x0  }
0x103: {  	s13 =	simm.s32 $0x5180;
	[sflag:s10] =	ssyncadd.s32 $0xFFFFE000  }
0x104: {  	[spmem:s3] =	stream.indirect.scatter.add.f32 [tilespmem:s25], [sflag:$0x9], $0x40, s13, s20, $0xb8;
	[tilespmem:$0x1E000] =	vst v63  }
0x105: {  	_ =	swait.ge [sflag:s12], $0x2000  }
0x106: {  	[sflag:s12] =	ssyncset.done $0x0  }
0x107: {  	s14 =	simm.s32 $0x380;
	[sflag:s12] =	ssyncadd.s32 $0xFFFFE000  }
0x108: {  	[tilespmem:s23], [sflag:$0x3] =	stream.indirect.gather [hbm4b:s5+s20], $0x40, s14, s20, $0xb8;
	[tilespmem:$0x1E000] =	vst v63  }
0x109: {  	_ =	swait.ge [sflag:s24], $0x2000  }
0x10a: {  	[sflag:s24] =	ssyncset.done $0x0  }
0x10b: {  	s15 =	simm.s32 $0x5200;
	[sflag:s24] =	ssyncadd.s32 $0xFFFFE000  }
0x10c: {  	[spmem:s3] =	stream.indirect.scatter.add.f32 [tilespmem:s29], [sflag:$0xA], $0x40, s15, s20, $0xb8;
	[tilespmem:$0x1E000] =	vst v63  }
0x10d: {  	_ =	swait.ge [sflag:s31], $0x2000  }
0x10e: {  	[sflag:s31] =	ssyncset.done $0x0  }
0x10f: {  	s18 =	simm.s32 $0x400;
	[sflag:s31] =	ssyncadd.s32 $0xFFFFE000  }
0x110: {  	[tilespmem:s25], [sflag:$0x4] =	stream.indirect.gather [hbm4b:s5+s20], $0x40, s18, s20, $0xb8;
	[tilespmem:$0x1E000] =	vst v63  }
.LBB2_9:
0x111: {  	_ =	swait.ge [sflag:s26], $0x2000  }
0x112: {  	s0 =	sshra.s32 s28, $0x2;
	[sflag:s26] =	ssyncset.done $0x0  }
0x113: {  	s13 =	sadd.s32 $0x5280, s0;
	[sflag:s26] =	ssyncadd.s32 $0xFFFFE000  }
0x114: {  	[spmem:s3] =	stream.indirect.scatter.add.f32 [tilespmem:s19], [sflag:$0x6], $0x40, s13, s20, $0xb8;
	[tilespmem:$0x1E000] =	vst v63  }
0x115: {  	_ =	swait.ge [sflag:s6], $0x2000  }
0x116: {  	[sflag:s6] =	ssyncset.done $0x0  }
0x117: {  	s14 =	sadd.s32 $0x480, s0;
	[sflag:s6] =	ssyncadd.s32 $0xFFFFE000  }
0x118: {  	[tilespmem:s29], [sflag:$0x5] =	stream.indirect.gather [hbm4b:s5+s20], $0x40, s14, s20, $0xb8;
	[tilespmem:$0x1E000] =	vst v63  }
0x119: {  	_ =	swait.ge [sflag:s30], $0x2000  }
0x11a: {  	[sflag:s30] =	ssyncset.done $0x0  }
0x11b: {  	s15 =	sadd.s32 $0x5300, s0;
	[sflag:s30] =	ssyncadd.s32 $0xFFFFE000  }
0x11c: {  	[spmem:s3] =	stream.indirect.scatter.add.f32 [tilespmem:s21], [sflag:$0x7], $0x40, s15, s20, $0xb8;
	[tilespmem:$0x1E000] =	vst v63  }
0x11d: {  	_ =	swait.ge [sflag:s2], $0x2000  }
0x11e: {  	p0 =	seq.s32 s28, $0x12C00;
	[sflag:s2] =	ssyncset.done $0x0  }
0x11f: {  	s13 =	simm.s32 @p0 $0x3;
	[sflag:s2] =	ssyncadd.s32 $0xFFFFE000  }
0x120: {  	_ =	swait.ge @p0 [sflag:s13], $0x2000  }
0x121: {  	[sflag:s13] =	ssyncset.done @p0 $0x0  }
0x122: {  	[sflag:s13] =	ssyncadd.s32 @p0 $0xFFFFE000;
	s13 =	sshra.s32 @p0 s28, $0x2  }
0x123: {  	s18 =	simm.s32 @p0 $0x80;
	s14 =	simm.s32 @p0 $0xE000;
	s13 =	sadd.s32 @p0 $0x5380, s13  }
0x124: {  	[spmem:s3] =	stream.indirect.scatter.add.f32 @p0 [tilespmem:s14], [sflag:$0x8], $0x40, s13, s18, $0xb8;
	[tilespmem:$0x1E000] =	vst v63  }
0x125: {  	s13 =	simm.s32 @p0 $0x7  }
0x126: {  	_ =	swait.ge @p0 [sflag:s13], $0x2000  }
0x127: {  	[sflag:s13] =	ssyncset.done @p0 $0x0  }
0x128: {  	[sflag:s13] =	ssyncadd.s32 @p0 $0xFFFFE000;
	s13 =	sshra.s32 @!p0 s28, $0x2  }
0x129: {  	s15 =	simm.s32 @!p0 $0xA000;
	s18 =	simm.s32 @!p0 $0x80;
	s14 =	sadd.s32 @!p0 $0x500, s13  }
0x12a: {  	[tilespmem:s15], [sflag:$0x1] =	stream.indirect.gather @!p0 [hbm4b:s5+s18], $0x40, s14, s18, $0xb8;
	[tilespmem:$0x1E000] =	vst v63  }
0x12b: {  	s14 =	simm.s32 @!p0 $0x3  }
0x12c: {  	_ =	swait.ge @!p0 [sflag:s14], $0x2000  }
0x12d: {  	[sflag:s14] =	ssyncset.done @!p0 $0x0  }
0x12e: {  	s15 =	simm.s32 @!p0 $0xE000;
	[sflag:s14] =	ssyncadd.s32 @!p0 $0xFFFFE000;
	s14 =	sadd.s32 @!p0 $0x5380, s13  }
0x12f: {  	[spmem:s3] =	stream.indirect.scatter.add.f32 @!p0 [tilespmem:s15], [sflag:$0x8], $0x40, s14, s18, $0xb8;
	[tilespmem:$0x1E000] =	vst v63  }
0x130: {  	s14 =	simm.s32 @!p0 $0x7  }
0x131: {  	_ =	swait.ge @!p0 [sflag:s14], $0x2000  }
0x132: {  	[sflag:s14] =	ssyncset.done @!p0 $0x0  }
0x133: {  	s13 =	sadd.s32 @!p0 $0x580, s13;
	[sflag:s14] =	ssyncadd.s32 @!p0 $0xFFFFE000;
	s14 =	simm.s32 @!p0 $0xC000  }
0x134: {  	[tilespmem:s14], [sflag:$0x2] =	stream.indirect.gather @!p0 [hbm4b:s5+s18], $0x40, s13, s18, $0xb8;
	[tilespmem:$0x1E000] =	vst v63  }
0x135: {  	_ =	swait.ge [sflag:s10], $0x2000  }
0x136: {  	[sflag:s10] =	ssyncset.done $0x0  }
.Ltmp6:
0x137: {  	s18 =	sadd.s32 $0x5400, s0;
	[sflag:s10] =	ssyncadd.s32 $0xFFFFE000;
	(pc) =	sbr.rel @p0 .LBB2_11-.Ltmp6, $4  }
0x138: {  	[spmem:s3] =	stream.indirect.scatter.add.f32 [tilespmem:s25], [sflag:$0x9], $0x40, s18, s20, $0xb8;
	[tilespmem:$0x1E000] =	vst v63  }
0x139: {  	_ =	swait.ge [sflag:s12], $0x2000  }
0x13a: {  	[sflag:s12] =	ssyncset.done $0x0  }
0x13b: {  	s18 =	sadd.s32 $0x5480, s0;
	[sflag:s12] =	ssyncadd.s32 $0xFFFFE000  }
0x13c: {  	s13 =	sadd.s32 $0x600, s0  }
0x13d: {  	[tilespmem:s23], [sflag:$0x3] =	stream.indirect.gather [hbm4b:s5+s20], $0x40, s13, s20, $0xb8;
	[tilespmem:$0x1E000] =	vst v63  }
0x13e: {  	_ =	swait.ge [sflag:s24], $0x2000  }
0x13f: {  	[sflag:s24] =	ssyncset.done $0x0  }
0x140: {  	[sflag:s24] =	ssyncadd.s32 $0xFFFFE000  }
0x141: {  	[spmem:s3] =	stream.indirect.scatter.add.f32 [tilespmem:s29], [sflag:$0xA], $0x40, s18, s20, $0xb8;
	[tilespmem:$0x1E000] =	vst v63  }
.Ltmp7:
0x142: {  	_ = 	snop;
	(pc) =	sbr.rel .LBB2_9-.Ltmp7, $4  }
0x143: {  	_ =	swait.ge [sflag:s31], $0x2000  }
0x144: {  	[sflag:s31] =	ssyncset.done $0x0  }
0x145: {  	s28 =	sadd.s32 $0xA00, s28;
	s18 =	sadd.s32 $0x680, s0;
	[sflag:s31] =	ssyncadd.s32 $0xFFFFE000  }
0x146: {  	[tilespmem:s25], [sflag:$0x4] =	stream.indirect.gather [hbm4b:s5+s20], $0x40, s18, s20, $0xb8;
	[tilespmem:$0x1E000] =	vst v63  }
.LBB2_12:
0x147: {  	_ =	sfence.sel $0x180000  }
0x148: {  	[bflag:$0x0] =	sbarrier.arrive $0xFFFF  }
0x149: {  	_ =	strace $0x90000047  }
0x14a: {  	s0 =	stileid.u32;
	[bflag:$0x2] =	sbarrier.arrive $0xFFFF  }
0x14b: {  	p0 =	sne.s32 s0, $0x0;
	s0 =	rddreg [dreg:$0x3]  }
0x14c: {  	s0 =	sadd.s32 @!p0 $0x100000, s0  }
0x14d: {  	[sflag:s0] =	ssyncadd.tile.s32 @!p0 $0x1;
	_ =	shalt  }
.Lfunc_end2:
_tile_overlayer_lowered:
.L_overlay_start_2:
0x14e: {  	(tag) =	ssettag $0x2  }
0x14f: {  	s0 =	rddreg [dreg:$0x0];
	s2 =	stileid.u32  }
0x150: {  	s1 =	rddreg [dreg:$0x1];
	p0 =	sne.s32 s2, $0x0  }
0x151: {  	s3 =	rddreg [dreg:$0x2];
	[bflag:$0x3] =	sbarrier.arrive $0xFFFF;
	s2 =	simm.s32 @!p0 $0x1C0B  }
0x152: {  	[timem:s3], [sflag:s2] =	dma.local @!p0 [hbm:s0], s1  }
0x153: {  	s0 =	simm.s32 @!p0 $0xB  }
0x154: {  	_ =	swait.ge @!p0 [sflag:s0], s1  }
0x155: {  	s1 =	ssub.s32 @!p0 $0x0, s1;
	[sflag:s0] =	ssyncset.done @!p0 $0x0  }
0x156: {  	[sflag:s0] =	ssyncadd.s32 @!p0 s1  }
0x157: {  	[bflag:$0x3] =	sbarrier.arrive $0xFFFF  }
0x158: {  	_ =	shalt  }

// kernel: kernel.15.cloned.1.call-start
scs
__scs_entry_jumppad:
0x0: {  	(pc) =	sbr.rel $0x88, $3  }
0x1: {  	(tag) =	ssettag $0x0;
	lr =	simm.s32 $0x1  }
0x2: {  	[smem:$0x3F79] =	sst lr;
	_ =	strace $0xD0000000  }
0x3: {  	_ = 	snop  }
0x4: {  	_ = 	snop  }
0x5: {  	_ = 	snop  }
0x6: {  	_ = 	snop  }
0x7: {  	_ = 	snop  }
__scs_overlays_trampoline_lowered:
0x8: {  	[smem:$0x3F88] =	sst s0  }
0x9: {  	[smem:$0x3F89] =	sst s1  }
0xa: {  	[smem:$0x3F8A] =	sst s2  }
0xb: {  	[smem:$0x3F8B] =	sst s3  }
0xc: {  	[smem:$0x3F8C] =	sst s4  }
0xd: {  	[smem:$0x3F8D] =	sst s5  }
0xe: {  	[smem:$0x3F8E] =	sst s6  }
0xf: {  	[smem:$0x3F8F] =	sst s7  }
0x10: {  	[smem:$0x3F90] =	sst s8  }
0x11: {  	[smem:$0x3F91] =	sst s9;
	s0 =	simm.s32 @!p0 $0x0  }
0x12: {  	s1 =	sld [smem:$0x3F77];
	s0 =	simm.s32 @p0 $0x1  }
0x13: {  	[smem:$0x3F92] =	sst s0;
	s0 =	simm.s32 @!p1 $0x0  }
0x14: {  	s2 =	sld [smem:$0x3F76];
	s0 =	simm.s32 @p1 $0x1  }
0x15: {  	[smem:$0x3F93] =	sst s0;
	s0 =	simm.s32 @!p2 $0x0  }
0x16: {  	s3 =	sld [smem:$0x3FDB];
	s0 =	simm.s32 @p2 $0x1  }
0x17: {  	s4 =	simm.s32 $0x1BF5;
	[smem:$0x3F95] =	sst s0  }
0x18: {  	s0 =	sld [smem:$0x3F78];
	_ =	swait.ge [sflag:s4], $0x0  }
0x19: {  	s7 =	sld [smem:$0x3F79]  }
0x1a: {  	s8 =	sadd.s32 $0xFFFFE003, lr  }
0x1b: {  	s9 =	sadd.s32 $0xFFFFFEF7, lr;
	s5 =	simm.s32 $0xFFFFFFFF;
	p2 =	slt.u32 s8, $0xFFFFF086  }
0x1c: {  	p1 =	slt.u32 s9, $0xF7A;
	s5 =	simm.s32 @!p2 $0x0  }
0x1d: {  	s5 =	simm.s32 @p1 $0x1;
	p0 =	seq.s32 s7, s2  }
0x1e: {  	s7 =	smul.u32 @!p0 $0xF7A, s2;
	p2 =	seq.s32 @!p0 s5, $0x0  }
0x1f: {  	s9 =	smul.u32 $0xF7A, s1;
	s8 =	simm.s32 @!p0 $0x1BF5;
	p2 =	por !p2, p0  }
0x20: {  	[sflag:s8] =	ssyncset.s32 @!p0 $0xFFFFF086;
	s6 =	sadd.s32 @!p0 s3, s7;
	s7 =	simm.s32 @!p0 $0x108  }
0x21: {  	s3 =	sadd.s32 s3, s9;
	s6 =	sadd.s32 @!p0 $0x88, s6;
	s7 =	simm.s32 @p2 $0x1082  }
0x22: {  	[simem:s7], [sflag:s8] =	dma.local @!p0 [hbm:s6], $0xF7A  }
0x23: {  	s9 =	sor.u32 $0xD0000000, s2;
	s6 =	simm.s32 $0x108;
	_ =	swait.ge @!p0 [sflag:s8], $0x0  }
0x24: {  	s3 =	sadd.s32 $0x88, s3;
	s6 =	simm.s32 @!p1 $0x1082;
	[sflag:s4] =	ssyncset.s32 $0xFFFFF086  }
0x25: {  	[simem:s6], [sflag:s4] =	dma.local [hbm:s3], $0xF7A  }
0x26: {  	[smem:$0x3F79] =	sst s1;
	(tag) =	ssettag s2;
	_ =	strace s9  }
0x27: {  	s1 =	sld [smem:$0x3F89]  }
0x28: {  	s2 =	sld [smem:$0x3F8A]  }
0x29: {  	s4 =	sld [smem:$0x3F8C]  }
0x2a: {  	p0 =	seq.s32 s5, $0x0;
	s5 =	sld [smem:$0x3F8D]  }
0x2b: {  	s6 =	sld [smem:$0x3F8E]  }
0x2c: {  	s7 =	sld [smem:$0x3F8F]  }
0x2d: {  	s3 =	simm.s32 $0x108;
	s8 =	sld [smem:$0x3F90]  }
0x2e: {  	s3 =	simm.s32 @!p0 $0x1082;
	s9 =	sld [smem:$0x3F91]  }
0x2f: {  	lr =	sadd.s32 s0, s3;
	s0 =	sld [smem:$0x3F88]  }
0x30: {  	s3 =	sld [smem:$0x3F8B]  }
0x31: {  	[smem:$0x3F94] =	sst s10  }
0x32: {  	s10 =	sld [smem:$0x3F92];
	_ =	sdelay $0x3  }
0x33: {  	p0 =	seq.s32 s10, $0x1;
	s10 =	sld [smem:$0x3F94];
	_ =	sdelay $0x3  }
0x34: {  	[smem:$0x3F94] =	sst s10  }
0x35: {  	s10 =	sld [smem:$0x3F93];
	_ =	sdelay $0x3  }
0x36: {  	p1 =	seq.s32 s10, $0x1;
	s10 =	sld [smem:$0x3F94];
	_ =	sdelay $0x3  }
0x37: {  	[smem:$0x3F94] =	sst s10  }
0x38: {  	s10 =	sld [smem:$0x3F95]  }
0x39: {  	_ = 	snop;
	(pc) =	sbr.ind lr, $3  }
0x3a: {  	_ = 	snop  }
0x3b: {  	_ = 	snop  }
0x3c: {  	p2 =	seq.s32 s10, $0x1;
	s10 =	sld [smem:$0x3F94]  }
0x3d: {  	_ =	shalt  }
0x3e: {  	_ =	shalt  }
0x3f: {  	_ =	shalt  }
0x40: {  	_ =	shalt  }
0x41: {  	_ =	shalt  }
0x42: {  	_ =	shalt  }
0x43: {  	_ =	shalt  }
0x44: {  	_ =	shalt  }
0x45: {  	_ =	shalt  }
0x46: {  	_ =	shalt  }
0x47: {  	_ =	shalt  }
0x48: {  	_ =	shalt  }
0x49: {  	_ =	shalt  }
0x4a: {  	_ =	shalt  }
0x4b: {  	_ =	shalt  }
0x4c: {  	_ =	shalt  }
0x4d: {  	_ =	shalt  }
0x4e: {  	_ =	shalt  }
0x4f: {  	_ =	shalt  }
0x50: {  	_ =	shalt  }
0x51: {  	_ =	shalt  }
0x52: {  	_ =	shalt  }
0x53: {  	_ =	shalt  }
0x54: {  	_ =	shalt  }
0x55: {  	_ =	shalt  }
0x56: {  	_ =	shalt  }
0x57: {  	_ =	shalt  }
0x58: {  	_ =	shalt  }
0x59: {  	_ =	shalt  }
0x5a: {  	_ =	shalt  }
0x5b: {  	_ =	shalt  }
0x5c: {  	_ =	shalt  }
0x5d: {  	_ =	shalt  }
0x5e: {  	_ =	shalt  }
0x5f: {  	_ =	shalt  }
0x60: {  	_ =	shalt  }
0x61: {  	_ =	shalt  }
0x62: {  	_ =	shalt  }
0x63: {  	_ =	shalt  }
0x64: {  	_ =	shalt  }
0x65: {  	_ =	shalt  }
0x66: {  	_ =	shalt  }
0x67: {  	_ =	shalt  }
0x68: {  	_ =	shalt  }
0x69: {  	_ =	shalt  }
0x6a: {  	_ =	shalt  }
0x6b: {  	_ =	shalt  }
0x6c: {  	_ =	shalt  }
0x6d: {  	_ =	shalt  }
0x6e: {  	_ =	shalt  }
0x6f: {  	_ =	shalt  }
0x70: {  	_ =	shalt  }
0x71: {  	_ =	shalt  }
0x72: {  	_ =	shalt  }
0x73: {  	_ =	shalt  }
0x74: {  	_ =	shalt  }
0x75: {  	_ =	shalt  }
0x76: {  	_ =	shalt  }
0x77: {  	_ =	shalt  }
0x78: {  	_ =	shalt  }
0x79: {  	_ =	shalt  }
0x7a: {  	_ =	shalt  }
0x7b: {  	_ =	shalt  }
0x7c: {  	_ =	shalt  }
0x7d: {  	_ =	shalt  }
0x7e: {  	_ =	shalt  }
0x7f: {  	_ =	shalt  }
0x80: {  	_ =	shalt  }
0x81: {  	_ =	shalt  }
0x82: {  	_ =	shalt  }
0x83: {  	_ =	shalt  }
0x84: {  	_ =	shalt  }
0x85: {  	_ =	shalt  }
0x86: {  	_ =	shalt  }
0x87: {  	_ =	shalt  }
.Lfunc_end0:
.L_simem_size_0:
called_computation.2_lowered:
.L_overlay_start_0:
0x88: {  	s2 =	sld [smem:$0x3FD9]  }
0x89: {  	s3 =	sld [smem:$0x3FFE];
	_ =	sdelay $0x1  }
0x8a: {  	s1 =	srdreg.scid  }
0x8b: {  	s0 =	sand.u32 $0x1, s1  }
0x8c: {  	s17 =	sshll.u32 s0, $0xA;
	s2 =	sadd.s32 s3, s2  }
0x8d: {  	s2 =	sadd.s32 s2, s17  }
0x8e: {  	[smem:$0x3FA0] =	sst s2  }
0x8f: {  	_ = 	snop  }
0x90: {  	s2 =	sld [smem:$0x3FD0];
	(tm) =	ssettm $0x1  }
0x91: {  	s18 =	sld [smem:$0x3FFB];
	_ =	sdelay $0x3  }
0x92: {  	_ =	strace s18  }
0x93: {  	s3 =	sld [smem:$0x3FFC];
	_ =	sdelay $0x3  }
0x94: {  	_ =	strace s3  }
0x95: {  	s3 =	sld [smem:$0x3FFD];
	_ =	sdelay $0x3  }
0x96: {  	_ =	strace s3  }
0x97: {  	_ =	strace $0x8FFFFFFF  }
0x98: {  	s19 =	sld [smem:$0x3FDB];
	_ =	sdelay $0x1  }
0x99: {  	s4 =	simm.s32 $_scs_section_size  }
0x9a: {  	s5 =	simm.s32 $_size__tile_overlayer_lowered;
	s6 =	simm.s32 $_tile_overlayer_lowered  }
0x9b: {  	s22 =	simm.s32 $0x1BFF;
	s21 =	sshll.u32 s6, $0x1;
	s3 =	sadd.s32 s4, s19  }
0x9c: {  	s7 =	simm.s32 $0x0;
	s20 =	sshll.u32 s5, $0x1;
	s5 =	sadd.s32 s21, s3  }
0x9d: {  	[timem:s7], [sflag:s22] =	dma.local [hbm:s5], s20  }
0x9e: {  	_ =	swait.ge [sflag:s22], s20  }
0x9f: {  	s4 =	ssub.s32 $0x0, s20;
	[sflag:s22] =	ssyncset.done $0x0  }
0xa0: {  	[sflag:s22] =	ssyncadd.s32 s4;
	_ =	sdelay $0x1  }
0xa1: {  	s23 =	simm.s32 $0x1B8B  }
0xa2: {  	_ =	swait.ge [sflag:s23], $0x1  }
0xa3: {  	[sflag:s23] =	ssyncset.done $0x0  }
0xa4: {  	s25 =	simm.s32 $0x1B8E;
	s24 =	sld [smem:$0x3FFE];
	[sflag:s23] =	ssyncadd.s32 $0xFFFFFFFF  }
0xa5: {  	s26 =	simm.s32 $execute0_lowered;
	[smem:$0x3FD2] =	sst s25  }
0xa6: {  	s5 =	sshll.u32 s26, $0x1;
	_ =	strace $0x8000004C;
	[dreg:$0x1] =	wrdreg $0xFFFFFFFF  }
0xa7: {  	s28 =	simm.s32 $_size_execute0_lowered;
	s3 =	sadd.s32 s3, s5;
	[dreg:$0x0] =	wrdreg $0x0  }
0xa8: {  	s5 =	sshll.u32 s28, $0x1;
	[dreg:$0x2] =	wrdreg s3  }
0xa9: {  	[dreg:$0x3] =	wrdreg s5  }
0xaa: {  	[dreg:$0x4] =	wrdreg $0xC0  }
0xab: {  	_ =	task [dreg:s7], $0x5FFFF  }
0xac: {  	[dreg:$0x1] =	wrdreg $0xFFFFFFFF  }
0xad: {  	[dreg:$0x0] =	wrdreg $0x60  }
0xae: {  	[dreg:$0x2] =	wrdreg s2  }
0xaf: {  	[dreg:$0x3] =	wrdreg s24  }
0xb0: {  	[dreg:$0x4] =	wrdreg $0x140000  }
0xb1: {  	[dreg:$0x5] =	wrdreg $0x9  }
0xb2: {  	_ =	task.clear_ibuf [dreg:s7], $0x6FFFF;
	_ =	strace $0x9000004C  }
0xb3: {  	s29 =	simm.s32 $0x9;
	_ =	strace $0x8000004E  }
0xb4: {  	_ =	swait.ge [sflag:s29], $0x1  }
0xb5: {  	[sflag:s29] =	ssyncadd.s32 $0xFFFFFFFF  }
0xb6: {  	_ =	strace $0x9000004E  }
0xb7: {  	_ =	sfence  }
0xb8: {  	s30 =	sld [smem:$0x0];
	_ =	sdelay $0x2  }
0xb9: {  	s31 =	sshll.u32 s1, $0xD;
	s1 =	sshrl.u32 s1, $0x2  }
0xba: {  	s3 =	sand.u32 $0x4000, s31;
	s1 =	sadd.s32 s1, s30  }
0xbb: {  	s0 =	sor.u32 s3, s0;
	s1 =	sshll.u32 s1, $0x11  }
0xbc: {  	s0 =	sor.u32 s1, s0  }
0xbd: {  	s0 =	sadd.s32 $0x8F2B, s0  }
0xbe: {  	[sflag:s0] =	ssyncadd.remote.s32 $0x1  }
0xbf: {  	_ =	sfence.sel $0xFFFF  }
0xc0: {  	[dreg:$0x0] =	wrdreg $0xFFFFFFFF;
	(pc) =	sbr.abs _section_cstart, $3  }
0xc1: {  	[dreg:$0x1] =	wrdreg $0xFFFFFFFF  }
0xc2: {  	_ =	task.clear_ibuf [dreg:s7], $0x2FFFF;
	_ =	strace $0x9FFFFFFF  }
0xc3: {  	(tm) =	ssettm $0x7FFFFFFF  }
tec
execute0_lowered:
.L_overlay_start_1:
0x0: {  	(tag) =	ssettag $0x1  }
0x1: {  	s1 =	rddreg [dreg:$0x0]  }
0x2: {  	s0 =	srdreg.scid;
	s2 =	rddreg [dreg:$0x1]  }
0x3: {  	s8 =	stileid.u32;
	s3 =	rddreg [dreg:$0x2]  }
0x4: {  	s5 =	simm.s32 $0x0;
	s17 =	simm.s32 $0xB;
	s19 =	simm.s32 $0xA000  }
0x5: {  	s29 =	simm.s32 $0x12000;
	s30 =	simm.s32 $0x2;
	s6 =	smul.u32 $0x5000, s8  }
0x6: {  	s10 =	simm.s32 $0x4;
	s12 =	simm.s32 $0x8;
	s9 =	smul.u32 $0xA000, s8  }
0x7: {  	s31 =	simm.s32 $0x9;
	s0 =	sand.u32 $0x1, s0;
	s8 =	smul.u32 $0x28000, s8  }
0x8: {  	[smem:$0x7FF] =	sst s5;
	s5 =	sadd.s32 $0xA4000, s2;
	s4 =	smul.u32 $0x50000, s0  }
0x9: {  	s7 =	smul.u32 $0x140000, s0;
	_ =	strace $0x8000004D;
	s0 =	ssub.s32 $0x2, s0  }
0xa: {  	s21 =	sshrl.u32 s0, $0x1;
	s23 =	sshrl.u32 s8, $0x2;
	s25 =	sadd.s32 s9, s3  }
0xb: {  	s4 =	sadd.s32 s6, s4;
	s20 =	sadd.s32 s9, s7;
	s0 =	ssub.s32 s0, s21  }
0xc: {  	s8 =	sadd.s32 s23, s3;
	[dreg:$0x7] =	wrdreg s25;
	s21 =	simm.s32 $0xC000  }
0xd: {  	s23 =	simm.s32 $0xE000;
	s25 =	simm.s32 $0x10000;
	s7 =	simm.s32 $0x7  }
0xe: {  	s9 =	simm.s32 $0x0;
	s4 =	sshrl.u32 s4, $0x3;
	s6 =	sshrl.u32 s20, $0x3  }
0xf: {  	s0 =	smax.u32 s0, $0x1;
	s14 =	sadd.s32 $0x2000, s8;
	s15 =	sadd.s32 $0x4000, s8  }
0x10: {  	s26 =	sadd.s32 $0x6000, s8;
	s28 =	sadd.s32 $0x8000, s8;
	[dreg:$0x9] =	wrdreg s0  }
0x11: {  	s20 =	simm.s32 $0x80;
	s4 =	sadd.s32 s4, s2;
	[dreg:$0xa] =	wrdreg s26  }
.Ltmp0:
0x12: {  	[dreg:$0xb] =	wrdreg s28;
	s22 =	sadd.s32 $0xF2E00, s4;
	(pc) =	sbr.rel .LBB2_1-.Ltmp0, $4  }
0x13: {  	s2 =	sadd.s32 s6, s2;
	s4 =	sadd.s32 $0xDEE00, s4;
	[dreg:$0x4] =	wrdreg s22  }
0x14: {  	s26 =	simm.s32 $0x1;
	s24 =	sadd.s32 $0x156E00, s2;
	[dreg:$0x5] =	wrdreg s4  }
0x15: {  	s6 =	simm.s32 $0xA;
	s2 =	sadd.s32 $0x16AE00, s2;
	[dreg:$0x6] =	wrdreg s24  }
0x16: {  	v0 =	vimm.f32 $0.0e+00;
	[dreg:$0x8] =	wrdreg s2;
	s2 =	simm.s32 $0x6;
	s24 =	simm.s32 $0x5  }
.LBB2_11:
0x17: {  	_ =	swait.ge [sflag:s24], $0x2000  }
0x18: {  	[sflag:s24] =	ssyncset.done $0x0  }
0x19: {  	[sflag:s24] =	ssyncadd.s32 $0xFFFFE000  }
0x1a: {  	[spmem:s3] =	stream.indirect.scatter.add.f32 [tilespmem:s29], [sflag:$0xA], $0x40, s18, s20, $0xb8;
	[tilespmem:$0x1E000] =	vst v63  }
0x1b: {  	_ =	swait.ge [sflag:s31], $0x2000  }
0x1c: {  	[sflag:s31] =	ssyncset.done $0x0  }
0x1d: {  	[sflag:s31] =	ssyncadd.s32 $0xFFFFE000  }
0x1e: {  	_ =	swait.ge [sflag:s6], $0x2000  }
0x1f: {  	[sflag:s6] =	ssyncset.done $0x0  }
0x20: {  	[sflag:s6] =	ssyncadd.s32 $0xFFFFE000  }
0x21: {  	[bflag:$0x0] =	sbarrier.arrive $0xFFFF  }
0x22: {  	s0 =	rddreg [dreg:$0x8]  }
0x23: {  	[hbm:s0], [sflag:s11] =	dma.local [spmem:s22], $0x1400  }
0x24: {  	_ =	swait.ge [sflag:s17], $0x1400  }
0x25: {  	s9 =	sadd.s32 $0x1, s9;
	s28 =	rddreg [dreg:$0x9]  }
0x26: {  	p0 =	sne.s32 s9, s28  }
.Ltmp1:
0x27: {  	_ = 	snop;
	(pc) =	sbr.rel @!p0 .LBB2_12-.Ltmp1, $3  }
0x28: {  	_ =	sdelay $0x1  }
0x29: {  	s14 =	smov.u32 s16;
	[sflag:s17] =	ssyncset.done $0x0  }
0x2a: {  	s15 =	smov.u32 s8;
	s8 =	smov.u32 s4;
	[sflag:s17] =	ssyncadd.s32 $0xFFFFEC00  }
.LBB2_1:
0x2b: {  	s0 =	simm.s32 $0x0;
	s11 =	rddreg [dreg:$0x4]  }
0x2c: {  	[tilespmem:s0], [sflag:$0xB] =	stream.linear.gather [hbm4b:s11+s0], $0x5000, $0x38;
	[tilespmem:$0x1E000] =	vst v63  }
0x2d: {  	_ =	swait.ge [sflag:s17], $0x5000  }
0x2e: {  	[sflag:s17] =	ssyncset.done $0x0  }
0x2f: {  	s4 =	simm.s32 $0x5000;
	s28 =	rddreg [dreg:$0x5];
	[sflag:s17] =	ssyncadd.s32 $0xFFFFB000  }
0x30: {  	[tilespmem:s4], [sflag:$0xB] =	stream.linear.gather [hbm4b:s28+s0], $0x5000, $0x38;
	[tilespmem:$0x1E000] =	vst v63  }
0x31: {  	_ =	swait.ge [sflag:s17], $0x5000  }
0x32: {  	[sflag:s17] =	ssyncset.done $0x0  }
0x33: {  	s11 =	simm.s32 $0x100;
	s0 =	simm.s32 $0x0;
	[sflag:s17] =	ssyncadd.s32 $0xFFFFB000  }
.LBB2_2:
0x34: {  	p0 =	sne.s32 s11, $0x7F00;
	[tilespmem:s0+$0xA030] =	vst v0;
	s18 =	smov.u32 s11;
	s11 =	sadd.s32 $0x100, s11  }
.Ltmp2:
0x35: {  	[tilespmem:s0+$0xA020] =	vst v0;
	(pc) =	sbr.rel @p0 .LBB2_2-.Ltmp2, $3  }
0x36: {  	[tilespmem:s0+$0xA000] =	vst v0  }
0x37: {  	[tilespmem:s0+$0xA010] =	vst v0;
	_ =	sdelay $0x1  }
0x38: {  	s0 =	sshra.s32 s18, $0x2  }
0x39: {  	[tilespmem:s0+$0xA030] =	vst v0  }
0x3a: {  	[tilespmem:s0+$0xA020] =	vst v0  }
0x3b: {  	[tilespmem:s0+$0xA000] =	vst v0  }
0x3c: {  	[tilespmem:s0+$0xA010] =	vst v0  }
0x3d: {  	[spmem:s8] =	stream.linear.scatter [tilespmem:s19], [sflag:$0xB], $0x2000, $0x38;
	[tilespmem:$0x1E000] =	vst v63  }
0x3e: {  	_ =	swait.ge [sflag:s17], $0x2000  }
0x3f: {  	[sflag:s17] =	ssyncset.done $0x0  }
0x40: {  	[sflag:s17] =	ssyncadd.s32 $0xFFFFE000  }
0x41: {  	[spmem:s14] =	stream.linear.scatter [tilespmem:s19], [sflag:$0xB], $0x2000, $0x38;
	[tilespmem:$0x1E000] =	vst v63  }
0x42: {  	_ =	swait.ge [sflag:s17], $0x2000  }
0x43: {  	[sflag:s17] =	ssyncset.done $0x0  }
0x44: {  	[sflag:s17] =	ssyncadd.s32 $0xFFFFE000  }
0x45: {  	[spmem:s15] =	stream.linear.scatter [tilespmem:s19], [sflag:$0xB], $0x2000, $0x38;
	[tilespmem:$0x1E000] =	vst v63  }
0x46: {  	_ =	swait.ge [sflag:s17], $0x2000  }
0x47: {  	[sflag:s17] =	ssyncset.done $0x0  }
0x48: {  	s18 =	rddreg [dreg:$0xa];
	[sflag:s17] =	ssyncadd.s32 $0xFFFFE000  }
0x49: {  	[spmem:s18] =	stream.linear.scatter [tilespmem:s19], [sflag:$0xB], $0x2000, $0x38;
	[tilespmem:$0x1E000] =	vst v63  }
0x4a: {  	_ =	swait.ge [sflag:s17], $0x2000  }
0x4b: {  	[sflag:s17] =	ssyncset.done $0x0  }
0x4c: {  	s22 =	rddreg [dreg:$0xb];
	[sflag:s17] =	ssyncadd.s32 $0xFFFFE000  }
0x4d: {  	[spmem:s22] =	stream.linear.scatter [tilespmem:s19], [sflag:$0xB], $0x2000, $0x38;
	[tilespmem:$0x1E000] =	vst v63  }
0x4e: {  	_ =	swait.ge [sflag:s17], $0x2000  }
0x4f: {  	[sflag:s17] =	ssyncset.done $0x0  }
0x50: {  	s11 =	simm.s32 $0x0;
	[sflag:s17] =	ssyncadd.s32 $0xFFFFE000  }
0x51: {  	[tilespmem:s19], [sflag:$0x1] =	stream.indirect.gather [hbm4b:s1+s20], $0x40, s11, s20, $0xb8;
	[tilespmem:$0x1E000] =	vst v63  }
0x52: {  	_ = 	snop  }
0x53: {  	[tilespmem:s21], [sflag:$0x2] =	stream.indirect.gather [hbm4b:s1+s20], $0x40, s20, s20, $0xb8;
	[tilespmem:$0x1E000] =	vst v63  }
0x54: {  	s28 =	simm.s32 $0x100  }
0x55: {  	[tilespmem:s23], [sflag:$0x3] =	stream.indirect.gather [hbm4b:s1+s20], $0x40, s28, s20, $0xb8;
	[tilespmem:$0x1E000] =	vst v63  }
0x56: {  	s4 =	simm.s32 $0x180  }
0x57: {  	[tilespmem:s25], [sflag:$0x4] =	stream.indirect.gather [hbm4b:s1+s20], $0x40, s4, s20, $0xb8;
	[tilespmem:$0x1E000] =	vst v63  }
0x58: {  	[bflag:$0x0] =	sbarrier.arrive $0xFFFF  }
0x59: {  	_ =	swait.ge [sflag:s26], $0x2000  }
0x5a: {  	[sflag:s26] =	ssyncset.done $0x0  }
0x5b: {  	s13 =	simm.s32 $0x5000;
	[sflag:s26] =	ssyncadd.s32 $0xFFFFE000  }
0x5c: {  	[spmem:s3] =	stream.indirect.scatter.add.f32 [tilespmem:s19], [sflag:$0x6], $0x40, s13, s20, $0xb8;
	[tilespmem:$0x1E000] =	vst v63  }
0x5d: {  	s16 =	simm.s32 $0x200  }
0x5e: {  	[tilespmem:s29], [sflag:$0x5] =	stream.indirect.gather [hbm4b:s1+s20], $0x40, s16, s20, $0xb8;
	[tilespmem:$0x1E000] =	vst v63  }
0x5f: {  	_ =	swait.ge [sflag:s30], $0x2000  }
0x60: {  	[sflag:s30] =	ssyncset.done $0x0  }
0x61: {  	s18 =	simm.s32 $0x5080;
	[sflag:s30] =	ssyncadd.s32 $0xFFFFE000  }
0x62: {  	[spmem:s3] =	stream.indirect.scatter.add.f32 [tilespmem:s21], [sflag:$0x7], $0x40, s18, s20, $0xb8;
	[tilespmem:$0x1E000] =	vst v63  }
0x63: {  	_ =	swait.ge [sflag:s2], $0x2000  }
0x64: {  	[sflag:s2] =	ssyncset.done $0x0  }
0x65: {  	s22 =	simm.s32 $0x280;
	s28 =	simm.s32 $0x3;
	[sflag:s2] =	ssyncadd.s32 $0xFFFFE000  }
0x66: {  	[tilespmem:s19], [sflag:$0x1] =	stream.indirect.gather [hbm4b:s1+s20], $0x40, s22, s20, $0xb8;
	[tilespmem:$0x1E000] =	vst v63  }
0x67: {  	_ =	swait.ge [sflag:s28], $0x2000  }
0x68: {  	[sflag:s28] =	ssyncset.done $0x0  }
0x69: {  	s4 =	simm.s32 $0x5100;
	[sflag:s28] =	ssyncadd.s32 $0xFFFFE000  }
0x6a: {  	[spmem:s3] =	stream.indirect.scatter.add.f32 [tilespmem:s23], [sflag:$0x8], $0x40, s4, s20, $0xb8;
	[tilespmem:$0x1E000] =	vst v63  }
0x6b: {  	_ =	swait.ge [sflag:s7], $0x2000  }
0x6c: {  	[sflag:s7] =	ssyncset.done $0x0  }
0x6d: {  	s13 =	simm.s32 $0x300;
	[sflag:s7] =	ssyncadd.s32 $0xFFFFE000  }
0x6e: {  	[tilespmem:s21], [sflag:$0x2] =	stream.indirect.gather [hbm4b:s1+s20], $0x40, s13, s20, $0xb8;
	[tilespmem:$0x1E000] =	vst v63  }
0x6f: {  	_ =	swait.ge [sflag:s10], $0x2000  }
0x70: {  	[sflag:s10] =	ssyncset.done $0x0  }
0x71: {  	s16 =	simm.s32 $0x5180;
	[sflag:s10] =	ssyncadd.s32 $0xFFFFE000  }
0x72: {  	[spmem:s3] =	stream.indirect.scatter.add.f32 [tilespmem:s25], [sflag:$0x9], $0x40, s16, s20, $0xb8;
	[tilespmem:$0x1E000] =	vst v63  }
0x73: {  	_ =	swait.ge [sflag:s12], $0x2000  }
0x74: {  	[sflag:s12] =	ssyncset.done $0x0  }
0x75: {  	s18 =	simm.s32 $0x380;
	[sflag:s12] =	ssyncadd.s32 $0xFFFFE000  }
0x76: {  	[tilespmem:s23], [sflag:$0x3] =	stream.indirect.gather [hbm4b:s1+s20], $0x40, s18, s20, $0xb8;
	[tilespmem:$0x1E000] =	vst v63  }
0x77: {  	_ =	swait.ge [sflag:s24], $0x2000  }
0x78: {  	[sflag:s24] =	ssyncset.done $0x0  }
0x79: {  	s22 =	simm.s32 $0x5200;
	[sflag:s24] =	ssyncadd.s32 $0xFFFFE000  }
0x7a: {  	[spmem:s3] =	stream.indirect.scatter.add.f32 [tilespmem:s29], [sflag:$0xA], $0x40, s22, s20, $0xb8;
	[tilespmem:$0x1E000] =	vst v63  }
0x7b: {  	_ =	swait.ge [sflag:s31], $0x2000  }
0x7c: {  	[sflag:s31] =	ssyncset.done $0x0  }
0x7d: {  	s28 =	simm.s32 $0x400;
	[sflag:s31] =	ssyncadd.s32 $0xFFFFE000  }
0x7e: {  	[tilespmem:s25], [sflag:$0x4] =	stream.indirect.gather [hbm4b:s1+s20], $0x40, s28, s20, $0xb8;
	[tilespmem:$0x1E000] =	vst v63  }
.LBB2_4:
0x7f: {  	_ =	swait.ge [sflag:s26], $0x2000  }
0x80: {  	s22 =	sshra.s32 s11, $0x2;
	[sflag:s26] =	ssyncset.done $0x0  }
0x81: {  	s0 =	sadd.s32 $0x5280, s22;
	[sflag:s26] =	ssyncadd.s32 $0xFFFFE000  }
0x82: {  	[spmem:s3] =	stream.indirect.scatter.add.f32 [tilespmem:s19], [sflag:$0x6], $0x40, s0, s20, $0xb8;
	[tilespmem:$0x1E000] =	vst v63  }
0x83: {  	_ =	swait.ge [sflag:s6], $0x2000  }
0x84: {  	[sflag:s6] =	ssyncset.done $0x0  }
0x85: {  	s16 =	sadd.s32 $0x480, s22;
	[sflag:s6] =	ssyncadd.s32 $0xFFFFE000  }
0x86: {  	[tilespmem:s29], [sflag:$0x5] =	stream.indirect.gather [hbm4b:s1+s20], $0x40, s16, s20, $0xb8;
	[tilespmem:$0x1E000] =	vst v63  }
0x87: {  	_ =	swait.ge [sflag:s30], $0x2000  }
0x88: {  	[sflag:s30] =	ssyncset.done $0x0  }
0x89: {  	s18 =	sadd.s32 $0x5300, s22;
	[sflag:s30] =	ssyncadd.s32 $0xFFFFE000  }
0x8a: {  	[spmem:s3] =	stream.indirect.scatter.add.f32 [tilespmem:s21], [sflag:$0x7], $0x40, s18, s20, $0xb8;
	[tilespmem:$0x1E000] =	vst v63  }
0x8b: {  	_ =	swait.ge [sflag:s2], $0x2000  }
0x8c: {  	p0 =	seq.s32 s11, $0x12C00;
	[sflag:s2] =	ssyncset.done $0x0  }
0x8d: {  	s0 =	simm.s32 @p0 $0x3;
	[sflag:s2] =	ssyncadd.s32 $0xFFFFE000  }
0x8e: {  	_ =	swait.ge @p0 [sflag:s0], $0x2000  }
0x8f: {  	[sflag:s0] =	ssyncset.done @p0 $0x0  }
0x90: {  	[sflag:s0] =	ssyncadd.s32 @p0 $0xFFFFE000;
	s0 =	sshra.s32 @p0 s11, $0x2  }
0x91: {  	s28 =	simm.s32 @p0 $0xE000;
	s18 =	simm.s32 @p0 $0x80;
	s0 =	sadd.s32 @p0 $0x5380, s0  }
0x92: {  	[spmem:s3] =	stream.indirect.scatter.add.f32 @p0 [tilespmem:s28], [sflag:$0x8], $0x40, s0, s18, $0xb8;
	[tilespmem:$0x1E000] =	vst v63  }
0x93: {  	s0 =	simm.s32 @p0 $0x7  }
0x94: {  	_ =	swait.ge @p0 [sflag:s0], $0x2000  }
0x95: {  	[sflag:s0] =	ssyncset.done @p0 $0x0  }
0x96: {  	[sflag:s0] =	ssyncadd.s32 @p0 $0xFFFFE000;
	s0 =	sshra.s32 @!p0 s11, $0x2  }
0x97: {  	s13 =	simm.s32 @!p0 $0xA000;
	s28 =	simm.s32 @!p0 $0x80;
	s18 =	sadd.s32 @!p0 $0x500, s0  }
0x98: {  	[tilespmem:s13], [sflag:$0x1] =	stream.indirect.gather @!p0 [hbm4b:s1+s28], $0x40, s18, s28, $0xb8;
	[tilespmem:$0x1E000] =	vst v63  }
0x99: {  	s13 =	simm.s32 @!p0 $0x3  }
0x9a: {  	_ =	swait.ge @!p0 [sflag:s13], $0x2000  }
0x9b: {  	[sflag:s13] =	ssyncset.done @!p0 $0x0  }
0x9c: {  	s18 =	simm.s32 @!p0 $0xE000;
	[sflag:s13] =	ssyncadd.s32 @!p0 $0xFFFFE000;
	s13 =	sadd.s32 @!p0 $0x5380, s0  }
0x9d: {  	[spmem:s3] =	stream.indirect.scatter.add.f32 @!p0 [tilespmem:s18], [sflag:$0x8], $0x40, s13, s28, $0xb8;
	[tilespmem:$0x1E000] =	vst v63  }
0x9e: {  	s13 =	simm.s32 @!p0 $0x7  }
0x9f: {  	_ =	swait.ge @!p0 [sflag:s13], $0x2000  }
0xa0: {  	[sflag:s13] =	ssyncset.done @!p0 $0x0  }
0xa1: {  	s0 =	sadd.s32 @!p0 $0x580, s0;
	[sflag:s13] =	ssyncadd.s32 @!p0 $0xFFFFE000;
	s13 =	simm.s32 @!p0 $0xC000  }
0xa2: {  	[tilespmem:s13], [sflag:$0x2] =	stream.indirect.gather @!p0 [hbm4b:s1+s28], $0x40, s0, s28, $0xb8;
	[tilespmem:$0x1E000] =	vst v63  }
0xa3: {  	_ =	swait.ge [sflag:s10], $0x2000  }
0xa4: {  	[sflag:s10] =	ssyncset.done $0x0  }
.Ltmp3:
0xa5: {  	s28 =	sadd.s32 $0x5400, s22;
	[sflag:s10] =	ssyncadd.s32 $0xFFFFE000;
	(pc) =	sbr.rel @p0 .LBB2_6-.Ltmp3, $4  }
0xa6: {  	[spmem:s3] =	stream.indirect.scatter.add.f32 [tilespmem:s25], [sflag:$0x9], $0x40, s28, s20, $0xb8;
	[tilespmem:$0x1E000] =	vst v63  }
0xa7: {  	_ =	swait.ge [sflag:s12], $0x2000  }
0xa8: {  	[sflag:s12] =	ssyncset.done $0x0  }
0xa9: {  	s0 =	sadd.s32 $0x5480, s22;
	[sflag:s12] =	ssyncadd.s32 $0xFFFFE000  }
0xaa: {  	s13 =	sadd.s32 $0x600, s22  }
0xab: {  	[tilespmem:s23], [sflag:$0x3] =	stream.indirect.gather [hbm4b:s1+s20], $0x40, s13, s20, $0xb8;
	[tilespmem:$0x1E000] =	vst v63  }
0xac: {  	_ =	swait.ge [sflag:s24], $0x2000  }
0xad: {  	[sflag:s24] =	ssyncset.done $0x0  }
0xae: {  	[sflag:s24] =	ssyncadd.s32 $0xFFFFE000  }
0xaf: {  	[spmem:s3] =	stream.indirect.scatter.add.f32 [tilespmem:s29], [sflag:$0xA], $0x40, s0, s20, $0xb8;
	[tilespmem:$0x1E000] =	vst v63  }
.Ltmp4:
0xb0: {  	_ = 	snop;
	(pc) =	sbr.rel .LBB2_4-.Ltmp4, $4  }
0xb1: {  	_ =	swait.ge [sflag:s31], $0x2000  }
0xb2: {  	[sflag:s31] =	ssyncset.done $0x0  }
0xb3: {  	s28 =	sadd.s32 $0x680, s22;
	s11 =	sadd.s32 $0xA00, s11;
	[sflag:s31] =	ssyncadd.s32 $0xFFFFE000  }
0xb4: {  	[tilespmem:s25], [sflag:$0x4] =	stream.indirect.gather [hbm4b:s1+s20], $0x40, s28, s20, $0xb8;
	[tilespmem:$0x1E000] =	vst v63  }
.LBB2_6:
0xb5: {  	_ =	swait.ge [sflag:s24], $0x2000  }
0xb6: {  	[sflag:s24] =	ssyncset.done $0x0  }
0xb7: {  	[sflag:s24] =	ssyncadd.s32 $0xFFFFE000  }
0xb8: {  	[spmem:s3] =	stream.indirect.scatter.add.f32 [tilespmem:s29], [sflag:$0xA], $0x40, s0, s20, $0xb8;
	[tilespmem:$0x1E000] =	vst v63  }
0xb9: {  	_ =	swait.ge [sflag:s31], $0x2000  }
0xba: {  	[sflag:s31] =	ssyncset.done $0x0  }
0xbb: {  	[sflag:s31] =	ssyncadd.s32 $0xFFFFE000  }
0xbc: {  	_ =	swait.ge [sflag:s6], $0x2000  }
0xbd: {  	[sflag:s6] =	ssyncset.done $0x0  }
0xbe: {  	[sflag:s6] =	ssyncadd.s32 $0xFFFFE000  }
0xbf: {  	s13 =	stileid.u32;
	[bflag:$0x0] =	sbarrier.arrive $0xFFFF  }
0xc0: {  	s0 =	sshll.u32 s13, $0x6;
	s16 =	rddreg [dreg:$0x7]  }
0xc1: {  	s11 =	sor.u32 $0x1C0B, s0;
	s18 =	rddreg [dreg:$0x6];
	s22 =	sshrl.u32 s16, $0x3  }
0xc2: {  	[hbm:s18], [sflag:s11] =	dma.local [spmem:s22], $0x1400  }
0xc3: {  	_ =	swait.ge [sflag:s17], $0x1400  }
0xc4: {  	[sflag:s17] =	ssyncset.done $0x0  }
0xc5: {  	s28 =	simm.s32 $0x100;
	s0 =	simm.s32 $0x0;
	[sflag:s17] =	ssyncadd.s32 $0xFFFFEC00  }
.LBB2_7:
0xc6: {  	p0 =	sne.s32 s28, $0x7F00;
	[tilespmem:s0+$0xA030] =	vst v0;
	s13 =	smov.u32 s28;
	s28 =	sadd.s32 $0x100, s28  }
.Ltmp5:
0xc7: {  	[tilespmem:s0+$0xA020] =	vst v0;
	(pc) =	sbr.rel @p0 .LBB2_7-.Ltmp5, $3  }
0xc8: {  	[tilespmem:s0+$0xA000] =	vst v0  }
0xc9: {  	[tilespmem:s0+$0xA010] =	vst v0;
	_ =	sdelay $0x1  }
0xca: {  	s0 =	sshra.s32 s13, $0x2  }
0xcb: {  	[tilespmem:s0+$0xA030] =	vst v0  }
0xcc: {  	[tilespmem:s0+$0xA020] =	vst v0  }
0xcd: {  	[tilespmem:s0+$0xA000] =	vst v0  }
0xce: {  	[tilespmem:s0+$0xA010] =	vst v0  }
0xcf: {  	[spmem:s8] =	stream.linear.scatter [tilespmem:s19], [sflag:$0xB], $0x2000, $0x38;
	[tilespmem:$0x1E000] =	vst v63  }
0xd0: {  	_ =	swait.ge [sflag:s17], $0x2000  }
0xd1: {  	[sflag:s17] =	ssyncset.done $0x0  }
0xd2: {  	[sflag:s17] =	ssyncadd.s32 $0xFFFFE000  }
0xd3: {  	[spmem:s14] =	stream.linear.scatter [tilespmem:s19], [sflag:$0xB], $0x2000, $0x38;
	[tilespmem:$0x1E000] =	vst v63  }
0xd4: {  	_ =	swait.ge [sflag:s17], $0x2000  }
0xd5: {  	[sflag:s17] =	ssyncset.done $0x0  }
0xd6: {  	[sflag:s17] =	ssyncadd.s32 $0xFFFFE000  }
0xd7: {  	[spmem:s15] =	stream.linear.scatter [tilespmem:s19], [sflag:$0xB], $0x2000, $0x38;
	[tilespmem:$0x1E000] =	vst v63  }
0xd8: {  	_ =	swait.ge [sflag:s17], $0x2000  }
0xd9: {  	[sflag:s17] =	ssyncset.done $0x0  }
0xda: {  	s16 =	smov.u32 s14;
	s14 =	rddreg [dreg:$0xa];
	[sflag:s17] =	ssyncadd.s32 $0xFFFFE000  }
0xdb: {  	[spmem:s14] =	stream.linear.scatter [tilespmem:s19], [sflag:$0xB], $0x2000, $0x38;
	[tilespmem:$0x1E000] =	vst v63  }
0xdc: {  	_ =	swait.ge [sflag:s17], $0x2000  }
0xdd: {  	s4 =	smov.u32 s8;
	[sflag:s17] =	ssyncset.done $0x0  }
0xde: {  	s8 =	smov.u32 s15;
	s15 =	rddreg [dreg:$0xb];
	[sflag:s17] =	ssyncadd.s32 $0xFFFFE000  }
0xdf: {  	[spmem:s15] =	stream.linear.scatter [tilespmem:s19], [sflag:$0xB], $0x2000, $0x38;
	[tilespmem:$0x1E000] =	vst v63  }
0xe0: {  	_ =	swait.ge [sflag:s17], $0x2000  }
0xe1: {  	[sflag:s17] =	ssyncset.done $0x0  }
0xe2: {  	s28 =	simm.s32 $0x0;
	[sflag:s17] =	ssyncadd.s32 $0xFFFFE000  }
0xe3: {  	[tilespmem:s19], [sflag:$0x1] =	stream.indirect.gather [hbm4b:s5+s20], $0x40, s28, s20, $0xb8;
	[tilespmem:$0x1E000] =	vst v63  }
0xe4: {  	_ = 	snop  }
0xe5: {  	[tilespmem:s21], [sflag:$0x2] =	stream.indirect.gather [hbm4b:s5+s20], $0x40, s20, s20, $0xb8;
	[tilespmem:$0x1E000] =	vst v63  }
0xe6: {  	s18 =	simm.s32 $0x100  }
0xe7: {  	[tilespmem:s23], [sflag:$0x3] =	stream.indirect.gather [hbm4b:s5+s20], $0x40, s18, s20, $0xb8;
	[tilespmem:$0x1E000] =	vst v63  }
0xe8: {  	s13 =	simm.s32 $0x180  }
0xe9: {  	[tilespmem:s25], [sflag:$0x4] =	stream.indirect.gather [hbm4b:s5+s20], $0x40, s13, s20, $0xb8;
	[tilespmem:$0x1E000] =	vst v63  }
0xea: {  	[bflag:$0x0] =	sbarrier.arrive $0xFFFF  }
0xeb: {  	_ =	swait.ge [sflag:s26], $0x2000  }
0xec: {  	[sflag:s26] =	ssyncset.done $0x0  }
0xed: {  	s14 =	simm.s32 $0x5000;
	[sflag:s26] =	ssyncadd.s32 $0xFFFFE000  }
0xee: {  	[spmem:s3] =	stream.indirect.scatter.add.f32 [tilespmem:s19], [sflag:$0x6], $0x40, s14, s20, $0xb8;
	[tilespmem:$0x1E000] =	vst v63  }
0xef: {  	s15 =	simm.s32 $0x200  }
0xf0: {  	[tilespmem:s29], [sflag:$0x5] =	stream.indirect.gather [hbm4b:s5+s20], $0x40, s15, s20, $0xb8;
	[tilespmem:$0x1E000] =	vst v63  }
0xf1: {  	_ =	swait.ge [sflag:s30], $0x2000  }
0xf2: {  	[sflag:s30] =	ssyncset.done $0x0  }
0xf3: {  	s18 =	simm.s32 $0x5080;
	[sflag:s30] =	ssyncadd.s32 $0xFFFFE000  }
0xf4: {  	[spmem:s3] =	stream.indirect.scatter.add.f32 [tilespmem:s21], [sflag:$0x7], $0x40, s18, s20, $0xb8;
	[tilespmem:$0x1E000] =	vst v63  }
0xf5: {  	_ =	swait.ge [sflag:s2], $0x2000  }
0xf6: {  	[sflag:s2] =	ssyncset.done $0x0  }
0xf7: {  	s13 =	simm.s32 $0x280;
	s14 =	simm.s32 $0x3;
	[sflag:s2] =	ssyncadd.s32 $0xFFFFE000  }
0xf8: {  	[tilespmem:s19], [sflag:$0x1] =	stream.indirect.gather [hbm4b:s5+s20], $0x40, s13, s20, $0xb8;
	[tilespmem:$0x1E000] =	vst v63  }
0xf9: {  	_ =	swait.ge [sflag:s14], $0x2000  }
0xfa: {  	[sflag:s14] =	ssyncset.done $0x0  }
0xfb: {  	s15 =	simm.s32 $0x5100;
	[sflag:s14] =	ssyncadd.s32 $0xFFFFE000  }
0xfc: {  	[spmem:s3] =	stream.indirect.scatter.add.f32 [tilespmem:s23], [sflag:$0x8], $0x40, s15, s20, $0xb8;
	[tilespmem:$0x1E000] =	vst v63  }
0xfd: {  	_ =	swait.ge [sflag:s7], $0x2000  }
0xfe: {  	[sflag:s7] =	ssyncset.done $0x0  }
0xff: {  	s18 =	simm.s32 $0x300;
	[sflag:s7] =	ssyncadd.s32 $0xFFFFE000  }
0x100: {  	[tilespmem:s21], [sflag:$0x2] =	stream.indirect.gather [hbm4b:s5+s20], $0x40, s18, s20, $0xb8;
	[tilespmem:$0x1E000] =	vst v63  }
0x101: {  	_ =	swait.ge [sflag:s10], $0x2000  }
0x102: {  	[sflag:s10] =	ssyncset.done $0x0  }
0x103: {  	s13 =	simm.s32 $0x5180;
	[sflag:s10] =	ssyncadd.s32 $0xFFFFE000  }
0x104: {  	[spmem:s3] =	stream.indirect.scatter.add.f32 [tilespmem:s25], [sflag:$0x9], $0x40, s13, s20, $0xb8;
	[tilespmem:$0x1E000] =	vst v63  }
0x105: {  	_ =	swait.ge [sflag:s12], $0x2000  }
0x106: {  	[sflag:s12] =	ssyncset.done $0x0  }
0x107: {  	s14 =	simm.s32 $0x380;
	[sflag:s12] =	ssyncadd.s32 $0xFFFFE000  }
0x108: {  	[tilespmem:s23], [sflag:$0x3] =	stream.indirect.gather [hbm4b:s5+s20], $0x40, s14, s20, $0xb8;
	[tilespmem:$0x1E000] =	vst v63  }
0x109: {  	_ =	swait.ge [sflag:s24], $0x2000  }
0x10a: {  	[sflag:s24] =	ssyncset.done $0x0  }
0x10b: {  	s15 =	simm.s32 $0x5200;
	[sflag:s24] =	ssyncadd.s32 $0xFFFFE000  }
0x10c: {  	[spmem:s3] =	stream.indirect.scatter.add.f32 [tilespmem:s29], [sflag:$0xA], $0x40, s15, s20, $0xb8;
	[tilespmem:$0x1E000] =	vst v63  }
0x10d: {  	_ =	swait.ge [sflag:s31], $0x2000  }
0x10e: {  	[sflag:s31] =	ssyncset.done $0x0  }
0x10f: {  	s18 =	simm.s32 $0x400;
	[sflag:s31] =	ssyncadd.s32 $0xFFFFE000  }
0x110: {  	[tilespmem:s25], [sflag:$0x4] =	stream.indirect.gather [hbm4b:s5+s20], $0x40, s18, s20, $0xb8;
	[tilespmem:$0x1E000] =	vst v63  }
.LBB2_9:
0x111: {  	_ =	swait.ge [sflag:s26], $0x2000  }
0x112: {  	s0 =	sshra.s32 s28, $0x2;
	[sflag:s26] =	ssyncset.done $0x0  }
0x113: {  	s13 =	sadd.s32 $0x5280, s0;
	[sflag:s26] =	ssyncadd.s32 $0xFFFFE000  }
0x114: {  	[spmem:s3] =	stream.indirect.scatter.add.f32 [tilespmem:s19], [sflag:$0x6], $0x40, s13, s20, $0xb8;
	[tilespmem:$0x1E000] =	vst v63  }
0x115: {  	_ =	swait.ge [sflag:s6], $0x2000  }
0x116: {  	[sflag:s6] =	ssyncset.done $0x0  }
0x117: {  	s14 =	sadd.s32 $0x480, s0;
	[sflag:s6] =	ssyncadd.s32 $0xFFFFE000  }
0x118: {  	[tilespmem:s29], [sflag:$0x5] =	stream.indirect.gather [hbm4b:s5+s20], $0x40, s14, s20, $0xb8;
	[tilespmem:$0x1E000] =	vst v63  }
0x119: {  	_ =	swait.ge [sflag:s30], $0x2000  }
0x11a: {  	[sflag:s30] =	ssyncset.done $0x0  }
0x11b: {  	s15 =	sadd.s32 $0x5300, s0;
	[sflag:s30] =	ssyncadd.s32 $0xFFFFE000  }
0x11c: {  	[spmem:s3] =	stream.indirect.scatter.add.f32 [tilespmem:s21], [sflag:$0x7], $0x40, s15, s20, $0xb8;
	[tilespmem:$0x1E000] =	vst v63  }
0x11d: {  	_ =	swait.ge [sflag:s2], $0x2000  }
0x11e: {  	p0 =	seq.s32 s28, $0x12C00;
	[sflag:s2] =	ssyncset.done $0x0  }
0x11f: {  	s13 =	simm.s32 @p0 $0x3;
	[sflag:s2] =	ssyncadd.s32 $0xFFFFE000  }
0x120: {  	_ =	swait.ge @p0 [sflag:s13], $0x2000  }
0x121: {  	[sflag:s13] =	ssyncset.done @p0 $0x0  }
0x122: {  	[sflag:s13] =	ssyncadd.s32 @p0 $0xFFFFE000;
	s13 =	sshra.s32 @p0 s28, $0x2  }
0x123: {  	s18 =	simm.s32 @p0 $0x80;
	s14 =	simm.s32 @p0 $0xE000;
	s13 =	sadd.s32 @p0 $0x5380, s13  }
0x124: {  	[spmem:s3] =	stream.indirect.scatter.add.f32 @p0 [tilespmem:s14], [sflag:$0x8], $0x40, s13, s18, $0xb8;
	[tilespmem:$0x1E000] =	vst v63  }
0x125: {  	s13 =	simm.s32 @p0 $0x7  }
0x126: {  	_ =	swait.ge @p0 [sflag:s13], $0x2000  }
0x127: {  	[sflag:s13] =	ssyncset.done @p0 $0x0  }
0x128: {  	[sflag:s13] =	ssyncadd.s32 @p0 $0xFFFFE000;
	s13 =	sshra.s32 @!p0 s28, $0x2  }
0x129: {  	s15 =	simm.s32 @!p0 $0xA000;
	s18 =	simm.s32 @!p0 $0x80;
	s14 =	sadd.s32 @!p0 $0x500, s13  }
0x12a: {  	[tilespmem:s15], [sflag:$0x1] =	stream.indirect.gather @!p0 [hbm4b:s5+s18], $0x40, s14, s18, $0xb8;
	[tilespmem:$0x1E000] =	vst v63  }
0x12b: {  	s14 =	simm.s32 @!p0 $0x3  }
0x12c: {  	_ =	swait.ge @!p0 [sflag:s14], $0x2000  }
0x12d: {  	[sflag:s14] =	ssyncset.done @!p0 $0x0  }
0x12e: {  	s15 =	simm.s32 @!p0 $0xE000;
	[sflag:s14] =	ssyncadd.s32 @!p0 $0xFFFFE000;
	s14 =	sadd.s32 @!p0 $0x5380, s13  }
0x12f: {  	[spmem:s3] =	stream.indirect.scatter.add.f32 @!p0 [tilespmem:s15], [sflag:$0x8], $0x40, s14, s18, $0xb8;
	[tilespmem:$0x1E000] =	vst v63  }
0x130: {  	s14 =	simm.s32 @!p0 $0x7  }
0x131: {  	_ =	swait.ge @!p0 [sflag:s14], $0x2000  }
0x132: {  	[sflag:s14] =	ssyncset.done @!p0 $0x0  }
0x133: {  	s13 =	sadd.s32 @!p0 $0x580, s13;
	[sflag:s14] =	ssyncadd.s32 @!p0 $0xFFFFE000;
	s14 =	simm.s32 @!p0 $0xC000  }
0x134: {  	[tilespmem:s14], [sflag:$0x2] =	stream.indirect.gather @!p0 [hbm4b:s5+s18], $0x40, s13, s18, $0xb8;
	[tilespmem:$0x1E000] =	vst v63  }
0x135: {  	_ =	swait.ge [sflag:s10], $0x2000  }
0x136: {  	[sflag:s10] =	ssyncset.done $0x0  }
.Ltmp6:
0x137: {  	s18 =	sadd.s32 $0x5400, s0;
	[sflag:s10] =	ssyncadd.s32 $0xFFFFE000;
	(pc) =	sbr.rel @p0 .LBB2_11-.Ltmp6, $4  }
0x138: {  	[spmem:s3] =	stream.indirect.scatter.add.f32 [tilespmem:s25], [sflag:$0x9], $0x40, s18, s20, $0xb8;
	[tilespmem:$0x1E000] =	vst v63  }
0x139: {  	_ =	swait.ge [sflag:s12], $0x2000  }
0x13a: {  	[sflag:s12] =	ssyncset.done $0x0  }
0x13b: {  	s18 =	sadd.s32 $0x5480, s0;
	[sflag:s12] =	ssyncadd.s32 $0xFFFFE000  }
0x13c: {  	s13 =	sadd.s32 $0x600, s0  }
0x13d: {  	[tilespmem:s23], [sflag:$0x3] =	stream.indirect.gather [hbm4b:s5+s20], $0x40, s13, s20, $0xb8;
	[tilespmem:$0x1E000] =	vst v63  }
0x13e: {  	_ =	swait.ge [sflag:s24], $0x2000  }
0x13f: {  	[sflag:s24] =	ssyncset.done $0x0  }
0x140: {  	[sflag:s24] =	ssyncadd.s32 $0xFFFFE000  }
0x141: {  	[spmem:s3] =	stream.indirect.scatter.add.f32 [tilespmem:s29], [sflag:$0xA], $0x40, s18, s20, $0xb8;
	[tilespmem:$0x1E000] =	vst v63  }
.Ltmp7:
0x142: {  	_ = 	snop;
	(pc) =	sbr.rel .LBB2_9-.Ltmp7, $4  }
0x143: {  	_ =	swait.ge [sflag:s31], $0x2000  }
0x144: {  	[sflag:s31] =	ssyncset.done $0x0  }
0x145: {  	s28 =	sadd.s32 $0xA00, s28;
	s18 =	sadd.s32 $0x680, s0;
	[sflag:s31] =	ssyncadd.s32 $0xFFFFE000  }
0x146: {  	[tilespmem:s25], [sflag:$0x4] =	stream.indirect.gather [hbm4b:s5+s20], $0x40, s18, s20, $0xb8;
	[tilespmem:$0x1E000] =	vst v63  }
.LBB2_12:
0x147: {  	_ =	sfence.sel $0x180000  }
0x148: {  	[bflag:$0x0] =	sbarrier.arrive $0xFFFF  }
0x149: {  	_ =	strace $0x9000004D  }
0x14a: {  	s0 =	stileid.u32;
	[bflag:$0x2] =	sbarrier.arrive $0xFFFF  }
0x14b: {  	p0 =	sne.s32 s0, $0x0;
	s0 =	rddreg [dreg:$0x3]  }
0x14c: {  	s0 =	sadd.s32 @!p0 $0x100000, s0  }
0x14d: {  	[sflag:s0] =	ssyncadd.tile.s32 @!p0 $0x1;
	_ =	shalt  }
.Lfunc_end2:
_tile_overlayer_lowered:
.L_overlay_start_2:
0x14e: {  	(tag) =	ssettag $0x2  }
0x14f: {  	s0 =	rddreg [dreg:$0x0];
	s2 =	stileid.u32  }
0x150: {  	s1 =	rddreg [dreg:$0x1];
	p0 =	sne.s32 s2, $0x0  }
0x151: {  	s3 =	rddreg [dreg:$0x2];
	[bflag:$0x3] =	sbarrier.arrive $0xFFFF;
	s2 =	simm.s32 @!p0 $0x1C0B  }
0x152: {  	[timem:s3], [sflag:s2] =	dma.local @!p0 [hbm:s0], s1  }
0x153: {  	s0 =	simm.s32 @!p0 $0xB  }
0x154: {  	_ =	swait.ge @!p0 [sflag:s0], s1  }
0x155: {  	s1 =	ssub.s32 @!p0 $0x0, s1;
	[sflag:s0] =	ssyncset.done @!p0 $0x0  }
0x156: {  	[sflag:s0] =	ssyncadd.s32 @!p0 s1  }
0x157: {  	[bflag:$0x3] =	sbarrier.arrive $0xFFFF  }
0x158: {  	_ =	shalt  }

// kernel: kernel.18.cloned.1.call-start
scs
__scs_entry_jumppad:
0x0: {  	(pc) =	sbr.rel $0x88, $3  }
0x1: {  	(tag) =	ssettag $0x0;
	lr =	simm.s32 $0x1  }
0x2: {  	[smem:$0x3F79] =	sst lr;
	_ =	strace $0xD0000000  }
0x3: {  	_ = 	snop  }
0x4: {  	_ = 	snop  }
0x5: {  	_ = 	snop  }
0x6: {  	_ = 	snop  }
0x7: {  	_ = 	snop  }
__scs_overlays_trampoline_lowered:
0x8: {  	[smem:$0x3F88] =	sst s0  }
0x9: {  	[smem:$0x3F89] =	sst s1  }
0xa: {  	[smem:$0x3F8A] =	sst s2  }
0xb: {  	[smem:$0x3F8B] =	sst s3  }
0xc: {  	[smem:$0x3F8C] =	sst s4  }
0xd: {  	[smem:$0x3F8D] =	sst s5  }
0xe: {  	[smem:$0x3F8E] =	sst s6  }
0xf: {  	[smem:$0x3F8F] =	sst s7  }
0x10: {  	[smem:$0x3F90] =	sst s8  }
0x11: {  	[smem:$0x3F91] =	sst s9;
	s0 =	simm.s32 @!p0 $0x0  }
0x12: {  	s1 =	sld [smem:$0x3F77];
	s0 =	simm.s32 @p0 $0x1  }
0x13: {  	[smem:$0x3F92] =	sst s0;
	s0 =	simm.s32 @!p1 $0x0  }
0x14: {  	s2 =	sld [smem:$0x3F76];
	s0 =	simm.s32 @p1 $0x1  }
0x15: {  	[smem:$0x3F93] =	sst s0;
	s0 =	simm.s32 @!p2 $0x0  }
0x16: {  	s3 =	sld [smem:$0x3FDB];
	s0 =	simm.s32 @p2 $0x1  }
0x17: {  	s4 =	simm.s32 $0x1BF5;
	[smem:$0x3F95] =	sst s0  }
0x18: {  	s0 =	sld [smem:$0x3F78];
	_ =	swait.ge [sflag:s4], $0x0  }
0x19: {  	s7 =	sld [smem:$0x3F79]  }
0x1a: {  	s8 =	sadd.s32 $0xFFFFE003, lr  }
0x1b: {  	s9 =	sadd.s32 $0xFFFFFEF7, lr;
	s5 =	simm.s32 $0xFFFFFFFF;
	p2 =	slt.u32 s8, $0xFFFFF086  }
0x1c: {  	p1 =	slt.u32 s9, $0xF7A;
	s5 =	simm.s32 @!p2 $0x0  }
0x1d: {  	s5 =	simm.s32 @p1 $0x1;
	p0 =	seq.s32 s7, s2  }
0x1e: {  	s7 =	smul.u32 @!p0 $0xF7A, s2;
	p2 =	seq.s32 @!p0 s5, $0x0  }
0x1f: {  	s9 =	smul.u32 $0xF7A, s1;
	s8 =	simm.s32 @!p0 $0x1BF5;
	p2 =	por !p2, p0  }
0x20: {  	[sflag:s8] =	ssyncset.s32 @!p0 $0xFFFFF086;
	s6 =	sadd.s32 @!p0 s3, s7;
	s7 =	simm.s32 @!p0 $0x108  }
0x21: {  	s3 =	sadd.s32 s3, s9;
	s6 =	sadd.s32 @!p0 $0x88, s6;
	s7 =	simm.s32 @p2 $0x1082  }
0x22: {  	[simem:s7], [sflag:s8] =	dma.local @!p0 [hbm:s6], $0xF7A  }
0x23: {  	s9 =	sor.u32 $0xD0000000, s2;
	s6 =	simm.s32 $0x108;
	_ =	swait.ge @!p0 [sflag:s8], $0x0  }
0x24: {  	s3 =	sadd.s32 $0x88, s3;
	s6 =	simm.s32 @!p1 $0x1082;
	[sflag:s4] =	ssyncset.s32 $0xFFFFF086  }
0x25: {  	[simem:s6], [sflag:s4] =	dma.local [hbm:s3], $0xF7A  }
0x26: {  	[smem:$0x3F79] =	sst s1;
	(tag) =	ssettag s2;
	_ =	strace s9  }
0x27: {  	s1 =	sld [smem:$0x3F89]  }
0x28: {  	s2 =	sld [smem:$0x3F8A]  }
0x29: {  	s4 =	sld [smem:$0x3F8C]  }
0x2a: {  	p0 =	seq.s32 s5, $0x0;
	s5 =	sld [smem:$0x3F8D]  }
0x2b: {  	s6 =	sld [smem:$0x3F8E]  }
0x2c: {  	s7 =	sld [smem:$0x3F8F]  }
0x2d: {  	s3 =	simm.s32 $0x108;
	s8 =	sld [smem:$0x3F90]  }
0x2e: {  	s3 =	simm.s32 @!p0 $0x1082;
	s9 =	sld [smem:$0x3F91]  }
0x2f: {  	lr =	sadd.s32 s0, s3;
	s0 =	sld [smem:$0x3F88]  }
0x30: {  	s3 =	sld [smem:$0x3F8B]  }
0x31: {  	[smem:$0x3F94] =	sst s10  }
0x32: {  	s10 =	sld [smem:$0x3F92];
	_ =	sdelay $0x3  }
0x33: {  	p0 =	seq.s32 s10, $0x1;
	s10 =	sld [smem:$0x3F94];
	_ =	sdelay $0x3  }
0x34: {  	[smem:$0x3F94] =	sst s10  }
0x35: {  	s10 =	sld [smem:$0x3F93];
	_ =	sdelay $0x3  }
0x36: {  	p1 =	seq.s32 s10, $0x1;
	s10 =	sld [smem:$0x3F94];
	_ =	sdelay $0x3  }
0x37: {  	[smem:$0x3F94] =	sst s10  }
0x38: {  	s10 =	sld [smem:$0x3F95]  }
0x39: {  	_ = 	snop;
	(pc) =	sbr.ind lr, $3  }
0x3a: {  	_ = 	snop  }
0x3b: {  	_ = 	snop  }
0x3c: {  	p2 =	seq.s32 s10, $0x1;
	s10 =	sld [smem:$0x3F94]  }
0x3d: {  	_ =	shalt  }
0x3e: {  	_ =	shalt  }
0x3f: {  	_ =	shalt  }
0x40: {  	_ =	shalt  }
0x41: {  	_ =	shalt  }
0x42: {  	_ =	shalt  }
0x43: {  	_ =	shalt  }
0x44: {  	_ =	shalt  }
0x45: {  	_ =	shalt  }
0x46: {  	_ =	shalt  }
0x47: {  	_ =	shalt  }
0x48: {  	_ =	shalt  }
0x49: {  	_ =	shalt  }
0x4a: {  	_ =	shalt  }
0x4b: {  	_ =	shalt  }
0x4c: {  	_ =	shalt  }
0x4d: {  	_ =	shalt  }
0x4e: {  	_ =	shalt  }
0x4f: {  	_ =	shalt  }
0x50: {  	_ =	shalt  }
0x51: {  	_ =	shalt  }
0x52: {  	_ =	shalt  }
0x53: {  	_ =	shalt  }
0x54: {  	_ =	shalt  }
0x55: {  	_ =	shalt  }
0x56: {  	_ =	shalt  }
0x57: {  	_ =	shalt  }
0x58: {  	_ =	shalt  }
0x59: {  	_ =	shalt  }
0x5a: {  	_ =	shalt  }
0x5b: {  	_ =	shalt  }
0x5c: {  	_ =	shalt  }
0x5d: {  	_ =	shalt  }
0x5e: {  	_ =	shalt  }
0x5f: {  	_ =	shalt  }
0x60: {  	_ =	shalt  }
0x61: {  	_ =	shalt  }
0x62: {  	_ =	shalt  }
0x63: {  	_ =	shalt  }
0x64: {  	_ =	shalt  }
0x65: {  	_ =	shalt  }
0x66: {  	_ =	shalt  }
0x67: {  	_ =	shalt  }
0x68: {  	_ =	shalt  }
0x69: {  	_ =	shalt  }
0x6a: {  	_ =	shalt  }
0x6b: {  	_ =	shalt  }
0x6c: {  	_ =	shalt  }
0x6d: {  	_ =	shalt  }
0x6e: {  	_ =	shalt  }
0x6f: {  	_ =	shalt  }
0x70: {  	_ =	shalt  }
0x71: {  	_ =	shalt  }
0x72: {  	_ =	shalt  }
0x73: {  	_ =	shalt  }
0x74: {  	_ =	shalt  }
0x75: {  	_ =	shalt  }
0x76: {  	_ =	shalt  }
0x77: {  	_ =	shalt  }
0x78: {  	_ =	shalt  }
0x79: {  	_ =	shalt  }
0x7a: {  	_ =	shalt  }
0x7b: {  	_ =	shalt  }
0x7c: {  	_ =	shalt  }
0x7d: {  	_ =	shalt  }
0x7e: {  	_ =	shalt  }
0x7f: {  	_ =	shalt  }
0x80: {  	_ =	shalt  }
0x81: {  	_ =	shalt  }
0x82: {  	_ =	shalt  }
0x83: {  	_ =	shalt  }
0x84: {  	_ =	shalt  }
0x85: {  	_ =	shalt  }
0x86: {  	_ =	shalt  }
0x87: {  	_ =	shalt  }
.Lfunc_end0:
.L_simem_size_0:
called_computation.3_lowered:
.L_overlay_start_0:
0x88: {  	s2 =	sld [smem:$0x3FD9]  }
0x89: {  	s3 =	sld [smem:$0x3FFE];
	_ =	sdelay $0x1  }
0x8a: {  	s1 =	srdreg.scid  }
0x8b: {  	s0 =	sand.u32 $0x1, s1  }
0x8c: {  	s17 =	sshll.u32 s0, $0xA;
	s2 =	sadd.s32 s3, s2  }
0x8d: {  	s2 =	sadd.s32 s2, s17  }
0x8e: {  	[smem:$0x3FA0] =	sst s2  }
0x8f: {  	_ = 	snop  }
0x90: {  	s2 =	sld [smem:$0x3FD0];
	(tm) =	ssettm $0x1  }
0x91: {  	s18 =	sld [smem:$0x3FFB];
	_ =	sdelay $0x3  }
0x92: {  	_ =	strace s18  }
0x93: {  	s3 =	sld [smem:$0x3FFC];
	_ =	sdelay $0x3  }
0x94: {  	_ =	strace s3  }
0x95: {  	s3 =	sld [smem:$0x3FFD];
	_ =	sdelay $0x3  }
0x96: {  	_ =	strace s3  }
0x97: {  	_ =	strace $0x8FFFFFFF  }
0x98: {  	s19 =	sld [smem:$0x3FDB];
	_ =	sdelay $0x1  }
0x99: {  	s4 =	simm.s32 $_scs_section_size  }
0x9a: {  	s5 =	simm.s32 $_size__tile_overlayer_lowered;
	s6 =	simm.s32 $_tile_overlayer_lowered  }
0x9b: {  	s22 =	simm.s32 $0x1BFF;
	s21 =	sshll.u32 s6, $0x1;
	s3 =	sadd.s32 s4, s19  }
0x9c: {  	s7 =	simm.s32 $0x0;
	s20 =	sshll.u32 s5, $0x1;
	s5 =	sadd.s32 s21, s3  }
0x9d: {  	[timem:s7], [sflag:s22] =	dma.local [hbm:s5], s20  }
0x9e: {  	_ =	swait.ge [sflag:s22], s20  }
0x9f: {  	s4 =	ssub.s32 $0x0, s20;
	[sflag:s22] =	ssyncset.done $0x0  }
0xa0: {  	[sflag:s22] =	ssyncadd.s32 s4;
	_ =	sdelay $0x1  }
0xa1: {  	s23 =	simm.s32 $0x1B8B  }
0xa2: {  	_ =	swait.ge [sflag:s23], $0x1  }
0xa3: {  	[sflag:s23] =	ssyncset.done $0x0  }
0xa4: {  	s25 =	simm.s32 $0x1B8E;
	s24 =	sld [smem:$0x3FFE];
	[sflag:s23] =	ssyncadd.s32 $0xFFFFFFFF  }
0xa5: {  	s26 =	simm.s32 $execute0_lowered;
	[smem:$0x3FD2] =	sst s25  }
0xa6: {  	s5 =	sshll.u32 s26, $0x1;
	_ =	strace $0x8000004F;
	[dreg:$0x1] =	wrdreg $0xFFFFFFFF  }
0xa7: {  	s28 =	simm.s32 $_size_execute0_lowered;
	s3 =	sadd.s32 s3, s5;
	[dreg:$0x0] =	wrdreg $0x0  }
0xa8: {  	s5 =	sshll.u32 s28, $0x1;
	[dreg:$0x2] =	wrdreg s3  }
0xa9: {  	[dreg:$0x3] =	wrdreg s5  }
0xaa: {  	[dreg:$0x4] =	wrdreg $0xC0  }
0xab: {  	_ =	task [dreg:s7], $0x5FFFF  }
0xac: {  	[dreg:$0x1] =	wrdreg $0xFFFFFFFF  }
0xad: {  	[dreg:$0x0] =	wrdreg $0x60  }
0xae: {  	[dreg:$0x2] =	wrdreg s2  }
0xaf: {  	[dreg:$0x3] =	wrdreg s24  }
0xb0: {  	[dreg:$0x4] =	wrdreg $0x140000  }
0xb1: {  	[dreg:$0x5] =	wrdreg $0x9  }
0xb2: {  	_ =	task.clear_ibuf [dreg:s7], $0x6FFFF;
	_ =	strace $0x9000004F  }
0xb3: {  	s29 =	simm.s32 $0x9;
	_ =	strace $0x80000051  }
0xb4: {  	_ =	swait.ge [sflag:s29], $0x1  }
0xb5: {  	[sflag:s29] =	ssyncadd.s32 $0xFFFFFFFF  }
0xb6: {  	_ =	strace $0x90000051  }
0xb7: {  	_ =	sfence  }
0xb8: {  	s30 =	sld [smem:$0x0];
	_ =	sdelay $0x2  }
0xb9: {  	s31 =	sshll.u32 s1, $0xD;
	s1 =	sshrl.u32 s1, $0x2  }
0xba: {  	s3 =	sand.u32 $0x4000, s31;
	s1 =	sadd.s32 s1, s30  }
0xbb: {  	s0 =	sor.u32 s3, s0;
	s1 =	sshll.u32 s1, $0x11  }
0xbc: {  	s0 =	sor.u32 s1, s0  }
0xbd: {  	s0 =	sadd.s32 $0x8F2B, s0  }
0xbe: {  	[sflag:s0] =	ssyncadd.remote.s32 $0x1  }
0xbf: {  	_ =	sfence.sel $0xFFFF  }
0xc0: {  	[dreg:$0x0] =	wrdreg $0xFFFFFFFF;
	(pc) =	sbr.abs _section_cstart, $3  }
0xc1: {  	[dreg:$0x1] =	wrdreg $0xFFFFFFFF  }
0xc2: {  	_ =	task.clear_ibuf [dreg:s7], $0x2FFFF;
	_ =	strace $0x9FFFFFFF  }
0xc3: {  	(tm) =	ssettm $0x7FFFFFFF  }
tec
execute0_lowered:
.L_overlay_start_1:
0x0: {  	(tag) =	ssettag $0x1  }
0x1: {  	s1 =	rddreg [dreg:$0x0]  }
0x2: {  	s0 =	srdreg.scid;
	s2 =	rddreg [dreg:$0x1]  }
0x3: {  	s8 =	stileid.u32;
	s3 =	rddreg [dreg:$0x2]  }
0x4: {  	s5 =	simm.s32 $0x0;
	s17 =	simm.s32 $0xB;
	s19 =	simm.s32 $0xA000  }
0x5: {  	s29 =	simm.s32 $0x12000;
	s30 =	simm.s32 $0x2;
	s6 =	smul.u32 $0x5000, s8  }
0x6: {  	s10 =	simm.s32 $0x4;
	s12 =	simm.s32 $0x8;
	s9 =	smul.u32 $0xA000, s8  }
0x7: {  	s31 =	simm.s32 $0x9;
	s0 =	sand.u32 $0x1, s0;
	s8 =	smul.u32 $0x28000, s8  }
0x8: {  	[smem:$0x7FF] =	sst s5;
	s5 =	sadd.s32 $0xA4000, s2;
	s4 =	smul.u32 $0x50000, s0  }
0x9: {  	s7 =	smul.u32 $0x140000, s0;
	_ =	strace $0x80000050;
	s0 =	ssub.s32 $0x2, s0  }
0xa: {  	s21 =	sshrl.u32 s0, $0x1;
	s23 =	sshrl.u32 s8, $0x2;
	s25 =	sadd.s32 s9, s3  }
0xb: {  	s4 =	sadd.s32 s6, s4;
	s20 =	sadd.s32 s9, s7;
	s0 =	ssub.s32 s0, s21  }
0xc: {  	s8 =	sadd.s32 s23, s3;
	[dreg:$0x7] =	wrdreg s25;
	s21 =	simm.s32 $0xC000  }
0xd: {  	s23 =	simm.s32 $0xE000;
	s25 =	simm.s32 $0x10000;
	s7 =	simm.s32 $0x7  }
0xe: {  	s9 =	simm.s32 $0x0;
	s4 =	sshrl.u32 s4, $0x3;
	s6 =	sshrl.u32 s20, $0x3  }
0xf: {  	s0 =	smax.u32 s0, $0x1;
	s14 =	sadd.s32 $0x2000, s8;
	s15 =	sadd.s32 $0x4000, s8  }
0x10: {  	s26 =	sadd.s32 $0x6000, s8;
	s28 =	sadd.s32 $0x8000, s8;
	[dreg:$0x9] =	wrdreg s0  }
0x11: {  	s20 =	simm.s32 $0x80;
	s4 =	sadd.s32 s4, s2;
	[dreg:$0xa] =	wrdreg s26  }
.Ltmp0:
0x12: {  	[dreg:$0xb] =	wrdreg s28;
	s22 =	sadd.s32 $0xF2E00, s4;
	(pc) =	sbr.rel .LBB2_1-.Ltmp0, $4  }
0x13: {  	s2 =	sadd.s32 s6, s2;
	s4 =	sadd.s32 $0xDEE00, s4;
	[dreg:$0x4] =	wrdreg s22  }
0x14: {  	s26 =	simm.s32 $0x1;
	s24 =	sadd.s32 $0x156E00, s2;
	[dreg:$0x5] =	wrdreg s4  }
0x15: {  	s6 =	simm.s32 $0xA;
	s2 =	sadd.s32 $0x16AE00, s2;
	[dreg:$0x6] =	wrdreg s24  }
0x16: {  	v0 =	vimm.f32 $0.0e+00;
	[dreg:$0x8] =	wrdreg s2;
	s2 =	simm.s32 $0x6;
	s24 =	simm.s32 $0x5  }
.LBB2_11:
0x17: {  	_ =	swait.ge [sflag:s24], $0x2000  }
0x18: {  	[sflag:s24] =	ssyncset.done $0x0  }
0x19: {  	[sflag:s24] =	ssyncadd.s32 $0xFFFFE000  }
0x1a: {  	[spmem:s3] =	stream.indirect.scatter.add.f32 [tilespmem:s29], [sflag:$0xA], $0x40, s18, s20, $0xb8;
	[tilespmem:$0x1E000] =	vst v63  }
0x1b: {  	_ =	swait.ge [sflag:s31], $0x2000  }
0x1c: {  	[sflag:s31] =	ssyncset.done $0x0  }
0x1d: {  	[sflag:s31] =	ssyncadd.s32 $0xFFFFE000  }
0x1e: {  	_ =	swait.ge [sflag:s6], $0x2000  }
0x1f: {  	[sflag:s6] =	ssyncset.done $0x0  }
0x20: {  	[sflag:s6] =	ssyncadd.s32 $0xFFFFE000  }
0x21: {  	[bflag:$0x0] =	sbarrier.arrive $0xFFFF  }
0x22: {  	s0 =	rddreg [dreg:$0x8]  }
0x23: {  	[hbm:s0], [sflag:s11] =	dma.local [spmem:s22], $0x1400  }
0x24: {  	_ =	swait.ge [sflag:s17], $0x1400  }
0x25: {  	s9 =	sadd.s32 $0x1, s9;
	s28 =	rddreg [dreg:$0x9]  }
0x26: {  	p0 =	sne.s32 s9, s28  }
.Ltmp1:
0x27: {  	_ = 	snop;
	(pc) =	sbr.rel @!p0 .LBB2_12-.Ltmp1, $3  }
0x28: {  	_ =	sdelay $0x1  }
0x29: {  	s14 =	smov.u32 s16;
	[sflag:s17] =	ssyncset.done $0x0  }
0x2a: {  	s15 =	smov.u32 s8;
	s8 =	smov.u32 s4;
	[sflag:s17] =	ssyncadd.s32 $0xFFFFEC00  }
.LBB2_1:
0x2b: {  	s0 =	simm.s32 $0x0;
	s11 =	rddreg [dreg:$0x4]  }
0x2c: {  	[tilespmem:s0], [sflag:$0xB] =	stream.linear.gather [hbm4b:s11+s0], $0x5000, $0x38;
	[tilespmem:$0x1E000] =	vst v63  }
0x2d: {  	_ =	swait.ge [sflag:s17], $0x5000  }
0x2e: {  	[sflag:s17] =	ssyncset.done $0x0  }
0x2f: {  	s4 =	simm.s32 $0x5000;
	s28 =	rddreg [dreg:$0x5];
	[sflag:s17] =	ssyncadd.s32 $0xFFFFB000  }
0x30: {  	[tilespmem:s4], [sflag:$0xB] =	stream.linear.gather [hbm4b:s28+s0], $0x5000, $0x38;
	[tilespmem:$0x1E000] =	vst v63  }
0x31: {  	_ =	swait.ge [sflag:s17], $0x5000  }
0x32: {  	[sflag:s17] =	ssyncset.done $0x0  }
0x33: {  	s11 =	simm.s32 $0x100;
	s0 =	simm.s32 $0x0;
	[sflag:s17] =	ssyncadd.s32 $0xFFFFB000  }
.LBB2_2:
0x34: {  	p0 =	sne.s32 s11, $0x7F00;
	[tilespmem:s0+$0xA030] =	vst v0;
	s18 =	smov.u32 s11;
	s11 =	sadd.s32 $0x100, s11  }
.Ltmp2:
0x35: {  	[tilespmem:s0+$0xA020] =	vst v0;
	(pc) =	sbr.rel @p0 .LBB2_2-.Ltmp2, $3  }
0x36: {  	[tilespmem:s0+$0xA000] =	vst v0  }
0x37: {  	[tilespmem:s0+$0xA010] =	vst v0;
	_ =	sdelay $0x1  }
0x38: {  	s0 =	sshra.s32 s18, $0x2  }
0x39: {  	[tilespmem:s0+$0xA030] =	vst v0  }
0x3a: {  	[tilespmem:s0+$0xA020] =	vst v0  }
0x3b: {  	[tilespmem:s0+$0xA000] =	vst v0  }
0x3c: {  	[tilespmem:s0+$0xA010] =	vst v0  }
0x3d: {  	[spmem:s8] =	stream.linear.scatter [tilespmem:s19], [sflag:$0xB], $0x2000, $0x38;
	[tilespmem:$0x1E000] =	vst v63  }
0x3e: {  	_ =	swait.ge [sflag:s17], $0x2000  }
0x3f: {  	[sflag:s17] =	ssyncset.done $0x0  }
0x40: {  	[sflag:s17] =	ssyncadd.s32 $0xFFFFE000  }
0x41: {  	[spmem:s14] =	stream.linear.scatter [tilespmem:s19], [sflag:$0xB], $0x2000, $0x38;
	[tilespmem:$0x1E000] =	vst v63  }
0x42: {  	_ =	swait.ge [sflag:s17], $0x2000  }
0x43: {  	[sflag:s17] =	ssyncset.done $0x0  }
0x44: {  	[sflag:s17] =	ssyncadd.s32 $0xFFFFE000  }
0x45: {  	[spmem:s15] =	stream.linear.scatter [tilespmem:s19], [sflag:$0xB], $0x2000, $0x38;
	[tilespmem:$0x1E000] =	vst v63  }
0x46: {  	_ =	swait.ge [sflag:s17], $0x2000  }
0x47: {  	[sflag:s17] =	ssyncset.done $0x0  }
0x48: {  	s18 =	rddreg [dreg:$0xa];
	[sflag:s17] =	ssyncadd.s32 $0xFFFFE000  }
0x49: {  	[spmem:s18] =	stream.linear.scatter [tilespmem:s19], [sflag:$0xB], $0x2000, $0x38;
	[tilespmem:$0x1E000] =	vst v63  }
0x4a: {  	_ =	swait.ge [sflag:s17], $0x2000  }
0x4b: {  	[sflag:s17] =	ssyncset.done $0x0  }
0x4c: {  	s22 =	rddreg [dreg:$0xb];
	[sflag:s17] =	ssyncadd.s32 $0xFFFFE000  }
0x4d: {  	[spmem:s22] =	stream.linear.scatter [tilespmem:s19], [sflag:$0xB], $0x2000, $0x38;
	[tilespmem:$0x1E000] =	vst v63  }
0x4e: {  	_ =	swait.ge [sflag:s17], $0x2000  }
0x4f: {  	[sflag:s17] =	ssyncset.done $0x0  }
0x50: {  	s11 =	simm.s32 $0x0;
	[sflag:s17] =	ssyncadd.s32 $0xFFFFE000  }
0x51: {  	[tilespmem:s19], [sflag:$0x1] =	stream.indirect.gather [hbm4b:s1+s20], $0x40, s11, s20, $0xb8;
	[tilespmem:$0x1E000] =	vst v63  }
0x52: {  	_ = 	snop  }
0x53: {  	[tilespmem:s21], [sflag:$0x2] =	stream.indirect.gather [hbm4b:s1+s20], $0x40, s20, s20, $0xb8;
	[tilespmem:$0x1E000] =	vst v63  }
0x54: {  	s28 =	simm.s32 $0x100  }
0x55: {  	[tilespmem:s23], [sflag:$0x3] =	stream.indirect.gather [hbm4b:s1+s20], $0x40, s28, s20, $0xb8;
	[tilespmem:$0x1E000] =	vst v63  }
0x56: {  	s4 =	simm.s32 $0x180  }
0x57: {  	[tilespmem:s25], [sflag:$0x4] =	stream.indirect.gather [hbm4b:s1+s20], $0x40, s4, s20, $0xb8;
	[tilespmem:$0x1E000] =	vst v63  }
0x58: {  	[bflag:$0x0] =	sbarrier.arrive $0xFFFF  }
0x59: {  	_ =	swait.ge [sflag:s26], $0x2000  }
0x5a: {  	[sflag:s26] =	ssyncset.done $0x0  }
0x5b: {  	s13 =	simm.s32 $0x5000;
	[sflag:s26] =	ssyncadd.s32 $0xFFFFE000  }
0x5c: {  	[spmem:s3] =	stream.indirect.scatter.add.f32 [tilespmem:s19], [sflag:$0x6], $0x40, s13, s20, $0xb8;
	[tilespmem:$0x1E000] =	vst v63  }
0x5d: {  	s16 =	simm.s32 $0x200  }
0x5e: {  	[tilespmem:s29], [sflag:$0x5] =	stream.indirect.gather [hbm4b:s1+s20], $0x40, s16, s20, $0xb8;
	[tilespmem:$0x1E000] =	vst v63  }
0x5f: {  	_ =	swait.ge [sflag:s30], $0x2000  }
0x60: {  	[sflag:s30] =	ssyncset.done $0x0  }
0x61: {  	s18 =	simm.s32 $0x5080;
	[sflag:s30] =	ssyncadd.s32 $0xFFFFE000  }
0x62: {  	[spmem:s3] =	stream.indirect.scatter.add.f32 [tilespmem:s21], [sflag:$0x7], $0x40, s18, s20, $0xb8;
	[tilespmem:$0x1E000] =	vst v63  }
0x63: {  	_ =	swait.ge [sflag:s2], $0x2000  }
0x64: {  	[sflag:s2] =	ssyncset.done $0x0  }
0x65: {  	s22 =	simm.s32 $0x280;
	s28 =	simm.s32 $0x3;
	[sflag:s2] =	ssyncadd.s32 $0xFFFFE000  }
0x66: {  	[tilespmem:s19], [sflag:$0x1] =	stream.indirect.gather [hbm4b:s1+s20], $0x40, s22, s20, $0xb8;
	[tilespmem:$0x1E000] =	vst v63  }
0x67: {  	_ =	swait.ge [sflag:s28], $0x2000  }
0x68: {  	[sflag:s28] =	ssyncset.done $0x0  }
0x69: {  	s4 =	simm.s32 $0x5100;
	[sflag:s28] =	ssyncadd.s32 $0xFFFFE000  }
0x6a: {  	[spmem:s3] =	stream.indirect.scatter.add.f32 [tilespmem:s23], [sflag:$0x8], $0x40, s4, s20, $0xb8;
	[tilespmem:$0x1E000] =	vst v63  }
0x6b: {  	_ =	swait.ge [sflag:s7], $0x2000  }
0x6c: {  	[sflag:s7] =	ssyncset.done $0x0  }
0x6d: {  	s13 =	simm.s32 $0x300;
	[sflag:s7] =	ssyncadd.s32 $0xFFFFE000  }
0x6e: {  	[tilespmem:s21], [sflag:$0x2] =	stream.indirect.gather [hbm4b:s1+s20], $0x40, s13, s20, $0xb8;
	[tilespmem:$0x1E000] =	vst v63  }
0x6f: {  	_ =	swait.ge [sflag:s10], $0x2000  }
0x70: {  	[sflag:s10] =	ssyncset.done $0x0  }
0x71: {  	s16 =	simm.s32 $0x5180;
	[sflag:s10] =	ssyncadd.s32 $0xFFFFE000  }
0x72: {  	[spmem:s3] =	stream.indirect.scatter.add.f32 [tilespmem:s25], [sflag:$0x9], $0x40, s16, s20, $0xb8;
	[tilespmem:$0x1E000] =	vst v63  }
0x73: {  	_ =	swait.ge [sflag:s12], $0x2000  }
0x74: {  	[sflag:s12] =	ssyncset.done $0x0  }
0x75: {  	s18 =	simm.s32 $0x380;
	[sflag:s12] =	ssyncadd.s32 $0xFFFFE000  }
0x76: {  	[tilespmem:s23], [sflag:$0x3] =	stream.indirect.gather [hbm4b:s1+s20], $0x40, s18, s20, $0xb8;
	[tilespmem:$0x1E000] =	vst v63  }
0x77: {  	_ =	swait.ge [sflag:s24], $0x2000  }
0x78: {  	[sflag:s24] =	ssyncset.done $0x0  }
0x79: {  	s22 =	simm.s32 $0x5200;
	[sflag:s24] =	ssyncadd.s32 $0xFFFFE000  }
0x7a: {  	[spmem:s3] =	stream.indirect.scatter.add.f32 [tilespmem:s29], [sflag:$0xA], $0x40, s22, s20, $0xb8;
	[tilespmem:$0x1E000] =	vst v63  }
0x7b: {  	_ =	swait.ge [sflag:s31], $0x2000  }
0x7c: {  	[sflag:s31] =	ssyncset.done $0x0  }
0x7d: {  	s28 =	simm.s32 $0x400;
	[sflag:s31] =	ssyncadd.s32 $0xFFFFE000  }
0x7e: {  	[tilespmem:s25], [sflag:$0x4] =	stream.indirect.gather [hbm4b:s1+s20], $0x40, s28, s20, $0xb8;
	[tilespmem:$0x1E000] =	vst v63  }
.LBB2_4:
0x7f: {  	_ =	swait.ge [sflag:s26], $0x2000  }
0x80: {  	s22 =	sshra.s32 s11, $0x2;
	[sflag:s26] =	ssyncset.done $0x0  }
0x81: {  	s0 =	sadd.s32 $0x5280, s22;
	[sflag:s26] =	ssyncadd.s32 $0xFFFFE000  }
0x82: {  	[spmem:s3] =	stream.indirect.scatter.add.f32 [tilespmem:s19], [sflag:$0x6], $0x40, s0, s20, $0xb8;
	[tilespmem:$0x1E000] =	vst v63  }
0x83: {  	_ =	swait.ge [sflag:s6], $0x2000  }
0x84: {  	[sflag:s6] =	ssyncset.done $0x0  }
0x85: {  	s16 =	sadd.s32 $0x480, s22;
	[sflag:s6] =	ssyncadd.s32 $0xFFFFE000  }
0x86: {  	[tilespmem:s29], [sflag:$0x5] =	stream.indirect.gather [hbm4b:s1+s20], $0x40, s16, s20, $0xb8;
	[tilespmem:$0x1E000] =	vst v63  }
0x87: {  	_ =	swait.ge [sflag:s30], $0x2000  }
0x88: {  	[sflag:s30] =	ssyncset.done $0x0  }
0x89: {  	s18 =	sadd.s32 $0x5300, s22;
	[sflag:s30] =	ssyncadd.s32 $0xFFFFE000  }
0x8a: {  	[spmem:s3] =	stream.indirect.scatter.add.f32 [tilespmem:s21], [sflag:$0x7], $0x40, s18, s20, $0xb8;
	[tilespmem:$0x1E000] =	vst v63  }
0x8b: {  	_ =	swait.ge [sflag:s2], $0x2000  }
0x8c: {  	p0 =	seq.s32 s11, $0x12C00;
	[sflag:s2] =	ssyncset.done $0x0  }
0x8d: {  	s0 =	simm.s32 @p0 $0x3;
	[sflag:s2] =	ssyncadd.s32 $0xFFFFE000  }
0x8e: {  	_ =	swait.ge @p0 [sflag:s0], $0x2000  }
0x8f: {  	[sflag:s0] =	ssyncset.done @p0 $0x0  }
0x90: {  	[sflag:s0] =	ssyncadd.s32 @p0 $0xFFFFE000;
	s0 =	sshra.s32 @p0 s11, $0x2  }
0x91: {  	s28 =	simm.s32 @p0 $0xE000;
	s18 =	simm.s32 @p0 $0x80;
	s0 =	sadd.s32 @p0 $0x5380, s0  }
0x92: {  	[spmem:s3] =	stream.indirect.scatter.add.f32 @p0 [tilespmem:s28], [sflag:$0x8], $0x40, s0, s18, $0xb8;
	[tilespmem:$0x1E000] =	vst v63  }
0x93: {  	s0 =	simm.s32 @p0 $0x7  }
0x94: {  	_ =	swait.ge @p0 [sflag:s0], $0x2000  }
0x95: {  	[sflag:s0] =	ssyncset.done @p0 $0x0  }
0x96: {  	[sflag:s0] =	ssyncadd.s32 @p0 $0xFFFFE000;
	s0 =	sshra.s32 @!p0 s11, $0x2  }
0x97: {  	s13 =	simm.s32 @!p0 $0xA000;
	s28 =	simm.s32 @!p0 $0x80;
	s18 =	sadd.s32 @!p0 $0x500, s0  }
0x98: {  	[tilespmem:s13], [sflag:$0x1] =	stream.indirect.gather @!p0 [hbm4b:s1+s28], $0x40, s18, s28, $0xb8;
	[tilespmem:$0x1E000] =	vst v63  }
0x99: {  	s13 =	simm.s32 @!p0 $0x3  }
0x9a: {  	_ =	swait.ge @!p0 [sflag:s13], $0x2000  }
0x9b: {  	[sflag:s13] =	ssyncset.done @!p0 $0x0  }
0x9c: {  	s18 =	simm.s32 @!p0 $0xE000;
	[sflag:s13] =	ssyncadd.s32 @!p0 $0xFFFFE000;
	s13 =	sadd.s32 @!p0 $0x5380, s0  }
0x9d: {  	[spmem:s3] =	stream.indirect.scatter.add.f32 @!p0 [tilespmem:s18], [sflag:$0x8], $0x40, s13, s28, $0xb8;
	[tilespmem:$0x1E000] =	vst v63  }
0x9e: {  	s13 =	simm.s32 @!p0 $0x7  }
0x9f: {  	_ =	swait.ge @!p0 [sflag:s13], $0x2000  }
0xa0: {  	[sflag:s13] =	ssyncset.done @!p0 $0x0  }
0xa1: {  	s0 =	sadd.s32 @!p0 $0x580, s0;
	[sflag:s13] =	ssyncadd.s32 @!p0 $0xFFFFE000;
	s13 =	simm.s32 @!p0 $0xC000  }
0xa2: {  	[tilespmem:s13], [sflag:$0x2] =	stream.indirect.gather @!p0 [hbm4b:s1+s28], $0x40, s0, s28, $0xb8;
	[tilespmem:$0x1E000] =	vst v63  }
0xa3: {  	_ =	swait.ge [sflag:s10], $0x2000  }
0xa4: {  	[sflag:s10] =	ssyncset.done $0x0  }
.Ltmp3:
0xa5: {  	s28 =	sadd.s32 $0x5400, s22;
	[sflag:s10] =	ssyncadd.s32 $0xFFFFE000;
	(pc) =	sbr.rel @p0 .LBB2_6-.Ltmp3, $4  }
0xa6: {  	[spmem:s3] =	stream.indirect.scatter.add.f32 [tilespmem:s25], [sflag:$0x9], $0x40, s28, s20, $0xb8;
	[tilespmem:$0x1E000] =	vst v63  }
0xa7: {  	_ =	swait.ge [sflag:s12], $0x2000  }
0xa8: {  	[sflag:s12] =	ssyncset.done $0x0  }
0xa9: {  	s0 =	sadd.s32 $0x5480, s22;
	[sflag:s12] =	ssyncadd.s32 $0xFFFFE000  }
0xaa: {  	s13 =	sadd.s32 $0x600, s22  }
0xab: {  	[tilespmem:s23], [sflag:$0x3] =	stream.indirect.gather [hbm4b:s1+s20], $0x40, s13, s20, $0xb8;
	[tilespmem:$0x1E000] =	vst v63  }
0xac: {  	_ =	swait.ge [sflag:s24], $0x2000  }
0xad: {  	[sflag:s24] =	ssyncset.done $0x0  }
0xae: {  	[sflag:s24] =	ssyncadd.s32 $0xFFFFE000  }
0xaf: {  	[spmem:s3] =	stream.indirect.scatter.add.f32 [tilespmem:s29], [sflag:$0xA], $0x40, s0, s20, $0xb8;
	[tilespmem:$0x1E000] =	vst v63  }
.Ltmp4:
0xb0: {  	_ = 	snop;
	(pc) =	sbr.rel .LBB2_4-.Ltmp4, $4  }
0xb1: {  	_ =	swait.ge [sflag:s31], $0x2000  }
0xb2: {  	[sflag:s31] =	ssyncset.done $0x0  }
0xb3: {  	s28 =	sadd.s32 $0x680, s22;
	s11 =	sadd.s32 $0xA00, s11;
	[sflag:s31] =	ssyncadd.s32 $0xFFFFE000  }
0xb4: {  	[tilespmem:s25], [sflag:$0x4] =	stream.indirect.gather [hbm4b:s1+s20], $0x40, s28, s20, $0xb8;
	[tilespmem:$0x1E000] =	vst v63  }
.LBB2_6:
0xb5: {  	_ =	swait.ge [sflag:s24], $0x2000  }
0xb6: {  	[sflag:s24] =	ssyncset.done $0x0  }
0xb7: {  	[sflag:s24] =	ssyncadd.s32 $0xFFFFE000  }
0xb8: {  	[spmem:s3] =	stream.indirect.scatter.add.f32 [tilespmem:s29], [sflag:$0xA], $0x40, s0, s20, $0xb8;
	[tilespmem:$0x1E000] =	vst v63  }
0xb9: {  	_ =	swait.ge [sflag:s31], $0x2000  }
0xba: {  	[sflag:s31] =	ssyncset.done $0x0  }
0xbb: {  	[sflag:s31] =	ssyncadd.s32 $0xFFFFE000  }
0xbc: {  	_ =	swait.ge [sflag:s6], $0x2000  }
0xbd: {  	[sflag:s6] =	ssyncset.done $0x0  }
0xbe: {  	[sflag:s6] =	ssyncadd.s32 $0xFFFFE000  }
0xbf: {  	s13 =	stileid.u32;
	[bflag:$0x0] =	sbarrier.arrive $0xFFFF  }
0xc0: {  	s0 =	sshll.u32 s13, $0x6;
	s16 =	rddreg [dreg:$0x7]  }
0xc1: {  	s11 =	sor.u32 $0x1C0B, s0;
	s18 =	rddreg [dreg:$0x6];
	s22 =	sshrl.u32 s16, $0x3  }
0xc2: {  	[hbm:s18], [sflag:s11] =	dma.local [spmem:s22], $0x1400  }
0xc3: {  	_ =	swait.ge [sflag:s17], $0x1400  }
0xc4: {  	[sflag:s17] =	ssyncset.done $0x0  }
0xc5: {  	s28 =	simm.s32 $0x100;
	s0 =	simm.s32 $0x0;
	[sflag:s17] =	ssyncadd.s32 $0xFFFFEC00  }
.LBB2_7:
0xc6: {  	p0 =	sne.s32 s28, $0x7F00;
	[tilespmem:s0+$0xA030] =	vst v0;
	s13 =	smov.u32 s28;
	s28 =	sadd.s32 $0x100, s28  }
.Ltmp5:
0xc7: {  	[tilespmem:s0+$0xA020] =	vst v0;
	(pc) =	sbr.rel @p0 .LBB2_7-.Ltmp5, $3  }
0xc8: {  	[tilespmem:s0+$0xA000] =	vst v0  }
0xc9: {  	[tilespmem:s0+$0xA010] =	vst v0;
	_ =	sdelay $0x1  }
0xca: {  	s0 =	sshra.s32 s13, $0x2  }
0xcb: {  	[tilespmem:s0+$0xA030] =	vst v0  }
0xcc: {  	[tilespmem:s0+$0xA020] =	vst v0  }
0xcd: {  	[tilespmem:s0+$0xA000] =	vst v0  }
0xce: {  	[tilespmem:s0+$0xA010] =	vst v0  }
0xcf: {  	[spmem:s8] =	stream.linear.scatter [tilespmem:s19], [sflag:$0xB], $0x2000, $0x38;
	[tilespmem:$0x1E000] =	vst v63  }
0xd0: {  	_ =	swait.ge [sflag:s17], $0x2000  }
0xd1: {  	[sflag:s17] =	ssyncset.done $0x0  }
0xd2: {  	[sflag:s17] =	ssyncadd.s32 $0xFFFFE000  }
0xd3: {  	[spmem:s14] =	stream.linear.scatter [tilespmem:s19], [sflag:$0xB], $0x2000, $0x38;
	[tilespmem:$0x1E000] =	vst v63  }
0xd4: {  	_ =	swait.ge [sflag:s17], $0x2000  }
0xd5: {  	[sflag:s17] =	ssyncset.done $0x0  }
0xd6: {  	[sflag:s17] =	ssyncadd.s32 $0xFFFFE000  }
0xd7: {  	[spmem:s15] =	stream.linear.scatter [tilespmem:s19], [sflag:$0xB], $0x2000, $0x38;
	[tilespmem:$0x1E000] =	vst v63  }
0xd8: {  	_ =	swait.ge [sflag:s17], $0x2000  }
0xd9: {  	[sflag:s17] =	ssyncset.done $0x0  }
0xda: {  	s16 =	smov.u32 s14;
	s14 =	rddreg [dreg:$0xa];
	[sflag:s17] =	ssyncadd.s32 $0xFFFFE000  }
0xdb: {  	[spmem:s14] =	stream.linear.scatter [tilespmem:s19], [sflag:$0xB], $0x2000, $0x38;
	[tilespmem:$0x1E000] =	vst v63  }
0xdc: {  	_ =	swait.ge [sflag:s17], $0x2000  }
0xdd: {  	s4 =	smov.u32 s8;
	[sflag:s17] =	ssyncset.done $0x0  }
0xde: {  	s8 =	smov.u32 s15;
	s15 =	rddreg [dreg:$0xb];
	[sflag:s17] =	ssyncadd.s32 $0xFFFFE000  }
0xdf: {  	[spmem:s15] =	stream.linear.scatter [tilespmem:s19], [sflag:$0xB], $0x2000, $0x38;
	[tilespmem:$0x1E000] =	vst v63  }
0xe0: {  	_ =	swait.ge [sflag:s17], $0x2000  }
0xe1: {  	[sflag:s17] =	ssyncset.done $0x0  }
0xe2: {  	s28 =	simm.s32 $0x0;
	[sflag:s17] =	ssyncadd.s32 $0xFFFFE000  }
0xe3: {  	[tilespmem:s19], [sflag:$0x1] =	stream.indirect.gather [hbm4b:s5+s20], $0x40, s28, s20, $0xb8;
	[tilespmem:$0x1E000] =	vst v63  }
0xe4: {  	_ = 	snop  }
0xe5: {  	[tilespmem:s21], [sflag:$0x2] =	stream.indirect.gather [hbm4b:s5+s20], $0x40, s20, s20, $0xb8;
	[tilespmem:$0x1E000] =	vst v63  }
0xe6: {  	s18 =	simm.s32 $0x100  }
0xe7: {  	[tilespmem:s23], [sflag:$0x3] =	stream.indirect.gather [hbm4b:s5+s20], $0x40, s18, s20, $0xb8;
	[tilespmem:$0x1E000] =	vst v63  }
0xe8: {  	s13 =	simm.s32 $0x180  }
0xe9: {  	[tilespmem:s25], [sflag:$0x4] =	stream.indirect.gather [hbm4b:s5+s20], $0x40, s13, s20, $0xb8;
	[tilespmem:$0x1E000] =	vst v63  }
0xea: {  	[bflag:$0x0] =	sbarrier.arrive $0xFFFF  }
0xeb: {  	_ =	swait.ge [sflag:s26], $0x2000  }
0xec: {  	[sflag:s26] =	ssyncset.done $0x0  }
0xed: {  	s14 =	simm.s32 $0x5000;
	[sflag:s26] =	ssyncadd.s32 $0xFFFFE000  }
0xee: {  	[spmem:s3] =	stream.indirect.scatter.add.f32 [tilespmem:s19], [sflag:$0x6], $0x40, s14, s20, $0xb8;
	[tilespmem:$0x1E000] =	vst v63  }
0xef: {  	s15 =	simm.s32 $0x200  }
0xf0: {  	[tilespmem:s29], [sflag:$0x5] =	stream.indirect.gather [hbm4b:s5+s20], $0x40, s15, s20, $0xb8;
	[tilespmem:$0x1E000] =	vst v63  }
0xf1: {  	_ =	swait.ge [sflag:s30], $0x2000  }
0xf2: {  	[sflag:s30] =	ssyncset.done $0x0  }
0xf3: {  	s18 =	simm.s32 $0x5080;
	[sflag:s30] =	ssyncadd.s32 $0xFFFFE000  }
0xf4: {  	[spmem:s3] =	stream.indirect.scatter.add.f32 [tilespmem:s21], [sflag:$0x7], $0x40, s18, s20, $0xb8;
	[tilespmem:$0x1E000] =	vst v63  }
0xf5: {  	_ =	swait.ge [sflag:s2], $0x2000  }
0xf6: {  	[sflag:s2] =	ssyncset.done $0x0  }
0xf7: {  	s13 =	simm.s32 $0x280;
	s14 =	simm.s32 $0x3;
	[sflag:s2] =	ssyncadd.s32 $0xFFFFE000  }
0xf8: {  	[tilespmem:s19], [sflag:$0x1] =	stream.indirect.gather [hbm4b:s5+s20], $0x40, s13, s20, $0xb8;
	[tilespmem:$0x1E000] =	vst v63  }
0xf9: {  	_ =	swait.ge [sflag:s14], $0x2000  }
0xfa: {  	[sflag:s14] =	ssyncset.done $0x0  }
0xfb: {  	s15 =	simm.s32 $0x5100;
	[sflag:s14] =	ssyncadd.s32 $0xFFFFE000  }
0xfc: {  	[spmem:s3] =	stream.indirect.scatter.add.f32 [tilespmem:s23], [sflag:$0x8], $0x40, s15, s20, $0xb8;
	[tilespmem:$0x1E000] =	vst v63  }
0xfd: {  	_ =	swait.ge [sflag:s7], $0x2000  }
0xfe: {  	[sflag:s7] =	ssyncset.done $0x0  }
0xff: {  	s18 =	simm.s32 $0x300;
	[sflag:s7] =	ssyncadd.s32 $0xFFFFE000  }
0x100: {  	[tilespmem:s21], [sflag:$0x2] =	stream.indirect.gather [hbm4b:s5+s20], $0x40, s18, s20, $0xb8;
	[tilespmem:$0x1E000] =	vst v63  }
0x101: {  	_ =	swait.ge [sflag:s10], $0x2000  }
0x102: {  	[sflag:s10] =	ssyncset.done $0x0  }
0x103: {  	s13 =	simm.s32 $0x5180;
	[sflag:s10] =	ssyncadd.s32 $0xFFFFE000  }
0x104: {  	[spmem:s3] =	stream.indirect.scatter.add.f32 [tilespmem:s25], [sflag:$0x9], $0x40, s13, s20, $0xb8;
	[tilespmem:$0x1E000] =	vst v63  }
0x105: {  	_ =	swait.ge [sflag:s12], $0x2000  }
0x106: {  	[sflag:s12] =	ssyncset.done $0x0  }
0x107: {  	s14 =	simm.s32 $0x380;
	[sflag:s12] =	ssyncadd.s32 $0xFFFFE000  }
0x108: {  	[tilespmem:s23], [sflag:$0x3] =	stream.indirect.gather [hbm4b:s5+s20], $0x40, s14, s20, $0xb8;
	[tilespmem:$0x1E000] =	vst v63  }
0x109: {  	_ =	swait.ge [sflag:s24], $0x2000  }
0x10a: {  	[sflag:s24] =	ssyncset.done $0x0  }
0x10b: {  	s15 =	simm.s32 $0x5200;
	[sflag:s24] =	ssyncadd.s32 $0xFFFFE000  }
0x10c: {  	[spmem:s3] =	stream.indirect.scatter.add.f32 [tilespmem:s29], [sflag:$0xA], $0x40, s15, s20, $0xb8;
	[tilespmem:$0x1E000] =	vst v63  }
0x10d: {  	_ =	swait.ge [sflag:s31], $0x2000  }
0x10e: {  	[sflag:s31] =	ssyncset.done $0x0  }
0x10f: {  	s18 =	simm.s32 $0x400;
	[sflag:s31] =	ssyncadd.s32 $0xFFFFE000  }
0x110: {  	[tilespmem:s25], [sflag:$0x4] =	stream.indirect.gather [hbm4b:s5+s20], $0x40, s18, s20, $0xb8;
	[tilespmem:$0x1E000] =	vst v63  }
.LBB2_9:
0x111: {  	_ =	swait.ge [sflag:s26], $0x2000  }
0x112: {  	s0 =	sshra.s32 s28, $0x2;
	[sflag:s26] =	ssyncset.done $0x0  }
0x113: {  	s13 =	sadd.s32 $0x5280, s0;
	[sflag:s26] =	ssyncadd.s32 $0xFFFFE000  }
0x114: {  	[spmem:s3] =	stream.indirect.scatter.add.f32 [tilespmem:s19], [sflag:$0x6], $0x40, s13, s20, $0xb8;
	[tilespmem:$0x1E000] =	vst v63  }
0x115: {  	_ =	swait.ge [sflag:s6], $0x2000  }
0x116: {  	[sflag:s6] =	ssyncset.done $0x0  }
0x117: {  	s14 =	sadd.s32 $0x480, s0;
	[sflag:s6] =	ssyncadd.s32 $0xFFFFE000  }
0x118: {  	[tilespmem:s29], [sflag:$0x5] =	stream.indirect.gather [hbm4b:s5+s20], $0x40, s14, s20, $0xb8;
	[tilespmem:$0x1E000] =	vst v63  }
0x119: {  	_ =	swait.ge [sflag:s30], $0x2000  }
0x11a: {  	[sflag:s30] =	ssyncset.done $0x0  }
0x11b: {  	s15 =	sadd.s32 $0x5300, s0;
	[sflag:s30] =	ssyncadd.s32 $0xFFFFE000  }
0x11c: {  	[spmem:s3] =	stream.indirect.scatter.add.f32 [tilespmem:s21], [sflag:$0x7], $0x40, s15, s20, $0xb8;
	[tilespmem:$0x1E000] =	vst v63  }
0x11d: {  	_ =	swait.ge [sflag:s2], $0x2000  }
0x11e: {  	p0 =	seq.s32 s28, $0x12C00;
	[sflag:s2] =	ssyncset.done $0x0  }
0x11f: {  	s13 =	simm.s32 @p0 $0x3;
	[sflag:s2] =	ssyncadd.s32 $0xFFFFE000  }
0x120: {  	_ =	swait.ge @p0 [sflag:s13], $0x2000  }
0x121: {  	[sflag:s13] =	ssyncset.done @p0 $0x0  }
0x122: {  	[sflag:s13] =	ssyncadd.s32 @p0 $0xFFFFE000;
	s13 =	sshra.s32 @p0 s28, $0x2  }
0x123: {  	s18 =	simm.s32 @p0 $0x80;
	s14 =	simm.s32 @p0 $0xE000;
	s13 =	sadd.s32 @p0 $0x5380, s13  }
0x124: {  	[spmem:s3] =	stream.indirect.scatter.add.f32 @p0 [tilespmem:s14], [sflag:$0x8], $0x40, s13, s18, $0xb8;
	[tilespmem:$0x1E000] =	vst v63  }
0x125: {  	s13 =	simm.s32 @p0 $0x7  }
0x126: {  	_ =	swait.ge @p0 [sflag:s13], $0x2000  }
0x127: {  	[sflag:s13] =	ssyncset.done @p0 $0x0  }
0x128: {  	[sflag:s13] =	ssyncadd.s32 @p0 $0xFFFFE000;
	s13 =	sshra.s32 @!p0 s28, $0x2  }
0x129: {  	s15 =	simm.s32 @!p0 $0xA000;
	s18 =	simm.s32 @!p0 $0x80;
	s14 =	sadd.s32 @!p0 $0x500, s13  }
0x12a: {  	[tilespmem:s15], [sflag:$0x1] =	stream.indirect.gather @!p0 [hbm4b:s5+s18], $0x40, s14, s18, $0xb8;
	[tilespmem:$0x1E000] =	vst v63  }
0x12b: {  	s14 =	simm.s32 @!p0 $0x3  }
0x12c: {  	_ =	swait.ge @!p0 [sflag:s14], $0x2000  }
0x12d: {  	[sflag:s14] =	ssyncset.done @!p0 $0x0  }
0x12e: {  	s15 =	simm.s32 @!p0 $0xE000;
	[sflag:s14] =	ssyncadd.s32 @!p0 $0xFFFFE000;
	s14 =	sadd.s32 @!p0 $0x5380, s13  }
0x12f: {  	[spmem:s3] =	stream.indirect.scatter.add.f32 @!p0 [tilespmem:s15], [sflag:$0x8], $0x40, s14, s18, $0xb8;
	[tilespmem:$0x1E000] =	vst v63  }
0x130: {  	s14 =	simm.s32 @!p0 $0x7  }
0x131: {  	_ =	swait.ge @!p0 [sflag:s14], $0x2000  }
0x132: {  	[sflag:s14] =	ssyncset.done @!p0 $0x0  }
0x133: {  	s13 =	sadd.s32 @!p0 $0x580, s13;
	[sflag:s14] =	ssyncadd.s32 @!p0 $0xFFFFE000;
	s14 =	simm.s32 @!p0 $0xC000  }
0x134: {  	[tilespmem:s14], [sflag:$0x2] =	stream.indirect.gather @!p0 [hbm4b:s5+s18], $0x40, s13, s18, $0xb8;
	[tilespmem:$0x1E000] =	vst v63  }
0x135: {  	_ =	swait.ge [sflag:s10], $0x2000  }
0x136: {  	[sflag:s10] =	ssyncset.done $0x0  }
.Ltmp6:
0x137: {  	s18 =	sadd.s32 $0x5400, s0;
	[sflag:s10] =	ssyncadd.s32 $0xFFFFE000;
	(pc) =	sbr.rel @p0 .LBB2_11-.Ltmp6, $4  }
0x138: {  	[spmem:s3] =	stream.indirect.scatter.add.f32 [tilespmem:s25], [sflag:$0x9], $0x40, s18, s20, $0xb8;
	[tilespmem:$0x1E000] =	vst v63  }
0x139: {  	_ =	swait.ge [sflag:s12], $0x2000  }
0x13a: {  	[sflag:s12] =	ssyncset.done $0x0  }
0x13b: {  	s18 =	sadd.s32 $0x5480, s0;
	[sflag:s12] =	ssyncadd.s32 $0xFFFFE000  }
0x13c: {  	s13 =	sadd.s32 $0x600, s0  }
0x13d: {  	[tilespmem:s23], [sflag:$0x3] =	stream.indirect.gather [hbm4b:s5+s20], $0x40, s13, s20, $0xb8;
	[tilespmem:$0x1E000] =	vst v63  }
0x13e: {  	_ =	swait.ge [sflag:s24], $0x2000  }
0x13f: {  	[sflag:s24] =	ssyncset.done $0x0  }
0x140: {  	[sflag:s24] =	ssyncadd.s32 $0xFFFFE000  }
0x141: {  	[spmem:s3] =	stream.indirect.scatter.add.f32 [tilespmem:s29], [sflag:$0xA], $0x40, s18, s20, $0xb8;
	[tilespmem:$0x1E000] =	vst v63  }
.Ltmp7:
0x142: {  	_ = 	snop;
	(pc) =	sbr.rel .LBB2_9-.Ltmp7, $4  }
0x143: {  	_ =	swait.ge [sflag:s31], $0x2000  }
0x144: {  	[sflag:s31] =	ssyncset.done $0x0  }
0x145: {  	s28 =	sadd.s32 $0xA00, s28;
	s18 =	sadd.s32 $0x680, s0;
	[sflag:s31] =	ssyncadd.s32 $0xFFFFE000  }
0x146: {  	[tilespmem:s25], [sflag:$0x4] =	stream.indirect.gather [hbm4b:s5+s20], $0x40, s18, s20, $0xb8;
	[tilespmem:$0x1E000] =	vst v63  }
.LBB2_12:
0x147: {  	_ =	sfence.sel $0x180000  }
0x148: {  	[bflag:$0x0] =	sbarrier.arrive $0xFFFF  }
0x149: {  	_ =	strace $0x90000050  }
0x14a: {  	s0 =	stileid.u32;
	[bflag:$0x2] =	sbarrier.arrive $0xFFFF  }
0x14b: {  	p0 =	sne.s32 s0, $0x0;
	s0 =	rddreg [dreg:$0x3]  }
0x14c: {  	s0 =	sadd.s32 @!p0 $0x100000, s0  }
0x14d: {  	[sflag:s0] =	ssyncadd.tile.s32 @!p0 $0x1;
	_ =	shalt  }
.Lfunc_end2:
_tile_overlayer_lowered:
.L_overlay_start_2:
0x14e: {  	(tag) =	ssettag $0x2  }
0x14f: {  	s0 =	rddreg [dreg:$0x0];
	s2 =	stileid.u32  }
0x150: {  	s1 =	rddreg [dreg:$0x1];
	p0 =	sne.s32 s2, $0x0  }
0x151: {  	s3 =	rddreg [dreg:$0x2];
	[bflag:$0x3] =	sbarrier.arrive $0xFFFF;
	s2 =	simm.s32 @!p0 $0x1C0B  }
0x152: {  	[timem:s3], [sflag:s2] =	dma.local @!p0 [hbm:s0], s1  }
0x153: {  	s0 =	simm.s32 @!p0 $0xB  }
0x154: {  	_ =	swait.ge @!p0 [sflag:s0], s1  }
0x155: {  	s1 =	ssub.s32 @!p0 $0x0, s1;
	[sflag:s0] =	ssyncset.done @!p0 $0x0  }
0x156: {  	[sflag:s0] =	ssyncadd.s32 @!p0 s1  }
0x157: {  	[bflag:$0x3] =	sbarrier.arrive $0xFFFF  }
0x158: {  	_ =	shalt  }

// kernel: kernel.9.cloned.1.call-start
scs
__scs_entry_jumppad:
0x0: {  	(pc) =	sbr.rel $0x88, $3  }
0x1: {  	(tag) =	ssettag $0x0;
	lr =	simm.s32 $0x1  }
0x2: {  	[smem:$0x3F79] =	sst lr;
	_ =	strace $0xD0000000  }
0x3: {  	_ = 	snop  }
0x4: {  	_ = 	snop  }
0x5: {  	_ = 	snop  }
0x6: {  	_ = 	snop  }
0x7: {  	_ = 	snop  }
__scs_overlays_trampoline_lowered:
0x8: {  	[smem:$0x3F88] =	sst s0  }
0x9: {  	[smem:$0x3F89] =	sst s1  }
0xa: {  	[smem:$0x3F8A] =	sst s2  }
0xb: {  	[smem:$0x3F8B] =	sst s3  }
0xc: {  	[smem:$0x3F8C] =	sst s4  }
0xd: {  	[smem:$0x3F8D] =	sst s5  }
0xe: {  	[smem:$0x3F8E] =	sst s6  }
0xf: {  	[smem:$0x3F8F] =	sst s7  }
0x10: {  	[smem:$0x3F90] =	sst s8  }
0x11: {  	[smem:$0x3F91] =	sst s9;
	s0 =	simm.s32 @!p0 $0x0  }
0x12: {  	s1 =	sld [smem:$0x3F77];
	s0 =	simm.s32 @p0 $0x1  }
0x13: {  	[smem:$0x3F92] =	sst s0;
	s0 =	simm.s32 @!p1 $0x0  }
0x14: {  	s2 =	sld [smem:$0x3F76];
	s0 =	simm.s32 @p1 $0x1  }
0x15: {  	[smem:$0x3F93] =	sst s0;
	s0 =	simm.s32 @!p2 $0x0  }
0x16: {  	s3 =	sld [smem:$0x3FDB];
	s0 =	simm.s32 @p2 $0x1  }
0x17: {  	s4 =	simm.s32 $0x1BF5;
	[smem:$0x3F95] =	sst s0  }
0x18: {  	s0 =	sld [smem:$0x3F78];
	_ =	swait.ge [sflag:s4], $0x0  }
0x19: {  	s7 =	sld [smem:$0x3F79]  }
0x1a: {  	s8 =	sadd.s32 $0xFFFFE003, lr  }
0x1b: {  	s9 =	sadd.s32 $0xFFFFFEF7, lr;
	s5 =	simm.s32 $0xFFFFFFFF;
	p2 =	slt.u32 s8, $0xFFFFF086  }
0x1c: {  	p1 =	slt.u32 s9, $0xF7A;
	s5 =	simm.s32 @!p2 $0x0  }
0x1d: {  	s5 =	simm.s32 @p1 $0x1;
	p0 =	seq.s32 s7, s2  }
0x1e: {  	s7 =	smul.u32 @!p0 $0xF7A, s2;
	p2 =	seq.s32 @!p0 s5, $0x0  }
0x1f: {  	s9 =	smul.u32 $0xF7A, s1;
	s8 =	simm.s32 @!p0 $0x1BF5;
	p2 =	por !p2, p0  }
0x20: {  	[sflag:s8] =	ssyncset.s32 @!p0 $0xFFFFF086;
	s6 =	sadd.s32 @!p0 s3, s7;
	s7 =	simm.s32 @!p0 $0x108  }
0x21: {  	s3 =	sadd.s32 s3, s9;
	s6 =	sadd.s32 @!p0 $0x88, s6;
	s7 =	simm.s32 @p2 $0x1082  }
0x22: {  	[simem:s7], [sflag:s8] =	dma.local @!p0 [hbm:s6], $0xF7A  }
0x23: {  	s9 =	sor.u32 $0xD0000000, s2;
	s6 =	simm.s32 $0x108;
	_ =	swait.ge @!p0 [sflag:s8], $0x0  }
0x24: {  	s3 =	sadd.s32 $0x88, s3;
	s6 =	simm.s32 @!p1 $0x1082;
	[sflag:s4] =	ssyncset.s32 $0xFFFFF086  }
0x25: {  	[simem:s6], [sflag:s4] =	dma.local [hbm:s3], $0xF7A  }
0x26: {  	[smem:$0x3F79] =	sst s1;
	(tag) =	ssettag s2;
	_ =	strace s9  }
0x27: {  	s1 =	sld [smem:$0x3F89]  }
0x28: {  	s2 =	sld [smem:$0x3F8A]  }
0x29: {  	s4 =	sld [smem:$0x3F8C]  }
0x2a: {  	p0 =	seq.s32 s5, $0x0;
	s5 =	sld [smem:$0x3F8D]  }
0x2b: {  	s6 =	sld [smem:$0x3F8E]  }
0x2c: {  	s7 =	sld [smem:$0x3F8F]  }
0x2d: {  	s3 =	simm.s32 $0x108;
	s8 =	sld [smem:$0x3F90]  }
0x2e: {  	s3 =	simm.s32 @!p0 $0x1082;
	s9 =	sld [smem:$0x3F91]  }
0x2f: {  	lr =	sadd.s32 s0, s3;
	s0 =	sld [smem:$0x3F88]  }
0x30: {  	s3 =	sld [smem:$0x3F8B]  }
0x31: {  	[smem:$0x3F94] =	sst s10  }
0x32: {  	s10 =	sld [smem:$0x3F92];
	_ =	sdelay $0x3  }
0x33: {  	p0 =	seq.s32 s10, $0x1;
	s10 =	sld [smem:$0x3F94];
	_ =	sdelay $0x3  }
0x34: {  	[smem:$0x3F94] =	sst s10  }
0x35: {  	s10 =	sld [smem:$0x3F93];
	_ =	sdelay $0x3  }
0x36: {  	p1 =	seq.s32 s10, $0x1;
	s10 =	sld [smem:$0x3F94];
	_ =	sdelay $0x3  }
0x37: {  	[smem:$0x3F94] =	sst s10  }
0x38: {  	s10 =	sld [smem:$0x3F95]  }
0x39: {  	_ = 	snop;
	(pc) =	sbr.ind lr, $3  }
0x3a: {  	_ = 	snop  }
0x3b: {  	_ = 	snop  }
0x3c: {  	p2 =	seq.s32 s10, $0x1;
	s10 =	sld [smem:$0x3F94]  }
0x3d: {  	_ =	shalt  }
0x3e: {  	_ =	shalt  }
0x3f: {  	_ =	shalt  }
0x40: {  	_ =	shalt  }
0x41: {  	_ =	shalt  }
0x42: {  	_ =	shalt  }
0x43: {  	_ =	shalt  }
0x44: {  	_ =	shalt  }
0x45: {  	_ =	shalt  }
0x46: {  	_ =	shalt  }
0x47: {  	_ =	shalt  }
0x48: {  	_ =	shalt  }
0x49: {  	_ =	shalt  }
0x4a: {  	_ =	shalt  }
0x4b: {  	_ =	shalt  }
0x4c: {  	_ =	shalt  }
0x4d: {  	_ =	shalt  }
0x4e: {  	_ =	shalt  }
0x4f: {  	_ =	shalt  }
0x50: {  	_ =	shalt  }
0x51: {  	_ =	shalt  }
0x52: {  	_ =	shalt  }
0x53: {  	_ =	shalt  }
0x54: {  	_ =	shalt  }
0x55: {  	_ =	shalt  }
0x56: {  	_ =	shalt  }
0x57: {  	_ =	shalt  }
0x58: {  	_ =	shalt  }
0x59: {  	_ =	shalt  }
0x5a: {  	_ =	shalt  }
0x5b: {  	_ =	shalt  }
0x5c: {  	_ =	shalt  }
0x5d: {  	_ =	shalt  }
0x5e: {  	_ =	shalt  }
0x5f: {  	_ =	shalt  }
0x60: {  	_ =	shalt  }
0x61: {  	_ =	shalt  }
0x62: {  	_ =	shalt  }
0x63: {  	_ =	shalt  }
0x64: {  	_ =	shalt  }
0x65: {  	_ =	shalt  }
0x66: {  	_ =	shalt  }
0x67: {  	_ =	shalt  }
0x68: {  	_ =	shalt  }
0x69: {  	_ =	shalt  }
0x6a: {  	_ =	shalt  }
0x6b: {  	_ =	shalt  }
0x6c: {  	_ =	shalt  }
0x6d: {  	_ =	shalt  }
0x6e: {  	_ =	shalt  }
0x6f: {  	_ =	shalt  }
0x70: {  	_ =	shalt  }
0x71: {  	_ =	shalt  }
0x72: {  	_ =	shalt  }
0x73: {  	_ =	shalt  }
0x74: {  	_ =	shalt  }
0x75: {  	_ =	shalt  }
0x76: {  	_ =	shalt  }
0x77: {  	_ =	shalt  }
0x78: {  	_ =	shalt  }
0x79: {  	_ =	shalt  }
0x7a: {  	_ =	shalt  }
0x7b: {  	_ =	shalt  }
0x7c: {  	_ =	shalt  }
0x7d: {  	_ =	shalt  }
0x7e: {  	_ =	shalt  }
0x7f: {  	_ =	shalt  }
0x80: {  	_ =	shalt  }
0x81: {  	_ =	shalt  }
0x82: {  	_ =	shalt  }
0x83: {  	_ =	shalt  }
0x84: {  	_ =	shalt  }
0x85: {  	_ =	shalt  }
0x86: {  	_ =	shalt  }
0x87: {  	_ =	shalt  }
.Lfunc_end0:
.L_simem_size_0:
called_computation_lowered:
.L_overlay_start_0:
0x88: {  	s2 =	sld [smem:$0x3FD9]  }
0x89: {  	s3 =	sld [smem:$0x3FFE];
	_ =	sdelay $0x1  }
0x8a: {  	s1 =	srdreg.scid  }
0x8b: {  	s0 =	sand.u32 $0x1, s1  }
0x8c: {  	s17 =	sshll.u32 s0, $0xA;
	s2 =	sadd.s32 s3, s2  }
0x8d: {  	s2 =	sadd.s32 s2, s17  }
0x8e: {  	[smem:$0x3FA0] =	sst s2  }
0x8f: {  	_ = 	snop  }
0x90: {  	(tm) =	ssettm $0x1  }
0x91: {  	s18 =	sld [smem:$0x3FFB];
	_ =	sdelay $0x3  }
0x92: {  	_ =	strace s18  }
0x93: {  	s2 =	sld [smem:$0x3FFC];
	_ =	sdelay $0x3  }
0x94: {  	_ =	strace s2  }
0x95: {  	s2 =	sld [smem:$0x3FFD];
	_ =	sdelay $0x3  }
0x96: {  	_ =	strace s2  }
0x97: {  	_ =	strace $0x8FFFFFFF  }
0x98: {  	s19 =	sld [smem:$0x3FDB];
	_ =	sdelay $0x1  }
0x99: {  	s20 =	simm.s32 $_scs_section_size  }
0x9a: {  	s4 =	simm.s32 $_size__tile_overlayer_lowered;
	s5 =	simm.s32 $_tile_overlayer_lowered  }
0x9b: {  	s6 =	simm.s32 $0x1BFF;
	s21 =	sshll.u32 s5, $0x1;
	s3 =	sadd.s32 s20, s19  }
0x9c: {  	s22 =	simm.s32 $0x0;
	s4 =	sshll.u32 s4, $0x1;
	s5 =	sadd.s32 s21, s3  }
0x9d: {  	[timem:s22], [sflag:s6] =	dma.local [hbm:s5], s4  }
0x9e: {  	_ =	swait.ge [sflag:s6], s4  }
0x9f: {  	s4 =	ssub.s32 $0x0, s4;
	[sflag:s6] =	ssyncset.done $0x0  }
0xa0: {  	[sflag:s6] =	ssyncadd.s32 s4;
	_ =	sdelay $0x1  }
0xa1: {  	s23 =	simm.s32 $0x1B8B  }
0xa2: {  	_ =	swait.ge [sflag:s23], $0x1  }
0xa3: {  	[sflag:s23] =	ssyncset.done $0x0  }
0xa4: {  	[sflag:s23] =	ssyncadd.s32 $0xFFFFFFFF  }
0xa5: {  	s4 =	sld [smem:$0x0]  }
0xa6: {  	s5 =	sand.u32 $0xFFFFFFFE, s1  }
0xa7: {  	p0 =	sne.s32 s1, s5  }
0xa8: {  	s5 =	sshll.u32 @p0 s5, $0xE  }
0xa9: {  	s5 =	sadd.s32 @p0 $0x11B8D, s5;
	s6 =	sshll.u32 @p0 s4, $0x11  }
0xaa: {  	s5 =	sor.u32 @p0 s6, s5  }
0xab: {  	[sflag:s5] =	ssyncadd.remote.s32 @p0 $0x1;
	_ =	sdelay $0x1  }
0xac: {  	s5 =	simm.s32 @p0 $0x1B8D  }
0xad: {  	_ =	swait.eq @p0 [sflag:s5], $0x1  }
0xae: {  	[sflag:s5] =	ssyncadd.s32 @p0 $0xFFFFFFFF  }
0xaf: {  	s6 =	sshll.u32 @!p0 s1, $0xE  }
0xb0: {  	s6 =	sor.u32 @!p0 $0x4000, s6;
	s5 =	simm.s32 @!p0 $0x1B8D  }
0xb1: {  	s4 =	sshll.u32 @!p0 s4, $0x11;
	s6 =	sadd.s32 @!p0 $0x11B8D, s6;
	_ =	swait.eq @!p0 [sflag:s5], $0x1  }
0xb2: {  	s4 =	sor.u32 @!p0 s4, s6;
	[sflag:s5] =	ssyncadd.s32 @!p0 $0xFFFFFFFF  }
0xb3: {  	s25 =	simm.s32 $0x1B8E;
	s24 =	sld [smem:$0x3FFE];
	[sflag:s4] =	ssyncadd.remote.s32 @!p0 $0x1  }
0xb4: {  	s26 =	simm.s32 $execute0_lowered;
	[smem:$0x3FD2] =	sst s25  }
0xb5: {  	s5 =	sshll.u32 s26, $0x1;
	_ =	strace $0x80000049;
	[dreg:$0x1] =	wrdreg $0xFFFFFFFF  }
0xb6: {  	s28 =	simm.s32 $_size_execute0_lowered;
	s3 =	sadd.s32 s3, s5;
	[dreg:$0x0] =	wrdreg $0x0  }
0xb7: {  	s5 =	sshll.u32 s28, $0x1;
	[dreg:$0x2] =	wrdreg s3  }
0xb8: {  	[dreg:$0x3] =	wrdreg s5  }
0xb9: {  	[dreg:$0x4] =	wrdreg $0xC0  }
0xba: {  	_ =	task [dreg:s22], $0x5FFFF  }
0xbb: {  	[dreg:$0x1] =	wrdreg $0xFFFFFFFF  }
0xbc: {  	[dreg:$0x0] =	wrdreg $0x60  }
0xbd: {  	[dreg:$0x2] =	wrdreg s24  }
0xbe: {  	[dreg:$0x3] =	wrdreg $0x70000  }
0xbf: {  	[dreg:$0x4] =	wrdreg $0x9  }
0xc0: {  	_ =	task.clear_ibuf [dreg:s22], $0x5FFFF;
	_ =	strace $0x90000049  }
0xc1: {  	s29 =	simm.s32 $0x9;
	_ =	strace $0x8000004B  }
0xc2: {  	_ =	swait.ge [sflag:s29], $0x1  }
0xc3: {  	[sflag:s29] =	ssyncadd.s32 $0xFFFFFFFF  }
0xc4: {  	_ =	strace $0x9000004B  }
0xc5: {  	_ =	sfence  }
0xc6: {  	s30 =	sld [smem:$0x0];
	_ =	sdelay $0x2  }
0xc7: {  	s31 =	sshll.u32 s1, $0xD;
	s1 =	sshrl.u32 s1, $0x2  }
0xc8: {  	s4 =	sand.u32 $0x4000, s31;
	s1 =	sadd.s32 s1, s30  }
0xc9: {  	s0 =	sor.u32 s4, s0;
	s1 =	sshll.u32 s1, $0x11  }
0xca: {  	s0 =	sor.u32 s1, s0  }
0xcb: {  	s0 =	sadd.s32 $0x8F2B, s0  }
0xcc: {  	[sflag:s0] =	ssyncadd.remote.s32 $0x1  }
0xcd: {  	_ =	sfence.sel $0xFFFF  }
0xce: {  	[dreg:$0x0] =	wrdreg $0xFFFFFFFF;
	(pc) =	sbr.abs _section_cstart, $3  }
0xcf: {  	[dreg:$0x1] =	wrdreg $0xFFFFFFFF  }
0xd0: {  	_ =	task.clear_ibuf [dreg:s22], $0x2FFFF;
	_ =	strace $0x9FFFFFFF  }
0xd1: {  	(tm) =	ssettm $0x7FFFFFFF  }
tec
execute0_lowered:
.L_overlay_start_1:
0x0: {  	(tag) =	ssettag $0x1  }
0x1: {  	s6 =	rddreg [dreg:$0x0]  }
0x2: {  	s0 =	srdreg.scid;
	s2 =	rddreg [dreg:$0x1]  }
0x3: {  	s1 =	rddreg [dreg:$0x2];
	s4 =	sand.u32 $0x1, s0  }
0x4: {  	s0 =	stileid.u32;
	s5 =	smul.u32 $0x50000, s4  }
0x5: {  	s3 =	simm.s32 $0x0;
	s12 =	simm.s32 $0x1;
	s7 =	smul.u32 $0x5000, s0  }
0x6: {  	s13 =	simm.s32 $0x5000;
	s14 =	simm.s32 $0x80;
	s8 =	smul.u32 $0xA0000, s4  }
0x7: {  	s17 =	simm.s32 $0x0;
	[smem:$0x7FF] =	sst s3;
	s9 =	smul.u32 $0xA000, s0  }
0x8: {  	s4 =	ssub.s32 $0x2, s4;
	s29 =	smul.u32 $0x28000, s0;
	s15 =	sshll.u32 s0, $0x6  }
0x9: {  	_ =	strace $0x8000004A;
	s30 =	sshrl.u32 s4, $0x1;
	s15 =	sor.u32 $0x1C01, s15  }
0xa: {  	s5 =	sadd.s32 s7, s5;
	s28 =	sadd.s32 s9, s8;
	s31 =	sshrl.u32 s29, $0x2  }
0xb: {  	s16 =	sadd.s32 s9, s2;
	s5 =	sshrl.u32 s5, $0x3;
	s7 =	sshrl.u32 s28, $0x3  }
0xc: {  	s16 =	sshrl.u32 s16, $0x3;
	s5 =	sadd.s32 s5, s6;
	s6 =	sadd.s32 s7, s6  }
0xd: {  	s7 =	ssub.s32 s4, s30;
	s4 =	sadd.s32 $0xDEE00, s5;
	s5 =	sadd.s32 s31, s2  }
0xe: {  	s6 =	sadd.s32 $0x156E00, s6;
	s7 =	smax.u32 s7, $0x1;
	s8 =	sadd.s32 $0x2000, s5  }
0xf: {  	v0 =	vimm.f32 $0.0e+00;
	v1 =	vimm.f32 $1.000000000e+00;
	s9 =	sadd.s32 $0x4000, s5;
	s10 =	sadd.s32 $0x6000, s5;
	s11 =	sadd.s32 $0x8000, s5  }
.LBB2_1:
0x10: {  	[tilespmem:s3], [sflag:$0x1] =	stream.linear.gather [hbm4b:s4+s3], $0x5000, $0x38;
	[tilespmem:$0x11000] =	vst v63  }
0x11: {  	_ =	swait.ge [sflag:s12], $0x5000  }
0x12: {  	[sflag:s12] =	ssyncset.done $0x0  }
0x13: {  	s19 =	simm.s32 $0x100;
	s18 =	simm.s32 $0x0;
	[sflag:s12] =	ssyncadd.s32 $0xFFFFB000  }
.LBB2_2:
0x14: {  	p0 =	sne.s32 s19, $0x7F00;
	[tilespmem:s18+$0x5030] =	vst v0;
	s20 =	smov.u32 s19;
	s19 =	sadd.s32 $0x100, s19  }
.Ltmp0:
0x15: {  	[tilespmem:s18+$0x5020] =	vst v0;
	(pc) =	sbr.rel @p0 .LBB2_2-.Ltmp0, $3  }
0x16: {  	[tilespmem:s18+$0x5000] =	vst v0  }
0x17: {  	[tilespmem:s18+$0x5010] =	vst v0;
	_ =	sdelay $0x1  }
0x18: {  	s18 =	sshra.s32 s20, $0x2  }
0x19: {  	[tilespmem:s18+$0x5030] =	vst v0  }
0x1a: {  	[tilespmem:s18+$0x5020] =	vst v0  }
0x1b: {  	[tilespmem:s18+$0x5000] =	vst v0  }
0x1c: {  	[tilespmem:s18+$0x5010] =	vst v0  }
0x1d: {  	[spmem:s5] =	stream.linear.scatter [tilespmem:s13], [sflag:$0x1], $0x2000, $0x38;
	[tilespmem:$0x11000] =	vst v63  }
0x1e: {  	_ =	swait.ge [sflag:s12], $0x2000  }
0x1f: {  	[sflag:s12] =	ssyncset.done $0x0  }
0x20: {  	[sflag:s12] =	ssyncadd.s32 $0xFFFFE000  }
0x21: {  	[spmem:s8] =	stream.linear.scatter [tilespmem:s13], [sflag:$0x1], $0x2000, $0x38;
	[tilespmem:$0x11000] =	vst v63  }
0x22: {  	_ =	swait.ge [sflag:s12], $0x2000  }
0x23: {  	[sflag:s12] =	ssyncset.done $0x0  }
0x24: {  	[sflag:s12] =	ssyncadd.s32 $0xFFFFE000  }
0x25: {  	[spmem:s9] =	stream.linear.scatter [tilespmem:s13], [sflag:$0x1], $0x2000, $0x38;
	[tilespmem:$0x11000] =	vst v63  }
0x26: {  	_ =	swait.ge [sflag:s12], $0x2000  }
0x27: {  	[sflag:s12] =	ssyncset.done $0x0  }
0x28: {  	[sflag:s12] =	ssyncadd.s32 $0xFFFFE000  }
0x29: {  	[spmem:s10] =	stream.linear.scatter [tilespmem:s13], [sflag:$0x1], $0x2000, $0x38;
	[tilespmem:$0x11000] =	vst v63  }
0x2a: {  	_ =	swait.ge [sflag:s12], $0x2000  }
0x2b: {  	[sflag:s12] =	ssyncset.done $0x0  }
0x2c: {  	[sflag:s12] =	ssyncadd.s32 $0xFFFFE000  }
0x2d: {  	[spmem:s11] =	stream.linear.scatter [tilespmem:s13], [sflag:$0x1], $0x2000, $0x38;
	[tilespmem:$0x11000] =	vst v63  }
0x2e: {  	_ =	swait.ge [sflag:s12], $0x2000  }
0x2f: {  	[sflag:s12] =	ssyncset.done $0x0  }
0x30: {  	s19 =	simm.s32 $0x100;
	s18 =	simm.s32 $0x0;
	[sflag:s12] =	ssyncadd.s32 $0xFFFFE000  }
.LBB2_4:
0x31: {  	p0 =	sne.s32 s19, $0x7F00;
	[tilespmem:s18+$0x5030] =	vst v1;
	s20 =	smov.u32 s19;
	s19 =	sadd.s32 $0x100, s19  }
.Ltmp1:
0x32: {  	[tilespmem:s18+$0x5020] =	vst v1;
	(pc) =	sbr.rel @p0 .LBB2_4-.Ltmp1, $3  }
0x33: {  	[tilespmem:s18+$0x5000] =	vst v1  }
0x34: {  	[tilespmem:s18+$0x5010] =	vst v1;
	_ =	sdelay $0x1  }
0x35: {  	s18 =	sshra.s32 s20, $0x2  }
0x36: {  	[tilespmem:s18+$0x5030] =	vst v1  }
0x37: {  	[tilespmem:s18+$0x5020] =	vst v1  }
0x38: {  	[tilespmem:s18+$0x5000] =	vst v1  }
0x39: {  	[tilespmem:s18+$0x5010] =	vst v1  }
0x3a: {  	s31 =	simm.s32 $0x0;
	[bflag:$0x0] =	sbarrier.arrive $0xFFFF  }
0x3b: {  	[spmem:s2] =	stream.indirect.scatter.add.f32 [tilespmem:s13], [sflag:$0x1], $0x40, s31, s14, $0xb8;
	[tilespmem:$0x11000] =	vst v63  }
0x3c: {  	_ =	swait.ge [sflag:s12], $0x2000  }
0x3d: {  	s18 =	simm.s32 $0x200;
	[sflag:s12] =	ssyncset.done $0x0  }
.LBB2_6:
0x3e: {  	s19 =	sshra.s32 s18, $0x2;
	[sflag:s12] =	ssyncadd.s32 $0xFFFFE000;
	p0 =	sne.s32 s18, $0x13E00  }
0x3f: {  	[spmem:s2] =	stream.indirect.scatter.add.f32 [tilespmem:s13], [sflag:$0x1], $0x40, s19, s14, $0xb8;
	[tilespmem:$0x11000] =	vst v63  }
.Ltmp2:
0x40: {  	_ = 	snop;
	(pc) =	sbr.rel @p0 .LBB2_6-.Ltmp2, $4  }
0x41: {  	_ = 	snop  }
0x42: {  	s18 =	sadd.s32 $0x200, s18  }
0x43: {  	_ =	swait.ge [sflag:s12], $0x2000  }
0x44: {  	[sflag:s12] =	ssyncset.done $0x0  }
0x45: {  	s17 =	sadd.s32 $0x1, s17  }
0x46: {  	[sflag:s12] =	ssyncadd.s32 $0xFFFFE000;
	p0 =	sne.s32 s17, s7  }
.Ltmp3:
0x47: {  	[bflag:$0x0] =	sbarrier.arrive $0xFFFF;
	(pc) =	sbr.rel @p0 .LBB2_1-.Ltmp3, $4  }
0x48: {  	[hbm:s6], [sflag:s15] =	dma.local [spmem:s16], $0x1400  }
0x49: {  	_ =	swait.ge [sflag:s12], $0x1400  }
0x4a: {  	[sflag:s12] =	ssyncset.done $0x0  }
0x4b: {  	[sflag:s12] =	ssyncadd.s32 $0xFFFFEC00  }
0x4c: {  	_ =	sfence.sel $0x180000  }
0x4d: {  	[bflag:$0x0] =	sbarrier.arrive $0xFFFF  }
0x4e: {  	p0 =	sne.s32 s0, $0x0;
	_ =	strace $0x9000004A  }
0x4f: {  	s0 =	sadd.s32 @!p0 $0x100000, s1;
	[bflag:$0x2] =	sbarrier.arrive $0xFFFF  }
0x50: {  	[sflag:s0] =	ssyncadd.tile.s32 @!p0 $0x1;
	_ =	shalt  }
.Lfunc_end2:
_tile_overlayer_lowered:
.L_overlay_start_2:
0x51: {  	(tag) =	ssettag $0x2  }
0x52: {  	s0 =	rddreg [dreg:$0x0];
	s2 =	stileid.u32  }
0x53: {  	s1 =	rddreg [dreg:$0x1];
	p0 =	sne.s32 s2, $0x0  }
0x54: {  	s3 =	rddreg [dreg:$0x2];
	[bflag:$0x3] =	sbarrier.arrive $0xFFFF;
	s2 =	simm.s32 @!p0 $0x1C01  }
0x55: {  	[timem:s3], [sflag:s2] =	dma.local @!p0 [hbm:s0], s1  }
0x56: {  	s0 =	simm.s32 @!p0 $0x1  }
0x57: {  	_ =	swait.ge @!p0 [sflag:s0], s1  }
0x58: {  	s1 =	ssub.s32 @!p0 $0x0, s1;
	[sflag:s0] =	ssyncset.done @!p0 $0x0  }
0x59: {  	[sflag:s0] =	ssyncadd.s32 @!p0 s1  }
0x5a: {  	[bflag:$0x3] =	sbarrier.arrive $0xFFFF  }
0x5b: {  	_ =	shalt  }

</sc_bundles>
